<compile_context>
chip_gen: v7x
topology: tpu7x:2x2x1
jax: 0.10.2.dev20260603
libtpu: 0.0.44.dev20260713+nightly
codegen_flags: <defaults>
</compile_context>

<pallas_src>
import functools

import jax
import jax.numpy as jnp
from jax import lax
from jax.experimental import pallas as pl
from jax.experimental.pallas import tpu as pltpu
from jax.experimental.pallas import tpu_sc as plsc

_N = 100000
_D = 64
_B = 4096
_LABEL = 0.95

_BLK = 4000
_GRID = _N // _BLK


def _base_body(s_ref, t_ref, o_ref):
    @pl.when(pl.program_id(0) == 0)
    def _():
        o_ref[0, 0] = jnp.float32(0.0)

    o_ref[0, 0] += jnp.sum(jnp.abs(s_ref[...] - t_ref[...]))


def _base_sum(s, t):
    return pl.pallas_call(
        _base_body,
        grid=(_GRID,),
        in_specs=[pl.BlockSpec((_BLK, _D), lambda i: (i, 0))] * 2,
        out_specs=pl.BlockSpec(memory_space=pltpu.SMEM),
        out_shape=jax.ShapeDtypeStruct((1, 1), jnp.float32),
    )(s, t)


_NT = 16
_RPT = _B // _NT
_CH = 128
_NCH = _RPT // _CH


def _corr_body(logits_hbm, cls_hbm, s_hbm, t_hbm, out_hbm,
               cls2, iot2, win2, coef2, srow, trow, lrow, accv, wsp, sem):
    wid = lax.axis_index("s")
    base = wid * _RPT

    for j in range(_NCH):
        off = base + j * _CH
        pltpu.sync_copy(cls_hbm.at[pl.ds(off, _CH)], cls2.at[j])
        pltpu.sync_copy(logits_hbm.at[pl.ds(off, _CH)], lrow.at[j])
        for k in range(_CH // 16):
            iot2[j, pl.ds(k * 16, 16)] = (
                lax.iota(jnp.int32, 16) + (off + k * 16))

    for j in range(_NCH):
        pltpu.sync_copy(iot2.at[j], wsp.at[cls2.at[j]])
    plsc.subcore_barrier()
    for j in range(_NCH):
        pltpu.sync_copy(wsp.at[cls2.at[j]], win2.at[j])
        pltpu.async_copy(s_hbm.at[cls2.at[j]], srow.at[j], sem).wait()
        pltpu.async_copy(t_hbm.at[cls2.at[j]], trow.at[j], sem).wait()

    for j in range(_NCH):
        for k in range(_CH // 16):
            sl = pl.ds(k * 16, 16)
            m = win2[j, sl] == iot2[j, sl]
            coef2[pl.ds(j * _CH + k * 16, 16)] = jnp.where(
                m, jnp.float32(1.0 - _LABEL), jnp.float32(0.0))

    def grp_body(g, acc):
        for j in range(_NCH):
            mgrp = coef2[pl.ds(j * _CH + g * 16, 16)]
            for l in range(16):
                mv = jnp.full((16,), mgrp[l], jnp.float32)
                r = g * 16 + l
                for k in range(_D // 16):
                    sl = pl.ds(k * 16, 16)
                    sv = srow[j, r, sl]
                    tv = trow[j, r, sl]
                    lv = lrow[j, r, sl]
                    nv = sv + mv * (lv - sv)
                    acc = acc + (jnp.abs(nv - tv) - jnp.abs(sv - tv))
        return acc

    acc = lax.fori_loop(0, _CH // 16, grp_body, jnp.zeros((16,), jnp.float32))
    accv[...] = acc
    pltpu.sync_copy(accv, out_hbm.at[wid])


def _corr_call(logits, the_class, s_logits, t_logits):
    mesh = plsc.VectorSubcoreMesh(
        core_axis_name="c", subcore_axis_name="s", num_cores=1)
    f = pl.kernel(
        _corr_body,
        out_type=jax.ShapeDtypeStruct((_NT, 16), jnp.float32),
        mesh=mesh,
        compiler_params=pltpu.CompilerParams(use_tc_tiling_on_sc=False),
        scratch_types=[
            pltpu.VMEM((_NCH, _CH), jnp.int32),
            pltpu.VMEM((_NCH, _CH), jnp.int32),
            pltpu.VMEM((_NCH, _CH), jnp.int32),
            pltpu.VMEM((_RPT,), jnp.float32),
            pltpu.VMEM((_NCH, _CH, _D), jnp.float32),
            pltpu.VMEM((_NCH, _CH, _D), jnp.float32),
            pltpu.VMEM((_NCH, _CH, _D), jnp.float32),
            pltpu.VMEM((16,), jnp.float32),
            pltpu.VMEM_SHARED((_N,), jnp.int32),
            pltpu.SemaphoreType.DMA,
        ],
    )
    return f(logits, the_class, s_logits, t_logits)


def kernel(logits, the_class, s_logits, t_logits):
    base = _base_sum(s_logits, t_logits)
    corr = _corr_call(logits, the_class, s_logits, t_logits)
    return (base[0, 0] + jnp.sum(corr)) / jnp.float32(_N)

# --- scband reference (transcript-rebuilt; emitter-appended) ---
"""Pipeline reference for scband-logits-loss-39676907880504 (READ-ONLY COPY).

The authoritative reference and input builder live on the scoring server;
editing this copy changes nothing except your own understanding.
"""

import jax, jax.numpy as jnp
import numpy as np

NUM_CLASSES = 100000
DIM = 64
BATCH = 4096
LABEL = 0.95


def setup_inputs(seed: int = 0) -> dict:
    key = jax.random.key(seed)
    k1, k2, k3, k4 = jax.random.split(key, 4)
    logits = jax.random.normal(k1, (BATCH, DIM), dtype=jnp.float32)
    the_class = jax.random.randint(k2, (BATCH,), 0, NUM_CLASSES, dtype=jnp.int32)
    # tensors passed to __init__ in the torch module, materialized here as state
    s_logits = jax.random.normal(k3, (NUM_CLASSES, DIM), dtype=jnp.float32)
    t_logits = jax.random.normal(k4, (NUM_CLASSES, DIM), dtype=jnp.float32)
    return {"logits": logits, "the_class": the_class, "s_logits": s_logits, "t_logits": t_logits}


def reference(logits, the_class, s_logits, t_logits):
    # update(logits, the_class, type='s'): per-row EMA write into class memory
    # s_logits[c_i] = s_logits[c_i] * label + logits[i] * (1 - label)
    old = jnp.take(s_logits, the_class, axis=0)              # gather [B, D]
    new = old * LABEL + logits * (1.0 - LABEL)
    s_updated = s_logits.at[the_class].set(new)              # scatter-overwrite
    # loss(): mean over memory rows of L1 distance between student/teacher logit banks
    loss = jnp.mean(jnp.sum(jnp.abs(s_updated - t_logits), axis=1))
    return loss

if __name__ == "__main__":
    import jax
    _d = setup_inputs()
    print(jax.jit(kernel)(*tuple(_d.values())))

</pallas_src>

<mosaic_0001>
#map = affine_map<(d0, d1) -> (0, 0)>
#map1 = affine_map<(d0, d1) -> (0)>
module attributes {stable_mosaic.version = 14 : i64} {
  func.func @_corr_body(%arg0: i32, %arg1: i32, %arg2: memref<4096x64xf32, #tpu.memory_space<hbm>>, %arg3: memref<4096xi32, #tpu.memory_space<hbm>>, %arg4: memref<100000x64xf32, #tpu.memory_space<hbm>>, %arg5: memref<100000x64xf32, #tpu.memory_space<hbm>>, %arg6: memref<16x16xf32, #tpu.memory_space<hbm>>, %arg7: memref<2x128xi32, #tpu.memory_space<vmem>>, %arg8: memref<2x128xi32, #tpu.memory_space<vmem>>, %arg9: memref<2x128xi32, #tpu.memory_space<vmem>>, %arg10: memref<256xf32, #tpu.memory_space<vmem>>, %arg11: memref<2x128x64xf32, #tpu.memory_space<vmem>>, %arg12: memref<2x128x64xf32, #tpu.memory_space<vmem>>, %arg13: memref<2x128x64xf32, #tpu.memory_space<vmem>>, %arg14: memref<16xf32, #tpu.memory_space<vmem>>, %arg15: memref<100000xi32, #tpu.memory_space<vmem_shared>>, %arg16: memref<!tpu.dma_semaphore, #tpu.memory_space<semaphore_mem>>) attributes {dimension_semantics = [#tpu.dimension_semantics<core_parallel>, #tpu.dimension_semantics<subcore_parallel>], iteration_bounds = array<i64: 1, 16>, scalar_prefetch = 0 : i64, scratch_operands = 10 : i64, tpu.core_type = #tpu.core_type<sc_vector_subcore>, window_params = [{transform_indices = #map}, {transform_indices = #map1}, {transform_indices = #map}, {transform_indices = #map}, {transform_indices = #map}]} {
    %mul3A = arith.constant 256 : i32
    %mul3A_0 = arith.muli %arg1, %mul3A : i32
    %add3A = arith.constant 0 : i32
    %add3A_1 = arith.addi %mul3A_0, %add3A : i32
    %run_scoped3A = arith.constant 0 : i32
    "tpu.region"() ({
      %run_scoped3A_609 = tpu.sem_alloc : memref<!tpu.dma_semaphore, #tpu.memory_space<semaphore_mem>>
      %dma_start3A_610 = arith.constant 0 : i32
      %dma_start3A_611 = tpu.memref_slice %arg7[%run_scoped3A, %dma_start3A_610] : memref<2x128xi32, #tpu.memory_space<vmem>> -> memref<1x128xi32, #tpu.memory_space<vmem>>
      %dma_start3A_612 = tpu.memref_squeeze %dma_start3A_611 : memref<1x128xi32, #tpu.memory_space<vmem>> -> memref<128xi32, #tpu.memory_space<vmem>>
      %dma_start3A_613 = tpu.memref_slice %arg3[%add3A_1] : memref<4096xi32, #tpu.memory_space<hbm>> -> memref<128xi32, #tpu.memory_space<hbm>>
      %dma_start3A_614 = arith.constant 0 : i32
      %dma_start3A_615 = tpu.memref_slice %arg7[%run_scoped3A, %dma_start3A_614] : memref<2x128xi32, #tpu.memory_space<vmem>> -> memref<1x128xi32, #tpu.memory_space<vmem>>
      %dma_start3A_616 = tpu.memref_squeeze %dma_start3A_615 : memref<1x128xi32, #tpu.memory_space<vmem>> -> memref<128xi32, #tpu.memory_space<vmem>>
      %dma_start3A_617 = tpu.memref_slice %arg3[%add3A_1] : memref<4096xi32, #tpu.memory_space<hbm>> -> memref<128xi32, #tpu.memory_space<hbm>>
      tpu.enqueue_dma source(%dma_start3A_617 : memref<128xi32, #tpu.memory_space<hbm>>) target(%dma_start3A_616 : memref<128xi32, #tpu.memory_space<vmem>>) target_semaphore(%run_scoped3A_609 : memref<!tpu.dma_semaphore, #tpu.memory_space<semaphore_mem>>)
      %dma_wait3A_618 = arith.constant 0 : i32
      %dma_wait3A_619 = tpu.memref_slice %arg7[%run_scoped3A, %dma_wait3A_618] : memref<2x128xi32, #tpu.memory_space<vmem>> -> memref<1x128xi32, #tpu.memory_space<vmem>>
      %dma_wait3A_620 = tpu.memref_squeeze %dma_wait3A_619 : memref<1x128xi32, #tpu.memory_space<vmem>> -> memref<128xi32, #tpu.memory_space<vmem>>
      %dma_wait3A_621 = tpu.memref_slice %arg3[%add3A_1] : memref<4096xi32, #tpu.memory_space<hbm>> -> memref<128xi32, #tpu.memory_space<hbm>>
      %dma_wait3A_622 = arith.constant 0 : i32
      %dma_wait3A_623 = tpu.memref_slice %arg7[%run_scoped3A, %dma_wait3A_622] : memref<2x128xi32, #tpu.memory_space<vmem>> -> memref<1x128xi32, #tpu.memory_space<vmem>>
      %dma_wait3A_624 = tpu.memref_squeeze %dma_wait3A_623 : memref<1x128xi32, #tpu.memory_space<vmem>> -> memref<128xi32, #tpu.memory_space<vmem>>
      %dma_wait3A_625 = tpu.memref_slice %arg3[%add3A_1] : memref<4096xi32, #tpu.memory_space<hbm>> -> memref<128xi32, #tpu.memory_space<hbm>>
      tpu.wait_dma2 semaphore(%run_scoped3A_609 : memref<!tpu.dma_semaphore, #tpu.memory_space<semaphore_mem>>) src(%dma_wait3A_625 : memref<128xi32, #tpu.memory_space<hbm>>) dst(%dma_wait3A_624 : memref<128xi32, #tpu.memory_space<vmem>>)
      tpu.yield
    }) : () -> ()
    %run_scoped3A_2 = arith.constant 0 : i32
    "tpu.region"() ({
      %run_scoped3A_609 = tpu.sem_alloc : memref<!tpu.dma_semaphore, #tpu.memory_space<semaphore_mem>>
      %dma_start3A_610 = arith.constant 0 : i32
      %dma_start3A_611 = arith.constant 0 : i32
      %dma_start3A_612 = tpu.memref_slice %arg13[%run_scoped3A_2, %dma_start3A_610, %dma_start3A_611] : memref<2x128x64xf32, #tpu.memory_space<vmem>> -> memref<1x128x64xf32, #tpu.memory_space<vmem>>
      %dma_start3A_613 = tpu.memref_squeeze %dma_start3A_612 : memref<1x128x64xf32, #tpu.memory_space<vmem>> -> memref<128x64xf32, #tpu.memory_space<vmem>>
      %dma_start3A_614 = arith.constant 0 : i32
      %dma_start3A_615 = tpu.memref_slice %arg2[%add3A_1, %dma_start3A_614] : memref<4096x64xf32, #tpu.memory_space<hbm>> -> memref<128x64xf32, #tpu.memory_space<hbm>>
      %dma_start3A_616 = arith.constant 0 : i32
      %dma_start3A_617 = arith.constant 0 : i32
      %dma_start3A_618 = tpu.memref_slice %arg13[%run_scoped3A_2, %dma_start3A_616, %dma_start3A_617] : memref<2x128x64xf32, #tpu.memory_space<vmem>> -> memref<1x128x64xf32, #tpu.memory_space<vmem>>
      %dma_start3A_619 = tpu.memref_squeeze %dma_start3A_618 : memref<1x128x64xf32, #tpu.memory_space<vmem>> -> memref<128x64xf32, #tpu.memory_space<vmem>>
      %dma_start3A_620 = arith.constant 0 : i32
      %dma_start3A_621 = tpu.memref_slice %arg2[%add3A_1, %dma_start3A_620] : memref<4096x64xf32, #tpu.memory_space<hbm>> -> memref<128x64xf32, #tpu.memory_space<hbm>>
      tpu.enqueue_dma source(%dma_start3A_621 : memref<128x64xf32, #tpu.memory_space<hbm>>) target(%dma_start3A_619 : memref<128x64xf32, #tpu.memory_space<vmem>>) target_semaphore(%run_scoped3A_609 : memref<!tpu.dma_semaphore, #tpu.memory_space<semaphore_mem>>)
      %dma_wait3A_622 = arith.constant 0 : i32
      %dma_wait3A_623 = arith.constant 0 : i32
      %dma_wait3A_624 = tpu.memref_slice %arg13[%run_scoped3A_2, %dma_wait3A_622, %dma_wait3A_623] : memref<2x128x64xf32, #tpu.memory_space<vmem>> -> memref<1x128x64xf32, #tpu.memory_space<vmem>>
      %dma_wait3A_625 = tpu.memref_squeeze %dma_wait3A_624 : memref<1x128x64xf32, #tpu.memory_space<vmem>> -> memref<128x64xf32, #tpu.memory_space<vmem>>
      %dma_wait3A_626 = arith.constant 0 : i32
      %dma_wait3A_627 = tpu.memref_slice %arg2[%add3A_1, %dma_wait3A_626] : memref<4096x64xf32, #tpu.memory_space<hbm>> -> memref<128x64xf32, #tpu.memory_space<hbm>>
      %dma_wait3A_628 = arith.constant 0 : i32
      %dma_wait3A_629 = arith.constant 0 : i32
      %dma_wait3A_630 = tpu.memref_slice %arg13[%run_scoped3A_2, %dma_wait3A_628, %dma_wait3A_629] : memref<2x128x64xf32, #tpu.memory_space<vmem>> -> memref<1x128x64xf32, #tpu.memory_space<vmem>>
      %dma_wait3A_631 = tpu.memref_squeeze %dma_wait3A_630 : memref<1x128x64xf32, #tpu.memory_space<vmem>> -> memref<128x64xf32, #tpu.memory_space<vmem>>
      %dma_wait3A_632 = arith.constant 0 : i32
      %dma_wait3A_633 = tpu.memref_slice %arg2[%add3A_1, %dma_wait3A_632] : memref<4096x64xf32, #tpu.memory_space<hbm>> -> memref<128x64xf32, #tpu.memory_space<hbm>>
      tpu.wait_dma2 semaphore(%run_scoped3A_609 : memref<!tpu.dma_semaphore, #tpu.memory_space<semaphore_mem>>) src(%dma_wait3A_633 : memref<128x64xf32, #tpu.memory_space<hbm>>) dst(%dma_wait3A_631 : memref<128x64xf32, #tpu.memory_space<vmem>>)
      tpu.yield
    }) : () -> ()
    %iota3A = tpu.iota {dimensions = array<i32: 0>} : vector<16xi32>
    %add3A_3 = arith.constant 0 : i32
    %add3A_4 = arith.addi %add3A_1, %add3A_3 : i32
    %add3A_5 = vector.broadcast %add3A_4 : i32 to vector<16xi32>
    %add3A_6 = arith.addi %iota3A, %add3A_5 : vector<16xi32>
    %swap3A = arith.constant 0 : i32
    %swap3A_7 = arith.index_cast %swap3A : i32 to index
    %swap3A_8 = arith.constant 0 : index
    %swap3A_9 = tpu.vector_load %arg8[%swap3A_7, %swap3A_8] {strides = array<i32>} : memref<2x128xi32, #tpu.memory_space<vmem>>, vector<1x16xi32>,
    %swap3A_10 = vector.shape_cast %swap3A_9 : vector<1x16xi32> to vector<16xi32>
    %swap3A_11 = vector.shape_cast %add3A_6 : vector<16xi32> to vector<1x16xi32>
    tpu.vector_store %arg8[%swap3A_7, %swap3A_8], %swap3A_11 {strides = array<i32>} : memref<2x128xi32, #tpu.memory_space<vmem>>, vector<1x16xi32>,
    %iota3A_12 = tpu.iota {dimensions = array<i32: 0>} : vector<16xi32>
    %add3A_13 = arith.constant 16 : i32
    %add3A_14 = arith.addi %add3A_1, %add3A_13 : i32
    %add3A_15 = vector.broadcast %add3A_14 : i32 to vector<16xi32>
    %add3A_16 = arith.addi %iota3A_12, %add3A_15 : vector<16xi32>
    %swap3A_17 = arith.constant 0 : i32
    %swap3A_18 = arith.index_cast %swap3A_17 : i32 to index
    %swap3A_19 = arith.constant 16 : index
    %swap3A_20 = tpu.vector_load %arg8[%swap3A_18, %swap3A_19] {strides = array<i32>} : memref<2x128xi32, #tpu.memory_space<vmem>>, vector<1x16xi32>,
    %swap3A_21 = vector.shape_cast %swap3A_20 : vector<1x16xi32> to vector<16xi32>
    %swap3A_22 = vector.shape_cast %add3A_16 : vector<16xi32> to vector<1x16xi32>
    tpu.vector_store %arg8[%swap3A_18, %swap3A_19], %swap3A_22 {strides = array<i32>} : memref<2x128xi32, #tpu.memory_space<vmem>>, vector<1x16xi32>,
    %iota3A_23 = tpu.iota {dimensions = array<i32: 0>} : vector<16xi32>
    %add3A_24 = arith.constant 32 : i32
    %add3A_25 = arith.addi %add3A_1, %add3A_24 : i32
    %add3A_26 = vector.broadcast %add3A_25 : i32 to vector<16xi32>
    %add3A_27 = arith.addi %iota3A_23, %add3A_26 : vector<16xi32>
    %swap3A_28 = arith.constant 0 : i32
    %swap3A_29 = arith.index_cast %swap3A_28 : i32 to index
    %swap3A_30 = arith.constant 32 : index
    %swap3A_31 = tpu.vector_load %arg8[%swap3A_29, %swap3A_30] {strides = array<i32>} : memref<2x128xi32, #tpu.memory_space<vmem>>, vector<1x16xi32>,
    %swap3A_32 = vector.shape_cast %swap3A_31 : vector<1x16xi32> to vector<16xi32>
    %swap3A_33 = vector.shape_cast %add3A_27 : vector<16xi32> to vector<1x16xi32>
    tpu.vector_store %arg8[%swap3A_29, %swap3A_30], %swap3A_33 {strides = array<i32>} : memref<2x128xi32, #tpu.memory_space<vmem>>, vector<1x16xi32>,
    %iota3A_34 = tpu.iota {dimensions = array<i32: 0>} : vector<16xi32>
    %add3A_35 = arith.constant 48 : i32
    %add3A_36 = arith.addi %add3A_1, %add3A_35 : i32
    %add3A_37 = vector.broadcast %add3A_36 : i32 to vector<16xi32>
    %add3A_38 = arith.addi %iota3A_34, %add3A_37 : vector<16xi32>
    %swap3A_39 = arith.constant 0 : i32
    %swap3A_40 = arith.index_cast %swap3A_39 : i32 to index
    %swap3A_41 = arith.constant 48 : index
    %swap3A_42 = tpu.vector_load %arg8[%swap3A_40, %swap3A_41] {strides = array<i32>} : memref<2x128xi32, #tpu.memory_space<vmem>>, vector<1x16xi32>,
    %swap3A_43 = vector.shape_cast %swap3A_42 : vector<1x16xi32> to vector<16xi32>
    %swap3A_44 = vector.shape_cast %add3A_38 : vector<16xi32> to vector<1x16xi32>
    tpu.vector_store %arg8[%swap3A_40, %swap3A_41], %swap3A_44 {strides = array<i32>} : memref<2x128xi32, #tpu.memory_space<vmem>>, vector<1x16xi32>,
    %iota3A_45 = tpu.iota {dimensions = array<i32: 0>} : vector<16xi32>
    %add3A_46 = arith.constant 64 : i32
    %add3A_47 = arith.addi %add3A_1, %add3A_46 : i32
    %add3A_48 = vector.broadcast %add3A_47 : i32 to vector<16xi32>
    %add3A_49 = arith.addi %iota3A_45, %add3A_48 : vector<16xi32>
    %swap3A_50 = arith.constant 0 : i32
    %swap3A_51 = arith.index_cast %swap3A_50 : i32 to index
    %swap3A_52 = arith.constant 64 : index
    %swap3A_53 = tpu.vector_load %arg8[%swap3A_51, %swap3A_52] {strides = array<i32>} : memref<2x128xi32, #tpu.memory_space<vmem>>, vector<1x16xi32>,
    %swap3A_54 = vector.shape_cast %swap3A_53 : vector<1x16xi32> to vector<16xi32>
    %swap3A_55 = vector.shape_cast %add3A_49 : vector<16xi32> to vector<1x16xi32>
    tpu.vector_store %arg8[%swap3A_51, %swap3A_52], %swap3A_55 {strides = array<i32>} : memref<2x128xi32, #tpu.memory_space<vmem>>, vector<1x16xi32>,
    %iota3A_56 = tpu.iota {dimensions = array<i32: 0>} : vector<16xi32>
    %add3A_57 = arith.constant 80 : i32
    %add3A_58 = arith.addi %add3A_1, %add3A_57 : i32
    %add3A_59 = vector.broadcast %add3A_58 : i32 to vector<16xi32>
    %add3A_60 = arith.addi %iota3A_56, %add3A_59 : vector<16xi32>
    %swap3A_61 = arith.constant 0 : i32
    %swap3A_62 = arith.index_cast %swap3A_61 : i32 to index
    %swap3A_63 = arith.constant 80 : index
    %swap3A_64 = tpu.vector_load %arg8[%swap3A_62, %swap3A_63] {strides = array<i32>} : memref<2x128xi32, #tpu.memory_space<vmem>>, vector<1x16xi32>,
    %swap3A_65 = vector.shape_cast %swap3A_64 : vector<1x16xi32> to vector<16xi32>
    %swap3A_66 = vector.shape_cast %add3A_60 : vector<16xi32> to vector<1x16xi32>
    tpu.vector_store %arg8[%swap3A_62, %swap3A_63], %swap3A_66 {strides = array<i32>} : memref<2x128xi32, #tpu.memory_space<vmem>>, vector<1x16xi32>,
    %iota3A_67 = tpu.iota {dimensions = array<i32: 0>} : vector<16xi32>
    %add3A_68 = arith.constant 96 : i32
    %add3A_69 = arith.addi %add3A_1, %add3A_68 : i32
    %add3A_70 = vector.broadcast %add3A_69 : i32 to vector<16xi32>
    %add3A_71 = arith.addi %iota3A_67, %add3A_70 : vector<16xi32>
    %swap3A_72 = arith.constant 0 : i32
    %swap3A_73 = arith.index_cast %swap3A_72 : i32 to index
    %swap3A_74 = arith.constant 96 : index
    %swap3A_75 = tpu.vector_load %arg8[%swap3A_73, %swap3A_74] {strides = array<i32>} : memref<2x128xi32, #tpu.memory_space<vmem>>, vector<1x16xi32>,
    %swap3A_76 = vector.shape_cast %swap3A_75 : vector<1x16xi32> to vector<16xi32>
    %swap3A_77 = vector.shape_cast %add3A_71 : vector<16xi32> to vector<1x16xi32>
    tpu.vector_store %arg8[%swap3A_73, %swap3A_74], %swap3A_77 {strides = array<i32>} : memref<2x128xi32, #tpu.memory_space<vmem>>, vector<1x16xi32>,
    %iota3A_78 = tpu.iota {dimensions = array<i32: 0>} : vector<16xi32>
    %add3A_79 = arith.constant 112 : i32
    %add3A_80 = arith.addi %add3A_1, %add3A_79 : i32
    %add3A_81 = vector.broadcast %add3A_80 : i32 to vector<16xi32>
    %add3A_82 = arith.addi %iota3A_78, %add3A_81 : vector<16xi32>
    %swap3A_83 = arith.constant 0 : i32
    %swap3A_84 = arith.index_cast %swap3A_83 : i32 to index
    %swap3A_85 = arith.constant 112 : index
    %swap3A_86 = tpu.vector_load %arg8[%swap3A_84, %swap3A_85] {strides = array<i32>} : memref<2x128xi32, #tpu.memory_space<vmem>>, vector<1x16xi32>,
    %swap3A_87 = vector.shape_cast %swap3A_86 : vector<1x16xi32> to vector<16xi32>
    %swap3A_88 = vector.shape_cast %add3A_82 : vector<16xi32> to vector<1x16xi32>
    tpu.vector_store %arg8[%swap3A_84, %swap3A_85], %swap3A_88 {strides = array<i32>} : memref<2x128xi32, #tpu.memory_space<vmem>>, vector<1x16xi32>,
    %add3A_89 = arith.constant 128 : i32
    %add3A_90 = arith.addi %mul3A_0, %add3A_89 : i32
    %run_scoped3A_91 = arith.constant 1 : i32
    "tpu.region"() ({
      %run_scoped3A_609 = tpu.sem_alloc : memref<!tpu.dma_semaphore, #tpu.memory_space<semaphore_mem>>
      %dma_start3A_610 = arith.constant 0 : i32
      %dma_start3A_611 = tpu.memref_slice %arg7[%run_scoped3A_91, %dma_start3A_610] : memref<2x128xi32, #tpu.memory_space<vmem>> -> memref<1x128xi32, #tpu.memory_space<vmem>>
      %dma_start3A_612 = tpu.memref_squeeze %dma_start3A_611 : memref<1x128xi32, #tpu.memory_space<vmem>> -> memref<128xi32, #tpu.memory_space<vmem>>
      %dma_start3A_613 = tpu.memref_slice %arg3[%add3A_90] : memref<4096xi32, #tpu.memory_space<hbm>> -> memref<128xi32, #tpu.memory_space<hbm>>
      %dma_start3A_614 = arith.constant 0 : i32
      %dma_start3A_615 = tpu.memref_slice %arg7[%run_scoped3A_91, %dma_start3A_614] : memref<2x128xi32, #tpu.memory_space<vmem>> -> memref<1x128xi32, #tpu.memory_space<vmem>>
      %dma_start3A_616 = tpu.memref_squeeze %dma_start3A_615 : memref<1x128xi32, #tpu.memory_space<vmem>> -> memref<128xi32, #tpu.memory_space<vmem>>
      %dma_start3A_617 = tpu.memref_slice %arg3[%add3A_90] : memref<4096xi32, #tpu.memory_space<hbm>> -> memref<128xi32, #tpu.memory_space<hbm>>
      tpu.enqueue_dma source(%dma_start3A_617 : memref<128xi32, #tpu.memory_space<hbm>>) target(%dma_start3A_616 : memref<128xi32, #tpu.memory_space<vmem>>) target_semaphore(%run_scoped3A_609 : memref<!tpu.dma_semaphore, #tpu.memory_space<semaphore_mem>>)
      %dma_wait3A_618 = arith.constant 0 : i32
      %dma_wait3A_619 = tpu.memref_slice %arg7[%run_scoped3A_91, %dma_wait3A_618] : memref<2x128xi32, #tpu.memory_space<vmem>> -> memref<1x128xi32, #tpu.memory_space<vmem>>
      %dma_wait3A_620 = tpu.memref_squeeze %dma_wait3A_619 : memref<1x128xi32, #tpu.memory_space<vmem>> -> memref<128xi32, #tpu.memory_space<vmem>>
      %dma_wait3A_621 = tpu.memref_slice %arg3[%add3A_90] : memref<4096xi32, #tpu.memory_space<hbm>> -> memref<128xi32, #tpu.memory_space<hbm>>
      %dma_wait3A_622 = arith.constant 0 : i32
      %dma_wait3A_623 = tpu.memref_slice %arg7[%run_scoped3A_91, %dma_wait3A_622] : memref<2x128xi32, #tpu.memory_space<vmem>> -> memref<1x128xi32, #tpu.memory_space<vmem>>
      %dma_wait3A_624 = tpu.memref_squeeze %dma_wait3A_623 : memref<1x128xi32, #tpu.memory_space<vmem>> -> memref<128xi32, #tpu.memory_space<vmem>>
      %dma_wait3A_625 = tpu.memref_slice %arg3[%add3A_90] : memref<4096xi32, #tpu.memory_space<hbm>> -> memref<128xi32, #tpu.memory_space<hbm>>
      tpu.wait_dma2 semaphore(%run_scoped3A_609 : memref<!tpu.dma_semaphore, #tpu.memory_space<semaphore_mem>>) src(%dma_wait3A_625 : memref<128xi32, #tpu.memory_space<hbm>>) dst(%dma_wait3A_624 : memref<128xi32, #tpu.memory_space<vmem>>)
      tpu.yield
    }) : () -> ()
    %run_scoped3A_92 = arith.constant 1 : i32
    "tpu.region"() ({
      %run_scoped3A_609 = tpu.sem_alloc : memref<!tpu.dma_semaphore, #tpu.memory_space<semaphore_mem>>
      %dma_start3A_610 = arith.constant 0 : i32
      %dma_start3A_611 = arith.constant 0 : i32
      %dma_start3A_612 = tpu.memref_slice %arg13[%run_scoped3A_92, %dma_start3A_610, %dma_start3A_611] : memref<2x128x64xf32, #tpu.memory_space<vmem>> -> memref<1x128x64xf32, #tpu.memory_space<vmem>>
      %dma_start3A_613 = tpu.memref_squeeze %dma_start3A_612 : memref<1x128x64xf32, #tpu.memory_space<vmem>> -> memref<128x64xf32, #tpu.memory_space<vmem>>
      %dma_start3A_614 = arith.constant 0 : i32
      %dma_start3A_615 = tpu.memref_slice %arg2[%add3A_90, %dma_start3A_614] : memref<4096x64xf32, #tpu.memory_space<hbm>> -> memref<128x64xf32, #tpu.memory_space<hbm>>
      %dma_start3A_616 = arith.constant 0 : i32
      %dma_start3A_617 = arith.constant 0 : i32
      %dma_start3A_618 = tpu.memref_slice %arg13[%run_scoped3A_92, %dma_start3A_616, %dma_start3A_617] : memref<2x128x64xf32, #tpu.memory_space<vmem>> -> memref<1x128x64xf32, #tpu.memory_space<vmem>>
      %dma_start3A_619 = tpu.memref_squeeze %dma_start3A_618 : memref<1x128x64xf32, #tpu.memory_space<vmem>> -> memref<128x64xf32, #tpu.memory_space<vmem>>
      %dma_start3A_620 = arith.constant 0 : i32
      %dma_start3A_621 = tpu.memref_slice %arg2[%add3A_90, %dma_start3A_620] : memref<4096x64xf32, #tpu.memory_space<hbm>> -> memref<128x64xf32, #tpu.memory_space<hbm>>
      tpu.enqueue_dma source(%dma_start3A_621 : memref<128x64xf32, #tpu.memory_space<hbm>>) target(%dma_start3A_619 : memref<128x64xf32, #tpu.memory_space<vmem>>) target_semaphore(%run_scoped3A_609 : memref<!tpu.dma_semaphore, #tpu.memory_space<semaphore_mem>>)
      %dma_wait3A_622 = arith.constant 0 : i32
      %dma_wait3A_623 = arith.constant 0 : i32
      %dma_wait3A_624 = tpu.memref_slice %arg13[%run_scoped3A_92, %dma_wait3A_622, %dma_wait3A_623] : memref<2x128x64xf32, #tpu.memory_space<vmem>> -> memref<1x128x64xf32, #tpu.memory_space<vmem>>
      %dma_wait3A_625 = tpu.memref_squeeze %dma_wait3A_624 : memref<1x128x64xf32, #tpu.memory_space<vmem>> -> memref<128x64xf32, #tpu.memory_space<vmem>>
      %dma_wait3A_626 = arith.constant 0 : i32
      %dma_wait3A_627 = tpu.memref_slice %arg2[%add3A_90, %dma_wait3A_626] : memref<4096x64xf32, #tpu.memory_space<hbm>> -> memref<128x64xf32, #tpu.memory_space<hbm>>
      %dma_wait3A_628 = arith.constant 0 : i32
      %dma_wait3A_629 = arith.constant 0 : i32
      %dma_wait3A_630 = tpu.memref_slice %arg13[%run_scoped3A_92, %dma_wait3A_628, %dma_wait3A_629] : memref<2x128x64xf32, #tpu.memory_space<vmem>> -> memref<1x128x64xf32, #tpu.memory_space<vmem>>
      %dma_wait3A_631 = tpu.memref_squeeze %dma_wait3A_630 : memref<1x128x64xf32, #tpu.memory_space<vmem>> -> memref<128x64xf32, #tpu.memory_space<vmem>>
      %dma_wait3A_632 = arith.constant 0 : i32
      %dma_wait3A_633 = tpu.memref_slice %arg2[%add3A_90, %dma_wait3A_632] : memref<4096x64xf32, #tpu.memory_space<hbm>> -> memref<128x64xf32, #tpu.memory_space<hbm>>
      tpu.wait_dma2 semaphore(%run_scoped3A_609 : memref<!tpu.dma_semaphore, #tpu.memory_space<semaphore_mem>>) src(%dma_wait3A_633 : memref<128x64xf32, #tpu.memory_space<hbm>>) dst(%dma_wait3A_631 : memref<128x64xf32, #tpu.memory_space<vmem>>)
      tpu.yield
    }) : () -> ()
    %iota3A_93 = tpu.iota {dimensions = array<i32: 0>} : vector<16xi32>
    %add3A_94 = arith.constant 0 : i32
    %add3A_95 = arith.addi %add3A_90, %add3A_94 : i32
    %add3A_96 = vector.broadcast %add3A_95 : i32 to vector<16xi32>
    %add3A_97 = arith.addi %iota3A_93, %add3A_96 : vector<16xi32>
    %swap3A_98 = arith.constant 1 : i32
    %swap3A_99 = arith.index_cast %swap3A_98 : i32 to index
    %swap3A_100 = arith.constant 0 : index
    %swap3A_101 = tpu.vector_load %arg8[%swap3A_99, %swap3A_100] {strides = array<i32>} : memref<2x128xi32, #tpu.memory_space<vmem>>, vector<1x16xi32>,
    %swap3A_102 = vector.shape_cast %swap3A_101 : vector<1x16xi32> to vector<16xi32>
    %swap3A_103 = vector.shape_cast %add3A_97 : vector<16xi32> to vector<1x16xi32>
    tpu.vector_store %arg8[%swap3A_99, %swap3A_100], %swap3A_103 {strides = array<i32>} : memref<2x128xi32, #tpu.memory_space<vmem>>, vector<1x16xi32>,
    %iota3A_104 = tpu.iota {dimensions = array<i32: 0>} : vector<16xi32>
    %add3A_105 = arith.constant 16 : i32
    %add3A_106 = arith.addi %add3A_90, %add3A_105 : i32
    %add3A_107 = vector.broadcast %add3A_106 : i32 to vector<16xi32>
    %add3A_108 = arith.addi %iota3A_104, %add3A_107 : vector<16xi32>
    %swap3A_109 = arith.constant 1 : i32
    %swap3A_110 = arith.index_cast %swap3A_109 : i32 to index
    %swap3A_111 = arith.constant 16 : index
    %swap3A_112 = tpu.vector_load %arg8[%swap3A_110, %swap3A_111] {strides = array<i32>} : memref<2x128xi32, #tpu.memory_space<vmem>>, vector<1x16xi32>,
    %swap3A_113 = vector.shape_cast %swap3A_112 : vector<1x16xi32> to vector<16xi32>
    %swap3A_114 = vector.shape_cast %add3A_108 : vector<16xi32> to vector<1x16xi32>
    tpu.vector_store %arg8[%swap3A_110, %swap3A_111], %swap3A_114 {strides = array<i32>} : memref<2x128xi32, #tpu.memory_space<vmem>>, vector<1x16xi32>,
    %iota3A_115 = tpu.iota {dimensions = array<i32: 0>} : vector<16xi32>
    %add3A_116 = arith.constant 32 : i32
    %add3A_117 = arith.addi %add3A_90, %add3A_116 : i32
    %add3A_118 = vector.broadcast %add3A_117 : i32 to vector<16xi32>
    %add3A_119 = arith.addi %iota3A_115, %add3A_118 : vector<16xi32>
    %swap3A_120 = arith.constant 1 : i32
    %swap3A_121 = arith.index_cast %swap3A_120 : i32 to index
    %swap3A_122 = arith.constant 32 : index
    %swap3A_123 = tpu.vector_load %arg8[%swap3A_121, %swap3A_122] {strides = array<i32>} : memref<2x128xi32, #tpu.memory_space<vmem>>, vector<1x16xi32>,
    %swap3A_124 = vector.shape_cast %swap3A_123 : vector<1x16xi32> to vector<16xi32>
    %swap3A_125 = vector.shape_cast %add3A_119 : vector<16xi32> to vector<1x16xi32>
    tpu.vector_store %arg8[%swap3A_121, %swap3A_122], %swap3A_125 {strides = array<i32>} : memref<2x128xi32, #tpu.memory_space<vmem>>, vector<1x16xi32>,
    %iota3A_126 = tpu.iota {dimensions = array<i32: 0>} : vector<16xi32>
    %add3A_127 = arith.constant 48 : i32
    %add3A_128 = arith.addi %add3A_90, %add3A_127 : i32
    %add3A_129 = vector.broadcast %add3A_128 : i32 to vector<16xi32>
    %add3A_130 = arith.addi %iota3A_126, %add3A_129 : vector<16xi32>
    %swap3A_131 = arith.constant 1 : i32
    %swap3A_132 = arith.index_cast %swap3A_131 : i32 to index
    %swap3A_133 = arith.constant 48 : index
    %swap3A_134 = tpu.vector_load %arg8[%swap3A_132, %swap3A_133] {strides = array<i32>} : memref<2x128xi32, #tpu.memory_space<vmem>>, vector<1x16xi32>,
    %swap3A_135 = vector.shape_cast %swap3A_134 : vector<1x16xi32> to vector<16xi32>
    %swap3A_136 = vector.shape_cast %add3A_130 : vector<16xi32> to vector<1x16xi32>
    tpu.vector_store %arg8[%swap3A_132, %swap3A_133], %swap3A_136 {strides = array<i32>} : memref<2x128xi32, #tpu.memory_space<vmem>>, vector<1x16xi32>,
    %iota3A_137 = tpu.iota {dimensions = array<i32: 0>} : vector<16xi32>
    %add3A_138 = arith.constant 64 : i32
    %add3A_139 = arith.addi %add3A_90, %add3A_138 : i32
    %add3A_140 = vector.broadcast %add3A_139 : i32 to vector<16xi32>
    %add3A_141 = arith.addi %iota3A_137, %add3A_140 : vector<16xi32>
    %swap3A_142 = arith.constant 1 : i32
    %swap3A_143 = arith.index_cast %swap3A_142 : i32 to index
    %swap3A_144 = arith.constant 64 : index
    %swap3A_145 = tpu.vector_load %arg8[%swap3A_143, %swap3A_144] {strides = array<i32>} : memref<2x128xi32, #tpu.memory_space<vmem>>, vector<1x16xi32>,
    %swap3A_146 = vector.shape_cast %swap3A_145 : vector<1x16xi32> to vector<16xi32>
    %swap3A_147 = vector.shape_cast %add3A_141 : vector<16xi32> to vector<1x16xi32>
    tpu.vector_store %arg8[%swap3A_143, %swap3A_144], %swap3A_147 {strides = array<i32>} : memref<2x128xi32, #tpu.memory_space<vmem>>, vector<1x16xi32>,
    %iota3A_148 = tpu.iota {dimensions = array<i32: 0>} : vector<16xi32>
    %add3A_149 = arith.constant 80 : i32
    %add3A_150 = arith.addi %add3A_90, %add3A_149 : i32
    %add3A_151 = vector.broadcast %add3A_150 : i32 to vector<16xi32>
    %add3A_152 = arith.addi %iota3A_148, %add3A_151 : vector<16xi32>
    %swap3A_153 = arith.constant 1 : i32
    %swap3A_154 = arith.index_cast %swap3A_153 : i32 to index
    %swap3A_155 = arith.constant 80 : index
    %swap3A_156 = tpu.vector_load %arg8[%swap3A_154, %swap3A_155] {strides = array<i32>} : memref<2x128xi32, #tpu.memory_space<vmem>>, vector<1x16xi32>,
    %swap3A_157 = vector.shape_cast %swap3A_156 : vector<1x16xi32> to vector<16xi32>
    %swap3A_158 = vector.shape_cast %add3A_152 : vector<16xi32> to vector<1x16xi32>
    tpu.vector_store %arg8[%swap3A_154, %swap3A_155], %swap3A_158 {strides = array<i32>} : memref<2x128xi32, #tpu.memory_space<vmem>>, vector<1x16xi32>,
    %iota3A_159 = tpu.iota {dimensions = array<i32: 0>} : vector<16xi32>
    %add3A_160 = arith.constant 96 : i32
    %add3A_161 = arith.addi %add3A_90, %add3A_160 : i32
    %add3A_162 = vector.broadcast %add3A_161 : i32 to vector<16xi32>
    %add3A_163 = arith.addi %iota3A_159, %add3A_162 : vector<16xi32>
    %swap3A_164 = arith.constant 1 : i32
    %swap3A_165 = arith.index_cast %swap3A_164 : i32 to index
    %swap3A_166 = arith.constant 96 : index
    %swap3A_167 = tpu.vector_load %arg8[%swap3A_165, %swap3A_166] {strides = array<i32>} : memref<2x128xi32, #tpu.memory_space<vmem>>, vector<1x16xi32>,
    %swap3A_168 = vector.shape_cast %swap3A_167 : vector<1x16xi32> to vector<16xi32>
    %swap3A_169 = vector.shape_cast %add3A_163 : vector<16xi32> to vector<1x16xi32>
    tpu.vector_store %arg8[%swap3A_165, %swap3A_166], %swap3A_169 {strides = array<i32>} : memref<2x128xi32, #tpu.memory_space<vmem>>, vector<1x16xi32>,
    %iota3A_170 = tpu.iota {dimensions = array<i32: 0>} : vector<16xi32>
    %add3A_171 = arith.constant 112 : i32
    %add3A_172 = arith.addi %add3A_90, %add3A_171 : i32
    %add3A_173 = vector.broadcast %add3A_172 : i32 to vector<16xi32>
    %add3A_174 = arith.addi %iota3A_170, %add3A_173 : vector<16xi32>
    %swap3A_175 = arith.constant 1 : i32
    %swap3A_176 = arith.index_cast %swap3A_175 : i32 to index
    %swap3A_177 = arith.constant 112 : index
    %swap3A_178 = tpu.vector_load %arg8[%swap3A_176, %swap3A_177] {strides = array<i32>} : memref<2x128xi32, #tpu.memory_space<vmem>>, vector<1x16xi32>,
    %swap3A_179 = vector.shape_cast %swap3A_178 : vector<1x16xi32> to vector<16xi32>
    %swap3A_180 = vector.shape_cast %add3A_174 : vector<16xi32> to vector<1x16xi32>
    tpu.vector_store %arg8[%swap3A_176, %swap3A_177], %swap3A_180 {strides = array<i32>} : memref<2x128xi32, #tpu.memory_space<vmem>>, vector<1x16xi32>,
    %run_scoped3A_181 = arith.constant 0 : i32
    %run_scoped3A_182 = arith.constant 0 : i32
    "tpu.region"() ({
      %run_scoped3A_609 = tpu.sem_alloc : memref<!tpu.dma_semaphore, #tpu.memory_space<semaphore_mem>>
      %dma_start3A_610 = arith.constant 0 : i32
      %dma_start3A_611 = tpu.memref_slice %arg8[%run_scoped3A_181, %dma_start3A_610] : memref<2x128xi32, #tpu.memory_space<vmem>> -> memref<1x128xi32, #tpu.memory_space<vmem>>
      %dma_start3A_612 = tpu.memref_squeeze %dma_start3A_611 : memref<1x128xi32, #tpu.memory_space<vmem>> -> memref<128xi32, #tpu.memory_space<vmem>>
      %dma_start3A_613 = arith.constant 0 : i32
      %dma_start3A_614 = tpu.memref_slice %arg7[%run_scoped3A_182, %dma_start3A_613] : memref<2x128xi32, #tpu.memory_space<vmem>> -> memref<1x128xi32, #tpu.memory_space<vmem>>
      %dma_start3A_615 = tpu.memref_squeeze %dma_start3A_614 : memref<1x128xi32, #tpu.memory_space<vmem>> -> memref<128xi32, #tpu.memory_space<vmem>>
      %dma_start3A_616 = arith.constant 0 : i32
      %dma_start3A_617 = tpu.memref_slice %arg15[%dma_start3A_616] : memref<100000xi32, #tpu.memory_space<vmem_shared>> -> memref<100000xi32, #tpu.memory_space<vmem_shared>>
      tpu.enqueue_indirect_dma source(%dma_start3A_612 : memref<128xi32, #tpu.memory_space<vmem>>) target(%dma_start3A_617 : memref<100000xi32, #tpu.memory_space<vmem_shared>>) offsets(%dma_start3A_615 : memref<128xi32, #tpu.memory_space<vmem>>) semaphore(%run_scoped3A_609 : memref<!tpu.dma_semaphore, #tpu.memory_space<semaphore_mem>>)
      %dma_wait3A_618 = arith.constant 0 : i32
      %dma_wait3A_619 = tpu.memref_slice %arg8[%run_scoped3A_181, %dma_wait3A_618] : memref<2x128xi32, #tpu.memory_space<vmem>> -> memref<1x128xi32, #tpu.memory_space<vmem>>
      %dma_wait3A_620 = tpu.memref_squeeze %dma_wait3A_619 : memref<1x128xi32, #tpu.memory_space<vmem>> -> memref<128xi32, #tpu.memory_space<vmem>>
      %dma_wait3A_621 = arith.constant 0 : i32
      %dma_wait3A_622 = tpu.memref_slice %arg7[%run_scoped3A_182, %dma_wait3A_621] : memref<2x128xi32, #tpu.memory_space<vmem>> -> memref<1x128xi32, #tpu.memory_space<vmem>>
      %dma_wait3A_623 = tpu.memref_squeeze %dma_wait3A_622 : memref<1x128xi32, #tpu.memory_space<vmem>> -> memref<128xi32, #tpu.memory_space<vmem>>
      %dma_wait3A_624 = arith.constant 0 : i32
      %dma_wait3A_625 = tpu.memref_slice %arg15[%dma_wait3A_624] : memref<100000xi32, #tpu.memory_space<vmem_shared>> -> memref<100000xi32, #tpu.memory_space<vmem_shared>>
      tpu.wait_indirect_dma semaphore(%run_scoped3A_609 : memref<!tpu.dma_semaphore, #tpu.memory_space<semaphore_mem>>) src(%dma_wait3A_620 : memref<128xi32, #tpu.memory_space<vmem>>) dst(%dma_wait3A_625 : memref<100000xi32, #tpu.memory_space<vmem_shared>>)
      tpu.yield
    }) : () -> ()
    %run_scoped3A_183 = arith.constant 1 : i32
    %run_scoped3A_184 = arith.constant 1 : i32
    "tpu.region"() ({
      %run_scoped3A_609 = tpu.sem_alloc : memref<!tpu.dma_semaphore, #tpu.memory_space<semaphore_mem>>
      %dma_start3A_610 = arith.constant 0 : i32
      %dma_start3A_611 = tpu.memref_slice %arg8[%run_scoped3A_183, %dma_start3A_610] : memref<2x128xi32, #tpu.memory_space<vmem>> -> memref<1x128xi32, #tpu.memory_space<vmem>>
      %dma_start3A_612 = tpu.memref_squeeze %dma_start3A_611 : memref<1x128xi32, #tpu.memory_space<vmem>> -> memref<128xi32, #tpu.memory_space<vmem>>
      %dma_start3A_613 = arith.constant 0 : i32
      %dma_start3A_614 = tpu.memref_slice %arg7[%run_scoped3A_184, %dma_start3A_613] : memref<2x128xi32, #tpu.memory_space<vmem>> -> memref<1x128xi32, #tpu.memory_space<vmem>>
      %dma_start3A_615 = tpu.memref_squeeze %dma_start3A_614 : memref<1x128xi32, #tpu.memory_space<vmem>> -> memref<128xi32, #tpu.memory_space<vmem>>
      %dma_start3A_616 = arith.constant 0 : i32
      %dma_start3A_617 = tpu.memref_slice %arg15[%dma_start3A_616] : memref<100000xi32, #tpu.memory_space<vmem_shared>> -> memref<100000xi32, #tpu.memory_space<vmem_shared>>
      tpu.enqueue_indirect_dma source(%dma_start3A_612 : memref<128xi32, #tpu.memory_space<vmem>>) target(%dma_start3A_617 : memref<100000xi32, #tpu.memory_space<vmem_shared>>) offsets(%dma_start3A_615 : memref<128xi32, #tpu.memory_space<vmem>>) semaphore(%run_scoped3A_609 : memref<!tpu.dma_semaphore, #tpu.memory_space<semaphore_mem>>)
      %dma_wait3A_618 = arith.constant 0 : i32
      %dma_wait3A_619 = tpu.memref_slice %arg8[%run_scoped3A_183, %dma_wait3A_618] : memref<2x128xi32, #tpu.memory_space<vmem>> -> memref<1x128xi32, #tpu.memory_space<vmem>>
      %dma_wait3A_620 = tpu.memref_squeeze %dma_wait3A_619 : memref<1x128xi32, #tpu.memory_space<vmem>> -> memref<128xi32, #tpu.memory_space<vmem>>
      %dma_wait3A_621 = arith.constant 0 : i32
      %dma_wait3A_622 = tpu.memref_slice %arg7[%run_scoped3A_184, %dma_wait3A_621] : memref<2x128xi32, #tpu.memory_space<vmem>> -> memref<1x128xi32, #tpu.memory_space<vmem>>
      %dma_wait3A_623 = tpu.memref_squeeze %dma_wait3A_622 : memref<1x128xi32, #tpu.memory_space<vmem>> -> memref<128xi32, #tpu.memory_space<vmem>>
      %dma_wait3A_624 = arith.constant 0 : i32
      %dma_wait3A_625 = tpu.memref_slice %arg15[%dma_wait3A_624] : memref<100000xi32, #tpu.memory_space<vmem_shared>> -> memref<100000xi32, #tpu.memory_space<vmem_shared>>
      tpu.wait_indirect_dma semaphore(%run_scoped3A_609 : memref<!tpu.dma_semaphore, #tpu.memory_space<semaphore_mem>>) src(%dma_wait3A_620 : memref<128xi32, #tpu.memory_space<vmem>>) dst(%dma_wait3A_625 : memref<100000xi32, #tpu.memory_space<vmem_shared>>)
      tpu.yield
    }) : () -> ()
    %barrier3A = arith.constant 0 : index
    tpu.barrier barrier_id(%barrier3A)
    %run_scoped3A_185 = arith.constant 0 : i32
    %run_scoped3A_186 = arith.constant 0 : i32
    "tpu.region"() ({
      %run_scoped3A_609 = tpu.sem_alloc : memref<!tpu.dma_semaphore, #tpu.memory_space<semaphore_mem>>
      %dma_start3A_610 = arith.constant 0 : i32
      %dma_start3A_611 = tpu.memref_slice %arg9[%run_scoped3A_186, %dma_start3A_610] : memref<2x128xi32, #tpu.memory_space<vmem>> -> memref<1x128xi32, #tpu.memory_space<vmem>>
      %dma_start3A_612 = tpu.memref_squeeze %dma_start3A_611 : memref<1x128xi32, #tpu.memory_space<vmem>> -> memref<128xi32, #tpu.memory_space<vmem>>
      %dma_start3A_613 = arith.constant 0 : i32
      %dma_start3A_614 = tpu.memref_slice %arg7[%run_scoped3A_185, %dma_start3A_613] : memref<2x128xi32, #tpu.memory_space<vmem>> -> memref<1x128xi32, #tpu.memory_space<vmem>>
      %dma_start3A_615 = tpu.memref_squeeze %dma_start3A_614 : memref<1x128xi32, #tpu.memory_space<vmem>> -> memref<128xi32, #tpu.memory_space<vmem>>
      %dma_start3A_616 = arith.constant 0 : i32
      %dma_start3A_617 = tpu.memref_slice %arg15[%dma_start3A_616] : memref<100000xi32, #tpu.memory_space<vmem_shared>> -> memref<100000xi32, #tpu.memory_space<vmem_shared>>
      tpu.enqueue_indirect_dma source(%dma_start3A_617 : memref<100000xi32, #tpu.memory_space<vmem_shared>>) target(%dma_start3A_612 : memref<128xi32, #tpu.memory_space<vmem>>) offsets(%dma_start3A_615 : memref<128xi32, #tpu.memory_space<vmem>>) semaphore(%run_scoped3A_609 : memref<!tpu.dma_semaphore, #tpu.memory_space<semaphore_mem>>)
      %dma_wait3A_618 = arith.constant 0 : i32
      %dma_wait3A_619 = tpu.memref_slice %arg9[%run_scoped3A_186, %dma_wait3A_618] : memref<2x128xi32, #tpu.memory_space<vmem>> -> memref<1x128xi32, #tpu.memory_space<vmem>>
      %dma_wait3A_620 = tpu.memref_squeeze %dma_wait3A_619 : memref<1x128xi32, #tpu.memory_space<vmem>> -> memref<128xi32, #tpu.memory_space<vmem>>
      %dma_wait3A_621 = arith.constant 0 : i32
      %dma_wait3A_622 = tpu.memref_slice %arg7[%run_scoped3A_185, %dma_wait3A_621] : memref<2x128xi32, #tpu.memory_space<vmem>> -> memref<1x128xi32, #tpu.memory_space<vmem>>
      %dma_wait3A_623 = tpu.memref_squeeze %dma_wait3A_622 : memref<1x128xi32, #tpu.memory_space<vmem>> -> memref<128xi32, #tpu.memory_space<vmem>>
      %dma_wait3A_624 = arith.constant 0 : i32
      %dma_wait3A_625 = tpu.memref_slice %arg15[%dma_wait3A_624] : memref<100000xi32, #tpu.memory_space<vmem_shared>> -> memref<100000xi32, #tpu.memory_space<vmem_shared>>
      tpu.wait_indirect_dma semaphore(%run_scoped3A_609 : memref<!tpu.dma_semaphore, #tpu.memory_space<semaphore_mem>>) src(%dma_wait3A_625 : memref<100000xi32, #tpu.memory_space<vmem_shared>>) dst(%dma_wait3A_620 : memref<128xi32, #tpu.memory_space<vmem>>)
      tpu.yield
    }) : () -> ()
    %dma_start3A = arith.constant 0 : i32
    %dma_start3A_187 = arith.constant 0 : i32
    %dma_start3A_188 = arith.constant 0 : i32
    %dma_start3A_189 = arith.constant 0 : i32
    %dma_start3A_190 = tpu.memref_slice %arg11[%dma_start3A_187, %dma_start3A_188, %dma_start3A_189] : memref<2x128x64xf32, #tpu.memory_space<vmem>> -> memref<1x128x64xf32, #tpu.memory_space<vmem>>
    %dma_start3A_191 = tpu.memref_squeeze %dma_start3A_190 : memref<1x128x64xf32, #tpu.memory_space<vmem>> -> memref<128x64xf32, #tpu.memory_space<vmem>>
    %dma_start3A_192 = arith.constant 0 : i32
    %dma_start3A_193 = tpu.memref_slice %arg7[%dma_start3A, %dma_start3A_192] : memref<2x128xi32, #tpu.memory_space<vmem>> -> memref<1x128xi32, #tpu.memory_space<vmem>>
    %dma_start3A_194 = tpu.memref_squeeze %dma_start3A_193 : memref<1x128xi32, #tpu.memory_space<vmem>> -> memref<128xi32, #tpu.memory_space<vmem>>
    %dma_start3A_195 = arith.constant 0 : i32
    %dma_start3A_196 = arith.constant 0 : i32
    %dma_start3A_197 = tpu.memref_slice %arg4[%dma_start3A_195, %dma_start3A_196] : memref<100000x64xf32, #tpu.memory_space<hbm>> -> memref<100000x64xf32, #tpu.memory_space<hbm>>
    tpu.enqueue_indirect_dma source(%dma_start3A_197 : memref<100000x64xf32, #tpu.memory_space<hbm>>) target(%dma_start3A_191 : memref<128x64xf32, #tpu.memory_space<vmem>>) offsets(%dma_start3A_194 : memref<128xi32, #tpu.memory_space<vmem>>) semaphore(%arg16 : memref<!tpu.dma_semaphore, #tpu.memory_space<semaphore_mem>>)
    %dma_wait3A = arith.constant 0 : i32
    %dma_wait3A_198 = arith.constant 0 : i32
    %dma_wait3A_199 = arith.constant 0 : i32
    %dma_wait3A_200 = arith.constant 0 : i32
    %dma_wait3A_201 = tpu.memref_slice %arg11[%dma_wait3A_198, %dma_wait3A_199, %dma_wait3A_200] : memref<2x128x64xf32, #tpu.memory_space<vmem>> -> memref<1x128x64xf32, #tpu.memory_space<vmem>>
    %dma_wait3A_202 = tpu.memref_squeeze %dma_wait3A_201 : memref<1x128x64xf32, #tpu.memory_space<vmem>> -> memref<128x64xf32, #tpu.memory_space<vmem>>
    %dma_wait3A_203 = arith.constant 0 : i32
    %dma_wait3A_204 = tpu.memref_slice %arg7[%dma_wait3A, %dma_wait3A_203] : memref<2x128xi32, #tpu.memory_space<vmem>> -> memref<1x128xi32, #tpu.memory_space<vmem>>
    %dma_wait3A_205 = tpu.memref_squeeze %dma_wait3A_204 : memref<1x128xi32, #tpu.memory_space<vmem>> -> memref<128xi32, #tpu.memory_space<vmem>>
    %dma_wait3A_206 = arith.constant 0 : i32
    %dma_wait3A_207 = arith.constant 0 : i32
    %dma_wait3A_208 = tpu.memref_slice %arg4[%dma_wait3A_206, %dma_wait3A_207] : memref<100000x64xf32, #tpu.memory_space<hbm>> -> memref<100000x64xf32, #tpu.memory_space<hbm>>
    tpu.wait_indirect_dma semaphore(%arg16 : memref<!tpu.dma_semaphore, #tpu.memory_space<semaphore_mem>>) src(%dma_wait3A_208 : memref<100000x64xf32, #tpu.memory_space<hbm>>) dst(%dma_wait3A_202 : memref<128x64xf32, #tpu.memory_space<vmem>>)
    %dma_start3A_209 = arith.constant 0 : i32
    %dma_start3A_210 = arith.constant 0 : i32
    %dma_start3A_211 = arith.constant 0 : i32
    %dma_start3A_212 = arith.constant 0 : i32
    %dma_start3A_213 = tpu.memref_slice %arg12[%dma_start3A_210, %dma_start3A_211, %dma_start3A_212] : memref<2x128x64xf32, #tpu.memory_space<vmem>> -> memref<1x128x64xf32, #tpu.memory_space<vmem>>
    %dma_start3A_214 = tpu.memref_squeeze %dma_start3A_213 : memref<1x128x64xf32, #tpu.memory_space<vmem>> -> memref<128x64xf32, #tpu.memory_space<vmem>>
    %dma_start3A_215 = arith.constant 0 : i32
    %dma_start3A_216 = tpu.memref_slice %arg7[%dma_start3A_209, %dma_start3A_215] : memref<2x128xi32, #tpu.memory_space<vmem>> -> memref<1x128xi32, #tpu.memory_space<vmem>>
    %dma_start3A_217 = tpu.memref_squeeze %dma_start3A_216 : memref<1x128xi32, #tpu.memory_space<vmem>> -> memref<128xi32, #tpu.memory_space<vmem>>
    %dma_start3A_218 = arith.constant 0 : i32
    %dma_start3A_219 = arith.constant 0 : i32
    %dma_start3A_220 = tpu.memref_slice %arg5[%dma_start3A_218, %dma_start3A_219] : memref<100000x64xf32, #tpu.memory_space<hbm>> -> memref<100000x64xf32, #tpu.memory_space<hbm>>
    tpu.enqueue_indirect_dma source(%dma_start3A_220 : memref<100000x64xf32, #tpu.memory_space<hbm>>) target(%dma_start3A_214 : memref<128x64xf32, #tpu.memory_space<vmem>>) offsets(%dma_start3A_217 : memref<128xi32, #tpu.memory_space<vmem>>) semaphore(%arg16 : memref<!tpu.dma_semaphore, #tpu.memory_space<semaphore_mem>>)
    %dma_wait3A_221 = arith.constant 0 : i32
    %dma_wait3A_222 = arith.constant 0 : i32
    %dma_wait3A_223 = arith.constant 0 : i32
    %dma_wait3A_224 = arith.constant 0 : i32
    %dma_wait3A_225 = tpu.memref_slice %arg12[%dma_wait3A_222, %dma_wait3A_223, %dma_wait3A_224] : memref<2x128x64xf32, #tpu.memory_space<vmem>> -> memref<1x128x64xf32, #tpu.memory_space<vmem>>
    %dma_wait3A_226 = tpu.memref_squeeze %dma_wait3A_225 : memref<1x128x64xf32, #tpu.memory_space<vmem>> -> memref<128x64xf32, #tpu.memory_space<vmem>>
    %dma_wait3A_227 = arith.constant 0 : i32
    %dma_wait3A_228 = tpu.memref_slice %arg7[%dma_wait3A_221, %dma_wait3A_227] : memref<2x128xi32, #tpu.memory_space<vmem>> -> memref<1x128xi32, #tpu.memory_space<vmem>>
    %dma_wait3A_229 = tpu.memref_squeeze %dma_wait3A_228 : memref<1x128xi32, #tpu.memory_space<vmem>> -> memref<128xi32, #tpu.memory_space<vmem>>
    %dma_wait3A_230 = arith.constant 0 : i32
    %dma_wait3A_231 = arith.constant 0 : i32
    %dma_wait3A_232 = tpu.memref_slice %arg5[%dma_wait3A_230, %dma_wait3A_231] : memref<100000x64xf32, #tpu.memory_space<hbm>> -> memref<100000x64xf32, #tpu.memory_space<hbm>>
    tpu.wait_indirect_dma semaphore(%arg16 : memref<!tpu.dma_semaphore, #tpu.memory_space<semaphore_mem>>) src(%dma_wait3A_232 : memref<100000x64xf32, #tpu.memory_space<hbm>>) dst(%dma_wait3A_226 : memref<128x64xf32, #tpu.memory_space<vmem>>)
    %run_scoped3A_233 = arith.constant 1 : i32
    %run_scoped3A_234 = arith.constant 1 : i32
    "tpu.region"() ({
      %run_scoped3A_609 = tpu.sem_alloc : memref<!tpu.dma_semaphore, #tpu.memory_space<semaphore_mem>>
      %dma_start3A_610 = arith.constant 0 : i32
      %dma_start3A_611 = tpu.memref_slice %arg9[%run_scoped3A_234, %dma_start3A_610] : memref<2x128xi32, #tpu.memory_space<vmem>> -> memref<1x128xi32, #tpu.memory_space<vmem>>
      %dma_start3A_612 = tpu.memref_squeeze %dma_start3A_611 : memref<1x128xi32, #tpu.memory_space<vmem>> -> memref<128xi32, #tpu.memory_space<vmem>>
      %dma_start3A_613 = arith.constant 0 : i32
      %dma_start3A_614 = tpu.memref_slice %arg7[%run_scoped3A_233, %dma_start3A_613] : memref<2x128xi32, #tpu.memory_space<vmem>> -> memref<1x128xi32, #tpu.memory_space<vmem>>
      %dma_start3A_615 = tpu.memref_squeeze %dma_start3A_614 : memref<1x128xi32, #tpu.memory_space<vmem>> -> memref<128xi32, #tpu.memory_space<vmem>>
      %dma_start3A_616 = arith.constant 0 : i32
      %dma_start3A_617 = tpu.memref_slice %arg15[%dma_start3A_616] : memref<100000xi32, #tpu.memory_space<vmem_shared>> -> memref<100000xi32, #tpu.memory_space<vmem_shared>>
      tpu.enqueue_indirect_dma source(%dma_start3A_617 : memref<100000xi32, #tpu.memory_space<vmem_shared>>) target(%dma_start3A_612 : memref<128xi32, #tpu.memory_space<vmem>>) offsets(%dma_start3A_615 : memref<128xi32, #tpu.memory_space<vmem>>) semaphore(%run_scoped3A_609 : memref<!tpu.dma_semaphore, #tpu.memory_space<semaphore_mem>>)
      %dma_wait3A_618 = arith.constant 0 : i32
      %dma_wait3A_619 = tpu.memref_slice %arg9[%run_scoped3A_234, %dma_wait3A_618] : memref<2x128xi32, #tpu.memory_space<vmem>> -> memref<1x128xi32, #tpu.memory_space<vmem>>
      %dma_wait3A_620 = tpu.memref_squeeze %dma_wait3A_619 : memref<1x128xi32, #tpu.memory_space<vmem>> -> memref<128xi32, #tpu.memory_space<vmem>>
      %dma_wait3A_621 = arith.constant 0 : i32
      %dma_wait3A_622 = tpu.memref_slice %arg7[%run_scoped3A_233, %dma_wait3A_621] : memref<2x128xi32, #tpu.memory_space<vmem>> -> memref<1x128xi32, #tpu.memory_space<vmem>>
      %dma_wait3A_623 = tpu.memref_squeeze %dma_wait3A_622 : memref<1x128xi32, #tpu.memory_space<vmem>> -> memref<128xi32, #tpu.memory_space<vmem>>
      %dma_wait3A_624 = arith.constant 0 : i32
      %dma_wait3A_625 = tpu.memref_slice %arg15[%dma_wait3A_624] : memref<100000xi32, #tpu.memory_space<vmem_shared>> -> memref<100000xi32, #tpu.memory_space<vmem_shared>>
      tpu.wait_indirect_dma semaphore(%run_scoped3A_609 : memref<!tpu.dma_semaphore, #tpu.memory_space<semaphore_mem>>) src(%dma_wait3A_625 : memref<100000xi32, #tpu.memory_space<vmem_shared>>) dst(%dma_wait3A_620 : memref<128xi32, #tpu.memory_space<vmem>>)
      tpu.yield
    }) : () -> ()
    %dma_start3A_235 = arith.constant 1 : i32
    %dma_start3A_236 = arith.constant 1 : i32
    %dma_start3A_237 = arith.constant 0 : i32
    %dma_start3A_238 = arith.constant 0 : i32
    %dma_start3A_239 = tpu.memref_slice %arg11[%dma_start3A_236, %dma_start3A_237, %dma_start3A_238] : memref<2x128x64xf32, #tpu.memory_space<vmem>> -> memref<1x128x64xf32, #tpu.memory_space<vmem>>
    %dma_start3A_240 = tpu.memref_squeeze %dma_start3A_239 : memref<1x128x64xf32, #tpu.memory_space<vmem>> -> memref<128x64xf32, #tpu.memory_space<vmem>>
    %dma_start3A_241 = arith.constant 0 : i32
    %dma_start3A_242 = tpu.memref_slice %arg7[%dma_start3A_235, %dma_start3A_241] : memref<2x128xi32, #tpu.memory_space<vmem>> -> memref<1x128xi32, #tpu.memory_space<vmem>>
    %dma_start3A_243 = tpu.memref_squeeze %dma_start3A_242 : memref<1x128xi32, #tpu.memory_space<vmem>> -> memref<128xi32, #tpu.memory_space<vmem>>
    %dma_start3A_244 = arith.constant 0 : i32
    %dma_start3A_245 = arith.constant 0 : i32
    %dma_start3A_246 = tpu.memref_slice %arg4[%dma_start3A_244, %dma_start3A_245] : memref<100000x64xf32, #tpu.memory_space<hbm>> -> memref<100000x64xf32, #tpu.memory_space<hbm>>
    tpu.enqueue_indirect_dma source(%dma_start3A_246 : memref<100000x64xf32, #tpu.memory_space<hbm>>) target(%dma_start3A_240 : memref<128x64xf32, #tpu.memory_space<vmem>>) offsets(%dma_start3A_243 : memref<128xi32, #tpu.memory_space<vmem>>) semaphore(%arg16 : memref<!tpu.dma_semaphore, #tpu.memory_space<semaphore_mem>>)
    %dma_wait3A_247 = arith.constant 1 : i32
    %dma_wait3A_248 = arith.constant 1 : i32
    %dma_wait3A_249 = arith.constant 0 : i32
    %dma_wait3A_250 = arith.constant 0 : i32
    %dma_wait3A_251 = tpu.memref_slice %arg11[%dma_wait3A_248, %dma_wait3A_249, %dma_wait3A_250] : memref<2x128x64xf32, #tpu.memory_space<vmem>> -> memref<1x128x64xf32, #tpu.memory_space<vmem>>
    %dma_wait3A_252 = tpu.memref_squeeze %dma_wait3A_251 : memref<1x128x64xf32, #tpu.memory_space<vmem>> -> memref<128x64xf32, #tpu.memory_space<vmem>>
    %dma_wait3A_253 = arith.constant 0 : i32
    %dma_wait3A_254 = tpu.memref_slice %arg7[%dma_wait3A_247, %dma_wait3A_253] : memref<2x128xi32, #tpu.memory_space<vmem>> -> memref<1x128xi32, #tpu.memory_space<vmem>>
    %dma_wait3A_255 = tpu.memref_squeeze %dma_wait3A_254 : memref<1x128xi32, #tpu.memory_space<vmem>> -> memref<128xi32, #tpu.memory_space<vmem>>
    %dma_wait3A_256 = arith.constant 0 : i32
    %dma_wait3A_257 = arith.constant 0 : i32
    %dma_wait3A_258 = tpu.memref_slice %arg4[%dma_wait3A_256, %dma_wait3A_257] : memref<100000x64xf32, #tpu.memory_space<hbm>> -> memref<100000x64xf32, #tpu.memory_space<hbm>>
    tpu.wait_indirect_dma semaphore(%arg16 : memref<!tpu.dma_semaphore, #tpu.memory_space<semaphore_mem>>) src(%dma_wait3A_258 : memref<100000x64xf32, #tpu.memory_space<hbm>>) dst(%dma_wait3A_252 : memref<128x64xf32, #tpu.memory_space<vmem>>)
    %dma_start3A_259 = arith.constant 1 : i32
    %dma_start3A_260 = arith.constant 1 : i32
    %dma_start3A_261 = arith.constant 0 : i32
    %dma_start3A_262 = arith.constant 0 : i32
    %dma_start3A_263 = tpu.memref_slice %arg12[%dma_start3A_260, %dma_start3A_261, %dma_start3A_262] : memref<2x128x64xf32, #tpu.memory_space<vmem>> -> memref<1x128x64xf32, #tpu.memory_space<vmem>>
    %dma_start3A_264 = tpu.memref_squeeze %dma_start3A_263 : memref<1x128x64xf32, #tpu.memory_space<vmem>> -> memref<128x64xf32, #tpu.memory_space<vmem>>
    %dma_start3A_265 = arith.constant 0 : i32
    %dma_start3A_266 = tpu.memref_slice %arg7[%dma_start3A_259, %dma_start3A_265] : memref<2x128xi32, #tpu.memory_space<vmem>> -> memref<1x128xi32, #tpu.memory_space<vmem>>
    %dma_start3A_267 = tpu.memref_squeeze %dma_start3A_266 : memref<1x128xi32, #tpu.memory_space<vmem>> -> memref<128xi32, #tpu.memory_space<vmem>>
    %dma_start3A_268 = arith.constant 0 : i32
    %dma_start3A_269 = arith.constant 0 : i32
    %dma_start3A_270 = tpu.memref_slice %arg5[%dma_start3A_268, %dma_start3A_269] : memref<100000x64xf32, #tpu.memory_space<hbm>> -> memref<100000x64xf32, #tpu.memory_space<hbm>>
    tpu.enqueue_indirect_dma source(%dma_start3A_270 : memref<100000x64xf32, #tpu.memory_space<hbm>>) target(%dma_start3A_264 : memref<128x64xf32, #tpu.memory_space<vmem>>) offsets(%dma_start3A_267 : memref<128xi32, #tpu.memory_space<vmem>>) semaphore(%arg16 : memref<!tpu.dma_semaphore, #tpu.memory_space<semaphore_mem>>)
    %dma_wait3A_271 = arith.constant 1 : i32
    %dma_wait3A_272 = arith.constant 1 : i32
    %dma_wait3A_273 = arith.constant 0 : i32
    %dma_wait3A_274 = arith.constant 0 : i32
    %dma_wait3A_275 = tpu.memref_slice %arg12[%dma_wait3A_272, %dma_wait3A_273, %dma_wait3A_274] : memref<2x128x64xf32, #tpu.memory_space<vmem>> -> memref<1x128x64xf32, #tpu.memory_space<vmem>>
    %dma_wait3A_276 = tpu.memref_squeeze %dma_wait3A_275 : memref<1x128x64xf32, #tpu.memory_space<vmem>> -> memref<128x64xf32, #tpu.memory_space<vmem>>
    %dma_wait3A_277 = arith.constant 0 : i32
    %dma_wait3A_278 = tpu.memref_slice %arg7[%dma_wait3A_271, %dma_wait3A_277] : memref<2x128xi32, #tpu.memory_space<vmem>> -> memref<1x128xi32, #tpu.memory_space<vmem>>
    %dma_wait3A_279 = tpu.memref_squeeze %dma_wait3A_278 : memref<1x128xi32, #tpu.memory_space<vmem>> -> memref<128xi32, #tpu.memory_space<vmem>>
    %dma_wait3A_280 = arith.constant 0 : i32
    %dma_wait3A_281 = arith.constant 0 : i32
    %dma_wait3A_282 = tpu.memref_slice %arg5[%dma_wait3A_280, %dma_wait3A_281] : memref<100000x64xf32, #tpu.memory_space<hbm>> -> memref<100000x64xf32, #tpu.memory_space<hbm>>
    tpu.wait_indirect_dma semaphore(%arg16 : memref<!tpu.dma_semaphore, #tpu.memory_space<semaphore_mem>>) src(%dma_wait3A_282 : memref<100000x64xf32, #tpu.memory_space<hbm>>) dst(%dma_wait3A_276 : memref<128x64xf32, #tpu.memory_space<vmem>>)
    %get3A = arith.constant 0 : i32
    %get3A_283 = arith.index_cast %get3A : i32 to index
    %get3A_284 = arith.constant 0 : index
    %get3A_285 = tpu.vector_load %arg9[%get3A_283, %get3A_284] {strides = array<i32>} : memref<2x128xi32, #tpu.memory_space<vmem>>, vector<1x16xi32>,
    %get3A_286 = vector.shape_cast %get3A_285 : vector<1x16xi32> to vector<16xi32>
    %get3A_287 = arith.constant 0 : i32
    %get3A_288 = arith.index_cast %get3A_287 : i32 to index
    %get3A_289 = arith.constant 0 : index
    %get3A_290 = tpu.vector_load %arg8[%get3A_288, %get3A_289] {strides = array<i32>} : memref<2x128xi32, #tpu.memory_space<vmem>>, vector<1x16xi32>,
    %get3A_291 = vector.shape_cast %get3A_290 : vector<1x16xi32> to vector<16xi32>
    %eq3A = arith.cmpi eq, %get3A_286, %get3A_291 : vector<16xi32>
    %jit3A = arith.constant 5.000000e-02 : f32
    %jit3A_292 = arith.constant 0.000000e+00 : f32
    %broadcast_in_dim3A = vector.broadcast %jit3A : f32 to vector<16xf32>
    %broadcast_in_dim3A_293 = vector.broadcast %jit3A_292 : f32 to vector<16xf32>
    %select_n3A = arith.select %eq3A, %broadcast_in_dim3A, %broadcast_in_dim3A_293 : vector<16xi1>, vector<16xf32>
    %swap3A_294 = arith.constant 0 : index
    %swap3A_295 = tpu.vector_load %arg10[%swap3A_294] {strides = array<i32>} : memref<256xf32, #tpu.memory_space<vmem>>, vector<16xf32>,
    %swap3A_296 = vector.shape_cast %swap3A_295 : vector<16xf32> to vector<16xf32>
    %swap3A_297 = vector.shape_cast %select_n3A : vector<16xf32> to vector<16xf32>
    tpu.vector_store %arg10[%swap3A_294], %swap3A_297 {strides = array<i32>} : memref<256xf32, #tpu.memory_space<vmem>>, vector<16xf32>,
    %get3A_298 = arith.constant 0 : i32
    %get3A_299 = arith.index_cast %get3A_298 : i32 to index
    %get3A_300 = arith.constant 16 : index
    %get3A_301 = tpu.vector_load %arg9[%get3A_299, %get3A_300] {strides = array<i32>} : memref<2x128xi32, #tpu.memory_space<vmem>>, vector<1x16xi32>,
    %get3A_302 = vector.shape_cast %get3A_301 : vector<1x16xi32> to vector<16xi32>
    %get3A_303 = arith.constant 0 : i32
    %get3A_304 = arith.index_cast %get3A_303 : i32 to index
    %get3A_305 = arith.constant 16 : index
    %get3A_306 = tpu.vector_load %arg8[%get3A_304, %get3A_305] {strides = array<i32>} : memref<2x128xi32, #tpu.memory_space<vmem>>, vector<1x16xi32>,
    %get3A_307 = vector.shape_cast %get3A_306 : vector<1x16xi32> to vector<16xi32>
    %eq3A_308 = arith.cmpi eq, %get3A_302, %get3A_307 : vector<16xi32>
    %jit3A_309 = arith.constant 5.000000e-02 : f32
    %jit3A_310 = arith.constant 0.000000e+00 : f32
    %broadcast_in_dim3A_311 = vector.broadcast %jit3A_309 : f32 to vector<16xf32>
    %broadcast_in_dim3A_312 = vector.broadcast %jit3A_310 : f32 to vector<16xf32>
    %select_n3A_313 = arith.select %eq3A_308, %broadcast_in_dim3A_311, %broadcast_in_dim3A_312 : vector<16xi1>, vector<16xf32>
    %swap3A_314 = arith.constant 16 : index
    %swap3A_315 = tpu.vector_load %arg10[%swap3A_314] {strides = array<i32>} : memref<256xf32, #tpu.memory_space<vmem>>, vector<16xf32>,
    %swap3A_316 = vector.shape_cast %swap3A_315 : vector<16xf32> to vector<16xf32>
    %swap3A_317 = vector.shape_cast %select_n3A_313 : vector<16xf32> to vector<16xf32>
    tpu.vector_store %arg10[%swap3A_314], %swap3A_317 {strides = array<i32>} : memref<256xf32, #tpu.memory_space<vmem>>, vector<16xf32>,
    %get3A_318 = arith.constant 0 : i32
    %get3A_319 = arith.index_cast %get3A_318 : i32 to index
    %get3A_320 = arith.constant 32 : index
    %get3A_321 = tpu.vector_load %arg9[%get3A_319, %get3A_320] {strides = array<i32>} : memref<2x128xi32, #tpu.memory_space<vmem>>, vector<1x16xi32>,
    %get3A_322 = vector.shape_cast %get3A_321 : vector<1x16xi32> to vector<16xi32>
    %get3A_323 = arith.constant 0 : i32
    %get3A_324 = arith.index_cast %get3A_323 : i32 to index
    %get3A_325 = arith.constant 32 : index
    %get3A_326 = tpu.vector_load %arg8[%get3A_324, %get3A_325] {strides = array<i32>} : memref<2x128xi32, #tpu.memory_space<vmem>>, vector<1x16xi32>,
    %get3A_327 = vector.shape_cast %get3A_326 : vector<1x16xi32> to vector<16xi32>
    %eq3A_328 = arith.cmpi eq, %get3A_322, %get3A_327 : vector<16xi32>
    %jit3A_329 = arith.constant 5.000000e-02 : f32
    %jit3A_330 = arith.constant 0.000000e+00 : f32
    %broadcast_in_dim3A_331 = vector.broadcast %jit3A_329 : f32 to vector<16xf32>
    %broadcast_in_dim3A_332 = vector.broadcast %jit3A_330 : f32 to vector<16xf32>
    %select_n3A_333 = arith.select %eq3A_328, %broadcast_in_dim3A_331, %broadcast_in_dim3A_332 : vector<16xi1>, vector<16xf32>
    %swap3A_334 = arith.constant 32 : index
    %swap3A_335 = tpu.vector_load %arg10[%swap3A_334] {strides = array<i32>} : memref<256xf32, #tpu.memory_space<vmem>>, vector<16xf32>,
    %swap3A_336 = vector.shape_cast %swap3A_335 : vector<16xf32> to vector<16xf32>
    %swap3A_337 = vector.shape_cast %select_n3A_333 : vector<16xf32> to vector<16xf32>
    tpu.vector_store %arg10[%swap3A_334], %swap3A_337 {strides = array<i32>} : memref<256xf32, #tpu.memory_space<vmem>>, vector<16xf32>,
    %get3A_338 = arith.constant 0 : i32
    %get3A_339 = arith.index_cast %get3A_338 : i32 to index
    %get3A_340 = arith.constant 48 : index
    %get3A_341 = tpu.vector_load %arg9[%get3A_339, %get3A_340] {strides = array<i32>} : memref<2x128xi32, #tpu.memory_space<vmem>>, vector<1x16xi32>,
    %get3A_342 = vector.shape_cast %get3A_341 : vector<1x16xi32> to vector<16xi32>
    %get3A_343 = arith.constant 0 : i32
    %get3A_344 = arith.index_cast %get3A_343 : i32 to index
    %get3A_345 = arith.constant 48 : index
    %get3A_346 = tpu.vector_load %arg8[%get3A_344, %get3A_345] {strides = array<i32>} : memref<2x128xi32, #tpu.memory_space<vmem>>, vector<1x16xi32>,
    %get3A_347 = vector.shape_cast %get3A_346 : vector<1x16xi32> to vector<16xi32>
    %eq3A_348 = arith.cmpi eq, %get3A_342, %get3A_347 : vector<16xi32>
    %jit3A_349 = arith.constant 5.000000e-02 : f32
    %jit3A_350 = arith.constant 0.000000e+00 : f32
    %broadcast_in_dim3A_351 = vector.broadcast %jit3A_349 : f32 to vector<16xf32>
    %broadcast_in_dim3A_352 = vector.broadcast %jit3A_350 : f32 to vector<16xf32>
    %select_n3A_353 = arith.select %eq3A_348, %broadcast_in_dim3A_351, %broadcast_in_dim3A_352 : vector<16xi1>, vector<16xf32>
    %swap3A_354 = arith.constant 48 : index
    %swap3A_355 = tpu.vector_load %arg10[%swap3A_354] {strides = array<i32>} : memref<256xf32, #tpu.memory_space<vmem>>, vector<16xf32>,
    %swap3A_356 = vector.shape_cast %swap3A_355 : vector<16xf32> to vector<16xf32>
    %swap3A_357 = vector.shape_cast %select_n3A_353 : vector<16xf32> to vector<16xf32>
    tpu.vector_store %arg10[%swap3A_354], %swap3A_357 {strides = array<i32>} : memref<256xf32, #tpu.memory_space<vmem>>, vector<16xf32>,
    %get3A_358 = arith.constant 0 : i32
    %get3A_359 = arith.index_cast %get3A_358 : i32 to index
    %get3A_360 = arith.constant 64 : index
    %get3A_361 = tpu.vector_load %arg9[%get3A_359, %get3A_360] {strides = array<i32>} : memref<2x128xi32, #tpu.memory_space<vmem>>, vector<1x16xi32>,
    %get3A_362 = vector.shape_cast %get3A_361 : vector<1x16xi32> to vector<16xi32>
    %get3A_363 = arith.constant 0 : i32
    %get3A_364 = arith.index_cast %get3A_363 : i32 to index
    %get3A_365 = arith.constant 64 : index
    %get3A_366 = tpu.vector_load %arg8[%get3A_364, %get3A_365] {strides = array<i32>} : memref<2x128xi32, #tpu.memory_space<vmem>>, vector<1x16xi32>,
    %get3A_367 = vector.shape_cast %get3A_366 : vector<1x16xi32> to vector<16xi32>
    %eq3A_368 = arith.cmpi eq, %get3A_362, %get3A_367 : vector<16xi32>
    %jit3A_369 = arith.constant 5.000000e-02 : f32
    %jit3A_370 = arith.constant 0.000000e+00 : f32
    %broadcast_in_dim3A_371 = vector.broadcast %jit3A_369 : f32 to vector<16xf32>
    %broadcast_in_dim3A_372 = vector.broadcast %jit3A_370 : f32 to vector<16xf32>
    %select_n3A_373 = arith.select %eq3A_368, %broadcast_in_dim3A_371, %broadcast_in_dim3A_372 : vector<16xi1>, vector<16xf32>
    %swap3A_374 = arith.constant 64 : index
    %swap3A_375 = tpu.vector_load %arg10[%swap3A_374] {strides = array<i32>} : memref<256xf32, #tpu.memory_space<vmem>>, vector<16xf32>,
    %swap3A_376 = vector.shape_cast %swap3A_375 : vector<16xf32> to vector<16xf32>
    %swap3A_377 = vector.shape_cast %select_n3A_373 : vector<16xf32> to vector<16xf32>
    tpu.vector_store %arg10[%swap3A_374], %swap3A_377 {strides = array<i32>} : memref<256xf32, #tpu.memory_space<vmem>>, vector<16xf32>,
    %get3A_378 = arith.constant 0 : i32
    %get3A_379 = arith.index_cast %get3A_378 : i32 to index
    %get3A_380 = arith.constant 80 : index
    %get3A_381 = tpu.vector_load %arg9[%get3A_379, %get3A_380] {strides = array<i32>} : memref<2x128xi32, #tpu.memory_space<vmem>>, vector<1x16xi32>,
    %get3A_382 = vector.shape_cast %get3A_381 : vector<1x16xi32> to vector<16xi32>
    %get3A_383 = arith.constant 0 : i32
    %get3A_384 = arith.index_cast %get3A_383 : i32 to index
    %get3A_385 = arith.constant 80 : index
    %get3A_386 = tpu.vector_load %arg8[%get3A_384, %get3A_385] {strides = array<i32>} : memref<2x128xi32, #tpu.memory_space<vmem>>, vector<1x16xi32>,
    %get3A_387 = vector.shape_cast %get3A_386 : vector<1x16xi32> to vector<16xi32>
    %eq3A_388 = arith.cmpi eq, %get3A_382, %get3A_387 : vector<16xi32>
    %jit3A_389 = arith.constant 5.000000e-02 : f32
    %jit3A_390 = arith.constant 0.000000e+00 : f32
    %broadcast_in_dim3A_391 = vector.broadcast %jit3A_389 : f32 to vector<16xf32>
    %broadcast_in_dim3A_392 = vector.broadcast %jit3A_390 : f32 to vector<16xf32>
    %select_n3A_393 = arith.select %eq3A_388, %broadcast_in_dim3A_391, %broadcast_in_dim3A_392 : vector<16xi1>, vector<16xf32>
    %swap3A_394 = arith.constant 80 : index
    %swap3A_395 = tpu.vector_load %arg10[%swap3A_394] {strides = array<i32>} : memref<256xf32, #tpu.memory_space<vmem>>, vector<16xf32>,
    %swap3A_396 = vector.shape_cast %swap3A_395 : vector<16xf32> to vector<16xf32>
    %swap3A_397 = vector.shape_cast %select_n3A_393 : vector<16xf32> to vector<16xf32>
    tpu.vector_store %arg10[%swap3A_394], %swap3A_397 {strides = array<i32>} : memref<256xf32, #tpu.memory_space<vmem>>, vector<16xf32>,
    %get3A_398 = arith.constant 0 : i32
    %get3A_399 = arith.index_cast %get3A_398 : i32 to index
    %get3A_400 = arith.constant 96 : index
    %get3A_401 = tpu.vector_load %arg9[%get3A_399, %get3A_400] {strides = array<i32>} : memref<2x128xi32, #tpu.memory_space<vmem>>, vector<1x16xi32>,
    %get3A_402 = vector.shape_cast %get3A_401 : vector<1x16xi32> to vector<16xi32>
    %get3A_403 = arith.constant 0 : i32
    %get3A_404 = arith.index_cast %get3A_403 : i32 to index
    %get3A_405 = arith.constant 96 : index
    %get3A_406 = tpu.vector_load %arg8[%get3A_404, %get3A_405] {strides = array<i32>} : memref<2x128xi32, #tpu.memory_space<vmem>>, vector<1x16xi32>,
    %get3A_407 = vector.shape_cast %get3A_406 : vector<1x16xi32> to vector<16xi32>
    %eq3A_408 = arith.cmpi eq, %get3A_402, %get3A_407 : vector<16xi32>
    %jit3A_409 = arith.constant 5.000000e-02 : f32
    %jit3A_410 = arith.constant 0.000000e+00 : f32
    %broadcast_in_dim3A_411 = vector.broadcast %jit3A_409 : f32 to vector<16xf32>
    %broadcast_in_dim3A_412 = vector.broadcast %jit3A_410 : f32 to vector<16xf32>
    %select_n3A_413 = arith.select %eq3A_408, %broadcast_in_dim3A_411, %broadcast_in_dim3A_412 : vector<16xi1>, vector<16xf32>
    %swap3A_414 = arith.constant 96 : index
    %swap3A_415 = tpu.vector_load %arg10[%swap3A_414] {strides = array<i32>} : memref<256xf32, #tpu.memory_space<vmem>>, vector<16xf32>,
    %swap3A_416 = vector.shape_cast %swap3A_415 : vector<16xf32> to vector<16xf32>
    %swap3A_417 = vector.shape_cast %select_n3A_413 : vector<16xf32> to vector<16xf32>
    tpu.vector_store %arg10[%swap3A_414], %swap3A_417 {strides = array<i32>} : memref<256xf32, #tpu.memory_space<vmem>>, vector<16xf32>,
    %get3A_418 = arith.constant 0 : i32
    %get3A_419 = arith.index_cast %get3A_418 : i32 to index
    %get3A_420 = arith.constant 112 : index
    %get3A_421 = tpu.vector_load %arg9[%get3A_419, %get3A_420] {strides = array<i32>} : memref<2x128xi32, #tpu.memory_space<vmem>>, vector<1x16xi32>,
    %get3A_422 = vector.shape_cast %get3A_421 : vector<1x16xi32> to vector<16xi32>
    %get3A_423 = arith.constant 0 : i32
    %get3A_424 = arith.index_cast %get3A_423 : i32 to index
    %get3A_425 = arith.constant 112 : index
    %get3A_426 = tpu.vector_load %arg8[%get3A_424, %get3A_425] {strides = array<i32>} : memref<2x128xi32, #tpu.memory_space<vmem>>, vector<1x16xi32>,
    %get3A_427 = vector.shape_cast %get3A_426 : vector<1x16xi32> to vector<16xi32>
    %eq3A_428 = arith.cmpi eq, %get3A_422, %get3A_427 : vector<16xi32>
    %jit3A_429 = arith.constant 5.000000e-02 : f32
    %jit3A_430 = arith.constant 0.000000e+00 : f32
    %broadcast_in_dim3A_431 = vector.broadcast %jit3A_429 : f32 to vector<16xf32>
    %broadcast_in_dim3A_432 = vector.broadcast %jit3A_430 : f32 to vector<16xf32>
    %select_n3A_433 = arith.select %eq3A_428, %broadcast_in_dim3A_431, %broadcast_in_dim3A_432 : vector<16xi1>, vector<16xf32>
    %swap3A_434 = arith.constant 112 : index
    %swap3A_435 = tpu.vector_load %arg10[%swap3A_434] {strides = array<i32>} : memref<256xf32, #tpu.memory_space<vmem>>, vector<16xf32>,
    %swap3A_436 = vector.shape_cast %swap3A_435 : vector<16xf32> to vector<16xf32>
    %swap3A_437 = vector.shape_cast %select_n3A_433 : vector<16xf32> to vector<16xf32>
    tpu.vector_store %arg10[%swap3A_434], %swap3A_437 {strides = array<i32>} : memref<256xf32, #tpu.memory_space<vmem>>, vector<16xf32>,
    %get3A_438 = arith.constant 1 : i32
    %get3A_439 = arith.index_cast %get3A_438 : i32 to index
    %get3A_440 = arith.constant 0 : index
    %get3A_441 = tpu.vector_load %arg9[%get3A_439, %get3A_440] {strides = array<i32>} : memref<2x128xi32, #tpu.memory_space<vmem>>, vector<1x16xi32>,
    %get3A_442 = vector.shape_cast %get3A_441 : vector<1x16xi32> to vector<16xi32>
    %get3A_443 = arith.constant 1 : i32
    %get3A_444 = arith.index_cast %get3A_443 : i32 to index
    %get3A_445 = arith.constant 0 : index
    %get3A_446 = tpu.vector_load %arg8[%get3A_444, %get3A_445] {strides = array<i32>} : memref<2x128xi32, #tpu.memory_space<vmem>>, vector<1x16xi32>,
    %get3A_447 = vector.shape_cast %get3A_446 : vector<1x16xi32> to vector<16xi32>
    %eq3A_448 = arith.cmpi eq, %get3A_442, %get3A_447 : vector<16xi32>
    %jit3A_449 = arith.constant 5.000000e-02 : f32
    %jit3A_450 = arith.constant 0.000000e+00 : f32
    %broadcast_in_dim3A_451 = vector.broadcast %jit3A_449 : f32 to vector<16xf32>
    %broadcast_in_dim3A_452 = vector.broadcast %jit3A_450 : f32 to vector<16xf32>
    %select_n3A_453 = arith.select %eq3A_448, %broadcast_in_dim3A_451, %broadcast_in_dim3A_452 : vector<16xi1>, vector<16xf32>
    %swap3A_454 = arith.constant 128 : index
    %swap3A_455 = tpu.vector_load %arg10[%swap3A_454] {strides = array<i32>} : memref<256xf32, #tpu.memory_space<vmem>>, vector<16xf32>,
    %swap3A_456 = vector.shape_cast %swap3A_455 : vector<16xf32> to vector<16xf32>
    %swap3A_457 = vector.shape_cast %select_n3A_453 : vector<16xf32> to vector<16xf32>
    tpu.vector_store %arg10[%swap3A_454], %swap3A_457 {strides = array<i32>} : memref<256xf32, #tpu.memory_space<vmem>>, vector<16xf32>,
    %get3A_458 = arith.constant 1 : i32
    %get3A_459 = arith.index_cast %get3A_458 : i32 to index
    %get3A_460 = arith.constant 16 : index
    %get3A_461 = tpu.vector_load %arg9[%get3A_459, %get3A_460] {strides = array<i32>} : memref<2x128xi32, #tpu.memory_space<vmem>>, vector<1x16xi32>,
    %get3A_462 = vector.shape_cast %get3A_461 : vector<1x16xi32> to vector<16xi32>
    %get3A_463 = arith.constant 1 : i32
    %get3A_464 = arith.index_cast %get3A_463 : i32 to index
    %get3A_465 = arith.constant 16 : index
    %get3A_466 = tpu.vector_load %arg8[%get3A_464, %get3A_465] {strides = array<i32>} : memref<2x128xi32, #tpu.memory_space<vmem>>, vector<1x16xi32>,
    %get3A_467 = vector.shape_cast %get3A_466 : vector<1x16xi32> to vector<16xi32>
    %eq3A_468 = arith.cmpi eq, %get3A_462, %get3A_467 : vector<16xi32>
    %jit3A_469 = arith.constant 5.000000e-02 : f32
    %jit3A_470 = arith.constant 0.000000e+00 : f32
    %broadcast_in_dim3A_471 = vector.broadcast %jit3A_469 : f32 to vector<16xf32>
    %broadcast_in_dim3A_472 = vector.broadcast %jit3A_470 : f32 to vector<16xf32>
    %select_n3A_473 = arith.select %eq3A_468, %broadcast_in_dim3A_471, %broadcast_in_dim3A_472 : vector<16xi1>, vector<16xf32>
    %swap3A_474 = arith.constant 144 : index
    %swap3A_475 = tpu.vector_load %arg10[%swap3A_474] {strides = array<i32>} : memref<256xf32, #tpu.memory_space<vmem>>, vector<16xf32>,
    %swap3A_476 = vector.shape_cast %swap3A_475 : vector<16xf32> to vector<16xf32>
    %swap3A_477 = vector.shape_cast %select_n3A_473 : vector<16xf32> to vector<16xf32>
    tpu.vector_store %arg10[%swap3A_474], %swap3A_477 {strides = array<i32>} : memref<256xf32, #tpu.memory_space<vmem>>, vector<16xf32>,
    %get3A_478 = arith.constant 1 : i32
    %get3A_479 = arith.index_cast %get3A_478 : i32 to index
    %get3A_480 = arith.constant 32 : index
    %get3A_481 = tpu.vector_load %arg9[%get3A_479, %get3A_480] {strides = array<i32>} : memref<2x128xi32, #tpu.memory_space<vmem>>, vector<1x16xi32>,
    %get3A_482 = vector.shape_cast %get3A_481 : vector<1x16xi32> to vector<16xi32>
    %get3A_483 = arith.constant 1 : i32
    %get3A_484 = arith.index_cast %get3A_483 : i32 to index
    %get3A_485 = arith.constant 32 : index
    %get3A_486 = tpu.vector_load %arg8[%get3A_484, %get3A_485] {strides = array<i32>} : memref<2x128xi32, #tpu.memory_space<vmem>>, vector<1x16xi32>,
    %get3A_487 = vector.shape_cast %get3A_486 : vector<1x16xi32> to vector<16xi32>
    %eq3A_488 = arith.cmpi eq, %get3A_482, %get3A_487 : vector<16xi32>
    %jit3A_489 = arith.constant 5.000000e-02 : f32
    %jit3A_490 = arith.constant 0.000000e+00 : f32
    %broadcast_in_dim3A_491 = vector.broadcast %jit3A_489 : f32 to vector<16xf32>
    %broadcast_in_dim3A_492 = vector.broadcast %jit3A_490 : f32 to vector<16xf32>
    %select_n3A_493 = arith.select %eq3A_488, %broadcast_in_dim3A_491, %broadcast_in_dim3A_492 : vector<16xi1>, vector<16xf32>
    %swap3A_494 = arith.constant 160 : index
    %swap3A_495 = tpu.vector_load %arg10[%swap3A_494] {strides = array<i32>} : memref<256xf32, #tpu.memory_space<vmem>>, vector<16xf32>,
    %swap3A_496 = vector.shape_cast %swap3A_495 : vector<16xf32> to vector<16xf32>
    %swap3A_497 = vector.shape_cast %select_n3A_493 : vector<16xf32> to vector<16xf32>
    tpu.vector_store %arg10[%swap3A_494], %swap3A_497 {strides = array<i32>} : memref<256xf32, #tpu.memory_space<vmem>>, vector<16xf32>,
    %get3A_498 = arith.constant 1 : i32
    %get3A_499 = arith.index_cast %get3A_498 : i32 to index
    %get3A_500 = arith.constant 48 : index
    %get3A_501 = tpu.vector_load %arg9[%get3A_499, %get3A_500] {strides = array<i32>} : memref<2x128xi32, #tpu.memory_space<vmem>>, vector<1x16xi32>,
    %get3A_502 = vector.shape_cast %get3A_501 : vector<1x16xi32> to vector<16xi32>
    %get3A_503 = arith.constant 1 : i32
    %get3A_504 = arith.index_cast %get3A_503 : i32 to index
    %get3A_505 = arith.constant 48 : index
    %get3A_506 = tpu.vector_load %arg8[%get3A_504, %get3A_505] {strides = array<i32>} : memref<2x128xi32, #tpu.memory_space<vmem>>, vector<1x16xi32>,
    %get3A_507 = vector.shape_cast %get3A_506 : vector<1x16xi32> to vector<16xi32>
    %eq3A_508 = arith.cmpi eq, %get3A_502, %get3A_507 : vector<16xi32>
    %jit3A_509 = arith.constant 5.000000e-02 : f32
    %jit3A_510 = arith.constant 0.000000e+00 : f32
    %broadcast_in_dim3A_511 = vector.broadcast %jit3A_509 : f32 to vector<16xf32>
    %broadcast_in_dim3A_512 = vector.broadcast %jit3A_510 : f32 to vector<16xf32>
    %select_n3A_513 = arith.select %eq3A_508, %broadcast_in_dim3A_511, %broadcast_in_dim3A_512 : vector<16xi1>, vector<16xf32>
    %swap3A_514 = arith.constant 176 : index
    %swap3A_515 = tpu.vector_load %arg10[%swap3A_514] {strides = array<i32>} : memref<256xf32, #tpu.memory_space<vmem>>, vector<16xf32>,
    %swap3A_516 = vector.shape_cast %swap3A_515 : vector<16xf32> to vector<16xf32>
    %swap3A_517 = vector.shape_cast %select_n3A_513 : vector<16xf32> to vector<16xf32>
    tpu.vector_store %arg10[%swap3A_514], %swap3A_517 {strides = array<i32>} : memref<256xf32, #tpu.memory_space<vmem>>, vector<16xf32>,
    %get3A_518 = arith.constant 1 : i32
    %get3A_519 = arith.index_cast %get3A_518 : i32 to index
    %get3A_520 = arith.constant 64 : index
    %get3A_521 = tpu.vector_load %arg9[%get3A_519, %get3A_520] {strides = array<i32>} : memref<2x128xi32, #tpu.memory_space<vmem>>, vector<1x16xi32>,
    %get3A_522 = vector.shape_cast %get3A_521 : vector<1x16xi32> to vector<16xi32>
    %get3A_523 = arith.constant 1 : i32
    %get3A_524 = arith.index_cast %get3A_523 : i32 to index
    %get3A_525 = arith.constant 64 : index
    %get3A_526 = tpu.vector_load %arg8[%get3A_524, %get3A_525] {strides = array<i32>} : memref<2x128xi32, #tpu.memory_space<vmem>>, vector<1x16xi32>,
    %get3A_527 = vector.shape_cast %get3A_526 : vector<1x16xi32> to vector<16xi32>
    %eq3A_528 = arith.cmpi eq, %get3A_522, %get3A_527 : vector<16xi32>
    %jit3A_529 = arith.constant 5.000000e-02 : f32
    %jit3A_530 = arith.constant 0.000000e+00 : f32
    %broadcast_in_dim3A_531 = vector.broadcast %jit3A_529 : f32 to vector<16xf32>
    %broadcast_in_dim3A_532 = vector.broadcast %jit3A_530 : f32 to vector<16xf32>
    %select_n3A_533 = arith.select %eq3A_528, %broadcast_in_dim3A_531, %broadcast_in_dim3A_532 : vector<16xi1>, vector<16xf32>
    %swap3A_534 = arith.constant 192 : index
    %swap3A_535 = tpu.vector_load %arg10[%swap3A_534] {strides = array<i32>} : memref<256xf32, #tpu.memory_space<vmem>>, vector<16xf32>,
    %swap3A_536 = vector.shape_cast %swap3A_535 : vector<16xf32> to vector<16xf32>
    %swap3A_537 = vector.shape_cast %select_n3A_533 : vector<16xf32> to vector<16xf32>
    tpu.vector_store %arg10[%swap3A_534], %swap3A_537 {strides = array<i32>} : memref<256xf32, #tpu.memory_space<vmem>>, vector<16xf32>,
    %get3A_538 = arith.constant 1 : i32
    %get3A_539 = arith.index_cast %get3A_538 : i32 to index
    %get3A_540 = arith.constant 80 : index
    %get3A_541 = tpu.vector_load %arg9[%get3A_539, %get3A_540] {strides = array<i32>} : memref<2x128xi32, #tpu.memory_space<vmem>>, vector<1x16xi32>,
    %get3A_542 = vector.shape_cast %get3A_541 : vector<1x16xi32> to vector<16xi32>
    %get3A_543 = arith.constant 1 : i32
    %get3A_544 = arith.index_cast %get3A_543 : i32 to index
    %get3A_545 = arith.constant 80 : index
    %get3A_546 = tpu.vector_load %arg8[%get3A_544, %get3A_545] {strides = array<i32>} : memref<2x128xi32, #tpu.memory_space<vmem>>, vector<1x16xi32>,
    %get3A_547 = vector.shape_cast %get3A_546 : vector<1x16xi32> to vector<16xi32>
    %eq3A_548 = arith.cmpi eq, %get3A_542, %get3A_547 : vector<16xi32>
    %jit3A_549 = arith.constant 5.000000e-02 : f32
    %jit3A_550 = arith.constant 0.000000e+00 : f32
    %broadcast_in_dim3A_551 = vector.broadcast %jit3A_549 : f32 to vector<16xf32>
    %broadcast_in_dim3A_552 = vector.broadcast %jit3A_550 : f32 to vector<16xf32>
    %select_n3A_553 = arith.select %eq3A_548, %broadcast_in_dim3A_551, %broadcast_in_dim3A_552 : vector<16xi1>, vector<16xf32>
    %swap3A_554 = arith.constant 208 : index
    %swap3A_555 = tpu.vector_load %arg10[%swap3A_554] {strides = array<i32>} : memref<256xf32, #tpu.memory_space<vmem>>, vector<16xf32>,
    %swap3A_556 = vector.shape_cast %swap3A_555 : vector<16xf32> to vector<16xf32>
    %swap3A_557 = vector.shape_cast %select_n3A_553 : vector<16xf32> to vector<16xf32>
    tpu.vector_store %arg10[%swap3A_554], %swap3A_557 {strides = array<i32>} : memref<256xf32, #tpu.memory_space<vmem>>, vector<16xf32>,
    %get3A_558 = arith.constant 1 : i32
    %get3A_559 = arith.index_cast %get3A_558 : i32 to index
    %get3A_560 = arith.constant 96 : index
    %get3A_561 = tpu.vector_load %arg9[%get3A_559, %get3A_560] {strides = array<i32>} : memref<2x128xi32, #tpu.memory_space<vmem>>, vector<1x16xi32>,
    %get3A_562 = vector.shape_cast %get3A_561 : vector<1x16xi32> to vector<16xi32>
    %get3A_563 = arith.constant 1 : i32
    %get3A_564 = arith.index_cast %get3A_563 : i32 to index
    %get3A_565 = arith.constant 96 : index
    %get3A_566 = tpu.vector_load %arg8[%get3A_564, %get3A_565] {strides = array<i32>} : memref<2x128xi32, #tpu.memory_space<vmem>>, vector<1x16xi32>,
    %get3A_567 = vector.shape_cast %get3A_566 : vector<1x16xi32> to vector<16xi32>
    %eq3A_568 = arith.cmpi eq, %get3A_562, %get3A_567 : vector<16xi32>
    %jit3A_569 = arith.constant 5.000000e-02 : f32
    %jit3A_570 = arith.constant 0.000000e+00 : f32
    %broadcast_in_dim3A_571 = vector.broadcast %jit3A_569 : f32 to vector<16xf32>
    %broadcast_in_dim3A_572 = vector.broadcast %jit3A_570 : f32 to vector<16xf32>
    %select_n3A_573 = arith.select %eq3A_568, %broadcast_in_dim3A_571, %broadcast_in_dim3A_572 : vector<16xi1>, vector<16xf32>
    %swap3A_574 = arith.constant 224 : index
    %swap3A_575 = tpu.vector_load %arg10[%swap3A_574] {strides = array<i32>} : memref<256xf32, #tpu.memory_space<vmem>>, vector<16xf32>,
    %swap3A_576 = vector.shape_cast %swap3A_575 : vector<16xf32> to vector<16xf32>
    %swap3A_577 = vector.shape_cast %select_n3A_573 : vector<16xf32> to vector<16xf32>
    tpu.vector_store %arg10[%swap3A_574], %swap3A_577 {strides = array<i32>} : memref<256xf32, #tpu.memory_space<vmem>>, vector<16xf32>,
    %get3A_578 = arith.constant 1 : i32
    %get3A_579 = arith.index_cast %get3A_578 : i32 to index
    %get3A_580 = arith.constant 112 : index
    %get3A_581 = tpu.vector_load %arg9[%get3A_579, %get3A_580] {strides = array<i32>} : memref<2x128xi32, #tpu.memory_space<vmem>>, vector<1x16xi32>,
    %get3A_582 = vector.shape_cast %get3A_581 : vector<1x16xi32> to vector<16xi32>
    %get3A_583 = arith.constant 1 : i32
    %get3A_584 = arith.index_cast %get3A_583 : i32 to index
    %get3A_585 = arith.constant 112 : index
    %get3A_586 = tpu.vector_load %arg8[%get3A_584, %get3A_585] {strides = array<i32>} : memref<2x128xi32, #tpu.memory_space<vmem>>, vector<1x16xi32>,
    %get3A_587 = vector.shape_cast %get3A_586 : vector<1x16xi32> to vector<16xi32>
    %eq3A_588 = arith.cmpi eq, %get3A_582, %get3A_587 : vector<16xi32>
    %jit3A_589 = arith.constant 5.000000e-02 : f32
    %jit3A_590 = arith.constant 0.000000e+00 : f32
    %broadcast_in_dim3A_591 = vector.broadcast %jit3A_589 : f32 to vector<16xf32>
    %broadcast_in_dim3A_592 = vector.broadcast %jit3A_590 : f32 to vector<16xf32>
    %select_n3A_593 = arith.select %eq3A_588, %broadcast_in_dim3A_591, %broadcast_in_dim3A_592 : vector<16xi1>, vector<16xf32>
    %swap3A_594 = arith.constant 240 : index
    %swap3A_595 = tpu.vector_load %arg10[%swap3A_594] {strides = array<i32>} : memref<256xf32, #tpu.memory_space<vmem>>, vector<16xf32>,
    %swap3A_596 = vector.shape_cast %swap3A_595 : vector<16xf32> to vector<16xf32>
    %swap3A_597 = vector.shape_cast %select_n3A_593 : vector<16xf32> to vector<16xf32>
    tpu.vector_store %arg10[%swap3A_594], %swap3A_597 {strides = array<i32>} : memref<256xf32, #tpu.memory_space<vmem>>, vector<16xf32>,
    %broadcast_in_dim3A_598 = arith.constant 0.000000e+00 : f32
    %broadcast_in_dim3A_599 = vector.broadcast %broadcast_in_dim3A_598 : f32 to vector<16xf32>
    %scan3A = arith.constant 0 : i32
    %scan3A_600 = arith.constant 8 : i32
    %scan3A_601 = arith.addi %scan3A, %scan3A_600 : i32
    %scan3A_602 = arith.constant 1 : i32
    %scan3A_603 = scf.for %scan3A_609 = %scan3A to %scan3A_601 step %scan3A_602 iter_args(%scan3A_610 = %broadcast_in_dim3A_599) -> (vector<16xf32>)  : i32 {
      %mul3A_611 = arith.constant 16 : i32
      %mul3A_612 = arith.muli %scan3A_609, %mul3A_611 : i32
      %add3A_613 = arith.constant 0 : i32
      %add3A_614 = arith.addi %add3A_613, %mul3A_612 : i32
      %get3A_615 = arith.index_cast %add3A_614 : i32 to index
      %get3A_616 = tpu.vector_load %arg10[%get3A_615] {strides = array<i32>} : memref<256xf32, #tpu.memory_space<vmem>>, vector<16xf32>,
      %get3A_617 = vector.shape_cast %get3A_616 : vector<16xf32> to vector<16xf32>
      %slice3A = vector.extract_strided_slice %get3A_617 {offsets = [0], sizes = [1], strides = [1]} : vector<16xf32> to vector<1xf32>
      %squeeze3A = vector.extract %slice3A[0] : f32 from vector<1xf32>
      %broadcast_in_dim3A_618 = vector.broadcast %squeeze3A : f32 to vector<16xf32>
      %mul3A_619 = arith.constant 16 : i32
      %mul3A_620 = arith.muli %scan3A_609, %mul3A_619 : i32
      %add3A_621 = arith.constant 0 : i32
      %add3A_622 = arith.addi %mul3A_620, %add3A_621 : i32
      %get3A_623 = arith.constant 0 : i32
      %get3A_624 = arith.index_cast %get3A_623 : i32 to index
      %get3A_625 = arith.index_cast %add3A_622 : i32 to index
      %get3A_626 = arith.constant 0 : index
      %get3A_627 = tpu.vector_load %arg11[%get3A_624, %get3A_625, %get3A_626] {strides = array<i32>} : memref<2x128x64xf32, #tpu.memory_space<vmem>>, vector<1x1x16xf32>,
      %get3A_628 = vector.shape_cast %get3A_627 : vector<1x1x16xf32> to vector<16xf32>
      %get3A_629 = arith.constant 0 : i32
      %get3A_630 = arith.index_cast %get3A_629 : i32 to index
      %get3A_631 = arith.index_cast %add3A_622 : i32 to index
      %get3A_632 = arith.constant 0 : index
      %get3A_633 = tpu.vector_load %arg12[%get3A_630, %get3A_631, %get3A_632] {strides = array<i32>} : memref<2x128x64xf32, #tpu.memory_space<vmem>>, vector<1x1x16xf32>,
      %get3A_634 = vector.shape_cast %get3A_633 : vector<1x1x16xf32> to vector<16xf32>
      %get3A_635 = arith.constant 0 : i32
      %get3A_636 = arith.index_cast %get3A_635 : i32 to index
      %get3A_637 = arith.index_cast %add3A_622 : i32 to index
      %get3A_638 = arith.constant 0 : index
      %get3A_639 = tpu.vector_load %arg13[%get3A_636, %get3A_637, %get3A_638] {strides = array<i32>} : memref<2x128x64xf32, #tpu.memory_space<vmem>>, vector<1x1x16xf32>,
      %get3A_640 = vector.shape_cast %get3A_639 : vector<1x1x16xf32> to vector<16xf32>
      %sub3A = arith.subf %get3A_640, %get3A_628 : vector<16xf32>
      %mul3A_641 = arith.mulf %broadcast_in_dim3A_618, %sub3A : vector<16xf32>
      %add3A_642 = arith.addf %get3A_628, %mul3A_641 : vector<16xf32>
      %sub3A_643 = arith.subf %add3A_642, %get3A_634 : vector<16xf32>
      %abs3A = math.absf %sub3A_643 : vector<16xf32>
      %sub3A_644 = arith.subf %get3A_628, %get3A_634 : vector<16xf32>
      %abs3A_645 = math.absf %sub3A_644 : vector<16xf32>
      %sub3A_646 = arith.subf %abs3A, %abs3A_645 : vector<16xf32>
      %add3A_647 = arith.addf %scan3A_610, %sub3A_646 : vector<16xf32>
      %get3A_648 = arith.constant 0 : i32
      %get3A_649 = arith.index_cast %get3A_648 : i32 to index
      %get3A_650 = arith.index_cast %add3A_622 : i32 to index
      %get3A_651 = arith.constant 16 : index
      %get3A_652 = tpu.vector_load %arg11[%get3A_649, %get3A_650, %get3A_651] {strides = array<i32>} : memref<2x128x64xf32, #tpu.memory_space<vmem>>, vector<1x1x16xf32>,
      %get3A_653 = vector.shape_cast %get3A_652 : vector<1x1x16xf32> to vector<16xf32>
      %get3A_654 = arith.constant 0 : i32
      %get3A_655 = arith.index_cast %get3A_654 : i32 to index
      %get3A_656 = arith.index_cast %add3A_622 : i32 to index
      %get3A_657 = arith.constant 16 : index
      %get3A_658 = tpu.vector_load %arg12[%get3A_655, %get3A_656, %get3A_657] {strides = array<i32>} : memref<2x128x64xf32, #tpu.memory_space<vmem>>, vector<1x1x16xf32>,
      %get3A_659 = vector.shape_cast %get3A_658 : vector<1x1x16xf32> to vector<16xf32>
      %get3A_660 = arith.constant 0 : i32
      %get3A_661 = arith.index_cast %get3A_660 : i32 to index
      %get3A_662 = arith.index_cast %add3A_622 : i32 to index
      %get3A_663 = arith.constant 16 : index
      %get3A_664 = tpu.vector_load %arg13[%get3A_661, %get3A_662, %get3A_663] {strides = array<i32>} : memref<2x128x64xf32, #tpu.memory_space<vmem>>, vector<1x1x16xf32>,
      %get3A_665 = vector.shape_cast %get3A_664 : vector<1x1x16xf32> to vector<16xf32>
      %sub3A_666 = arith.subf %get3A_665, %get3A_653 : vector<16xf32>
      %mul3A_667 = arith.mulf %broadcast_in_dim3A_618, %sub3A_666 : vector<16xf32>
      %add3A_668 = arith.addf %get3A_653, %mul3A_667 : vector<16xf32>
      %sub3A_669 = arith.subf %add3A_668, %get3A_659 : vector<16xf32>
      %abs3A_670 = math.absf %sub3A_669 : vector<16xf32>
      %sub3A_671 = arith.subf %get3A_653, %get3A_659 : vector<16xf32>
      %abs3A_672 = math.absf %sub3A_671 : vector<16xf32>
      %sub3A_673 = arith.subf %abs3A_670, %abs3A_672 : vector<16xf32>
      %add3A_674 = arith.addf %add3A_647, %sub3A_673 : vector<16xf32>
      %get3A_675 = arith.constant 0 : i32
      %get3A_676 = arith.index_cast %get3A_675 : i32 to index
      %get3A_677 = arith.index_cast %add3A_622 : i32 to index
      %get3A_678 = arith.constant 32 : index
      %get3A_679 = tpu.vector_load %arg11[%get3A_676, %get3A_677, %get3A_678] {strides = array<i32>} : memref<2x128x64xf32, #tpu.memory_space<vmem>>, vector<1x1x16xf32>,
      %get3A_680 = vector.shape_cast %get3A_679 : vector<1x1x16xf32> to vector<16xf32>
      %get3A_681 = arith.constant 0 : i32
      %get3A_682 = arith.index_cast %get3A_681 : i32 to index
      %get3A_683 = arith.index_cast %add3A_622 : i32 to index
      %get3A_684 = arith.constant 32 : index
      %get3A_685 = tpu.vector_load %arg12[%get3A_682, %get3A_683, %get3A_684] {strides = array<i32>} : memref<2x128x64xf32, #tpu.memory_space<vmem>>, vector<1x1x16xf32>,
      %get3A_686 = vector.shape_cast %get3A_685 : vector<1x1x16xf32> to vector<16xf32>
      %get3A_687 = arith.constant 0 : i32
      %get3A_688 = arith.index_cast %get3A_687 : i32 to index
      %get3A_689 = arith.index_cast %add3A_622 : i32 to index
      %get3A_690 = arith.constant 32 : index
      %get3A_691 = tpu.vector_load %arg13[%get3A_688, %get3A_689, %get3A_690] {strides = array<i32>} : memref<2x128x64xf32, #tpu.memory_space<vmem>>, vector<1x1x16xf32>,
      %get3A_692 = vector.shape_cast %get3A_691 : vector<1x1x16xf32> to vector<16xf32>
      %sub3A_693 = arith.subf %get3A_692, %get3A_680 : vector<16xf32>
      %mul3A_694 = arith.mulf %broadcast_in_dim3A_618, %sub3A_693 : vector<16xf32>
      %add3A_695 = arith.addf %get3A_680, %mul3A_694 : vector<16xf32>
      %sub3A_696 = arith.subf %add3A_695, %get3A_686 : vector<16xf32>
      %abs3A_697 = math.absf %sub3A_696 : vector<16xf32>
      %sub3A_698 = arith.subf %get3A_680, %get3A_686 : vector<16xf32>
      %abs3A_699 = math.absf %sub3A_698 : vector<16xf32>
      %sub3A_700 = arith.subf %abs3A_697, %abs3A_699 : vector<16xf32>
      %add3A_701 = arith.addf %add3A_674, %sub3A_700 : vector<16xf32>
      %get3A_702 = arith.constant 0 : i32
      %get3A_703 = arith.index_cast %get3A_702 : i32 to index
      %get3A_704 = arith.index_cast %add3A_622 : i32 to index
      %get3A_705 = arith.constant 48 : index
      %get3A_706 = tpu.vector_load %arg11[%get3A_703, %get3A_704, %get3A_705] {strides = array<i32>} : memref<2x128x64xf32, #tpu.memory_space<vmem>>, vector<1x1x16xf32>,
      %get3A_707 = vector.shape_cast %get3A_706 : vector<1x1x16xf32> to vector<16xf32>
      %get3A_708 = arith.constant 0 : i32
      %get3A_709 = arith.index_cast %get3A_708 : i32 to index
      %get3A_710 = arith.index_cast %add3A_622 : i32 to index
      %get3A_711 = arith.constant 48 : index
      %get3A_712 = tpu.vector_load %arg12[%get3A_709, %get3A_710, %get3A_711] {strides = array<i32>} : memref<2x128x64xf32, #tpu.memory_space<vmem>>, vector<1x1x16xf32>,
      %get3A_713 = vector.shape_cast %get3A_712 : vector<1x1x16xf32> to vector<16xf32>
      %get3A_714 = arith.constant 0 : i32
      %get3A_715 = arith.index_cast %get3A_714 : i32 to index
      %get3A_716 = arith.index_cast %add3A_622 : i32 to index
      %get3A_717 = arith.constant 48 : index
      %get3A_718 = tpu.vector_load %arg13[%get3A_715, %get3A_716, %get3A_717] {strides = array<i32>} : memref<2x128x64xf32, #tpu.memory_space<vmem>>, vector<1x1x16xf32>,
      %get3A_719 = vector.shape_cast %get3A_718 : vector<1x1x16xf32> to vector<16xf32>
      %sub3A_720 = arith.subf %get3A_719, %get3A_707 : vector<16xf32>
      %mul3A_721 = arith.mulf %broadcast_in_dim3A_618, %sub3A_720 : vector<16xf32>
      %add3A_722 = arith.addf %get3A_707, %mul3A_721 : vector<16xf32>
      %sub3A_723 = arith.subf %add3A_722, %get3A_713 : vector<16xf32>
      %abs3A_724 = math.absf %sub3A_723 : vector<16xf32>
      %sub3A_725 = arith.subf %get3A_707, %get3A_713 : vector<16xf32>
      %abs3A_726 = math.absf %sub3A_725 : vector<16xf32>
      %sub3A_727 = arith.subf %abs3A_724, %abs3A_726 : vector<16xf32>
      %add3A_728 = arith.addf %add3A_701, %sub3A_727 : vector<16xf32>
      %slice3A_729 = vector.extract_strided_slice %get3A_617 {offsets = [1], sizes = [1], strides = [1]} : vector<16xf32> to vector<1xf32>
      %squeeze3A_730 = vector.extract %slice3A_729[0] : f32 from vector<1xf32>
      %broadcast_in_dim3A_731 = vector.broadcast %squeeze3A_730 : f32 to vector<16xf32>
      %mul3A_732 = arith.constant 16 : i32
      %mul3A_733 = arith.muli %scan3A_609, %mul3A_732 : i32
      %add3A_734 = arith.constant 1 : i32
      %add3A_735 = arith.addi %mul3A_733, %add3A_734 : i32
      %get3A_736 = arith.constant 0 : i32
      %get3A_737 = arith.index_cast %get3A_736 : i32 to index
      %get3A_738 = arith.index_cast %add3A_735 : i32 to index
      %get3A_739 = arith.constant 0 : index
      %get3A_740 = tpu.vector_load %arg11[%get3A_737, %get3A_738, %get3A_739] {strides = array<i32>} : memref<2x128x64xf32, #tpu.memory_space<vmem>>, vector<1x1x16xf32>,
      %get3A_741 = vector.shape_cast %get3A_740 : vector<1x1x16xf32> to vector<16xf32>
      %get3A_742 = arith.constant 0 : i32
      %get3A_743 = arith.index_cast %get3A_742 : i32 to index
      %get3A_744 = arith.index_cast %add3A_735 : i32 to index
      %get3A_745 = arith.constant 0 : index
      %get3A_746 = tpu.vector_load %arg12[%get3A_743, %get3A_744, %get3A_745] {strides = array<i32>} : memref<2x128x64xf32, #tpu.memory_space<vmem>>, vector<1x1x16xf32>,
      %get3A_747 = vector.shape_cast %get3A_746 : vector<1x1x16xf32> to vector<16xf32>
      %get3A_748 = arith.constant 0 : i32
      %get3A_749 = arith.index_cast %get3A_748 : i32 to index
      %get3A_750 = arith.index_cast %add3A_735 : i32 to index
      %get3A_751 = arith.constant 0 : index
      %get3A_752 = tpu.vector_load %arg13[%get3A_749, %get3A_750, %get3A_751] {strides = array<i32>} : memref<2x128x64xf32, #tpu.memory_space<vmem>>, vector<1x1x16xf32>,
      %get3A_753 = vector.shape_cast %get3A_752 : vector<1x1x16xf32> to vector<16xf32>
      %sub3A_754 = arith.subf %get3A_753, %get3A_741 : vector<16xf32>
      %mul3A_755 = arith.mulf %broadcast_in_dim3A_731, %sub3A_754 : vector<16xf32>
      %add3A_756 = arith.addf %get3A_741, %mul3A_755 : vector<16xf32>
      %sub3A_757 = arith.subf %add3A_756, %get3A_747 : vector<16xf32>
      %abs3A_758 = math.absf %sub3A_757 : vector<16xf32>
      %sub3A_759 = arith.subf %get3A_741, %get3A_747 : vector<16xf32>
      %abs3A_760 = math.absf %sub3A_759 : vector<16xf32>
      %sub3A_761 = arith.subf %abs3A_758, %abs3A_760 : vector<16xf32>
      %add3A_762 = arith.addf %add3A_728, %sub3A_761 : vector<16xf32>
      %get3A_763 = arith.constant 0 : i32
      %get3A_764 = arith.index_cast %get3A_763 : i32 to index
      %get3A_765 = arith.index_cast %add3A_735 : i32 to index
      %get3A_766 = arith.constant 16 : index
      %get3A_767 = tpu.vector_load %arg11[%get3A_764, %get3A_765, %get3A_766] {strides = array<i32>} : memref<2x128x64xf32, #tpu.memory_space<vmem>>, vector<1x1x16xf32>,
      %get3A_768 = vector.shape_cast %get3A_767 : vector<1x1x16xf32> to vector<16xf32>
      %get3A_769 = arith.constant 0 : i32
      %get3A_770 = arith.index_cast %get3A_769 : i32 to index
      %get3A_771 = arith.index_cast %add3A_735 : i32 to index
      %get3A_772 = arith.constant 16 : index
      %get3A_773 = tpu.vector_load %arg12[%get3A_770, %get3A_771, %get3A_772] {strides = array<i32>} : memref<2x128x64xf32, #tpu.memory_space<vmem>>, vector<1x1x16xf32>,
      %get3A_774 = vector.shape_cast %get3A_773 : vector<1x1x16xf32> to vector<16xf32>
      %get3A_775 = arith.constant 0 : i32
      %get3A_776 = arith.index_cast %get3A_775 : i32 to index
      %get3A_777 = arith.index_cast %add3A_735 : i32 to index
      %get3A_778 = arith.constant 16 : index
      %get3A_779 = tpu.vector_load %arg13[%get3A_776, %get3A_777, %get3A_778] {strides = array<i32>} : memref<2x128x64xf32, #tpu.memory_space<vmem>>, vector<1x1x16xf32>,
      %get3A_780 = vector.shape_cast %get3A_779 : vector<1x1x16xf32> to vector<16xf32>
      %sub3A_781 = arith.subf %get3A_780, %get3A_768 : vector<16xf32>
      %mul3A_782 = arith.mulf %broadcast_in_dim3A_731, %sub3A_781 : vector<16xf32>
      %add3A_783 = arith.addf %get3A_768, %mul3A_782 : vector<16xf32>
      %sub3A_784 = arith.subf %add3A_783, %get3A_774 : vector<16xf32>
      %abs3A_785 = math.absf %sub3A_784 : vector<16xf32>
      %sub3A_786 = arith.subf %get3A_768, %get3A_774 : vector<16xf32>
      %abs3A_787 = math.absf %sub3A_786 : vector<16xf32>
      %sub3A_788 = arith.subf %abs3A_785, %abs3A_787 : vector<16xf32>
      %add3A_789 = arith.addf %add3A_762, %sub3A_788 : vector<16xf32>
      %get3A_790 = arith.constant 0 : i32
      %get3A_791 = arith.index_cast %get3A_790 : i32 to index
      %get3A_792 = arith.index_cast %add3A_735 : i32 to index
      %get3A_793 = arith.constant 32 : index
      %get3A_794 = tpu.vector_load %arg11[%get3A_791, %get3A_792, %get3A_793] {strides = array<i32>} : memref<2x128x64xf32, #tpu.memory_space<vmem>>, vector<1x1x16xf32>,
      %get3A_795 = vector.shape_cast %get3A_794 : vector<1x1x16xf32> to vector<16xf32>
      %get3A_796 = arith.constant 0 : i32
      %get3A_797 = arith.index_cast %get3A_796 : i32 to index
      %get3A_798 = arith.index_cast %add3A_735 : i32 to index
      %get3A_799 = arith.constant 32 : index
      %get3A_800 = tpu.vector_load %arg12[%get3A_797, %get3A_798, %get3A_799] {strides = array<i32>} : memref<2x128x64xf32, #tpu.memory_space<vmem>>, vector<1x1x16xf32>,
      %get3A_801 = vector.shape_cast %get3A_800 : vector<1x1x16xf32> to vector<16xf32>
      %get3A_802 = arith.constant 0 : i32
      %get3A_803 = arith.index_cast %get3A_802 : i32 to index
      %get3A_804 = arith.index_cast %add3A_735 : i32 to index
      %get3A_805 = arith.constant 32 : index
      %get3A_806 = tpu.vector_load %arg13[%get3A_803, %get3A_804, %get3A_805] {strides = array<i32>} : memref<2x128x64xf32, #tpu.memory_space<vmem>>, vector<1x1x16xf32>,
      %get3A_807 = vector.shape_cast %get3A_806 : vector<1x1x16xf32> to vector<16xf32>
      %sub3A_808 = arith.subf %get3A_807, %get3A_795 : vector<16xf32>
      %mul3A_809 = arith.mulf %broadcast_in_dim3A_731, %sub3A_808 : vector<16xf32>
      %add3A_810 = arith.addf %get3A_795, %mul3A_809 : vector<16xf32>
      %sub3A_811 = arith.subf %add3A_810, %get3A_801 : vector<16xf32>
      %abs3A_812 = math.absf %sub3A_811 : vector<16xf32>
      %sub3A_813 = arith.subf %get3A_795, %get3A_801 : vector<16xf32>
      %abs3A_814 = math.absf %sub3A_813 : vector<16xf32>
      %sub3A_815 = arith.subf %abs3A_812, %abs3A_814 : vector<16xf32>
      %add3A_816 = arith.addf %add3A_789, %sub3A_815 : vector<16xf32>
      %get3A_817 = arith.constant 0 : i32
      %get3A_818 = arith.index_cast %get3A_817 : i32 to index
      %get3A_819 = arith.index_cast %add3A_735 : i32 to index
      %get3A_820 = arith.constant 48 : index
      %get3A_821 = tpu.vector_load %arg11[%get3A_818, %get3A_819, %get3A_820] {strides = array<i32>} : memref<2x128x64xf32, #tpu.memory_space<vmem>>, vector<1x1x16xf32>,
      %get3A_822 = vector.shape_cast %get3A_821 : vector<1x1x16xf32> to vector<16xf32>
      %get3A_823 = arith.constant 0 : i32
      %get3A_824 = arith.index_cast %get3A_823 : i32 to index
      %get3A_825 = arith.index_cast %add3A_735 : i32 to index
      %get3A_826 = arith.constant 48 : index
      %get3A_827 = tpu.vector_load %arg12[%get3A_824, %get3A_825, %get3A_826] {strides = array<i32>} : memref<2x128x64xf32, #tpu.memory_space<vmem>>, vector<1x1x16xf32>,
      %get3A_828 = vector.shape_cast %get3A_827 : vector<1x1x16xf32> to vector<16xf32>
      %get3A_829 = arith.constant 0 : i32
      %get3A_830 = arith.index_cast %get3A_829 : i32 to index
      %get3A_831 = arith.index_cast %add3A_735 : i32 to index
      %get3A_832 = arith.constant 48 : index
      %get3A_833 = tpu.vector_load %arg13[%get3A_830, %get3A_831, %get3A_832] {strides = array<i32>} : memref<2x128x64xf32, #tpu.memory_space<vmem>>, vector<1x1x16xf32>,
      %get3A_834 = vector.shape_cast %get3A_833 : vector<1x1x16xf32> to vector<16xf32>
      %sub3A_835 = arith.subf %get3A_834, %get3A_822 : vector<16xf32>
      %mul3A_836 = arith.mulf %broadcast_in_dim3A_731, %sub3A_835 : vector<16xf32>
      %add3A_837 = arith.addf %get3A_822, %mul3A_836 : vector<16xf32>
      %sub3A_838 = arith.subf %add3A_837, %get3A_828 : vector<16xf32>
      %abs3A_839 = math.absf %sub3A_838 : vector<16xf32>
      %sub3A_840 = arith.subf %get3A_822, %get3A_828 : vector<16xf32>
      %abs3A_841 = math.absf %sub3A_840 : vector<16xf32>
      %sub3A_842 = arith.subf %abs3A_839, %abs3A_841 : vector<16xf32>
      %add3A_843 = arith.addf %add3A_816, %sub3A_842 : vector<16xf32>
      %slice3A_844 = vector.extract_strided_slice %get3A_617 {offsets = [2], sizes = [1], strides = [1]} : vector<16xf32> to vector<1xf32>
      %squeeze3A_845 = vector.extract %slice3A_844[0] : f32 from vector<1xf32>
      %broadcast_in_dim3A_846 = vector.broadcast %squeeze3A_845 : f32 to vector<16xf32>
      %mul3A_847 = arith.constant 16 : i32
      %mul3A_848 = arith.muli %scan3A_609, %mul3A_847 : i32
      %add3A_849 = arith.constant 2 : i32
      %add3A_850 = arith.addi %mul3A_848, %add3A_849 : i32
      %get3A_851 = arith.constant 0 : i32
      %get3A_852 = arith.index_cast %get3A_851 : i32 to index
      %get3A_853 = arith.index_cast %add3A_850 : i32 to index
      %get3A_854 = arith.constant 0 : index
      %get3A_855 = tpu.vector_load %arg11[%get3A_852, %get3A_853, %get3A_854] {strides = array<i32>} : memref<2x128x64xf32, #tpu.memory_space<vmem>>, vector<1x1x16xf32>,
      %get3A_856 = vector.shape_cast %get3A_855 : vector<1x1x16xf32> to vector<16xf32>
      %get3A_857 = arith.constant 0 : i32
      %get3A_858 = arith.index_cast %get3A_857 : i32 to index
      %get3A_859 = arith.index_cast %add3A_850 : i32 to index
      %get3A_860 = arith.constant 0 : index
      %get3A_861 = tpu.vector_load %arg12[%get3A_858, %get3A_859, %get3A_860] {strides = array<i32>} : memref<2x128x64xf32, #tpu.memory_space<vmem>>, vector<1x1x16xf32>,
      %get3A_862 = vector.shape_cast %get3A_861 : vector<1x1x16xf32> to vector<16xf32>
      %get3A_863 = arith.constant 0 : i32
      %get3A_864 = arith.index_cast %get3A_863 : i32 to index
      %get3A_865 = arith.index_cast %add3A_850 : i32 to index
      %get3A_866 = arith.constant 0 : index
      %get3A_867 = tpu.vector_load %arg13[%get3A_864, %get3A_865, %get3A_866] {strides = array<i32>} : memref<2x128x64xf32, #tpu.memory_space<vmem>>, vector<1x1x16xf32>,
      %get3A_868 = vector.shape_cast %get3A_867 : vector<1x1x16xf32> to vector<16xf32>
      %sub3A_869 = arith.subf %get3A_868, %get3A_856 : vector<16xf32>
      %mul3A_870 = arith.mulf %broadcast_in_dim3A_846, %sub3A_869 : vector<16xf32>
      %add3A_871 = arith.addf %get3A_856, %mul3A_870 : vector<16xf32>
      %sub3A_872 = arith.subf %add3A_871, %get3A_862 : vector<16xf32>
      %abs3A_873 = math.absf %sub3A_872 : vector<16xf32>
      %sub3A_874 = arith.subf %get3A_856, %get3A_862 : vector<16xf32>
      %abs3A_875 = math.absf %sub3A_874 : vector<16xf32>
      %sub3A_876 = arith.subf %abs3A_873, %abs3A_875 : vector<16xf32>
      %add3A_877 = arith.addf %add3A_843, %sub3A_876 : vector<16xf32>
      %get3A_878 = arith.constant 0 : i32
      %get3A_879 = arith.index_cast %get3A_878 : i32 to index
      %get3A_880 = arith.index_cast %add3A_850 : i32 to index
      %get3A_881 = arith.constant 16 : index
      %get3A_882 = tpu.vector_load %arg11[%get3A_879, %get3A_880, %get3A_881] {strides = array<i32>} : memref<2x128x64xf32, #tpu.memory_space<vmem>>, vector<1x1x16xf32>,
      %get3A_883 = vector.shape_cast %get3A_882 : vector<1x1x16xf32> to vector<16xf32>
      %get3A_884 = arith.constant 0 : i32
      %get3A_885 = arith.index_cast %get3A_884 : i32 to index
      %get3A_886 = arith.index_cast %add3A_850 : i32 to index
      %get3A_887 = arith.constant 16 : index
      %get3A_888 = tpu.vector_load %arg12[%get3A_885, %get3A_886, %get3A_887] {strides = array<i32>} : memref<2x128x64xf32, #tpu.memory_space<vmem>>, vector<1x1x16xf32>,
      %get3A_889 = vector.shape_cast %get3A_888 : vector<1x1x16xf32> to vector<16xf32>
      %get3A_890 = arith.constant 0 : i32
      %get3A_891 = arith.index_cast %get3A_890 : i32 to index
      %get3A_892 = arith.index_cast %add3A_850 : i32 to index
      %get3A_893 = arith.constant 16 : index
      %get3A_894 = tpu.vector_load %arg13[%get3A_891, %get3A_892, %get3A_893] {strides = array<i32>} : memref<2x128x64xf32, #tpu.memory_space<vmem>>, vector<1x1x16xf32>,
      %get3A_895 = vector.shape_cast %get3A_894 : vector<1x1x16xf32> to vector<16xf32>
      %sub3A_896 = arith.subf %get3A_895, %get3A_883 : vector<16xf32>
      %mul3A_897 = arith.mulf %broadcast_in_dim3A_846, %sub3A_896 : vector<16xf32>
      %add3A_898 = arith.addf %get3A_883, %mul3A_897 : vector<16xf32>
      %sub3A_899 = arith.subf %add3A_898, %get3A_889 : vector<16xf32>
      %abs3A_900 = math.absf %sub3A_899 : vector<16xf32>
      %sub3A_901 = arith.subf %get3A_883, %get3A_889 : vector<16xf32>
      %abs3A_902 = math.absf %sub3A_901 : vector<16xf32>
      %sub3A_903 = arith.subf %abs3A_900, %abs3A_902 : vector<16xf32>
      %add3A_904 = arith.addf %add3A_877, %sub3A_903 : vector<16xf32>
      %get3A_905 = arith.constant 0 : i32
      %get3A_906 = arith.index_cast %get3A_905 : i32 to index
      %get3A_907 = arith.index_cast %add3A_850 : i32 to index
      %get3A_908 = arith.constant 32 : index
      %get3A_909 = tpu.vector_load %arg11[%get3A_906, %get3A_907, %get3A_908] {strides = array<i32>} : memref<2x128x64xf32, #tpu.memory_space<vmem>>, vector<1x1x16xf32>,
      %get3A_910 = vector.shape_cast %get3A_909 : vector<1x1x16xf32> to vector<16xf32>
      %get3A_911 = arith.constant 0 : i32
      %get3A_912 = arith.index_cast %get3A_911 : i32 to index
      %get3A_913 = arith.index_cast %add3A_850 : i32 to index
      %get3A_914 = arith.constant 32 : index
      %get3A_915 = tpu.vector_load %arg12[%get3A_912, %get3A_913, %get3A_914] {strides = array<i32>} : memref<2x128x64xf32, #tpu.memory_space<vmem>>, vector<1x1x16xf32>,
      %get3A_916 = vector.shape_cast %get3A_915 : vector<1x1x16xf32> to vector<16xf32>
      %get3A_917 = arith.constant 0 : i32
      %get3A_918 = arith.index_cast %get3A_917 : i32 to index
      %get3A_919 = arith.index_cast %add3A_850 : i32 to index
      %get3A_920 = arith.constant 32 : index
      %get3A_921 = tpu.vector_load %arg13[%get3A_918, %get3A_919, %get3A_920] {strides = array<i32>} : memref<2x128x64xf32, #tpu.memory_space<vmem>>, vector<1x1x16xf32>,
      %get3A_922 = vector.shape_cast %get3A_921 : vector<1x1x16xf32> to vector<16xf32>
      %sub3A_923 = arith.subf %get3A_922, %get3A_910 : vector<16xf32>
      %mul3A_924 = arith.mulf %broadcast_in_dim3A_846, %sub3A_923 : vector<16xf32>
      %add3A_925 = arith.addf %get3A_910, %mul3A_924 : vector<16xf32>
      %sub3A_926 = arith.subf %add3A_925, %get3A_916 : vector<16xf32>
      %abs3A_927 = math.absf %sub3A_926 : vector<16xf32>
      %sub3A_928 = arith.subf %get3A_910, %get3A_916 : vector<16xf32>
      %abs3A_929 = math.absf %sub3A_928 : vector<16xf32>
      %sub3A_930 = arith.subf %abs3A_927, %abs3A_929 : vector<16xf32>
      %add3A_931 = arith.addf %add3A_904, %sub3A_930 : vector<16xf32>
      %get3A_932 = arith.constant 0 : i32
      %get3A_933 = arith.index_cast %get3A_932 : i32 to index
      %get3A_934 = arith.index_cast %add3A_850 : i32 to index
      %get3A_935 = arith.constant 48 : index
      %get3A_936 = tpu.vector_load %arg11[%get3A_933, %get3A_934, %get3A_935] {strides = array<i32>} : memref<2x128x64xf32, #tpu.memory_space<vmem>>, vector<1x1x16xf32>,
      %get3A_937 = vector.shape_cast %get3A_936 : vector<1x1x16xf32> to vector<16xf32>
      %get3A_938 = arith.constant 0 : i32
      %get3A_939 = arith.index_cast %get3A_938 : i32 to index
      %get3A_940 = arith.index_cast %add3A_850 : i32 to index
      %get3A_941 = arith.constant 48 : index
      %get3A_942 = tpu.vector_load %arg12[%get3A_939, %get3A_940, %get3A_941] {strides = array<i32>} : memref<2x128x64xf32, #tpu.memory_space<vmem>>, vector<1x1x16xf32>,
      %get3A_943 = vector.shape_cast %get3A_942 : vector<1x1x16xf32> to vector<16xf32>
      %get3A_944 = arith.constant 0 : i32
      %get3A_945 = arith.index_cast %get3A_944 : i32 to index
      %get3A_946 = arith.index_cast %add3A_850 : i32 to index
      %get3A_947 = arith.constant 48 : index
      %get3A_948 = tpu.vector_load %arg13[%get3A_945, %get3A_946, %get3A_947] {strides = array<i32>} : memref<2x128x64xf32, #tpu.memory_space<vmem>>, vector<1x1x16xf32>,
      %get3A_949 = vector.shape_cast %get3A_948 : vector<1x1x16xf32> to vector<16xf32>
      %sub3A_950 = arith.subf %get3A_949, %get3A_937 : vector<16xf32>
      %mul3A_951 = arith.mulf %broadcast_in_dim3A_846, %sub3A_950 : vector<16xf32>
      %add3A_952 = arith.addf %get3A_937, %mul3A_951 : vector<16xf32>
      %sub3A_953 = arith.subf %add3A_952, %get3A_943 : vector<16xf32>
      %abs3A_954 = math.absf %sub3A_953 : vector<16xf32>
      %sub3A_955 = arith.subf %get3A_937, %get3A_943 : vector<16xf32>
      %abs3A_956 = math.absf %sub3A_955 : vector<16xf32>
      %sub3A_957 = arith.subf %abs3A_954, %abs3A_956 : vector<16xf32>
      %add3A_958 = arith.addf %add3A_931, %sub3A_957 : vector<16xf32>
      %slice3A_959 = vector.extract_strided_slice %get3A_617 {offsets = [3], sizes = [1], strides = [1]} : vector<16xf32> to vector<1xf32>
      %squeeze3A_960 = vector.extract %slice3A_959[0] : f32 from vector<1xf32>
      %broadcast_in_dim3A_961 = vector.broadcast %squeeze3A_960 : f32 to vector<16xf32>
      %mul3A_962 = arith.constant 16 : i32
      %mul3A_963 = arith.muli %scan3A_609, %mul3A_962 : i32
      %add3A_964 = arith.constant 3 : i32
      %add3A_965 = arith.addi %mul3A_963, %add3A_964 : i32
      %get3A_966 = arith.constant 0 : i32
      %get3A_967 = arith.index_cast %get3A_966 : i32 to index
      %get3A_968 = arith.index_cast %add3A_965 : i32 to index
      %get3A_969 = arith.constant 0 : index
      %get3A_970 = tpu.vector_load %arg11[%get3A_967, %get3A_968, %get3A_969] {strides = array<i32>} : memref<2x128x64xf32, #tpu.memory_space<vmem>>, vector<1x1x16xf32>,
      %get3A_971 = vector.shape_cast %get3A_970 : vector<1x1x16xf32> to vector<16xf32>
      %get3A_972 = arith.constant 0 : i32
      %get3A_973 = arith.index_cast %get3A_972 : i32 to index
      %get3A_974 = arith.index_cast %add3A_965 : i32 to index
      %get3A_975 = arith.constant 0 : index
      %get3A_976 = tpu.vector_load %arg12[%get3A_973, %get3A_974, %get3A_975] {strides = array<i32>} : memref<2x128x64xf32, #tpu.memory_space<vmem>>, vector<1x1x16xf32>,
      %get3A_977 = vector.shape_cast %get3A_976 : vector<1x1x16xf32> to vector<16xf32>
      %get3A_978 = arith.constant 0 : i32
      %get3A_979 = arith.index_cast %get3A_978 : i32 to index
      %get3A_980 = arith.index_cast %add3A_965 : i32 to index
      %get3A_981 = arith.constant 0 : index
      %get3A_982 = tpu.vector_load %arg13[%get3A_979, %get3A_980, %get3A_981] {strides = array<i32>} : memref<2x128x64xf32, #tpu.memory_space<vmem>>, vector<1x1x16xf32>,
      %get3A_983 = vector.shape_cast %get3A_982 : vector<1x1x16xf32> to vector<16xf32>
      %sub3A_984 = arith.subf %get3A_983, %get3A_971 : vector<16xf32>
      %mul3A_985 = arith.mulf %broadcast_in_dim3A_961, %sub3A_984 : vector<16xf32>
      %add3A_986 = arith.addf %get3A_971, %mul3A_985 : vector<16xf32>
      %sub3A_987 = arith.subf %add3A_986, %get3A_977 : vector<16xf32>
      %abs3A_988 = math.absf %sub3A_987 : vector<16xf32>
      %sub3A_989 = arith.subf %get3A_971, %get3A_977 : vector<16xf32>
      %abs3A_990 = math.absf %sub3A_989 : vector<16xf32>
      %sub3A_991 = arith.subf %abs3A_988, %abs3A_990 : vector<16xf32>
      %add3A_992 = arith.addf %add3A_958, %sub3A_991 : vector<16xf32>
      %get3A_993 = arith.constant 0 : i32
      %get3A_994 = arith.index_cast %get3A_993 : i32 to index
      %get3A_995 = arith.index_cast %add3A_965 : i32 to index
      %get3A_996 = arith.constant 16 : index
      %get3A_997 = tpu.vector_load %arg11[%get3A_994, %get3A_995, %get3A_996] {strides = array<i32>} : memref<2x128x64xf32, #tpu.memory_space<vmem>>, vector<1x1x16xf32>,
      %get3A_998 = vector.shape_cast %get3A_997 : vector<1x1x16xf32> to vector<16xf32>
      %get3A_999 = arith.constant 0 : i32
      %get3A_1000 = arith.index_cast %get3A_999 : i32 to index
      %get3A_1001 = arith.index_cast %add3A_965 : i32 to index
      %get3A_1002 = arith.constant 16 : index
      %get3A_1003 = tpu.vector_load %arg12[%get3A_1000, %get3A_1001, %get3A_1002] {strides = array<i32>} : memref<2x128x64xf32, #tpu.memory_space<vmem>>, vector<1x1x16xf32>,
      %get3A_1004 = vector.shape_cast %get3A_1003 : vector<1x1x16xf32> to vector<16xf32>
      %get3A_1005 = arith.constant 0 : i32
      %get3A_1006 = arith.index_cast %get3A_1005 : i32 to index
      %get3A_1007 = arith.index_cast %add3A_965 : i32 to index
      %get3A_1008 = arith.constant 16 : index
      %get3A_1009 = tpu.vector_load %arg13[%get3A_1006, %get3A_1007, %get3A_1008] {strides = array<i32>} : memref<2x128x64xf32, #tpu.memory_space<vmem>>, vector<1x1x16xf32>,
      %get3A_1010 = vector.shape_cast %get3A_1009 : vector<1x1x16xf32> to vector<16xf32>
      %sub3A_1011 = arith.subf %get3A_1010, %get3A_998 : vector<16xf32>
      %mul3A_1012 = arith.mulf %broadcast_in_dim3A_961, %sub3A_1011 : vector<16xf32>
      %add3A_1013 = arith.addf %get3A_998, %mul3A_1012 : vector<16xf32>
      %sub3A_1014 = arith.subf %add3A_1013, %get3A_1004 : vector<16xf32>
      %abs3A_1015 = math.absf %sub3A_1014 : vector<16xf32>
      %sub3A_1016 = arith.subf %get3A_998, %get3A_1004 : vector<16xf32>
      %abs3A_1017 = math.absf %sub3A_1016 : vector<16xf32>
      %sub3A_1018 = arith.subf %abs3A_1015, %abs3A_1017 : vector<16xf32>
      %add3A_1019 = arith.addf %add3A_992, %sub3A_1018 : vector<16xf32>
      %get3A_1020 = arith.constant 0 : i32
      %get3A_1021 = arith.index_cast %get3A_1020 : i32 to index
      %get3A_1022 = arith.index_cast %add3A_965 : i32 to index
      %get3A_1023 = arith.constant 32 : index
      %get3A_1024 = tpu.vector_load %arg11[%get3A_1021, %get3A_1022, %get3A_1023] {strides = array<i32>} : memref<2x128x64xf32, #tpu.memory_space<vmem>>, vector<1x1x16xf32>,
      %get3A_1025 = vector.shape_cast %get3A_1024 : vector<1x1x16xf32> to vector<16xf32>
      %get3A_1026 = arith.constant 0 : i32
      %get3A_1027 = arith.index_cast %get3A_1026 : i32 to index
      %get3A_1028 = arith.index_cast %add3A_965 : i32 to index
      %get3A_1029 = arith.constant 32 : index
      %get3A_1030 = tpu.vector_load %arg12[%get3A_1027, %get3A_1028, %get3A_1029] {strides = array<i32>} : memref<2x128x64xf32, #tpu.memory_space<vmem>>, vector<1x1x16xf32>,
      %get3A_1031 = vector.shape_cast %get3A_1030 : vector<1x1x16xf32> to vector<16xf32>
      %get3A_1032 = arith.constant 0 : i32
      %get3A_1033 = arith.index_cast %get3A_1032 : i32 to index
      %get3A_1034 = arith.index_cast %add3A_965 : i32 to index
      %get3A_1035 = arith.constant 32 : index
      %get3A_1036 = tpu.vector_load %arg13[%get3A_1033, %get3A_1034, %get3A_1035] {strides = array<i32>} : memref<2x128x64xf32, #tpu.memory_space<vmem>>, vector<1x1x16xf32>,
      %get3A_1037 = vector.shape_cast %get3A_1036 : vector<1x1x16xf32> to vector<16xf32>
      %sub3A_1038 = arith.subf %get3A_1037, %get3A_1025 : vector<16xf32>
      %mul3A_1039 = arith.mulf %broadcast_in_dim3A_961, %sub3A_1038 : vector<16xf32>
      %add3A_1040 = arith.addf %get3A_1025, %mul3A_1039 : vector<16xf32>
      %sub3A_1041 = arith.subf %add3A_1040, %get3A_1031 : vector<16xf32>
      %abs3A_1042 = math.absf %sub3A_1041 : vector<16xf32>
      %sub3A_1043 = arith.subf %get3A_1025, %get3A_1031 : vector<16xf32>
      %abs3A_1044 = math.absf %sub3A_1043 : vector<16xf32>
      %sub3A_1045 = arith.subf %abs3A_1042, %abs3A_1044 : vector<16xf32>
      %add3A_1046 = arith.addf %add3A_1019, %sub3A_1045 : vector<16xf32>
      %get3A_1047 = arith.constant 0 : i32
      %get3A_1048 = arith.index_cast %get3A_1047 : i32 to index
      %get3A_1049 = arith.index_cast %add3A_965 : i32 to index
      %get3A_1050 = arith.constant 48 : index
      %get3A_1051 = tpu.vector_load %arg11[%get3A_1048, %get3A_1049, %get3A_1050] {strides = array<i32>} : memref<2x128x64xf32, #tpu.memory_space<vmem>>, vector<1x1x16xf32>,
      %get3A_1052 = vector.shape_cast %get3A_1051 : vector<1x1x16xf32> to vector<16xf32>
      %get3A_1053 = arith.constant 0 : i32
      %get3A_1054 = arith.index_cast %get3A_1053 : i32 to index
      %get3A_1055 = arith.index_cast %add3A_965 : i32 to index
      %get3A_1056 = arith.constant 48 : index
      %get3A_1057 = tpu.vector_load %arg12[%get3A_1054, %get3A_1055, %get3A_1056] {strides = array<i32>} : memref<2x128x64xf32, #tpu.memory_space<vmem>>, vector<1x1x16xf32>,
      %get3A_1058 = vector.shape_cast %get3A_1057 : vector<1x1x16xf32> to vector<16xf32>
      %get3A_1059 = arith.constant 0 : i32
      %get3A_1060 = arith.index_cast %get3A_1059 : i32 to index
      %get3A_1061 = arith.index_cast %add3A_965 : i32 to index
      %get3A_1062 = arith.constant 48 : index
      %get3A_1063 = tpu.vector_load %arg13[%get3A_1060, %get3A_1061, %get3A_1062] {strides = array<i32>} : memref<2x128x64xf32, #tpu.memory_space<vmem>>, vector<1x1x16xf32>,
      %get3A_1064 = vector.shape_cast %get3A_1063 : vector<1x1x16xf32> to vector<16xf32>
      %sub3A_1065 = arith.subf %get3A_1064, %get3A_1052 : vector<16xf32>
      %mul3A_1066 = arith.mulf %broadcast_in_dim3A_961, %sub3A_1065 : vector<16xf32>
      %add3A_1067 = arith.addf %get3A_1052, %mul3A_1066 : vector<16xf32>
      %sub3A_1068 = arith.subf %add3A_1067, %get3A_1058 : vector<16xf32>
      %abs3A_1069 = math.absf %sub3A_1068 : vector<16xf32>
      %sub3A_1070 = arith.subf %get3A_1052, %get3A_1058 : vector<16xf32>
      %abs3A_1071 = math.absf %sub3A_1070 : vector<16xf32>
      %sub3A_1072 = arith.subf %abs3A_1069, %abs3A_1071 : vector<16xf32>
      %add3A_1073 = arith.addf %add3A_1046, %sub3A_1072 : vector<16xf32>
      %slice3A_1074 = vector.extract_strided_slice %get3A_617 {offsets = [4], sizes = [1], strides = [1]} : vector<16xf32> to vector<1xf32>
      %squeeze3A_1075 = vector.extract %slice3A_1074[0] : f32 from vector<1xf32>
      %broadcast_in_dim3A_1076 = vector.broadcast %squeeze3A_1075 : f32 to vector<16xf32>
      %mul3A_1077 = arith.constant 16 : i32
      %mul3A_1078 = arith.muli %scan3A_609, %mul3A_1077 : i32
      %add3A_1079 = arith.constant 4 : i32
      %add3A_1080 = arith.addi %mul3A_1078, %add3A_1079 : i32
      %get3A_1081 = arith.constant 0 : i32
      %get3A_1082 = arith.index_cast %get3A_1081 : i32 to index
      %get3A_1083 = arith.index_cast %add3A_1080 : i32 to index
      %get3A_1084 = arith.constant 0 : index
      %get3A_1085 = tpu.vector_load %arg11[%get3A_1082, %get3A_1083, %get3A_1084] {strides = array<i32>} : memref<2x128x64xf32, #tpu.memory_space<vmem>>, vector<1x1x16xf32>,
      %get3A_1086 = vector.shape_cast %get3A_1085 : vector<1x1x16xf32> to vector<16xf32>
      %get3A_1087 = arith.constant 0 : i32
      %get3A_1088 = arith.index_cast %get3A_1087 : i32 to index
      %get3A_1089 = arith.index_cast %add3A_1080 : i32 to index
      %get3A_1090 = arith.constant 0 : index
      %get3A_1091 = tpu.vector_load %arg12[%get3A_1088, %get3A_1089, %get3A_1090] {strides = array<i32>} : memref<2x128x64xf32, #tpu.memory_space<vmem>>, vector<1x1x16xf32>,
      %get3A_1092 = vector.shape_cast %get3A_1091 : vector<1x1x16xf32> to vector<16xf32>
      %get3A_1093 = arith.constant 0 : i32
      %get3A_1094 = arith.index_cast %get3A_1093 : i32 to index
      %get3A_1095 = arith.index_cast %add3A_1080 : i32 to index
      %get3A_1096 = arith.constant 0 : index
      %get3A_1097 = tpu.vector_load %arg13[%get3A_1094, %get3A_1095, %get3A_1096] {strides = array<i32>} : memref<2x128x64xf32, #tpu.memory_space<vmem>>, vector<1x1x16xf32>,
      %get3A_1098 = vector.shape_cast %get3A_1097 : vector<1x1x16xf32> to vector<16xf32>
      %sub3A_1099 = arith.subf %get3A_1098, %get3A_1086 : vector<16xf32>
      %mul3A_1100 = arith.mulf %broadcast_in_dim3A_1076, %sub3A_1099 : vector<16xf32>
      %add3A_1101 = arith.addf %get3A_1086, %mul3A_1100 : vector<16xf32>
      %sub3A_1102 = arith.subf %add3A_1101, %get3A_1092 : vector<16xf32>
      %abs3A_1103 = math.absf %sub3A_1102 : vector<16xf32>
      %sub3A_1104 = arith.subf %get3A_1086, %get3A_1092 : vector<16xf32>
      %abs3A_1105 = math.absf %sub3A_1104 : vector<16xf32>
      %sub3A_1106 = arith.subf %abs3A_1103, %abs3A_1105 : vector<16xf32>
      %add3A_1107 = arith.addf %add3A_1073, %sub3A_1106 : vector<16xf32>
      %get3A_1108 = arith.constant 0 : i32
      %get3A_1109 = arith.index_cast %get3A_1108 : i32 to index
      %get3A_1110 = arith.index_cast %add3A_1080 : i32 to index
      %get3A_1111 = arith.constant 16 : index
      %get3A_1112 = tpu.vector_load %arg11[%get3A_1109, %get3A_1110, %get3A_1111] {strides = array<i32>} : memref<2x128x64xf32, #tpu.memory_space<vmem>>, vector<1x1x16xf32>,
      %get3A_1113 = vector.shape_cast %get3A_1112 : vector<1x1x16xf32> to vector<16xf32>
      %get3A_1114 = arith.constant 0 : i32
      %get3A_1115 = arith.index_cast %get3A_1114 : i32 to index
      %get3A_1116 = arith.index_cast %add3A_1080 : i32 to index
      %get3A_1117 = arith.constant 16 : index
      %get3A_1118 = tpu.vector_load %arg12[%get3A_1115, %get3A_1116, %get3A_1117] {strides = array<i32>} : memref<2x128x64xf32, #tpu.memory_space<vmem>>, vector<1x1x16xf32>,
      %get3A_1119 = vector.shape_cast %get3A_1118 : vector<1x1x16xf32> to vector<16xf32>
      %get3A_1120 = arith.constant 0 : i32
      %get3A_1121 = arith.index_cast %get3A_1120 : i32 to index
      %get3A_1122 = arith.index_cast %add3A_1080 : i32 to index
      %get3A_1123 = arith.constant 16 : index
      %get3A_1124 = tpu.vector_load %arg13[%get3A_1121, %get3A_1122, %get3A_1123] {strides = array<i32>} : memref<2x128x64xf32, #tpu.memory_space<vmem>>, vector<1x1x16xf32>,
      %get3A_1125 = vector.shape_cast %get3A_1124 : vector<1x1x16xf32> to vector<16xf32>
      %sub3A_1126 = arith.subf %get3A_1125, %get3A_1113 : vector<16xf32>
      %mul3A_1127 = arith.mulf %broadcast_in_dim3A_1076, %sub3A_1126 : vector<16xf32>
      %add3A_1128 = arith.addf %get3A_1113, %mul3A_1127 : vector<16xf32>
      %sub3A_1129 = arith.subf %add3A_1128, %get3A_1119 : vector<16xf32>
      %abs3A_1130 = math.absf %sub3A_1129 : vector<16xf32>
      %sub3A_1131 = arith.subf %get3A_1113, %get3A_1119 : vector<16xf32>
      %abs3A_1132 = math.absf %sub3A_1131 : vector<16xf32>
      %sub3A_1133 = arith.subf %abs3A_1130, %abs3A_1132 : vector<16xf32>
      %add3A_1134 = arith.addf %add3A_1107, %sub3A_1133 : vector<16xf32>
      %get3A_1135 = arith.constant 0 : i32
      %get3A_1136 = arith.index_cast %get3A_1135 : i32 to index
      %get3A_1137 = arith.index_cast %add3A_1080 : i32 to index
      %get3A_1138 = arith.constant 32 : index
      %get3A_1139 = tpu.vector_load %arg11[%get3A_1136, %get3A_1137, %get3A_1138] {strides = array<i32>} : memref<2x128x64xf32, #tpu.memory_space<vmem>>, vector<1x1x16xf32>,
      %get3A_1140 = vector.shape_cast %get3A_1139 : vector<1x1x16xf32> to vector<16xf32>
      %get3A_1141 = arith.constant 0 : i32
      %get3A_1142 = arith.index_cast %get3A_1141 : i32 to index
      %get3A_1143 = arith.index_cast %add3A_1080 : i32 to index
      %get3A_1144 = arith.constant 32 : index
      %get3A_1145 = tpu.vector_load %arg12[%get3A_1142, %get3A_1143, %get3A_1144] {strides = array<i32>} : memref<2x128x64xf32, #tpu.memory_space<vmem>>, vector<1x1x16xf32>,
      %get3A_1146 = vector.shape_cast %get3A_1145 : vector<1x1x16xf32> to vector<16xf32>
      %get3A_1147 = arith.constant 0 : i32
      %get3A_1148 = arith.index_cast %get3A_1147 : i32 to index
      %get3A_1149 = arith.index_cast %add3A_1080 : i32 to index
      %get3A_1150 = arith.constant 32 : index
      %get3A_1151 = tpu.vector_load %arg13[%get3A_1148, %get3A_1149, %get3A_1150] {strides = array<i32>} : memref<2x128x64xf32, #tpu.memory_space<vmem>>, vector<1x1x16xf32>,
      %get3A_1152 = vector.shape_cast %get3A_1151 : vector<1x1x16xf32> to vector<16xf32>
      %sub3A_1153 = arith.subf %get3A_1152, %get3A_1140 : vector<16xf32>
      %mul3A_1154 = arith.mulf %broadcast_in_dim3A_1076, %sub3A_1153 : vector<16xf32>
      %add3A_1155 = arith.addf %get3A_1140, %mul3A_1154 : vector<16xf32>
      %sub3A_1156 = arith.subf %add3A_1155, %get3A_1146 : vector<16xf32>
      %abs3A_1157 = math.absf %sub3A_1156 : vector<16xf32>
      %sub3A_1158 = arith.subf %get3A_1140, %get3A_1146 : vector<16xf32>
      %abs3A_1159 = math.absf %sub3A_1158 : vector<16xf32>
      %sub3A_1160 = arith.subf %abs3A_1157, %abs3A_1159 : vector<16xf32>
      %add3A_1161 = arith.addf %add3A_1134, %sub3A_1160 : vector<16xf32>
      %get3A_1162 = arith.constant 0 : i32
      %get3A_1163 = arith.index_cast %get3A_1162 : i32 to index
      %get3A_1164 = arith.index_cast %add3A_1080 : i32 to index
      %get3A_1165 = arith.constant 48 : index
      %get3A_1166 = tpu.vector_load %arg11[%get3A_1163, %get3A_1164, %get3A_1165] {strides = array<i32>} : memref<2x128x64xf32, #tpu.memory_space<vmem>>, vector<1x1x16xf32>,
      %get3A_1167 = vector.shape_cast %get3A_1166 : vector<1x1x16xf32> to vector<16xf32>
      %get3A_1168 = arith.constant 0 : i32
      %get3A_1169 = arith.index_cast %get3A_1168 : i32 to index
      %get3A_1170 = arith.index_cast %add3A_1080 : i32 to index
      %get3A_1171 = arith.constant 48 : index
      %get3A_1172 = tpu.vector_load %arg12[%get3A_1169, %get3A_1170, %get3A_1171] {strides = array<i32>} : memref<2x128x64xf32, #tpu.memory_space<vmem>>, vector<1x1x16xf32>,
      %get3A_1173 = vector.shape_cast %get3A_1172 : vector<1x1x16xf32> to vector<16xf32>
      %get3A_1174 = arith.constant 0 : i32
      %get3A_1175 = arith.index_cast %get3A_1174 : i32 to index
      %get3A_1176 = arith.index_cast %add3A_1080 : i32 to index
      %get3A_1177 = arith.constant 48 : index
      %get3A_1178 = tpu.vector_load %arg13[%get3A_1175, %get3A_1176, %get3A_1177] {strides = array<i32>} : memref<2x128x64xf32, #tpu.memory_space<vmem>>, vector<1x1x16xf32>,
      %get3A_1179 = vector.shape_cast %get3A_1178 : vector<1x1x16xf32> to vector<16xf32>
      %sub3A_1180 = arith.subf %get3A_1179, %get3A_1167 : vector<16xf32>
      %mul3A_1181 = arith.mulf %broadcast_in_dim3A_1076, %sub3A_1180 : vector<16xf32>
      %add3A_1182 = arith.addf %get3A_1167, %mul3A_1181 : vector<16xf32>
      %sub3A_1183 = arith.subf %add3A_1182, %get3A_1173 : vector<16xf32>
      %abs3A_1184 = math.absf %sub3A_1183 : vector<16xf32>
      %sub3A_1185 = arith.subf %get3A_1167, %get3A_1173 : vector<16xf32>
      %abs3A_1186 = math.absf %sub3A_1185 : vector<16xf32>
      %sub3A_1187 = arith.subf %abs3A_1184, %abs3A_1186 : vector<16xf32>
      %add3A_1188 = arith.addf %add3A_1161, %sub3A_1187 : vector<16xf32>
      %slice3A_1189 = vector.extract_strided_slice %get3A_617 {offsets = [5], sizes = [1], strides = [1]} : vector<16xf32> to vector<1xf32>
      %squeeze3A_1190 = vector.extract %slice3A_1189[0] : f32 from vector<1xf32>
      %broadcast_in_dim3A_1191 = vector.broadcast %squeeze3A_1190 : f32 to vector<16xf32>
      %mul3A_1192 = arith.constant 16 : i32
      %mul3A_1193 = arith.muli %scan3A_609, %mul3A_1192 : i32
      %add3A_1194 = arith.constant 5 : i32
      %add3A_1195 = arith.addi %mul3A_1193, %add3A_1194 : i32
      %get3A_1196 = arith.constant 0 : i32
      %get3A_1197 = arith.index_cast %get3A_1196 : i32 to index
      %get3A_1198 = arith.index_cast %add3A_1195 : i32 to index
      %get3A_1199 = arith.constant 0 : index
      %get3A_1200 = tpu.vector_load %arg11[%get3A_1197, %get3A_1198, %get3A_1199] {strides = array<i32>} : memref<2x128x64xf32, #tpu.memory_space<vmem>>, vector<1x1x16xf32>,
      %get3A_1201 = vector.shape_cast %get3A_1200 : vector<1x1x16xf32> to vector<16xf32>
      %get3A_1202 = arith.constant 0 : i32
      %get3A_1203 = arith.index_cast %get3A_1202 : i32 to index
      %get3A_1204 = arith.index_cast %add3A_1195 : i32 to index
      %get3A_1205 = arith.constant 0 : index
      %get3A_1206 = tpu.vector_load %arg12[%get3A_1203, %get3A_1204, %get3A_1205] {strides = array<i32>} : memref<2x128x64xf32, #tpu.memory_space<vmem>>, vector<1x1x16xf32>,
      %get3A_1207 = vector.shape_cast %get3A_1206 : vector<1x1x16xf32> to vector<16xf32>
      %get3A_1208 = arith.constant 0 : i32
      %get3A_1209 = arith.index_cast %get3A_1208 : i32 to index
      %get3A_1210 = arith.index_cast %add3A_1195 : i32 to index
      %get3A_1211 = arith.constant 0 : index
      %get3A_1212 = tpu.vector_load %arg13[%get3A_1209, %get3A_1210, %get3A_1211] {strides = array<i32>} : memref<2x128x64xf32, #tpu.memory_space<vmem>>, vector<1x1x16xf32>,
      %get3A_1213 = vector.shape_cast %get3A_1212 : vector<1x1x16xf32> to vector<16xf32>
      %sub3A_1214 = arith.subf %get3A_1213, %get3A_1201 : vector<16xf32>
      %mul3A_1215 = arith.mulf %broadcast_in_dim3A_1191, %sub3A_1214 : vector<16xf32>
      %add3A_1216 = arith.addf %get3A_1201, %mul3A_1215 : vector<16xf32>
      %sub3A_1217 = arith.subf %add3A_1216, %get3A_1207 : vector<16xf32>
      %abs3A_1218 = math.absf %sub3A_1217 : vector<16xf32>
      %sub3A_1219 = arith.subf %get3A_1201, %get3A_1207 : vector<16xf32>
      %abs3A_1220 = math.absf %sub3A_1219 : vector<16xf32>
      %sub3A_1221 = arith.subf %abs3A_1218, %abs3A_1220 : vector<16xf32>
      %add3A_1222 = arith.addf %add3A_1188, %sub3A_1221 : vector<16xf32>
      %get3A_1223 = arith.constant 0 : i32
      %get3A_1224 = arith.index_cast %get3A_1223 : i32 to index
      %get3A_1225 = arith.index_cast %add3A_1195 : i32 to index
      %get3A_1226 = arith.constant 16 : index
      %get3A_1227 = tpu.vector_load %arg11[%get3A_1224, %get3A_1225, %get3A_1226] {strides = array<i32>} : memref<2x128x64xf32, #tpu.memory_space<vmem>>, vector<1x1x16xf32>,
      %get3A_1228 = vector.shape_cast %get3A_1227 : vector<1x1x16xf32> to vector<16xf32>
      %get3A_1229 = arith.constant 0 : i32
      %get3A_1230 = arith.index_cast %get3A_1229 : i32 to index
      %get3A_1231 = arith.index_cast %add3A_1195 : i32 to index
      %get3A_1232 = arith.constant 16 : index
      %get3A_1233 = tpu.vector_load %arg12[%get3A_1230, %get3A_1231, %get3A_1232] {strides = array<i32>} : memref<2x128x64xf32, #tpu.memory_space<vmem>>, vector<1x1x16xf32>,
      %get3A_1234 = vector.shape_cast %get3A_1233 : vector<1x1x16xf32> to vector<16xf32>
      %get3A_1235 = arith.constant 0 : i32
      %get3A_1236 = arith.index_cast %get3A_1235 : i32 to index
      %get3A_1237 = arith.index_cast %add3A_1195 : i32 to index
      %get3A_1238 = arith.constant 16 : index
      %get3A_1239 = tpu.vector_load %arg13[%get3A_1236, %get3A_1237, %get3A_1238] {strides = array<i32>} : memref<2x128x64xf32, #tpu.memory_space<vmem>>, vector<1x1x16xf32>,
      %get3A_1240 = vector.shape_cast %get3A_1239 : vector<1x1x16xf32> to vector<16xf32>
      %sub3A_1241 = arith.subf %get3A_1240, %get3A_1228 : vector<16xf32>
      %mul3A_1242 = arith.mulf %broadcast_in_dim3A_1191, %sub3A_1241 : vector<16xf32>
      %add3A_1243 = arith.addf %get3A_1228, %mul3A_1242 : vector<16xf32>
      %sub3A_1244 = arith.subf %add3A_1243, %get3A_1234 : vector<16xf32>
      %abs3A_1245 = math.absf %sub3A_1244 : vector<16xf32>
      %sub3A_1246 = arith.subf %get3A_1228, %get3A_1234 : vector<16xf32>
      %abs3A_1247 = math.absf %sub3A_1246 : vector<16xf32>
      %sub3A_1248 = arith.subf %abs3A_1245, %abs3A_1247 : vector<16xf32>
      %add3A_1249 = arith.addf %add3A_1222, %sub3A_1248 : vector<16xf32>
      %get3A_1250 = arith.constant 0 : i32
      %get3A_1251 = arith.index_cast %get3A_1250 : i32 to index
      %get3A_1252 = arith.index_cast %add3A_1195 : i32 to index
      %get3A_1253 = arith.constant 32 : index
      %get3A_1254 = tpu.vector_load %arg11[%get3A_1251, %get3A_1252, %get3A_1253] {strides = array<i32>} : memref<2x128x64xf32, #tpu.memory_space<vmem>>, vector<1x1x16xf32>,
      %get3A_1255 = vector.shape_cast %get3A_1254 : vector<1x1x16xf32> to vector<16xf32>
      %get3A_1256 = arith.constant 0 : i32
      %get3A_1257 = arith.index_cast %get3A_1256 : i32 to index
      %get3A_1258 = arith.index_cast %add3A_1195 : i32 to index
      %get3A_1259 = arith.constant 32 : index
      %get3A_1260 = tpu.vector_load %arg12[%get3A_1257, %get3A_1258, %get3A_1259] {strides = array<i32>} : memref<2x128x64xf32, #tpu.memory_space<vmem>>, vector<1x1x16xf32>,
      %get3A_1261 = vector.shape_cast %get3A_1260 : vector<1x1x16xf32> to vector<16xf32>
      %get3A_1262 = arith.constant 0 : i32
      %get3A_1263 = arith.index_cast %get3A_1262 : i32 to index
      %get3A_1264 = arith.index_cast %add3A_1195 : i32 to index
      %get3A_1265 = arith.constant 32 : index
      %get3A_1266 = tpu.vector_load %arg13[%get3A_1263, %get3A_1264, %get3A_1265] {strides = array<i32>} : memref<2x128x64xf32, #tpu.memory_space<vmem>>, vector<1x1x16xf32>,
      %get3A_1267 = vector.shape_cast %get3A_1266 : vector<1x1x16xf32> to vector<16xf32>
      %sub3A_1268 = arith.subf %get3A_1267, %get3A_1255 : vector<16xf32>
      %mul3A_1269 = arith.mulf %broadcast_in_dim3A_1191, %sub3A_1268 : vector<16xf32>
      %add3A_1270 = arith.addf %get3A_1255, %mul3A_1269 : vector<16xf32>
      %sub3A_1271 = arith.subf %add3A_1270, %get3A_1261 : vector<16xf32>
      %abs3A_1272 = math.absf %sub3A_1271 : vector<16xf32>
      %sub3A_1273 = arith.subf %get3A_1255, %get3A_1261 : vector<16xf32>
      %abs3A_1274 = math.absf %sub3A_1273 : vector<16xf32>
      %sub3A_1275 = arith.subf %abs3A_1272, %abs3A_1274 : vector<16xf32>
      %add3A_1276 = arith.addf %add3A_1249, %sub3A_1275 : vector<16xf32>
      %get3A_1277 = arith.constant 0 : i32
      %get3A_1278 = arith.index_cast %get3A_1277 : i32 to index
      %get3A_1279 = arith.index_cast %add3A_1195 : i32 to index
      %get3A_1280 = arith.constant 48 : index
      %get3A_1281 = tpu.vector_load %arg11[%get3A_1278, %get3A_1279, %get3A_1280] {strides = array<i32>} : memref<2x128x64xf32, #tpu.memory_space<vmem>>, vector<1x1x16xf32>,
      %get3A_1282 = vector.shape_cast %get3A_1281 : vector<1x1x16xf32> to vector<16xf32>
      %get3A_1283 = arith.constant 0 : i32
      %get3A_1284 = arith.index_cast %get3A_1283 : i32 to index
      %get3A_1285 = arith.index_cast %add3A_1195 : i32 to index
      %get3A_1286 = arith.constant 48 : index
      %get3A_1287 = tpu.vector_load %arg12[%get3A_1284, %get3A_1285, %get3A_1286] {strides = array<i32>} : memref<2x128x64xf32, #tpu.memory_space<vmem>>, vector<1x1x16xf32>,
      %get3A_1288 = vector.shape_cast %get3A_1287 : vector<1x1x16xf32> to vector<16xf32>
      %get3A_1289 = arith.constant 0 : i32
      %get3A_1290 = arith.index_cast %get3A_1289 : i32 to index
      %get3A_1291 = arith.index_cast %add3A_1195 : i32 to index
      %get3A_1292 = arith.constant 48 : index
      %get3A_1293 = tpu.vector_load %arg13[%get3A_1290, %get3A_1291, %get3A_1292] {strides = array<i32>} : memref<2x128x64xf32, #tpu.memory_space<vmem>>, vector<1x1x16xf32>,
      %get3A_1294 = vector.shape_cast %get3A_1293 : vector<1x1x16xf32> to vector<16xf32>
      %sub3A_1295 = arith.subf %get3A_1294, %get3A_1282 : vector<16xf32>
      %mul3A_1296 = arith.mulf %broadcast_in_dim3A_1191, %sub3A_1295 : vector<16xf32>
      %add3A_1297 = arith.addf %get3A_1282, %mul3A_1296 : vector<16xf32>
      %sub3A_1298 = arith.subf %add3A_1297, %get3A_1288 : vector<16xf32>
      %abs3A_1299 = math.absf %sub3A_1298 : vector<16xf32>
      %sub3A_1300 = arith.subf %get3A_1282, %get3A_1288 : vector<16xf32>
      %abs3A_1301 = math.absf %sub3A_1300 : vector<16xf32>
      %sub3A_1302 = arith.subf %abs3A_1299, %abs3A_1301 : vector<16xf32>
      %add3A_1303 = arith.addf %add3A_1276, %sub3A_1302 : vector<16xf32>
      %slice3A_1304 = vector.extract_strided_slice %get3A_617 {offsets = [6], sizes = [1], strides = [1]} : vector<16xf32> to vector<1xf32>
      %squeeze3A_1305 = vector.extract %slice3A_1304[0] : f32 from vector<1xf32>
      %broadcast_in_dim3A_1306 = vector.broadcast %squeeze3A_1305 : f32 to vector<16xf32>
      %mul3A_1307 = arith.constant 16 : i32
      %mul3A_1308 = arith.muli %scan3A_609, %mul3A_1307 : i32
      %add3A_1309 = arith.constant 6 : i32
      %add3A_1310 = arith.addi %mul3A_1308, %add3A_1309 : i32
      %get3A_1311 = arith.constant 0 : i32
      %get3A_1312 = arith.index_cast %get3A_1311 : i32 to index
      %get3A_1313 = arith.index_cast %add3A_1310 : i32 to index
      %get3A_1314 = arith.constant 0 : index
      %get3A_1315 = tpu.vector_load %arg11[%get3A_1312, %get3A_1313, %get3A_1314] {strides = array<i32>} : memref<2x128x64xf32, #tpu.memory_space<vmem>>, vector<1x1x16xf32>,
      %get3A_1316 = vector.shape_cast %get3A_1315 : vector<1x1x16xf32> to vector<16xf32>
      %get3A_1317 = arith.constant 0 : i32
      %get3A_1318 = arith.index_cast %get3A_1317 : i32 to index
      %get3A_1319 = arith.index_cast %add3A_1310 : i32 to index
      %get3A_1320 = arith.constant 0 : index
      %get3A_1321 = tpu.vector_load %arg12[%get3A_1318, %get3A_1319, %get3A_1320] {strides = array<i32>} : memref<2x128x64xf32, #tpu.memory_space<vmem>>, vector<1x1x16xf32>,
      %get3A_1322 = vector.shape_cast %get3A_1321 : vector<1x1x16xf32> to vector<16xf32>
      %get3A_1323 = arith.constant 0 : i32
      %get3A_1324 = arith.index_cast %get3A_1323 : i32 to index
      %get3A_1325 = arith.index_cast %add3A_1310 : i32 to index
      %get3A_1326 = arith.constant 0 : index
      %get3A_1327 = tpu.vector_load %arg13[%get3A_1324, %get3A_1325, %get3A_1326] {strides = array<i32>} : memref<2x128x64xf32, #tpu.memory_space<vmem>>, vector<1x1x16xf32>,
      %get3A_1328 = vector.shape_cast %get3A_1327 : vector<1x1x16xf32> to vector<16xf32>
      %sub3A_1329 = arith.subf %get3A_1328, %get3A_1316 : vector<16xf32>
      %mul3A_1330 = arith.mulf %broadcast_in_dim3A_1306, %sub3A_1329 : vector<16xf32>
      %add3A_1331 = arith.addf %get3A_1316, %mul3A_1330 : vector<16xf32>
      %sub3A_1332 = arith.subf %add3A_1331, %get3A_1322 : vector<16xf32>
      %abs3A_1333 = math.absf %sub3A_1332 : vector<16xf32>
      %sub3A_1334 = arith.subf %get3A_1316, %get3A_1322 : vector<16xf32>
      %abs3A_1335 = math.absf %sub3A_1334 : vector<16xf32>
      %sub3A_1336 = arith.subf %abs3A_1333, %abs3A_1335 : vector<16xf32>
      %add3A_1337 = arith.addf %add3A_1303, %sub3A_1336 : vector<16xf32>
      %get3A_1338 = arith.constant 0 : i32
      %get3A_1339 = arith.index_cast %get3A_1338 : i32 to index
      %get3A_1340 = arith.index_cast %add3A_1310 : i32 to index
      %get3A_1341 = arith.constant 16 : index
      %get3A_1342 = tpu.vector_load %arg11[%get3A_1339, %get3A_1340, %get3A_1341] {strides = array<i32>} : memref<2x128x64xf32, #tpu.memory_space<vmem>>, vector<1x1x16xf32>,
      %get3A_1343 = vector.shape_cast %get3A_1342 : vector<1x1x16xf32> to vector<16xf32>
      %get3A_1344 = arith.constant 0 : i32
      %get3A_1345 = arith.index_cast %get3A_1344 : i32 to index
      %get3A_1346 = arith.index_cast %add3A_1310 : i32 to index
      %get3A_1347 = arith.constant 16 : index
      %get3A_1348 = tpu.vector_load %arg12[%get3A_1345, %get3A_1346, %get3A_1347] {strides = array<i32>} : memref<2x128x64xf32, #tpu.memory_space<vmem>>, vector<1x1x16xf32>,
      %get3A_1349 = vector.shape_cast %get3A_1348 : vector<1x1x16xf32> to vector<16xf32>
      %get3A_1350 = arith.constant 0 : i32
      %get3A_1351 = arith.index_cast %get3A_1350 : i32 to index
      %get3A_1352 = arith.index_cast %add3A_1310 : i32 to index
      %get3A_1353 = arith.constant 16 : index
      %get3A_1354 = tpu.vector_load %arg13[%get3A_1351, %get3A_1352, %get3A_1353] {strides = array<i32>} : memref<2x128x64xf32, #tpu.memory_space<vmem>>, vector<1x1x16xf32>,
      %get3A_1355 = vector.shape_cast %get3A_1354 : vector<1x1x16xf32> to vector<16xf32>
      %sub3A_1356 = arith.subf %get3A_1355, %get3A_1343 : vector<16xf32>
      %mul3A_1357 = arith.mulf %broadcast_in_dim3A_1306, %sub3A_1356 : vector<16xf32>
      %add3A_1358 = arith.addf %get3A_1343, %mul3A_1357 : vector<16xf32>
      %sub3A_1359 = arith.subf %add3A_1358, %get3A_1349 : vector<16xf32>
      %abs3A_1360 = math.absf %sub3A_1359 : vector<16xf32>
      %sub3A_1361 = arith.subf %get3A_1343, %get3A_1349 : vector<16xf32>
      %abs3A_1362 = math.absf %sub3A_1361 : vector<16xf32>
      %sub3A_1363 = arith.subf %abs3A_1360, %abs3A_1362 : vector<16xf32>
      %add3A_1364 = arith.addf %add3A_1337, %sub3A_1363 : vector<16xf32>
      %get3A_1365 = arith.constant 0 : i32
      %get3A_1366 = arith.index_cast %get3A_1365 : i32 to index
      %get3A_1367 = arith.index_cast %add3A_1310 : i32 to index
      %get3A_1368 = arith.constant 32 : index
      %get3A_1369 = tpu.vector_load %arg11[%get3A_1366, %get3A_1367, %get3A_1368] {strides = array<i32>} : memref<2x128x64xf32, #tpu.memory_space<vmem>>, vector<1x1x16xf32>,
      %get3A_1370 = vector.shape_cast %get3A_1369 : vector<1x1x16xf32> to vector<16xf32>
      %get3A_1371 = arith.constant 0 : i32
      %get3A_1372 = arith.index_cast %get3A_1371 : i32 to index
      %get3A_1373 = arith.index_cast %add3A_1310 : i32 to index
      %get3A_1374 = arith.constant 32 : index
      %get3A_1375 = tpu.vector_load %arg12[%get3A_1372, %get3A_1373, %get3A_1374] {strides = array<i32>} : memref<2x128x64xf32, #tpu.memory_space<vmem>>, vector<1x1x16xf32>,
      %get3A_1376 = vector.shape_cast %get3A_1375 : vector<1x1x16xf32> to vector<16xf32>
      %get3A_1377 = arith.constant 0 : i32
      %get3A_1378 = arith.index_cast %get3A_1377 : i32 to index
      %get3A_1379 = arith.index_cast %add3A_1310 : i32 to index
      %get3A_1380 = arith.constant 32 : index
      %get3A_1381 = tpu.vector_load %arg13[%get3A_1378, %get3A_1379, %get3A_1380] {strides = array<i32>} : memref<2x128x64xf32, #tpu.memory_space<vmem>>, vector<1x1x16xf32>,
      %get3A_1382 = vector.shape_cast %get3A_1381 : vector<1x1x16xf32> to vector<16xf32>
      %sub3A_1383 = arith.subf %get3A_1382, %get3A_1370 : vector<16xf32>
      %mul3A_1384 = arith.mulf %broadcast_in_dim3A_1306, %sub3A_1383 : vector<16xf32>
      %add3A_1385 = arith.addf %get3A_1370, %mul3A_1384 : vector<16xf32>
      %sub3A_1386 = arith.subf %add3A_1385, %get3A_1376 : vector<16xf32>
      %abs3A_1387 = math.absf %sub3A_1386 : vector<16xf32>
      %sub3A_1388 = arith.subf %get3A_1370, %get3A_1376 : vector<16xf32>
      %abs3A_1389 = math.absf %sub3A_1388 : vector<16xf32>
      %sub3A_1390 = arith.subf %abs3A_1387, %abs3A_1389 : vector<16xf32>
      %add3A_1391 = arith.addf %add3A_1364, %sub3A_1390 : vector<16xf32>
      %get3A_1392 = arith.constant 0 : i32
      %get3A_1393 = arith.index_cast %get3A_1392 : i32 to index
      %get3A_1394 = arith.index_cast %add3A_1310 : i32 to index
      %get3A_1395 = arith.constant 48 : index
      %get3A_1396 = tpu.vector_load %arg11[%get3A_1393, %get3A_1394, %get3A_1395] {strides = array<i32>} : memref<2x128x64xf32, #tpu.memory_space<vmem>>, vector<1x1x16xf32>,
      %get3A_1397 = vector.shape_cast %get3A_1396 : vector<1x1x16xf32> to vector<16xf32>
      %get3A_1398 = arith.constant 0 : i32
      %get3A_1399 = arith.index_cast %get3A_1398 : i32 to index
      %get3A_1400 = arith.index_cast %add3A_1310 : i32 to index
      %get3A_1401 = arith.constant 48 : index
      %get3A_1402 = tpu.vector_load %arg12[%get3A_1399, %get3A_1400, %get3A_1401] {strides = array<i32>} : memref<2x128x64xf32, #tpu.memory_space<vmem>>, vector<1x1x16xf32>,
      %get3A_1403 = vector.shape_cast %get3A_1402 : vector<1x1x16xf32> to vector<16xf32>
      %get3A_1404 = arith.constant 0 : i32
      %get3A_1405 = arith.index_cast %get3A_1404 : i32 to index
      %get3A_1406 = arith.index_cast %add3A_1310 : i32 to index
      %get3A_1407 = arith.constant 48 : index
      %get3A_1408 = tpu.vector_load %arg13[%get3A_1405, %get3A_1406, %get3A_1407] {strides = array<i32>} : memref<2x128x64xf32, #tpu.memory_space<vmem>>, vector<1x1x16xf32>,
      %get3A_1409 = vector.shape_cast %get3A_1408 : vector<1x1x16xf32> to vector<16xf32>
      %sub3A_1410 = arith.subf %get3A_1409, %get3A_1397 : vector<16xf32>
      %mul3A_1411 = arith.mulf %broadcast_in_dim3A_1306, %sub3A_1410 : vector<16xf32>
      %add3A_1412 = arith.addf %get3A_1397, %mul3A_1411 : vector<16xf32>
      %sub3A_1413 = arith.subf %add3A_1412, %get3A_1403 : vector<16xf32>
      %abs3A_1414 = math.absf %sub3A_1413 : vector<16xf32>
      %sub3A_1415 = arith.subf %get3A_1397, %get3A_1403 : vector<16xf32>
      %abs3A_1416 = math.absf %sub3A_1415 : vector<16xf32>
      %sub3A_1417 = arith.subf %abs3A_1414, %abs3A_1416 : vector<16xf32>
      %add3A_1418 = arith.addf %add3A_1391, %sub3A_1417 : vector<16xf32>
      %slice3A_1419 = vector.extract_strided_slice %get3A_617 {offsets = [7], sizes = [1], strides = [1]} : vector<16xf32> to vector<1xf32>
      %squeeze3A_1420 = vector.extract %slice3A_1419[0] : f32 from vector<1xf32>
      %broadcast_in_dim3A_1421 = vector.broadcast %squeeze3A_1420 : f32 to vector<16xf32>
      %mul3A_1422 = arith.constant 16 : i32
      %mul3A_1423 = arith.muli %scan3A_609, %mul3A_1422 : i32
      %add3A_1424 = arith.constant 7 : i32
      %add3A_1425 = arith.addi %mul3A_1423, %add3A_1424 : i32
      %get3A_1426 = arith.constant 0 : i32
      %get3A_1427 = arith.index_cast %get3A_1426 : i32 to index
      %get3A_1428 = arith.index_cast %add3A_1425 : i32 to index
      %get3A_1429 = arith.constant 0 : index
      %get3A_1430 = tpu.vector_load %arg11[%get3A_1427, %get3A_1428, %get3A_1429] {strides = array<i32>} : memref<2x128x64xf32, #tpu.memory_space<vmem>>, vector<1x1x16xf32>,
      %get3A_1431 = vector.shape_cast %get3A_1430 : vector<1x1x16xf32> to vector<16xf32>
      %get3A_1432 = arith.constant 0 : i32
      %get3A_1433 = arith.index_cast %get3A_1432 : i32 to index
      %get3A_1434 = arith.index_cast %add3A_1425 : i32 to index
      %get3A_1435 = arith.constant 0 : index
      %get3A_1436 = tpu.vector_load %arg12[%get3A_1433, %get3A_1434, %get3A_1435] {strides = array<i32>} : memref<2x128x64xf32, #tpu.memory_space<vmem>>, vector<1x1x16xf32>,
      %get3A_1437 = vector.shape_cast %get3A_1436 : vector<1x1x16xf32> to vector<16xf32>
      %get3A_1438 = arith.constant 0 : i32
      %get3A_1439 = arith.index_cast %get3A_1438 : i32 to index
      %get3A_1440 = arith.index_cast %add3A_1425 : i32 to index
      %get3A_1441 = arith.constant 0 : index
      %get3A_1442 = tpu.vector_load %arg13[%get3A_1439, %get3A_1440, %get3A_1441] {strides = array<i32>} : memref<2x128x64xf32, #tpu.memory_space<vmem>>, vector<1x1x16xf32>,
      %get3A_1443 = vector.shape_cast %get3A_1442 : vector<1x1x16xf32> to vector<16xf32>
      %sub3A_1444 = arith.subf %get3A_1443, %get3A_1431 : vector<16xf32>
      %mul3A_1445 = arith.mulf %broadcast_in_dim3A_1421, %sub3A_1444 : vector<16xf32>
      %add3A_1446 = arith.addf %get3A_1431, %mul3A_1445 : vector<16xf32>
      %sub3A_1447 = arith.subf %add3A_1446, %get3A_1437 : vector<16xf32>
      %abs3A_1448 = math.absf %sub3A_1447 : vector<16xf32>
      %sub3A_1449 = arith.subf %get3A_1431, %get3A_1437 : vector<16xf32>
      %abs3A_1450 = math.absf %sub3A_1449 : vector<16xf32>
      %sub3A_1451 = arith.subf %abs3A_1448, %abs3A_1450 : vector<16xf32>
      %add3A_1452 = arith.addf %add3A_1418, %sub3A_1451 : vector<16xf32>
      %get3A_1453 = arith.constant 0 : i32
      %get3A_1454 = arith.index_cast %get3A_1453 : i32 to index
      %get3A_1455 = arith.index_cast %add3A_1425 : i32 to index
      %get3A_1456 = arith.constant 16 : index
      %get3A_1457 = tpu.vector_load %arg11[%get3A_1454, %get3A_1455, %get3A_1456] {strides = array<i32>} : memref<2x128x64xf32, #tpu.memory_space<vmem>>, vector<1x1x16xf32>,
      %get3A_1458 = vector.shape_cast %get3A_1457 : vector<1x1x16xf32> to vector<16xf32>
      %get3A_1459 = arith.constant 0 : i32
      %get3A_1460 = arith.index_cast %get3A_1459 : i32 to index
      %get3A_1461 = arith.index_cast %add3A_1425 : i32 to index
      %get3A_1462 = arith.constant 16 : index
      %get3A_1463 = tpu.vector_load %arg12[%get3A_1460, %get3A_1461, %get3A_1462] {strides = array<i32>} : memref<2x128x64xf32, #tpu.memory_space<vmem>>, vector<1x1x16xf32>,
      %get3A_1464 = vector.shape_cast %get3A_1463 : vector<1x1x16xf32> to vector<16xf32>
      %get3A_1465 = arith.constant 0 : i32
      %get3A_1466 = arith.index_cast %get3A_1465 : i32 to index
      %get3A_1467 = arith.index_cast %add3A_1425 : i32 to index
      %get3A_1468 = arith.constant 16 : index
      %get3A_1469 = tpu.vector_load %arg13[%get3A_1466, %get3A_1467, %get3A_1468] {strides = array<i32>} : memref<2x128x64xf32, #tpu.memory_space<vmem>>, vector<1x1x16xf32>,
      %get3A_1470 = vector.shape_cast %get3A_1469 : vector<1x1x16xf32> to vector<16xf32>
      %sub3A_1471 = arith.subf %get3A_1470, %get3A_1458 : vector<16xf32>
      %mul3A_1472 = arith.mulf %broadcast_in_dim3A_1421, %sub3A_1471 : vector<16xf32>
      %add3A_1473 = arith.addf %get3A_1458, %mul3A_1472 : vector<16xf32>
      %sub3A_1474 = arith.subf %add3A_1473, %get3A_1464 : vector<16xf32>
      %abs3A_1475 = math.absf %sub3A_1474 : vector<16xf32>
      %sub3A_1476 = arith.subf %get3A_1458, %get3A_1464 : vector<16xf32>
      %abs3A_1477 = math.absf %sub3A_1476 : vector<16xf32>
      %sub3A_1478 = arith.subf %abs3A_1475, %abs3A_1477 : vector<16xf32>
      %add3A_1479 = arith.addf %add3A_1452, %sub3A_1478 : vector<16xf32>
      %get3A_1480 = arith.constant 0 : i32
      %get3A_1481 = arith.index_cast %get3A_1480 : i32 to index
      %get3A_1482 = arith.index_cast %add3A_1425 : i32 to index
      %get3A_1483 = arith.constant 32 : index
      %get3A_1484 = tpu.vector_load %arg11[%get3A_1481, %get3A_1482, %get3A_1483] {strides = array<i32>} : memref<2x128x64xf32, #tpu.memory_space<vmem>>, vector<1x1x16xf32>,
      %get3A_1485 = vector.shape_cast %get3A_1484 : vector<1x1x16xf32> to vector<16xf32>
      %get3A_1486 = arith.constant 0 : i32
      %get3A_1487 = arith.index_cast %get3A_1486 : i32 to index
      %get3A_1488 = arith.index_cast %add3A_1425 : i32 to index
      %get3A_1489 = arith.constant 32 : index
      %get3A_1490 = tpu.vector_load %arg12[%get3A_1487, %get3A_1488, %get3A_1489] {strides = array<i32>} : memref<2x128x64xf32, #tpu.memory_space<vmem>>, vector<1x1x16xf32>,
      %get3A_1491 = vector.shape_cast %get3A_1490 : vector<1x1x16xf32> to vector<16xf32>
      %get3A_1492 = arith.constant 0 : i32
      %get3A_1493 = arith.index_cast %get3A_1492 : i32 to index
      %get3A_1494 = arith.index_cast %add3A_1425 : i32 to index
      %get3A_1495 = arith.constant 32 : index
      %get3A_1496 = tpu.vector_load %arg13[%get3A_1493, %get3A_1494, %get3A_1495] {strides = array<i32>} : memref<2x128x64xf32, #tpu.memory_space<vmem>>, vector<1x1x16xf32>,
      %get3A_1497 = vector.shape_cast %get3A_1496 : vector<1x1x16xf32> to vector<16xf32>
      %sub3A_1498 = arith.subf %get3A_1497, %get3A_1485 : vector<16xf32>
      %mul3A_1499 = arith.mulf %broadcast_in_dim3A_1421, %sub3A_1498 : vector<16xf32>
      %add3A_1500 = arith.addf %get3A_1485, %mul3A_1499 : vector<16xf32>
      %sub3A_1501 = arith.subf %add3A_1500, %get3A_1491 : vector<16xf32>
      %abs3A_1502 = math.absf %sub3A_1501 : vector<16xf32>
      %sub3A_1503 = arith.subf %get3A_1485, %get3A_1491 : vector<16xf32>
      %abs3A_1504 = math.absf %sub3A_1503 : vector<16xf32>
      %sub3A_1505 = arith.subf %abs3A_1502, %abs3A_1504 : vector<16xf32>
      %add3A_1506 = arith.addf %add3A_1479, %sub3A_1505 : vector<16xf32>
      %get3A_1507 = arith.constant 0 : i32
      %get3A_1508 = arith.index_cast %get3A_1507 : i32 to index
      %get3A_1509 = arith.index_cast %add3A_1425 : i32 to index
      %get3A_1510 = arith.constant 48 : index
      %get3A_1511 = tpu.vector_load %arg11[%get3A_1508, %get3A_1509, %get3A_1510] {strides = array<i32>} : memref<2x128x64xf32, #tpu.memory_space<vmem>>, vector<1x1x16xf32>,
      %get3A_1512 = vector.shape_cast %get3A_1511 : vector<1x1x16xf32> to vector<16xf32>
      %get3A_1513 = arith.constant 0 : i32
      %get3A_1514 = arith.index_cast %get3A_1513 : i32 to index
      %get3A_1515 = arith.index_cast %add3A_1425 : i32 to index
      %get3A_1516 = arith.constant 48 : index
      %get3A_1517 = tpu.vector_load %arg12[%get3A_1514, %get3A_1515, %get3A_1516] {strides = array<i32>} : memref<2x128x64xf32, #tpu.memory_space<vmem>>, vector<1x1x16xf32>,
      %get3A_1518 = vector.shape_cast %get3A_1517 : vector<1x1x16xf32> to vector<16xf32>
      %get3A_1519 = arith.constant 0 : i32
      %get3A_1520 = arith.index_cast %get3A_1519 : i32 to index
      %get3A_1521 = arith.index_cast %add3A_1425 : i32 to index
      %get3A_1522 = arith.constant 48 : index
      %get3A_1523 = tpu.vector_load %arg13[%get3A_1520, %get3A_1521, %get3A_1522] {strides = array<i32>} : memref<2x128x64xf32, #tpu.memory_space<vmem>>, vector<1x1x16xf32>,
      %get3A_1524 = vector.shape_cast %get3A_1523 : vector<1x1x16xf32> to vector<16xf32>
      %sub3A_1525 = arith.subf %get3A_1524, %get3A_1512 : vector<16xf32>
      %mul3A_1526 = arith.mulf %broadcast_in_dim3A_1421, %sub3A_1525 : vector<16xf32>
      %add3A_1527 = arith.addf %get3A_1512, %mul3A_1526 : vector<16xf32>
      %sub3A_1528 = arith.subf %add3A_1527, %get3A_1518 : vector<16xf32>
      %abs3A_1529 = math.absf %sub3A_1528 : vector<16xf32>
      %sub3A_1530 = arith.subf %get3A_1512, %get3A_1518 : vector<16xf32>
      %abs3A_1531 = math.absf %sub3A_1530 : vector<16xf32>
      %sub3A_1532 = arith.subf %abs3A_1529, %abs3A_1531 : vector<16xf32>
      %add3A_1533 = arith.addf %add3A_1506, %sub3A_1532 : vector<16xf32>
      %slice3A_1534 = vector.extract_strided_slice %get3A_617 {offsets = [8], sizes = [1], strides = [1]} : vector<16xf32> to vector<1xf32>
      %squeeze3A_1535 = vector.extract %slice3A_1534[0] : f32 from vector<1xf32>
      %broadcast_in_dim3A_1536 = vector.broadcast %squeeze3A_1535 : f32 to vector<16xf32>
      %mul3A_1537 = arith.constant 16 : i32
      %mul3A_1538 = arith.muli %scan3A_609, %mul3A_1537 : i32
      %add3A_1539 = arith.constant 8 : i32
      %add3A_1540 = arith.addi %mul3A_1538, %add3A_1539 : i32
      %get3A_1541 = arith.constant 0 : i32
      %get3A_1542 = arith.index_cast %get3A_1541 : i32 to index
      %get3A_1543 = arith.index_cast %add3A_1540 : i32 to index
      %get3A_1544 = arith.constant 0 : index
      %get3A_1545 = tpu.vector_load %arg11[%get3A_1542, %get3A_1543, %get3A_1544] {strides = array<i32>} : memref<2x128x64xf32, #tpu.memory_space<vmem>>, vector<1x1x16xf32>,
      %get3A_1546 = vector.shape_cast %get3A_1545 : vector<1x1x16xf32> to vector<16xf32>
      %get3A_1547 = arith.constant 0 : i32
      %get3A_1548 = arith.index_cast %get3A_1547 : i32 to index
      %get3A_1549 = arith.index_cast %add3A_1540 : i32 to index
      %get3A_1550 = arith.constant 0 : index
      %get3A_1551 = tpu.vector_load %arg12[%get3A_1548, %get3A_1549, %get3A_1550] {strides = array<i32>} : memref<2x128x64xf32, #tpu.memory_space<vmem>>, vector<1x1x16xf32>,
      %get3A_1552 = vector.shape_cast %get3A_1551 : vector<1x1x16xf32> to vector<16xf32>
      %get3A_1553 = arith.constant 0 : i32
      %get3A_1554 = arith.index_cast %get3A_1553 : i32 to index
      %get3A_1555 = arith.index_cast %add3A_1540 : i32 to index
      %get3A_1556 = arith.constant 0 : index
      %get3A_1557 = tpu.vector_load %arg13[%get3A_1554, %get3A_1555, %get3A_1556] {strides = array<i32>} : memref<2x128x64xf32, #tpu.memory_space<vmem>>, vector<1x1x16xf32>,
      %get3A_1558 = vector.shape_cast %get3A_1557 : vector<1x1x16xf32> to vector<16xf32>
      %sub3A_1559 = arith.subf %get3A_1558, %get3A_1546 : vector<16xf32>
      %mul3A_1560 = arith.mulf %broadcast_in_dim3A_1536, %sub3A_1559 : vector<16xf32>
      %add3A_1561 = arith.addf %get3A_1546, %mul3A_1560 : vector<16xf32>
      %sub3A_1562 = arith.subf %add3A_1561, %get3A_1552 : vector<16xf32>
      %abs3A_1563 = math.absf %sub3A_1562 : vector<16xf32>
      %sub3A_1564 = arith.subf %get3A_1546, %get3A_1552 : vector<16xf32>
      %abs3A_1565 = math.absf %sub3A_1564 : vector<16xf32>
      %sub3A_1566 = arith.subf %abs3A_1563, %abs3A_1565 : vector<16xf32>
      %add3A_1567 = arith.addf %add3A_1533, %sub3A_1566 : vector<16xf32>
      %get3A_1568 = arith.constant 0 : i32
      %get3A_1569 = arith.index_cast %get3A_1568 : i32 to index
      %get3A_1570 = arith.index_cast %add3A_1540 : i32 to index
      %get3A_1571 = arith.constant 16 : index
      %get3A_1572 = tpu.vector_load %arg11[%get3A_1569, %get3A_1570, %get3A_1571] {strides = array<i32>} : memref<2x128x64xf32, #tpu.memory_space<vmem>>, vector<1x1x16xf32>,
      %get3A_1573 = vector.shape_cast %get3A_1572 : vector<1x1x16xf32> to vector<16xf32>
      %get3A_1574 = arith.constant 0 : i32
      %get3A_1575 = arith.index_cast %get3A_1574 : i32 to index
      %get3A_1576 = arith.index_cast %add3A_1540 : i32 to index
      %get3A_1577 = arith.constant 16 : index
      %get3A_1578 = tpu.vector_load %arg12[%get3A_1575, %get3A_1576, %get3A_1577] {strides = array<i32>} : memref<2x128x64xf32, #tpu.memory_space<vmem>>, vector<1x1x16xf32>,
      %get3A_1579 = vector.shape_cast %get3A_1578 : vector<1x1x16xf32> to vector<16xf32>
      %get3A_1580 = arith.constant 0 : i32
      %get3A_1581 = arith.index_cast %get3A_1580 : i32 to index
      %get3A_1582 = arith.index_cast %add3A_1540 : i32 to index
      %get3A_1583 = arith.constant 16 : index
      %get3A_1584 = tpu.vector_load %arg13[%get3A_1581, %get3A_1582, %get3A_1583] {strides = array<i32>} : memref<2x128x64xf32, #tpu.memory_space<vmem>>, vector<1x1x16xf32>,
      %get3A_1585 = vector.shape_cast %get3A_1584 : vector<1x1x16xf32> to vector<16xf32>
      %sub3A_1586 = arith.subf %get3A_1585, %get3A_1573 : vector<16xf32>
      %mul3A_1587 = arith.mulf %broadcast_in_dim3A_1536, %sub3A_1586 : vector<16xf32>
      %add3A_1588 = arith.addf %get3A_1573, %mul3A_1587 : vector<16xf32>
      %sub3A_1589 = arith.subf %add3A_1588, %get3A_1579 : vector<16xf32>
      %abs3A_1590 = math.absf %sub3A_1589 : vector<16xf32>
      %sub3A_1591 = arith.subf %get3A_1573, %get3A_1579 : vector<16xf32>
      %abs3A_1592 = math.absf %sub3A_1591 : vector<16xf32>
      %sub3A_1593 = arith.subf %abs3A_1590, %abs3A_1592 : vector<16xf32>
      %add3A_1594 = arith.addf %add3A_1567, %sub3A_1593 : vector<16xf32>
      %get3A_1595 = arith.constant 0 : i32
      %get3A_1596 = arith.index_cast %get3A_1595 : i32 to index
      %get3A_1597 = arith.index_cast %add3A_1540 : i32 to index
      %get3A_1598 = arith.constant 32 : index
      %get3A_1599 = tpu.vector_load %arg11[%get3A_1596, %get3A_1597, %get3A_1598] {strides = array<i32>} : memref<2x128x64xf32, #tpu.memory_space<vmem>>, vector<1x1x16xf32>,
      %get3A_1600 = vector.shape_cast %get3A_1599 : vector<1x1x16xf32> to vector<16xf32>
      %get3A_1601 = arith.constant 0 : i32
      %get3A_1602 = arith.index_cast %get3A_1601 : i32 to index
      %get3A_1603 = arith.index_cast %add3A_1540 : i32 to index
      %get3A_1604 = arith.constant 32 : index
      %get3A_1605 = tpu.vector_load %arg12[%get3A_1602, %get3A_1603, %get3A_1604] {strides = array<i32>} : memref<2x128x64xf32, #tpu.memory_space<vmem>>, vector<1x1x16xf32>,
      %get3A_1606 = vector.shape_cast %get3A_1605 : vector<1x1x16xf32> to vector<16xf32>
      %get3A_1607 = arith.constant 0 : i32
      %get3A_1608 = arith.index_cast %get3A_1607 : i32 to index
      %get3A_1609 = arith.index_cast %add3A_1540 : i32 to index
      %get3A_1610 = arith.constant 32 : index
      %get3A_1611 = tpu.vector_load %arg13[%get3A_1608, %get3A_1609, %get3A_1610] {strides = array<i32>} : memref<2x128x64xf32, #tpu.memory_space<vmem>>, vector<1x1x16xf32>,
      %get3A_1612 = vector.shape_cast %get3A_1611 : vector<1x1x16xf32> to vector<16xf32>
      %sub3A_1613 = arith.subf %get3A_1612, %get3A_1600 : vector<16xf32>
      %mul3A_1614 = arith.mulf %broadcast_in_dim3A_1536, %sub3A_1613 : vector<16xf32>
      %add3A_1615 = arith.addf %get3A_1600, %mul3A_1614 : vector<16xf32>
      %sub3A_1616 = arith.subf %add3A_1615, %get3A_1606 : vector<16xf32>
      %abs3A_1617 = math.absf %sub3A_1616 : vector<16xf32>
      %sub3A_1618 = arith.subf %get3A_1600, %get3A_1606 : vector<16xf32>
      %abs3A_1619 = math.absf %sub3A_1618 : vector<16xf32>
      %sub3A_1620 = arith.subf %abs3A_1617, %abs3A_1619 : vector<16xf32>
      %add3A_1621 = arith.addf %add3A_1594, %sub3A_1620 : vector<16xf32>
      %get3A_1622 = arith.constant 0 : i32
      %get3A_1623 = arith.index_cast %get3A_1622 : i32 to index
      %get3A_1624 = arith.index_cast %add3A_1540 : i32 to index
      %get3A_1625 = arith.constant 48 : index
      %get3A_1626 = tpu.vector_load %arg11[%get3A_1623, %get3A_1624, %get3A_1625] {strides = array<i32>} : memref<2x128x64xf32, #tpu.memory_space<vmem>>, vector<1x1x16xf32>,
      %get3A_1627 = vector.shape_cast %get3A_1626 : vector<1x1x16xf32> to vector<16xf32>
      %get3A_1628 = arith.constant 0 : i32
      %get3A_1629 = arith.index_cast %get3A_1628 : i32 to index
      %get3A_1630 = arith.index_cast %add3A_1540 : i32 to index
      %get3A_1631 = arith.constant 48 : index
      %get3A_1632 = tpu.vector_load %arg12[%get3A_1629, %get3A_1630, %get3A_1631] {strides = array<i32>} : memref<2x128x64xf32, #tpu.memory_space<vmem>>, vector<1x1x16xf32>,
      %get3A_1633 = vector.shape_cast %get3A_1632 : vector<1x1x16xf32> to vector<16xf32>
      %get3A_1634 = arith.constant 0 : i32
      %get3A_1635 = arith.index_cast %get3A_1634 : i32 to index
      %get3A_1636 = arith.index_cast %add3A_1540 : i32 to index
      %get3A_1637 = arith.constant 48 : index
      %get3A_1638 = tpu.vector_load %arg13[%get3A_1635, %get3A_1636, %get3A_1637] {strides = array<i32>} : memref<2x128x64xf32, #tpu.memory_space<vmem>>, vector<1x1x16xf32>,
      %get3A_1639 = vector.shape_cast %get3A_1638 : vector<1x1x16xf32> to vector<16xf32>
      %sub3A_1640 = arith.subf %get3A_1639, %get3A_1627 : vector<16xf32>
      %mul3A_1641 = arith.mulf %broadcast_in_dim3A_1536, %sub3A_1640 : vector<16xf32>
      %add3A_1642 = arith.addf %get3A_1627, %mul3A_1641 : vector<16xf32>
      %sub3A_1643 = arith.subf %add3A_1642, %get3A_1633 : vector<16xf32>
      %abs3A_1644 = math.absf %sub3A_1643 : vector<16xf32>
      %sub3A_1645 = arith.subf %get3A_1627, %get3A_1633 : vector<16xf32>
      %abs3A_1646 = math.absf %sub3A_1645 : vector<16xf32>
      %sub3A_1647 = arith.subf %abs3A_1644, %abs3A_1646 : vector<16xf32>
      %add3A_1648 = arith.addf %add3A_1621, %sub3A_1647 : vector<16xf32>
      %slice3A_1649 = vector.extract_strided_slice %get3A_617 {offsets = [9], sizes = [1], strides = [1]} : vector<16xf32> to vector<1xf32>
      %squeeze3A_1650 = vector.extract %slice3A_1649[0] : f32 from vector<1xf32>
      %broadcast_in_dim3A_1651 = vector.broadcast %squeeze3A_1650 : f32 to vector<16xf32>
      %mul3A_1652 = arith.constant 16 : i32
      %mul3A_1653 = arith.muli %scan3A_609, %mul3A_1652 : i32
      %add3A_1654 = arith.constant 9 : i32
      %add3A_1655 = arith.addi %mul3A_1653, %add3A_1654 : i32
      %get3A_1656 = arith.constant 0 : i32
      %get3A_1657 = arith.index_cast %get3A_1656 : i32 to index
      %get3A_1658 = arith.index_cast %add3A_1655 : i32 to index
      %get3A_1659 = arith.constant 0 : index
      %get3A_1660 = tpu.vector_load %arg11[%get3A_1657, %get3A_1658, %get3A_1659] {strides = array<i32>} : memref<2x128x64xf32, #tpu.memory_space<vmem>>, vector<1x1x16xf32>,
      %get3A_1661 = vector.shape_cast %get3A_1660 : vector<1x1x16xf32> to vector<16xf32>
      %get3A_1662 = arith.constant 0 : i32
      %get3A_1663 = arith.index_cast %get3A_1662 : i32 to index
      %get3A_1664 = arith.index_cast %add3A_1655 : i32 to index
      %get3A_1665 = arith.constant 0 : index
      %get3A_1666 = tpu.vector_load %arg12[%get3A_1663, %get3A_1664, %get3A_1665] {strides = array<i32>} : memref<2x128x64xf32, #tpu.memory_space<vmem>>, vector<1x1x16xf32>,
      %get3A_1667 = vector.shape_cast %get3A_1666 : vector<1x1x16xf32> to vector<16xf32>
      %get3A_1668 = arith.constant 0 : i32
      %get3A_1669 = arith.index_cast %get3A_1668 : i32 to index
      %get3A_1670 = arith.index_cast %add3A_1655 : i32 to index
      %get3A_1671 = arith.constant 0 : index
      %get3A_1672 = tpu.vector_load %arg13[%get3A_1669, %get3A_1670, %get3A_1671] {strides = array<i32>} : memref<2x128x64xf32, #tpu.memory_space<vmem>>, vector<1x1x16xf32>,
      %get3A_1673 = vector.shape_cast %get3A_1672 : vector<1x1x16xf32> to vector<16xf32>
      %sub3A_1674 = arith.subf %get3A_1673, %get3A_1661 : vector<16xf32>
      %mul3A_1675 = arith.mulf %broadcast_in_dim3A_1651, %sub3A_1674 : vector<16xf32>
      %add3A_1676 = arith.addf %get3A_1661, %mul3A_1675 : vector<16xf32>
      %sub3A_1677 = arith.subf %add3A_1676, %get3A_1667 : vector<16xf32>
      %abs3A_1678 = math.absf %sub3A_1677 : vector<16xf32>
      %sub3A_1679 = arith.subf %get3A_1661, %get3A_1667 : vector<16xf32>
      %abs3A_1680 = math.absf %sub3A_1679 : vector<16xf32>
      %sub3A_1681 = arith.subf %abs3A_1678, %abs3A_1680 : vector<16xf32>
      %add3A_1682 = arith.addf %add3A_1648, %sub3A_1681 : vector<16xf32>
      %get3A_1683 = arith.constant 0 : i32
      %get3A_1684 = arith.index_cast %get3A_1683 : i32 to index
      %get3A_1685 = arith.index_cast %add3A_1655 : i32 to index
      %get3A_1686 = arith.constant 16 : index
      %get3A_1687 = tpu.vector_load %arg11[%get3A_1684, %get3A_1685, %get3A_1686] {strides = array<i32>} : memref<2x128x64xf32, #tpu.memory_space<vmem>>, vector<1x1x16xf32>,
      %get3A_1688 = vector.shape_cast %get3A_1687 : vector<1x1x16xf32> to vector<16xf32>
      %get3A_1689 = arith.constant 0 : i32
      %get3A_1690 = arith.index_cast %get3A_1689 : i32 to index
      %get3A_1691 = arith.index_cast %add3A_1655 : i32 to index
      %get3A_1692 = arith.constant 16 : index
      %get3A_1693 = tpu.vector_load %arg12[%get3A_1690, %get3A_1691, %get3A_1692] {strides = array<i32>} : memref<2x128x64xf32, #tpu.memory_space<vmem>>, vector<1x1x16xf32>,
      %get3A_1694 = vector.shape_cast %get3A_1693 : vector<1x1x16xf32> to vector<16xf32>
      %get3A_1695 = arith.constant 0 : i32
      %get3A_1696 = arith.index_cast %get3A_1695 : i32 to index
      %get3A_1697 = arith.index_cast %add3A_1655 : i32 to index
      %get3A_1698 = arith.constant 16 : index
      %get3A_1699 = tpu.vector_load %arg13[%get3A_1696, %get3A_1697, %get3A_1698] {strides = array<i32>} : memref<2x128x64xf32, #tpu.memory_space<vmem>>, vector<1x1x16xf32>,
      %get3A_1700 = vector.shape_cast %get3A_1699 : vector<1x1x16xf32> to vector<16xf32>
      %sub3A_1701 = arith.subf %get3A_1700, %get3A_1688 : vector<16xf32>
      %mul3A_1702 = arith.mulf %broadcast_in_dim3A_1651, %sub3A_1701 : vector<16xf32>
      %add3A_1703 = arith.addf %get3A_1688, %mul3A_1702 : vector<16xf32>
      %sub3A_1704 = arith.subf %add3A_1703, %get3A_1694 : vector<16xf32>
      %abs3A_1705 = math.absf %sub3A_1704 : vector<16xf32>
      %sub3A_1706 = arith.subf %get3A_1688, %get3A_1694 : vector<16xf32>
      %abs3A_1707 = math.absf %sub3A_1706 : vector<16xf32>
      %sub3A_1708 = arith.subf %abs3A_1705, %abs3A_1707 : vector<16xf32>
      %add3A_1709 = arith.addf %add3A_1682, %sub3A_1708 : vector<16xf32>
      %get3A_1710 = arith.constant 0 : i32
      %get3A_1711 = arith.index_cast %get3A_1710 : i32 to index
      %get3A_1712 = arith.index_cast %add3A_1655 : i32 to index
      %get3A_1713 = arith.constant 32 : index
      %get3A_1714 = tpu.vector_load %arg11[%get3A_1711, %get3A_1712, %get3A_1713] {strides = array<i32>} : memref<2x128x64xf32, #tpu.memory_space<vmem>>, vector<1x1x16xf32>,
      %get3A_1715 = vector.shape_cast %get3A_1714 : vector<1x1x16xf32> to vector<16xf32>
      %get3A_1716 = arith.constant 0 : i32
      %get3A_1717 = arith.index_cast %get3A_1716 : i32 to index
      %get3A_1718 = arith.index_cast %add3A_1655 : i32 to index
      %get3A_1719 = arith.constant 32 : index
      %get3A_1720 = tpu.vector_load %arg12[%get3A_1717, %get3A_1718, %get3A_1719] {strides = array<i32>} : memref<2x128x64xf32, #tpu.memory_space<vmem>>, vector<1x1x16xf32>,
      %get3A_1721 = vector.shape_cast %get3A_1720 : vector<1x1x16xf32> to vector<16xf32>
      %get3A_1722 = arith.constant 0 : i32
      %get3A_1723 = arith.index_cast %get3A_1722 : i32 to index
      %get3A_1724 = arith.index_cast %add3A_1655 : i32 to index
      %get3A_1725 = arith.constant 32 : index
      %get3A_1726 = tpu.vector_load %arg13[%get3A_1723, %get3A_1724, %get3A_1725] {strides = array<i32>} : memref<2x128x64xf32, #tpu.memory_space<vmem>>, vector<1x1x16xf32>,
      %get3A_1727 = vector.shape_cast %get3A_1726 : vector<1x1x16xf32> to vector<16xf32>
      %sub3A_1728 = arith.subf %get3A_1727, %get3A_1715 : vector<16xf32>
      %mul3A_1729 = arith.mulf %broadcast_in_dim3A_1651, %sub3A_1728 : vector<16xf32>
      %add3A_1730 = arith.addf %get3A_1715, %mul3A_1729 : vector<16xf32>
      %sub3A_1731 = arith.subf %add3A_1730, %get3A_1721 : vector<16xf32>
      %abs3A_1732 = math.absf %sub3A_1731 : vector<16xf32>
      %sub3A_1733 = arith.subf %get3A_1715, %get3A_1721 : vector<16xf32>
      %abs3A_1734 = math.absf %sub3A_1733 : vector<16xf32>
      %sub3A_1735 = arith.subf %abs3A_1732, %abs3A_1734 : vector<16xf32>
      %add3A_1736 = arith.addf %add3A_1709, %sub3A_1735 : vector<16xf32>
      %get3A_1737 = arith.constant 0 : i32
      %get3A_1738 = arith.index_cast %get3A_1737 : i32 to index
      %get3A_1739 = arith.index_cast %add3A_1655 : i32 to index
      %get3A_1740 = arith.constant 48 : index
      %get3A_1741 = tpu.vector_load %arg11[%get3A_1738, %get3A_1739, %get3A_1740] {strides = array<i32>} : memref<2x128x64xf32, #tpu.memory_space<vmem>>, vector<1x1x16xf32>,
      %get3A_1742 = vector.shape_cast %get3A_1741 : vector<1x1x16xf32> to vector<16xf32>
      %get3A_1743 = arith.constant 0 : i32
      %get3A_1744 = arith.index_cast %get3A_1743 : i32 to index
      %get3A_1745 = arith.index_cast %add3A_1655 : i32 to index
      %get3A_1746 = arith.constant 48 : index
      %get3A_1747 = tpu.vector_load %arg12[%get3A_1744, %get3A_1745, %get3A_1746] {strides = array<i32>} : memref<2x128x64xf32, #tpu.memory_space<vmem>>, vector<1x1x16xf32>,
      %get3A_1748 = vector.shape_cast %get3A_1747 : vector<1x1x16xf32> to vector<16xf32>
      %get3A_1749 = arith.constant 0 : i32
      %get3A_1750 = arith.index_cast %get3A_1749 : i32 to index
      %get3A_1751 = arith.index_cast %add3A_1655 : i32 to index
      %get3A_1752 = arith.constant 48 : index
      %get3A_1753 = tpu.vector_load %arg13[%get3A_1750, %get3A_1751, %get3A_1752] {strides = array<i32>} : memref<2x128x64xf32, #tpu.memory_space<vmem>>, vector<1x1x16xf32>,
      %get3A_1754 = vector.shape_cast %get3A_1753 : vector<1x1x16xf32> to vector<16xf32>
      %sub3A_1755 = arith.subf %get3A_1754, %get3A_1742 : vector<16xf32>
      %mul3A_1756 = arith.mulf %broadcast_in_dim3A_1651, %sub3A_1755 : vector<16xf32>
      %add3A_1757 = arith.addf %get3A_1742, %mul3A_1756 : vector<16xf32>
      %sub3A_1758 = arith.subf %add3A_1757, %get3A_1748 : vector<16xf32>
      %abs3A_1759 = math.absf %sub3A_1758 : vector<16xf32>
      %sub3A_1760 = arith.subf %get3A_1742, %get3A_1748 : vector<16xf32>
      %abs3A_1761 = math.absf %sub3A_1760 : vector<16xf32>
      %sub3A_1762 = arith.subf %abs3A_1759, %abs3A_1761 : vector<16xf32>
      %add3A_1763 = arith.addf %add3A_1736, %sub3A_1762 : vector<16xf32>
      %slice3A_1764 = vector.extract_strided_slice %get3A_617 {offsets = [10], sizes = [1], strides = [1]} : vector<16xf32> to vector<1xf32>
      %squeeze3A_1765 = vector.extract %slice3A_1764[0] : f32 from vector<1xf32>
      %broadcast_in_dim3A_1766 = vector.broadcast %squeeze3A_1765 : f32 to vector<16xf32>
      %mul3A_1767 = arith.constant 16 : i32
      %mul3A_1768 = arith.muli %scan3A_609, %mul3A_1767 : i32
      %add3A_1769 = arith.constant 10 : i32
      %add3A_1770 = arith.addi %mul3A_1768, %add3A_1769 : i32
      %get3A_1771 = arith.constant 0 : i32
      %get3A_1772 = arith.index_cast %get3A_1771 : i32 to index
      %get3A_1773 = arith.index_cast %add3A_1770 : i32 to index
      %get3A_1774 = arith.constant 0 : index
      %get3A_1775 = tpu.vector_load %arg11[%get3A_1772, %get3A_1773, %get3A_1774] {strides = array<i32>} : memref<2x128x64xf32, #tpu.memory_space<vmem>>, vector<1x1x16xf32>,
      %get3A_1776 = vector.shape_cast %get3A_1775 : vector<1x1x16xf32> to vector<16xf32>
      %get3A_1777 = arith.constant 0 : i32
      %get3A_1778 = arith.index_cast %get3A_1777 : i32 to index
      %get3A_1779 = arith.index_cast %add3A_1770 : i32 to index
      %get3A_1780 = arith.constant 0 : index
      %get3A_1781 = tpu.vector_load %arg12[%get3A_1778, %get3A_1779, %get3A_1780] {strides = array<i32>} : memref<2x128x64xf32, #tpu.memory_space<vmem>>, vector<1x1x16xf32>,
      %get3A_1782 = vector.shape_cast %get3A_1781 : vector<1x1x16xf32> to vector<16xf32>
      %get3A_1783 = arith.constant 0 : i32
      %get3A_1784 = arith.index_cast %get3A_1783 : i32 to index
      %get3A_1785 = arith.index_cast %add3A_1770 : i32 to index
      %get3A_1786 = arith.constant 0 : index
      %get3A_1787 = tpu.vector_load %arg13[%get3A_1784, %get3A_1785, %get3A_1786] {strides = array<i32>} : memref<2x128x64xf32, #tpu.memory_space<vmem>>, vector<1x1x16xf32>,
      %get3A_1788 = vector.shape_cast %get3A_1787 : vector<1x1x16xf32> to vector<16xf32>
      %sub3A_1789 = arith.subf %get3A_1788, %get3A_1776 : vector<16xf32>
      %mul3A_1790 = arith.mulf %broadcast_in_dim3A_1766, %sub3A_1789 : vector<16xf32>
      %add3A_1791 = arith.addf %get3A_1776, %mul3A_1790 : vector<16xf32>
      %sub3A_1792 = arith.subf %add3A_1791, %get3A_1782 : vector<16xf32>
      %abs3A_1793 = math.absf %sub3A_1792 : vector<16xf32>
      %sub3A_1794 = arith.subf %get3A_1776, %get3A_1782 : vector<16xf32>
      %abs3A_1795 = math.absf %sub3A_1794 : vector<16xf32>
      %sub3A_1796 = arith.subf %abs3A_1793, %abs3A_1795 : vector<16xf32>
      %add3A_1797 = arith.addf %add3A_1763, %sub3A_1796 : vector<16xf32>
      %get3A_1798 = arith.constant 0 : i32
      %get3A_1799 = arith.index_cast %get3A_1798 : i32 to index
      %get3A_1800 = arith.index_cast %add3A_1770 : i32 to index
      %get3A_1801 = arith.constant 16 : index
      %get3A_1802 = tpu.vector_load %arg11[%get3A_1799, %get3A_1800, %get3A_1801] {strides = array<i32>} : memref<2x128x64xf32, #tpu.memory_space<vmem>>, vector<1x1x16xf32>,
      %get3A_1803 = vector.shape_cast %get3A_1802 : vector<1x1x16xf32> to vector<16xf32>
      %get3A_1804 = arith.constant 0 : i32
      %get3A_1805 = arith.index_cast %get3A_1804 : i32 to index
      %get3A_1806 = arith.index_cast %add3A_1770 : i32 to index
      %get3A_1807 = arith.constant 16 : index
      %get3A_1808 = tpu.vector_load %arg12[%get3A_1805, %get3A_1806, %get3A_1807] {strides = array<i32>} : memref<2x128x64xf32, #tpu.memory_space<vmem>>, vector<1x1x16xf32>,
      %get3A_1809 = vector.shape_cast %get3A_1808 : vector<1x1x16xf32> to vector<16xf32>
      %get3A_1810 = arith.constant 0 : i32
      %get3A_1811 = arith.index_cast %get3A_1810 : i32 to index
      %get3A_1812 = arith.index_cast %add3A_1770 : i32 to index
      %get3A_1813 = arith.constant 16 : index
      %get3A_1814 = tpu.vector_load %arg13[%get3A_1811, %get3A_1812, %get3A_1813] {strides = array<i32>} : memref<2x128x64xf32, #tpu.memory_space<vmem>>, vector<1x1x16xf32>,
      %get3A_1815 = vector.shape_cast %get3A_1814 : vector<1x1x16xf32> to vector<16xf32>
      %sub3A_1816 = arith.subf %get3A_1815, %get3A_1803 : vector<16xf32>
      %mul3A_1817 = arith.mulf %broadcast_in_dim3A_1766, %sub3A_1816 : vector<16xf32>
      %add3A_1818 = arith.addf %get3A_1803, %mul3A_1817 : vector<16xf32>
      %sub3A_1819 = arith.subf %add3A_1818, %get3A_1809 : vector<16xf32>
      %abs3A_1820 = math.absf %sub3A_1819 : vector<16xf32>
      %sub3A_1821 = arith.subf %get3A_1803, %get3A_1809 : vector<16xf32>
      %abs3A_1822 = math.absf %sub3A_1821 : vector<16xf32>
      %sub3A_1823 = arith.subf %abs3A_1820, %abs3A_1822 : vector<16xf32>
      %add3A_1824 = arith.addf %add3A_1797, %sub3A_1823 : vector<16xf32>
      %get3A_1825 = arith.constant 0 : i32
      %get3A_1826 = arith.index_cast %get3A_1825 : i32 to index
      %get3A_1827 = arith.index_cast %add3A_1770 : i32 to index
      %get3A_1828 = arith.constant 32 : index
      %get3A_1829 = tpu.vector_load %arg11[%get3A_1826, %get3A_1827, %get3A_1828] {strides = array<i32>} : memref<2x128x64xf32, #tpu.memory_space<vmem>>, vector<1x1x16xf32>,
      %get3A_1830 = vector.shape_cast %get3A_1829 : vector<1x1x16xf32> to vector<16xf32>
      %get3A_1831 = arith.constant 0 : i32
      %get3A_1832 = arith.index_cast %get3A_1831 : i32 to index
      %get3A_1833 = arith.index_cast %add3A_1770 : i32 to index
      %get3A_1834 = arith.constant 32 : index
      %get3A_1835 = tpu.vector_load %arg12[%get3A_1832, %get3A_1833, %get3A_1834] {strides = array<i32>} : memref<2x128x64xf32, #tpu.memory_space<vmem>>, vector<1x1x16xf32>,
      %get3A_1836 = vector.shape_cast %get3A_1835 : vector<1x1x16xf32> to vector<16xf32>
      %get3A_1837 = arith.constant 0 : i32
      %get3A_1838 = arith.index_cast %get3A_1837 : i32 to index
      %get3A_1839 = arith.index_cast %add3A_1770 : i32 to index
      %get3A_1840 = arith.constant 32 : index
      %get3A_1841 = tpu.vector_load %arg13[%get3A_1838, %get3A_1839, %get3A_1840] {strides = array<i32>} : memref<2x128x64xf32, #tpu.memory_space<vmem>>, vector<1x1x16xf32>,
      %get3A_1842 = vector.shape_cast %get3A_1841 : vector<1x1x16xf32> to vector<16xf32>
      %sub3A_1843 = arith.subf %get3A_1842, %get3A_1830 : vector<16xf32>
      %mul3A_1844 = arith.mulf %broadcast_in_dim3A_1766, %sub3A_1843 : vector<16xf32>
      %add3A_1845 = arith.addf %get3A_1830, %mul3A_1844 : vector<16xf32>
      %sub3A_1846 = arith.subf %add3A_1845, %get3A_1836 : vector<16xf32>
      %abs3A_1847 = math.absf %sub3A_1846 : vector<16xf32>
      %sub3A_1848 = arith.subf %get3A_1830, %get3A_1836 : vector<16xf32>
      %abs3A_1849 = math.absf %sub3A_1848 : vector<16xf32>
      %sub3A_1850 = arith.subf %abs3A_1847, %abs3A_1849 : vector<16xf32>
      %add3A_1851 = arith.addf %add3A_1824, %sub3A_1850 : vector<16xf32>
      %get3A_1852 = arith.constant 0 : i32
      %get3A_1853 = arith.index_cast %get3A_1852 : i32 to index
      %get3A_1854 = arith.index_cast %add3A_1770 : i32 to index
      %get3A_1855 = arith.constant 48 : index
      %get3A_1856 = tpu.vector_load %arg11[%get3A_1853, %get3A_1854, %get3A_1855] {strides = array<i32>} : memref<2x128x64xf32, #tpu.memory_space<vmem>>, vector<1x1x16xf32>,
      %get3A_1857 = vector.shape_cast %get3A_1856 : vector<1x1x16xf32> to vector<16xf32>
      %get3A_1858 = arith.constant 0 : i32
      %get3A_1859 = arith.index_cast %get3A_1858 : i32 to index
      %get3A_1860 = arith.index_cast %add3A_1770 : i32 to index
      %get3A_1861 = arith.constant 48 : index
      %get3A_1862 = tpu.vector_load %arg12[%get3A_1859, %get3A_1860, %get3A_1861] {strides = array<i32>} : memref<2x128x64xf32, #tpu.memory_space<vmem>>, vector<1x1x16xf32>,
      %get3A_1863 = vector.shape_cast %get3A_1862 : vector<1x1x16xf32> to vector<16xf32>
      %get3A_1864 = arith.constant 0 : i32
      %get3A_1865 = arith.index_cast %get3A_1864 : i32 to index
      %get3A_1866 = arith.index_cast %add3A_1770 : i32 to index
      %get3A_1867 = arith.constant 48 : index
      %get3A_1868 = tpu.vector_load %arg13[%get3A_1865, %get3A_1866, %get3A_1867] {strides = array<i32>} : memref<2x128x64xf32, #tpu.memory_space<vmem>>, vector<1x1x16xf32>,
      %get3A_1869 = vector.shape_cast %get3A_1868 : vector<1x1x16xf32> to vector<16xf32>
      %sub3A_1870 = arith.subf %get3A_1869, %get3A_1857 : vector<16xf32>
      %mul3A_1871 = arith.mulf %broadcast_in_dim3A_1766, %sub3A_1870 : vector<16xf32>
      %add3A_1872 = arith.addf %get3A_1857, %mul3A_1871 : vector<16xf32>
      %sub3A_1873 = arith.subf %add3A_1872, %get3A_1863 : vector<16xf32>
      %abs3A_1874 = math.absf %sub3A_1873 : vector<16xf32>
      %sub3A_1875 = arith.subf %get3A_1857, %get3A_1863 : vector<16xf32>
      %abs3A_1876 = math.absf %sub3A_1875 : vector<16xf32>
      %sub3A_1877 = arith.subf %abs3A_1874, %abs3A_1876 : vector<16xf32>
      %add3A_1878 = arith.addf %add3A_1851, %sub3A_1877 : vector<16xf32>
      %slice3A_1879 = vector.extract_strided_slice %get3A_617 {offsets = [11], sizes = [1], strides = [1]} : vector<16xf32> to vector<1xf32>
      %squeeze3A_1880 = vector.extract %slice3A_1879[0] : f32 from vector<1xf32>
      %broadcast_in_dim3A_1881 = vector.broadcast %squeeze3A_1880 : f32 to vector<16xf32>
      %mul3A_1882 = arith.constant 16 : i32
      %mul3A_1883 = arith.muli %scan3A_609, %mul3A_1882 : i32
      %add3A_1884 = arith.constant 11 : i32
      %add3A_1885 = arith.addi %mul3A_1883, %add3A_1884 : i32
      %get3A_1886 = arith.constant 0 : i32
      %get3A_1887 = arith.index_cast %get3A_1886 : i32 to index
      %get3A_1888 = arith.index_cast %add3A_1885 : i32 to index
      %get3A_1889 = arith.constant 0 : index
      %get3A_1890 = tpu.vector_load %arg11[%get3A_1887, %get3A_1888, %get3A_1889] {strides = array<i32>} : memref<2x128x64xf32, #tpu.memory_space<vmem>>, vector<1x1x16xf32>,
      %get3A_1891 = vector.shape_cast %get3A_1890 : vector<1x1x16xf32> to vector<16xf32>
      %get3A_1892 = arith.constant 0 : i32
      %get3A_1893 = arith.index_cast %get3A_1892 : i32 to index
      %get3A_1894 = arith.index_cast %add3A_1885 : i32 to index
      %get3A_1895 = arith.constant 0 : index
      %get3A_1896 = tpu.vector_load %arg12[%get3A_1893, %get3A_1894, %get3A_1895] {strides = array<i32>} : memref<2x128x64xf32, #tpu.memory_space<vmem>>, vector<1x1x16xf32>,
      %get3A_1897 = vector.shape_cast %get3A_1896 : vector<1x1x16xf32> to vector<16xf32>
      %get3A_1898 = arith.constant 0 : i32
      %get3A_1899 = arith.index_cast %get3A_1898 : i32 to index
      %get3A_1900 = arith.index_cast %add3A_1885 : i32 to index
      %get3A_1901 = arith.constant 0 : index
      %get3A_1902 = tpu.vector_load %arg13[%get3A_1899, %get3A_1900, %get3A_1901] {strides = array<i32>} : memref<2x128x64xf32, #tpu.memory_space<vmem>>, vector<1x1x16xf32>,
      %get3A_1903 = vector.shape_cast %get3A_1902 : vector<1x1x16xf32> to vector<16xf32>
      %sub3A_1904 = arith.subf %get3A_1903, %get3A_1891 : vector<16xf32>
      %mul3A_1905 = arith.mulf %broadcast_in_dim3A_1881, %sub3A_1904 : vector<16xf32>
      %add3A_1906 = arith.addf %get3A_1891, %mul3A_1905 : vector<16xf32>
      %sub3A_1907 = arith.subf %add3A_1906, %get3A_1897 : vector<16xf32>
      %abs3A_1908 = math.absf %sub3A_1907 : vector<16xf32>
      %sub3A_1909 = arith.subf %get3A_1891, %get3A_1897 : vector<16xf32>
      %abs3A_1910 = math.absf %sub3A_1909 : vector<16xf32>
      %sub3A_1911 = arith.subf %abs3A_1908, %abs3A_1910 : vector<16xf32>
      %add3A_1912 = arith.addf %add3A_1878, %sub3A_1911 : vector<16xf32>
      %get3A_1913 = arith.constant 0 : i32
      %get3A_1914 = arith.index_cast %get3A_1913 : i32 to index
      %get3A_1915 = arith.index_cast %add3A_1885 : i32 to index
      %get3A_1916 = arith.constant 16 : index
      %get3A_1917 = tpu.vector_load %arg11[%get3A_1914, %get3A_1915, %get3A_1916] {strides = array<i32>} : memref<2x128x64xf32, #tpu.memory_space<vmem>>, vector<1x1x16xf32>,
      %get3A_1918 = vector.shape_cast %get3A_1917 : vector<1x1x16xf32> to vector<16xf32>
      %get3A_1919 = arith.constant 0 : i32
      %get3A_1920 = arith.index_cast %get3A_1919 : i32 to index
      %get3A_1921 = arith.index_cast %add3A_1885 : i32 to index
      %get3A_1922 = arith.constant 16 : index
      %get3A_1923 = tpu.vector_load %arg12[%get3A_1920, %get3A_1921, %get3A_1922] {strides = array<i32>} : memref<2x128x64xf32, #tpu.memory_space<vmem>>, vector<1x1x16xf32>,
      %get3A_1924 = vector.shape_cast %get3A_1923 : vector<1x1x16xf32> to vector<16xf32>
      %get3A_1925 = arith.constant 0 : i32
      %get3A_1926 = arith.index_cast %get3A_1925 : i32 to index
      %get3A_1927 = arith.index_cast %add3A_1885 : i32 to index
      %get3A_1928 = arith.constant 16 : index
      %get3A_1929 = tpu.vector_load %arg13[%get3A_1926, %get3A_1927, %get3A_1928] {strides = array<i32>} : memref<2x128x64xf32, #tpu.memory_space<vmem>>, vector<1x1x16xf32>,
      %get3A_1930 = vector.shape_cast %get3A_1929 : vector<1x1x16xf32> to vector<16xf32>
      %sub3A_1931 = arith.subf %get3A_1930, %get3A_1918 : vector<16xf32>
      %mul3A_1932 = arith.mulf %broadcast_in_dim3A_1881, %sub3A_1931 : vector<16xf32>
      %add3A_1933 = arith.addf %get3A_1918, %mul3A_1932 : vector<16xf32>
      %sub3A_1934 = arith.subf %add3A_1933, %get3A_1924 : vector<16xf32>
      %abs3A_1935 = math.absf %sub3A_1934 : vector<16xf32>
      %sub3A_1936 = arith.subf %get3A_1918, %get3A_1924 : vector<16xf32>
      %abs3A_1937 = math.absf %sub3A_1936 : vector<16xf32>
      %sub3A_1938 = arith.subf %abs3A_1935, %abs3A_1937 : vector<16xf32>
      %add3A_1939 = arith.addf %add3A_1912, %sub3A_1938 : vector<16xf32>
      %get3A_1940 = arith.constant 0 : i32
      %get3A_1941 = arith.index_cast %get3A_1940 : i32 to index
      %get3A_1942 = arith.index_cast %add3A_1885 : i32 to index
      %get3A_1943 = arith.constant 32 : index
      %get3A_1944 = tpu.vector_load %arg11[%get3A_1941, %get3A_1942, %get3A_1943] {strides = array<i32>} : memref<2x128x64xf32, #tpu.memory_space<vmem>>, vector<1x1x16xf32>,
      %get3A_1945 = vector.shape_cast %get3A_1944 : vector<1x1x16xf32> to vector<16xf32>
      %get3A_1946 = arith.constant 0 : i32
      %get3A_1947 = arith.index_cast %get3A_1946 : i32 to index
      %get3A_1948 = arith.index_cast %add3A_1885 : i32 to index
      %get3A_1949 = arith.constant 32 : index
      %get3A_1950 = tpu.vector_load %arg12[%get3A_1947, %get3A_1948, %get3A_1949] {strides = array<i32>} : memref<2x128x64xf32, #tpu.memory_space<vmem>>, vector<1x1x16xf32>,
      %get3A_1951 = vector.shape_cast %get3A_1950 : vector<1x1x16xf32> to vector<16xf32>
      %get3A_1952 = arith.constant 0 : i32
      %get3A_1953 = arith.index_cast %get3A_1952 : i32 to index
      %get3A_1954 = arith.index_cast %add3A_1885 : i32 to index
      %get3A_1955 = arith.constant 32 : index
      %get3A_1956 = tpu.vector_load %arg13[%get3A_1953, %get3A_1954, %get3A_1955] {strides = array<i32>} : memref<2x128x64xf32, #tpu.memory_space<vmem>>, vector<1x1x16xf32>,
      %get3A_1957 = vector.shape_cast %get3A_1956 : vector<1x1x16xf32> to vector<16xf32>
      %sub3A_1958 = arith.subf %get3A_1957, %get3A_1945 : vector<16xf32>
      %mul3A_1959 = arith.mulf %broadcast_in_dim3A_1881, %sub3A_1958 : vector<16xf32>
      %add3A_1960 = arith.addf %get3A_1945, %mul3A_1959 : vector<16xf32>
      %sub3A_1961 = arith.subf %add3A_1960, %get3A_1951 : vector<16xf32>
      %abs3A_1962 = math.absf %sub3A_1961 : vector<16xf32>
      %sub3A_1963 = arith.subf %get3A_1945, %get3A_1951 : vector<16xf32>
      %abs3A_1964 = math.absf %sub3A_1963 : vector<16xf32>
      %sub3A_1965 = arith.subf %abs3A_1962, %abs3A_1964 : vector<16xf32>
      %add3A_1966 = arith.addf %add3A_1939, %sub3A_1965 : vector<16xf32>
      %get3A_1967 = arith.constant 0 : i32
      %get3A_1968 = arith.index_cast %get3A_1967 : i32 to index
      %get3A_1969 = arith.index_cast %add3A_1885 : i32 to index
      %get3A_1970 = arith.constant 48 : index
      %get3A_1971 = tpu.vector_load %arg11[%get3A_1968, %get3A_1969, %get3A_1970] {strides = array<i32>} : memref<2x128x64xf32, #tpu.memory_space<vmem>>, vector<1x1x16xf32>,
      %get3A_1972 = vector.shape_cast %get3A_1971 : vector<1x1x16xf32> to vector<16xf32>
      %get3A_1973 = arith.constant 0 : i32
      %get3A_1974 = arith.index_cast %get3A_1973 : i32 to index
      %get3A_1975 = arith.index_cast %add3A_1885 : i32 to index
      %get3A_1976 = arith.constant 48 : index
      %get3A_1977 = tpu.vector_load %arg12[%get3A_1974, %get3A_1975, %get3A_1976] {strides = array<i32>} : memref<2x128x64xf32, #tpu.memory_space<vmem>>, vector<1x1x16xf32>,
      %get3A_1978 = vector.shape_cast %get3A_1977 : vector<1x1x16xf32> to vector<16xf32>
      %get3A_1979 = arith.constant 0 : i32
      %get3A_1980 = arith.index_cast %get3A_1979 : i32 to index
      %get3A_1981 = arith.index_cast %add3A_1885 : i32 to index
      %get3A_1982 = arith.constant 48 : index
      %get3A_1983 = tpu.vector_load %arg13[%get3A_1980, %get3A_1981, %get3A_1982] {strides = array<i32>} : memref<2x128x64xf32, #tpu.memory_space<vmem>>, vector<1x1x16xf32>,
      %get3A_1984 = vector.shape_cast %get3A_1983 : vector<1x1x16xf32> to vector<16xf32>
      %sub3A_1985 = arith.subf %get3A_1984, %get3A_1972 : vector<16xf32>
      %mul3A_1986 = arith.mulf %broadcast_in_dim3A_1881, %sub3A_1985 : vector<16xf32>
      %add3A_1987 = arith.addf %get3A_1972, %mul3A_1986 : vector<16xf32>
      %sub3A_1988 = arith.subf %add3A_1987, %get3A_1978 : vector<16xf32>
      %abs3A_1989 = math.absf %sub3A_1988 : vector<16xf32>
      %sub3A_1990 = arith.subf %get3A_1972, %get3A_1978 : vector<16xf32>
      %abs3A_1991 = math.absf %sub3A_1990 : vector<16xf32>
      %sub3A_1992 = arith.subf %abs3A_1989, %abs3A_1991 : vector<16xf32>
      %add3A_1993 = arith.addf %add3A_1966, %sub3A_1992 : vector<16xf32>
      %slice3A_1994 = vector.extract_strided_slice %get3A_617 {offsets = [12], sizes = [1], strides = [1]} : vector<16xf32> to vector<1xf32>
      %squeeze3A_1995 = vector.extract %slice3A_1994[0] : f32 from vector<1xf32>
      %broadcast_in_dim3A_1996 = vector.broadcast %squeeze3A_1995 : f32 to vector<16xf32>
      %mul3A_1997 = arith.constant 16 : i32
      %mul3A_1998 = arith.muli %scan3A_609, %mul3A_1997 : i32
      %add3A_1999 = arith.constant 12 : i32
      %add3A_2000 = arith.addi %mul3A_1998, %add3A_1999 : i32
      %get3A_2001 = arith.constant 0 : i32
      %get3A_2002 = arith.index_cast %get3A_2001 : i32 to index
      %get3A_2003 = arith.index_cast %add3A_2000 : i32 to index
      %get3A_2004 = arith.constant 0 : index
      %get3A_2005 = tpu.vector_load %arg11[%get3A_2002, %get3A_2003, %get3A_2004] {strides = array<i32>} : memref<2x128x64xf32, #tpu.memory_space<vmem>>, vector<1x1x16xf32>,
      %get3A_2006 = vector.shape_cast %get3A_2005 : vector<1x1x16xf32> to vector<16xf32>
      %get3A_2007 = arith.constant 0 : i32
      %get3A_2008 = arith.index_cast %get3A_2007 : i32 to index
      %get3A_2009 = arith.index_cast %add3A_2000 : i32 to index
      %get3A_2010 = arith.constant 0 : index
      %get3A_2011 = tpu.vector_load %arg12[%get3A_2008, %get3A_2009, %get3A_2010] {strides = array<i32>} : memref<2x128x64xf32, #tpu.memory_space<vmem>>, vector<1x1x16xf32>,
      %get3A_2012 = vector.shape_cast %get3A_2011 : vector<1x1x16xf32> to vector<16xf32>
      %get3A_2013 = arith.constant 0 : i32
      %get3A_2014 = arith.index_cast %get3A_2013 : i32 to index
      %get3A_2015 = arith.index_cast %add3A_2000 : i32 to index
      %get3A_2016 = arith.constant 0 : index
      %get3A_2017 = tpu.vector_load %arg13[%get3A_2014, %get3A_2015, %get3A_2016] {strides = array<i32>} : memref<2x128x64xf32, #tpu.memory_space<vmem>>, vector<1x1x16xf32>,
      %get3A_2018 = vector.shape_cast %get3A_2017 : vector<1x1x16xf32> to vector<16xf32>
      %sub3A_2019 = arith.subf %get3A_2018, %get3A_2006 : vector<16xf32>
      %mul3A_2020 = arith.mulf %broadcast_in_dim3A_1996, %sub3A_2019 : vector<16xf32>
      %add3A_2021 = arith.addf %get3A_2006, %mul3A_2020 : vector<16xf32>
      %sub3A_2022 = arith.subf %add3A_2021, %get3A_2012 : vector<16xf32>
      %abs3A_2023 = math.absf %sub3A_2022 : vector<16xf32>
      %sub3A_2024 = arith.subf %get3A_2006, %get3A_2012 : vector<16xf32>
      %abs3A_2025 = math.absf %sub3A_2024 : vector<16xf32>
      %sub3A_2026 = arith.subf %abs3A_2023, %abs3A_2025 : vector<16xf32>
      %add3A_2027 = arith.addf %add3A_1993, %sub3A_2026 : vector<16xf32>
      %get3A_2028 = arith.constant 0 : i32
      %get3A_2029 = arith.index_cast %get3A_2028 : i32 to index
      %get3A_2030 = arith.index_cast %add3A_2000 : i32 to index
      %get3A_2031 = arith.constant 16 : index
      %get3A_2032 = tpu.vector_load %arg11[%get3A_2029, %get3A_2030, %get3A_2031] {strides = array<i32>} : memref<2x128x64xf32, #tpu.memory_space<vmem>>, vector<1x1x16xf32>,
      %get3A_2033 = vector.shape_cast %get3A_2032 : vector<1x1x16xf32> to vector<16xf32>
      %get3A_2034 = arith.constant 0 : i32
      %get3A_2035 = arith.index_cast %get3A_2034 : i32 to index
      %get3A_2036 = arith.index_cast %add3A_2000 : i32 to index
      %get3A_2037 = arith.constant 16 : index
      %get3A_2038 = tpu.vector_load %arg12[%get3A_2035, %get3A_2036, %get3A_2037] {strides = array<i32>} : memref<2x128x64xf32, #tpu.memory_space<vmem>>, vector<1x1x16xf32>,
      %get3A_2039 = vector.shape_cast %get3A_2038 : vector<1x1x16xf32> to vector<16xf32>
      %get3A_2040 = arith.constant 0 : i32
      %get3A_2041 = arith.index_cast %get3A_2040 : i32 to index
      %get3A_2042 = arith.index_cast %add3A_2000 : i32 to index
      %get3A_2043 = arith.constant 16 : index
      %get3A_2044 = tpu.vector_load %arg13[%get3A_2041, %get3A_2042, %get3A_2043] {strides = array<i32>} : memref<2x128x64xf32, #tpu.memory_space<vmem>>, vector<1x1x16xf32>,
      %get3A_2045 = vector.shape_cast %get3A_2044 : vector<1x1x16xf32> to vector<16xf32>
      %sub3A_2046 = arith.subf %get3A_2045, %get3A_2033 : vector<16xf32>
      %mul3A_2047 = arith.mulf %broadcast_in_dim3A_1996, %sub3A_2046 : vector<16xf32>
      %add3A_2048 = arith.addf %get3A_2033, %mul3A_2047 : vector<16xf32>
      %sub3A_2049 = arith.subf %add3A_2048, %get3A_2039 : vector<16xf32>
      %abs3A_2050 = math.absf %sub3A_2049 : vector<16xf32>
      %sub3A_2051 = arith.subf %get3A_2033, %get3A_2039 : vector<16xf32>
      %abs3A_2052 = math.absf %sub3A_2051 : vector<16xf32>
      %sub3A_2053 = arith.subf %abs3A_2050, %abs3A_2052 : vector<16xf32>
      %add3A_2054 = arith.addf %add3A_2027, %sub3A_2053 : vector<16xf32>
      %get3A_2055 = arith.constant 0 : i32
      %get3A_2056 = arith.index_cast %get3A_2055 : i32 to index
      %get3A_2057 = arith.index_cast %add3A_2000 : i32 to index
      %get3A_2058 = arith.constant 32 : index
      %get3A_2059 = tpu.vector_load %arg11[%get3A_2056, %get3A_2057, %get3A_2058] {strides = array<i32>} : memref<2x128x64xf32, #tpu.memory_space<vmem>>, vector<1x1x16xf32>,
      %get3A_2060 = vector.shape_cast %get3A_2059 : vector<1x1x16xf32> to vector<16xf32>
      %get3A_2061 = arith.constant 0 : i32
      %get3A_2062 = arith.index_cast %get3A_2061 : i32 to index
      %get3A_2063 = arith.index_cast %add3A_2000 : i32 to index
      %get3A_2064 = arith.constant 32 : index
      %get3A_2065 = tpu.vector_load %arg12[%get3A_2062, %get3A_2063, %get3A_2064] {strides = array<i32>} : memref<2x128x64xf32, #tpu.memory_space<vmem>>, vector<1x1x16xf32>,
      %get3A_2066 = vector.shape_cast %get3A_2065 : vector<1x1x16xf32> to vector<16xf32>
      %get3A_2067 = arith.constant 0 : i32
      %get3A_2068 = arith.index_cast %get3A_2067 : i32 to index
      %get3A_2069 = arith.index_cast %add3A_2000 : i32 to index
      %get3A_2070 = arith.constant 32 : index
      %get3A_2071 = tpu.vector_load %arg13[%get3A_2068, %get3A_2069, %get3A_2070] {strides = array<i32>} : memref<2x128x64xf32, #tpu.memory_space<vmem>>, vector<1x1x16xf32>,
      %get3A_2072 = vector.shape_cast %get3A_2071 : vector<1x1x16xf32> to vector<16xf32>
      %sub3A_2073 = arith.subf %get3A_2072, %get3A_2060 : vector<16xf32>
      %mul3A_2074 = arith.mulf %broadcast_in_dim3A_1996, %sub3A_2073 : vector<16xf32>
      %add3A_2075 = arith.addf %get3A_2060, %mul3A_2074 : vector<16xf32>
      %sub3A_2076 = arith.subf %add3A_2075, %get3A_2066 : vector<16xf32>
      %abs3A_2077 = math.absf %sub3A_2076 : vector<16xf32>
      %sub3A_2078 = arith.subf %get3A_2060, %get3A_2066 : vector<16xf32>
      %abs3A_2079 = math.absf %sub3A_2078 : vector<16xf32>
      %sub3A_2080 = arith.subf %abs3A_2077, %abs3A_2079 : vector<16xf32>
      %add3A_2081 = arith.addf %add3A_2054, %sub3A_2080 : vector<16xf32>
      %get3A_2082 = arith.constant 0 : i32
      %get3A_2083 = arith.index_cast %get3A_2082 : i32 to index
      %get3A_2084 = arith.index_cast %add3A_2000 : i32 to index
      %get3A_2085 = arith.constant 48 : index
      %get3A_2086 = tpu.vector_load %arg11[%get3A_2083, %get3A_2084, %get3A_2085] {strides = array<i32>} : memref<2x128x64xf32, #tpu.memory_space<vmem>>, vector<1x1x16xf32>,
      %get3A_2087 = vector.shape_cast %get3A_2086 : vector<1x1x16xf32> to vector<16xf32>
      %get3A_2088 = arith.constant 0 : i32
      %get3A_2089 = arith.index_cast %get3A_2088 : i32 to index
      %get3A_2090 = arith.index_cast %add3A_2000 : i32 to index
      %get3A_2091 = arith.constant 48 : index
      %get3A_2092 = tpu.vector_load %arg12[%get3A_2089, %get3A_2090, %get3A_2091] {strides = array<i32>} : memref<2x128x64xf32, #tpu.memory_space<vmem>>, vector<1x1x16xf32>,
      %get3A_2093 = vector.shape_cast %get3A_2092 : vector<1x1x16xf32> to vector<16xf32>
      %get3A_2094 = arith.constant 0 : i32
      %get3A_2095 = arith.index_cast %get3A_2094 : i32 to index
      %get3A_2096 = arith.index_cast %add3A_2000 : i32 to index
      %get3A_2097 = arith.constant 48 : index
      %get3A_2098 = tpu.vector_load %arg13[%get3A_2095, %get3A_2096, %get3A_2097] {strides = array<i32>} : memref<2x128x64xf32, #tpu.memory_space<vmem>>, vector<1x1x16xf32>,
      %get3A_2099 = vector.shape_cast %get3A_2098 : vector<1x1x16xf32> to vector<16xf32>
      %sub3A_2100 = arith.subf %get3A_2099, %get3A_2087 : vector<16xf32>
      %mul3A_2101 = arith.mulf %broadcast_in_dim3A_1996, %sub3A_2100 : vector<16xf32>
      %add3A_2102 = arith.addf %get3A_2087, %mul3A_2101 : vector<16xf32>
      %sub3A_2103 = arith.subf %add3A_2102, %get3A_2093 : vector<16xf32>
      %abs3A_2104 = math.absf %sub3A_2103 : vector<16xf32>
      %sub3A_2105 = arith.subf %get3A_2087, %get3A_2093 : vector<16xf32>
      %abs3A_2106 = math.absf %sub3A_2105 : vector<16xf32>
      %sub3A_2107 = arith.subf %abs3A_2104, %abs3A_2106 : vector<16xf32>
      %add3A_2108 = arith.addf %add3A_2081, %sub3A_2107 : vector<16xf32>
      %slice3A_2109 = vector.extract_strided_slice %get3A_617 {offsets = [13], sizes = [1], strides = [1]} : vector<16xf32> to vector<1xf32>
      %squeeze3A_2110 = vector.extract %slice3A_2109[0] : f32 from vector<1xf32>
      %broadcast_in_dim3A_2111 = vector.broadcast %squeeze3A_2110 : f32 to vector<16xf32>
      %mul3A_2112 = arith.constant 16 : i32
      %mul3A_2113 = arith.muli %scan3A_609, %mul3A_2112 : i32
      %add3A_2114 = arith.constant 13 : i32
      %add3A_2115 = arith.addi %mul3A_2113, %add3A_2114 : i32
      %get3A_2116 = arith.constant 0 : i32
      %get3A_2117 = arith.index_cast %get3A_2116 : i32 to index
      %get3A_2118 = arith.index_cast %add3A_2115 : i32 to index
      %get3A_2119 = arith.constant 0 : index
      %get3A_2120 = tpu.vector_load %arg11[%get3A_2117, %get3A_2118, %get3A_2119] {strides = array<i32>} : memref<2x128x64xf32, #tpu.memory_space<vmem>>, vector<1x1x16xf32>,
      %get3A_2121 = vector.shape_cast %get3A_2120 : vector<1x1x16xf32> to vector<16xf32>
      %get3A_2122 = arith.constant 0 : i32
      %get3A_2123 = arith.index_cast %get3A_2122 : i32 to index
      %get3A_2124 = arith.index_cast %add3A_2115 : i32 to index
      %get3A_2125 = arith.constant 0 : index
      %get3A_2126 = tpu.vector_load %arg12[%get3A_2123, %get3A_2124, %get3A_2125] {strides = array<i32>} : memref<2x128x64xf32, #tpu.memory_space<vmem>>, vector<1x1x16xf32>,
      %get3A_2127 = vector.shape_cast %get3A_2126 : vector<1x1x16xf32> to vector<16xf32>
      %get3A_2128 = arith.constant 0 : i32
      %get3A_2129 = arith.index_cast %get3A_2128 : i32 to index
      %get3A_2130 = arith.index_cast %add3A_2115 : i32 to index
      %get3A_2131 = arith.constant 0 : index
      %get3A_2132 = tpu.vector_load %arg13[%get3A_2129, %get3A_2130, %get3A_2131] {strides = array<i32>} : memref<2x128x64xf32, #tpu.memory_space<vmem>>, vector<1x1x16xf32>,
      %get3A_2133 = vector.shape_cast %get3A_2132 : vector<1x1x16xf32> to vector<16xf32>
      %sub3A_2134 = arith.subf %get3A_2133, %get3A_2121 : vector<16xf32>
      %mul3A_2135 = arith.mulf %broadcast_in_dim3A_2111, %sub3A_2134 : vector<16xf32>
      %add3A_2136 = arith.addf %get3A_2121, %mul3A_2135 : vector<16xf32>
      %sub3A_2137 = arith.subf %add3A_2136, %get3A_2127 : vector<16xf32>
      %abs3A_2138 = math.absf %sub3A_2137 : vector<16xf32>
      %sub3A_2139 = arith.subf %get3A_2121, %get3A_2127 : vector<16xf32>
      %abs3A_2140 = math.absf %sub3A_2139 : vector<16xf32>
      %sub3A_2141 = arith.subf %abs3A_2138, %abs3A_2140 : vector<16xf32>
      %add3A_2142 = arith.addf %add3A_2108, %sub3A_2141 : vector<16xf32>
      %get3A_2143 = arith.constant 0 : i32
      %get3A_2144 = arith.index_cast %get3A_2143 : i32 to index
      %get3A_2145 = arith.index_cast %add3A_2115 : i32 to index
      %get3A_2146 = arith.constant 16 : index
      %get3A_2147 = tpu.vector_load %arg11[%get3A_2144, %get3A_2145, %get3A_2146] {strides = array<i32>} : memref<2x128x64xf32, #tpu.memory_space<vmem>>, vector<1x1x16xf32>,
      %get3A_2148 = vector.shape_cast %get3A_2147 : vector<1x1x16xf32> to vector<16xf32>
      %get3A_2149 = arith.constant 0 : i32
      %get3A_2150 = arith.index_cast %get3A_2149 : i32 to index
      %get3A_2151 = arith.index_cast %add3A_2115 : i32 to index
      %get3A_2152 = arith.constant 16 : index
      %get3A_2153 = tpu.vector_load %arg12[%get3A_2150, %get3A_2151, %get3A_2152] {strides = array<i32>} : memref<2x128x64xf32, #tpu.memory_space<vmem>>, vector<1x1x16xf32>,
      %get3A_2154 = vector.shape_cast %get3A_2153 : vector<1x1x16xf32> to vector<16xf32>
      %get3A_2155 = arith.constant 0 : i32
      %get3A_2156 = arith.index_cast %get3A_2155 : i32 to index
      %get3A_2157 = arith.index_cast %add3A_2115 : i32 to index
      %get3A_2158 = arith.constant 16 : index
      %get3A_2159 = tpu.vector_load %arg13[%get3A_2156, %get3A_2157, %get3A_2158] {strides = array<i32>} : memref<2x128x64xf32, #tpu.memory_space<vmem>>, vector<1x1x16xf32>,
      %get3A_2160 = vector.shape_cast %get3A_2159 : vector<1x1x16xf32> to vector<16xf32>
      %sub3A_2161 = arith.subf %get3A_2160, %get3A_2148 : vector<16xf32>
      %mul3A_2162 = arith.mulf %broadcast_in_dim3A_2111, %sub3A_2161 : vector<16xf32>
      %add3A_2163 = arith.addf %get3A_2148, %mul3A_2162 : vector<16xf32>
      %sub3A_2164 = arith.subf %add3A_2163, %get3A_2154 : vector<16xf32>
      %abs3A_2165 = math.absf %sub3A_2164 : vector<16xf32>
      %sub3A_2166 = arith.subf %get3A_2148, %get3A_2154 : vector<16xf32>
      %abs3A_2167 = math.absf %sub3A_2166 : vector<16xf32>
      %sub3A_2168 = arith.subf %abs3A_2165, %abs3A_2167 : vector<16xf32>
      %add3A_2169 = arith.addf %add3A_2142, %sub3A_2168 : vector<16xf32>
      %get3A_2170 = arith.constant 0 : i32
      %get3A_2171 = arith.index_cast %get3A_2170 : i32 to index
      %get3A_2172 = arith.index_cast %add3A_2115 : i32 to index
      %get3A_2173 = arith.constant 32 : index
      %get3A_2174 = tpu.vector_load %arg11[%get3A_2171, %get3A_2172, %get3A_2173] {strides = array<i32>} : memref<2x128x64xf32, #tpu.memory_space<vmem>>, vector<1x1x16xf32>,
      %get3A_2175 = vector.shape_cast %get3A_2174 : vector<1x1x16xf32> to vector<16xf32>
      %get3A_2176 = arith.constant 0 : i32
      %get3A_2177 = arith.index_cast %get3A_2176 : i32 to index
      %get3A_2178 = arith.index_cast %add3A_2115 : i32 to index
      %get3A_2179 = arith.constant 32 : index
      %get3A_2180 = tpu.vector_load %arg12[%get3A_2177, %get3A_2178, %get3A_2179] {strides = array<i32>} : memref<2x128x64xf32, #tpu.memory_space<vmem>>, vector<1x1x16xf32>,
      %get3A_2181 = vector.shape_cast %get3A_2180 : vector<1x1x16xf32> to vector<16xf32>
      %get3A_2182 = arith.constant 0 : i32
      %get3A_2183 = arith.index_cast %get3A_2182 : i32 to index
      %get3A_2184 = arith.index_cast %add3A_2115 : i32 to index
      %get3A_2185 = arith.constant 32 : index
      %get3A_2186 = tpu.vector_load %arg13[%get3A_2183, %get3A_2184, %get3A_2185] {strides = array<i32>} : memref<2x128x64xf32, #tpu.memory_space<vmem>>, vector<1x1x16xf32>,
      %get3A_2187 = vector.shape_cast %get3A_2186 : vector<1x1x16xf32> to vector<16xf32>
      %sub3A_2188 = arith.subf %get3A_2187, %get3A_2175 : vector<16xf32>
      %mul3A_2189 = arith.mulf %broadcast_in_dim3A_2111, %sub3A_2188 : vector<16xf32>
      %add3A_2190 = arith.addf %get3A_2175, %mul3A_2189 : vector<16xf32>
      %sub3A_2191 = arith.subf %add3A_2190, %get3A_2181 : vector<16xf32>
      %abs3A_2192 = math.absf %sub3A_2191 : vector<16xf32>
      %sub3A_2193 = arith.subf %get3A_2175, %get3A_2181 : vector<16xf32>
      %abs3A_2194 = math.absf %sub3A_2193 : vector<16xf32>
      %sub3A_2195 = arith.subf %abs3A_2192, %abs3A_2194 : vector<16xf32>
      %add3A_2196 = arith.addf %add3A_2169, %sub3A_2195 : vector<16xf32>
      %get3A_2197 = arith.constant 0 : i32
      %get3A_2198 = arith.index_cast %get3A_2197 : i32 to index
      %get3A_2199 = arith.index_cast %add3A_2115 : i32 to index
      %get3A_2200 = arith.constant 48 : index
      %get3A_2201 = tpu.vector_load %arg11[%get3A_2198, %get3A_2199, %get3A_2200] {strides = array<i32>} : memref<2x128x64xf32, #tpu.memory_space<vmem>>, vector<1x1x16xf32>,
      %get3A_2202 = vector.shape_cast %get3A_2201 : vector<1x1x16xf32> to vector<16xf32>
      %get3A_2203 = arith.constant 0 : i32
      %get3A_2204 = arith.index_cast %get3A_2203 : i32 to index
      %get3A_2205 = arith.index_cast %add3A_2115 : i32 to index
      %get3A_2206 = arith.constant 48 : index
      %get3A_2207 = tpu.vector_load %arg12[%get3A_2204, %get3A_2205, %get3A_2206] {strides = array<i32>} : memref<2x128x64xf32, #tpu.memory_space<vmem>>, vector<1x1x16xf32>,
      %get3A_2208 = vector.shape_cast %get3A_2207 : vector<1x1x16xf32> to vector<16xf32>
      %get3A_2209 = arith.constant 0 : i32
      %get3A_2210 = arith.index_cast %get3A_2209 : i32 to index
      %get3A_2211 = arith.index_cast %add3A_2115 : i32 to index
      %get3A_2212 = arith.constant 48 : index
      %get3A_2213 = tpu.vector_load %arg13[%get3A_2210, %get3A_2211, %get3A_2212] {strides = array<i32>} : memref<2x128x64xf32, #tpu.memory_space<vmem>>, vector<1x1x16xf32>,
      %get3A_2214 = vector.shape_cast %get3A_2213 : vector<1x1x16xf32> to vector<16xf32>
      %sub3A_2215 = arith.subf %get3A_2214, %get3A_2202 : vector<16xf32>
      %mul3A_2216 = arith.mulf %broadcast_in_dim3A_2111, %sub3A_2215 : vector<16xf32>
      %add3A_2217 = arith.addf %get3A_2202, %mul3A_2216 : vector<16xf32>
      %sub3A_2218 = arith.subf %add3A_2217, %get3A_2208 : vector<16xf32>
      %abs3A_2219 = math.absf %sub3A_2218 : vector<16xf32>
      %sub3A_2220 = arith.subf %get3A_2202, %get3A_2208 : vector<16xf32>
      %abs3A_2221 = math.absf %sub3A_2220 : vector<16xf32>
      %sub3A_2222 = arith.subf %abs3A_2219, %abs3A_2221 : vector<16xf32>
      %add3A_2223 = arith.addf %add3A_2196, %sub3A_2222 : vector<16xf32>
      %slice3A_2224 = vector.extract_strided_slice %get3A_617 {offsets = [14], sizes = [1], strides = [1]} : vector<16xf32> to vector<1xf32>
      %squeeze3A_2225 = vector.extract %slice3A_2224[0] : f32 from vector<1xf32>
      %broadcast_in_dim3A_2226 = vector.broadcast %squeeze3A_2225 : f32 to vector<16xf32>
      %mul3A_2227 = arith.constant 16 : i32
      %mul3A_2228 = arith.muli %scan3A_609, %mul3A_2227 : i32
      %add3A_2229 = arith.constant 14 : i32
      %add3A_2230 = arith.addi %mul3A_2228, %add3A_2229 : i32
      %get3A_2231 = arith.constant 0 : i32
      %get3A_2232 = arith.index_cast %get3A_2231 : i32 to index
      %get3A_2233 = arith.index_cast %add3A_2230 : i32 to index
      %get3A_2234 = arith.constant 0 : index
      %get3A_2235 = tpu.vector_load %arg11[%get3A_2232, %get3A_2233, %get3A_2234] {strides = array<i32>} : memref<2x128x64xf32, #tpu.memory_space<vmem>>, vector<1x1x16xf32>,
      %get3A_2236 = vector.shape_cast %get3A_2235 : vector<1x1x16xf32> to vector<16xf32>
      %get3A_2237 = arith.constant 0 : i32
      %get3A_2238 = arith.index_cast %get3A_2237 : i32 to index
      %get3A_2239 = arith.index_cast %add3A_2230 : i32 to index
      %get3A_2240 = arith.constant 0 : index
      %get3A_2241 = tpu.vector_load %arg12[%get3A_2238, %get3A_2239, %get3A_2240] {strides = array<i32>} : memref<2x128x64xf32, #tpu.memory_space<vmem>>, vector<1x1x16xf32>,
      %get3A_2242 = vector.shape_cast %get3A_2241 : vector<1x1x16xf32> to vector<16xf32>
      %get3A_2243 = arith.constant 0 : i32
      %get3A_2244 = arith.index_cast %get3A_2243 : i32 to index
      %get3A_2245 = arith.index_cast %add3A_2230 : i32 to index
      %get3A_2246 = arith.constant 0 : index
      %get3A_2247 = tpu.vector_load %arg13[%get3A_2244, %get3A_2245, %get3A_2246] {strides = array<i32>} : memref<2x128x64xf32, #tpu.memory_space<vmem>>, vector<1x1x16xf32>,
      %get3A_2248 = vector.shape_cast %get3A_2247 : vector<1x1x16xf32> to vector<16xf32>
      %sub3A_2249 = arith.subf %get3A_2248, %get3A_2236 : vector<16xf32>
      %mul3A_2250 = arith.mulf %broadcast_in_dim3A_2226, %sub3A_2249 : vector<16xf32>
      %add3A_2251 = arith.addf %get3A_2236, %mul3A_2250 : vector<16xf32>
      %sub3A_2252 = arith.subf %add3A_2251, %get3A_2242 : vector<16xf32>
      %abs3A_2253 = math.absf %sub3A_2252 : vector<16xf32>
      %sub3A_2254 = arith.subf %get3A_2236, %get3A_2242 : vector<16xf32>
      %abs3A_2255 = math.absf %sub3A_2254 : vector<16xf32>
      %sub3A_2256 = arith.subf %abs3A_2253, %abs3A_2255 : vector<16xf32>
      %add3A_2257 = arith.addf %add3A_2223, %sub3A_2256 : vector<16xf32>
      %get3A_2258 = arith.constant 0 : i32
      %get3A_2259 = arith.index_cast %get3A_2258 : i32 to index
      %get3A_2260 = arith.index_cast %add3A_2230 : i32 to index
      %get3A_2261 = arith.constant 16 : index
      %get3A_2262 = tpu.vector_load %arg11[%get3A_2259, %get3A_2260, %get3A_2261] {strides = array<i32>} : memref<2x128x64xf32, #tpu.memory_space<vmem>>, vector<1x1x16xf32>,
      %get3A_2263 = vector.shape_cast %get3A_2262 : vector<1x1x16xf32> to vector<16xf32>
      %get3A_2264 = arith.constant 0 : i32
      %get3A_2265 = arith.index_cast %get3A_2264 : i32 to index
      %get3A_2266 = arith.index_cast %add3A_2230 : i32 to index
      %get3A_2267 = arith.constant 16 : index
      %get3A_2268 = tpu.vector_load %arg12[%get3A_2265, %get3A_2266, %get3A_2267] {strides = array<i32>} : memref<2x128x64xf32, #tpu.memory_space<vmem>>, vector<1x1x16xf32>,
      %get3A_2269 = vector.shape_cast %get3A_2268 : vector<1x1x16xf32> to vector<16xf32>
      %get3A_2270 = arith.constant 0 : i32
      %get3A_2271 = arith.index_cast %get3A_2270 : i32 to index
      %get3A_2272 = arith.index_cast %add3A_2230 : i32 to index
      %get3A_2273 = arith.constant 16 : index
      %get3A_2274 = tpu.vector_load %arg13[%get3A_2271, %get3A_2272, %get3A_2273] {strides = array<i32>} : memref<2x128x64xf32, #tpu.memory_space<vmem>>, vector<1x1x16xf32>,
      %get3A_2275 = vector.shape_cast %get3A_2274 : vector<1x1x16xf32> to vector<16xf32>
      %sub3A_2276 = arith.subf %get3A_2275, %get3A_2263 : vector<16xf32>
      %mul3A_2277 = arith.mulf %broadcast_in_dim3A_2226, %sub3A_2276 : vector<16xf32>
      %add3A_2278 = arith.addf %get3A_2263, %mul3A_2277 : vector<16xf32>
      %sub3A_2279 = arith.subf %add3A_2278, %get3A_2269 : vector<16xf32>
      %abs3A_2280 = math.absf %sub3A_2279 : vector<16xf32>
      %sub3A_2281 = arith.subf %get3A_2263, %get3A_2269 : vector<16xf32>
      %abs3A_2282 = math.absf %sub3A_2281 : vector<16xf32>
      %sub3A_2283 = arith.subf %abs3A_2280, %abs3A_2282 : vector<16xf32>
      %add3A_2284 = arith.addf %add3A_2257, %sub3A_2283 : vector<16xf32>
      %get3A_2285 = arith.constant 0 : i32
      %get3A_2286 = arith.index_cast %get3A_2285 : i32 to index
      %get3A_2287 = arith.index_cast %add3A_2230 : i32 to index
      %get3A_2288 = arith.constant 32 : index
      %get3A_2289 = tpu.vector_load %arg11[%get3A_2286, %get3A_2287, %get3A_2288] {strides = array<i32>} : memref<2x128x64xf32, #tpu.memory_space<vmem>>, vector<1x1x16xf32>,
      %get3A_2290 = vector.shape_cast %get3A_2289 : vector<1x1x16xf32> to vector<16xf32>
      %get3A_2291 = arith.constant 0 : i32
      %get3A_2292 = arith.index_cast %get3A_2291 : i32 to index
      %get3A_2293 = arith.index_cast %add3A_2230 : i32 to index
      %get3A_2294 = arith.constant 32 : index
      %get3A_2295 = tpu.vector_load %arg12[%get3A_2292, %get3A_2293, %get3A_2294] {strides = array<i32>} : memref<2x128x64xf32, #tpu.memory_space<vmem>>, vector<1x1x16xf32>,
      %get3A_2296 = vector.shape_cast %get3A_2295 : vector<1x1x16xf32> to vector<16xf32>
      %get3A_2297 = arith.constant 0 : i32
      %get3A_2298 = arith.index_cast %get3A_2297 : i32 to index
      %get3A_2299 = arith.index_cast %add3A_2230 : i32 to index
      %get3A_2300 = arith.constant 32 : index
      %get3A_2301 = tpu.vector_load %arg13[%get3A_2298, %get3A_2299, %get3A_2300] {strides = array<i32>} : memref<2x128x64xf32, #tpu.memory_space<vmem>>, vector<1x1x16xf32>,
      %get3A_2302 = vector.shape_cast %get3A_2301 : vector<1x1x16xf32> to vector<16xf32>
      %sub3A_2303 = arith.subf %get3A_2302, %get3A_2290 : vector<16xf32>
      %mul3A_2304 = arith.mulf %broadcast_in_dim3A_2226, %sub3A_2303 : vector<16xf32>
      %add3A_2305 = arith.addf %get3A_2290, %mul3A_2304 : vector<16xf32>
      %sub3A_2306 = arith.subf %add3A_2305, %get3A_2296 : vector<16xf32>
      %abs3A_2307 = math.absf %sub3A_2306 : vector<16xf32>
      %sub3A_2308 = arith.subf %get3A_2290, %get3A_2296 : vector<16xf32>
      %abs3A_2309 = math.absf %sub3A_2308 : vector<16xf32>
      %sub3A_2310 = arith.subf %abs3A_2307, %abs3A_2309 : vector<16xf32>
      %add3A_2311 = arith.addf %add3A_2284, %sub3A_2310 : vector<16xf32>
      %get3A_2312 = arith.constant 0 : i32
      %get3A_2313 = arith.index_cast %get3A_2312 : i32 to index
      %get3A_2314 = arith.index_cast %add3A_2230 : i32 to index
      %get3A_2315 = arith.constant 48 : index
      %get3A_2316 = tpu.vector_load %arg11[%get3A_2313, %get3A_2314, %get3A_2315] {strides = array<i32>} : memref<2x128x64xf32, #tpu.memory_space<vmem>>, vector<1x1x16xf32>,
      %get3A_2317 = vector.shape_cast %get3A_2316 : vector<1x1x16xf32> to vector<16xf32>
      %get3A_2318 = arith.constant 0 : i32
      %get3A_2319 = arith.index_cast %get3A_2318 : i32 to index
      %get3A_2320 = arith.index_cast %add3A_2230 : i32 to index
      %get3A_2321 = arith.constant 48 : index
      %get3A_2322 = tpu.vector_load %arg12[%get3A_2319, %get3A_2320, %get3A_2321] {strides = array<i32>} : memref<2x128x64xf32, #tpu.memory_space<vmem>>, vector<1x1x16xf32>,
      %get3A_2323 = vector.shape_cast %get3A_2322 : vector<1x1x16xf32> to vector<16xf32>
      %get3A_2324 = arith.constant 0 : i32
      %get3A_2325 = arith.index_cast %get3A_2324 : i32 to index
      %get3A_2326 = arith.index_cast %add3A_2230 : i32 to index
      %get3A_2327 = arith.constant 48 : index
      %get3A_2328 = tpu.vector_load %arg13[%get3A_2325, %get3A_2326, %get3A_2327] {strides = array<i32>} : memref<2x128x64xf32, #tpu.memory_space<vmem>>, vector<1x1x16xf32>,
      %get3A_2329 = vector.shape_cast %get3A_2328 : vector<1x1x16xf32> to vector<16xf32>
      %sub3A_2330 = arith.subf %get3A_2329, %get3A_2317 : vector<16xf32>
      %mul3A_2331 = arith.mulf %broadcast_in_dim3A_2226, %sub3A_2330 : vector<16xf32>
      %add3A_2332 = arith.addf %get3A_2317, %mul3A_2331 : vector<16xf32>
      %sub3A_2333 = arith.subf %add3A_2332, %get3A_2323 : vector<16xf32>
      %abs3A_2334 = math.absf %sub3A_2333 : vector<16xf32>
      %sub3A_2335 = arith.subf %get3A_2317, %get3A_2323 : vector<16xf32>
      %abs3A_2336 = math.absf %sub3A_2335 : vector<16xf32>
      %sub3A_2337 = arith.subf %abs3A_2334, %abs3A_2336 : vector<16xf32>
      %add3A_2338 = arith.addf %add3A_2311, %sub3A_2337 : vector<16xf32>
      %slice3A_2339 = vector.extract_strided_slice %get3A_617 {offsets = [15], sizes = [1], strides = [1]} : vector<16xf32> to vector<1xf32>
      %squeeze3A_2340 = vector.extract %slice3A_2339[0] : f32 from vector<1xf32>
      %broadcast_in_dim3A_2341 = vector.broadcast %squeeze3A_2340 : f32 to vector<16xf32>
      %mul3A_2342 = arith.constant 16 : i32
      %mul3A_2343 = arith.muli %scan3A_609, %mul3A_2342 : i32
      %add3A_2344 = arith.constant 15 : i32
      %add3A_2345 = arith.addi %mul3A_2343, %add3A_2344 : i32
      %get3A_2346 = arith.constant 0 : i32
      %get3A_2347 = arith.index_cast %get3A_2346 : i32 to index
      %get3A_2348 = arith.index_cast %add3A_2345 : i32 to index
      %get3A_2349 = arith.constant 0 : index
      %get3A_2350 = tpu.vector_load %arg11[%get3A_2347, %get3A_2348, %get3A_2349] {strides = array<i32>} : memref<2x128x64xf32, #tpu.memory_space<vmem>>, vector<1x1x16xf32>,
      %get3A_2351 = vector.shape_cast %get3A_2350 : vector<1x1x16xf32> to vector<16xf32>
      %get3A_2352 = arith.constant 0 : i32
      %get3A_2353 = arith.index_cast %get3A_2352 : i32 to index
      %get3A_2354 = arith.index_cast %add3A_2345 : i32 to index
      %get3A_2355 = arith.constant 0 : index
      %get3A_2356 = tpu.vector_load %arg12[%get3A_2353, %get3A_2354, %get3A_2355] {strides = array<i32>} : memref<2x128x64xf32, #tpu.memory_space<vmem>>, vector<1x1x16xf32>,
      %get3A_2357 = vector.shape_cast %get3A_2356 : vector<1x1x16xf32> to vector<16xf32>
      %get3A_2358 = arith.constant 0 : i32
      %get3A_2359 = arith.index_cast %get3A_2358 : i32 to index
      %get3A_2360 = arith.index_cast %add3A_2345 : i32 to index
      %get3A_2361 = arith.constant 0 : index
      %get3A_2362 = tpu.vector_load %arg13[%get3A_2359, %get3A_2360, %get3A_2361] {strides = array<i32>} : memref<2x128x64xf32, #tpu.memory_space<vmem>>, vector<1x1x16xf32>,
      %get3A_2363 = vector.shape_cast %get3A_2362 : vector<1x1x16xf32> to vector<16xf32>
      %sub3A_2364 = arith.subf %get3A_2363, %get3A_2351 : vector<16xf32>
      %mul3A_2365 = arith.mulf %broadcast_in_dim3A_2341, %sub3A_2364 : vector<16xf32>
      %add3A_2366 = arith.addf %get3A_2351, %mul3A_2365 : vector<16xf32>
      %sub3A_2367 = arith.subf %add3A_2366, %get3A_2357 : vector<16xf32>
      %abs3A_2368 = math.absf %sub3A_2367 : vector<16xf32>
      %sub3A_2369 = arith.subf %get3A_2351, %get3A_2357 : vector<16xf32>
      %abs3A_2370 = math.absf %sub3A_2369 : vector<16xf32>
      %sub3A_2371 = arith.subf %abs3A_2368, %abs3A_2370 : vector<16xf32>
      %add3A_2372 = arith.addf %add3A_2338, %sub3A_2371 : vector<16xf32>
      %get3A_2373 = arith.constant 0 : i32
      %get3A_2374 = arith.index_cast %get3A_2373 : i32 to index
      %get3A_2375 = arith.index_cast %add3A_2345 : i32 to index
      %get3A_2376 = arith.constant 16 : index
      %get3A_2377 = tpu.vector_load %arg11[%get3A_2374, %get3A_2375, %get3A_2376] {strides = array<i32>} : memref<2x128x64xf32, #tpu.memory_space<vmem>>, vector<1x1x16xf32>,
      %get3A_2378 = vector.shape_cast %get3A_2377 : vector<1x1x16xf32> to vector<16xf32>
      %get3A_2379 = arith.constant 0 : i32
      %get3A_2380 = arith.index_cast %get3A_2379 : i32 to index
      %get3A_2381 = arith.index_cast %add3A_2345 : i32 to index
      %get3A_2382 = arith.constant 16 : index
      %get3A_2383 = tpu.vector_load %arg12[%get3A_2380, %get3A_2381, %get3A_2382] {strides = array<i32>} : memref<2x128x64xf32, #tpu.memory_space<vmem>>, vector<1x1x16xf32>,
      %get3A_2384 = vector.shape_cast %get3A_2383 : vector<1x1x16xf32> to vector<16xf32>
      %get3A_2385 = arith.constant 0 : i32
      %get3A_2386 = arith.index_cast %get3A_2385 : i32 to index
      %get3A_2387 = arith.index_cast %add3A_2345 : i32 to index
      %get3A_2388 = arith.constant 16 : index
      %get3A_2389 = tpu.vector_load %arg13[%get3A_2386, %get3A_2387, %get3A_2388] {strides = array<i32>} : memref<2x128x64xf32, #tpu.memory_space<vmem>>, vector<1x1x16xf32>,
      %get3A_2390 = vector.shape_cast %get3A_2389 : vector<1x1x16xf32> to vector<16xf32>
      %sub3A_2391 = arith.subf %get3A_2390, %get3A_2378 : vector<16xf32>
      %mul3A_2392 = arith.mulf %broadcast_in_dim3A_2341, %sub3A_2391 : vector<16xf32>
      %add3A_2393 = arith.addf %get3A_2378, %mul3A_2392 : vector<16xf32>
      %sub3A_2394 = arith.subf %add3A_2393, %get3A_2384 : vector<16xf32>
      %abs3A_2395 = math.absf %sub3A_2394 : vector<16xf32>
      %sub3A_2396 = arith.subf %get3A_2378, %get3A_2384 : vector<16xf32>
      %abs3A_2397 = math.absf %sub3A_2396 : vector<16xf32>
      %sub3A_2398 = arith.subf %abs3A_2395, %abs3A_2397 : vector<16xf32>
      %add3A_2399 = arith.addf %add3A_2372, %sub3A_2398 : vector<16xf32>
      %get3A_2400 = arith.constant 0 : i32
      %get3A_2401 = arith.index_cast %get3A_2400 : i32 to index
      %get3A_2402 = arith.index_cast %add3A_2345 : i32 to index
      %get3A_2403 = arith.constant 32 : index
      %get3A_2404 = tpu.vector_load %arg11[%get3A_2401, %get3A_2402, %get3A_2403] {strides = array<i32>} : memref<2x128x64xf32, #tpu.memory_space<vmem>>, vector<1x1x16xf32>,
      %get3A_2405 = vector.shape_cast %get3A_2404 : vector<1x1x16xf32> to vector<16xf32>
      %get3A_2406 = arith.constant 0 : i32
      %get3A_2407 = arith.index_cast %get3A_2406 : i32 to index
      %get3A_2408 = arith.index_cast %add3A_2345 : i32 to index
      %get3A_2409 = arith.constant 32 : index
      %get3A_2410 = tpu.vector_load %arg12[%get3A_2407, %get3A_2408, %get3A_2409] {strides = array<i32>} : memref<2x128x64xf32, #tpu.memory_space<vmem>>, vector<1x1x16xf32>,
      %get3A_2411 = vector.shape_cast %get3A_2410 : vector<1x1x16xf32> to vector<16xf32>
      %get3A_2412 = arith.constant 0 : i32
      %get3A_2413 = arith.index_cast %get3A_2412 : i32 to index
      %get3A_2414 = arith.index_cast %add3A_2345 : i32 to index
      %get3A_2415 = arith.constant 32 : index
      %get3A_2416 = tpu.vector_load %arg13[%get3A_2413, %get3A_2414, %get3A_2415] {strides = array<i32>} : memref<2x128x64xf32, #tpu.memory_space<vmem>>, vector<1x1x16xf32>,
      %get3A_2417 = vector.shape_cast %get3A_2416 : vector<1x1x16xf32> to vector<16xf32>
      %sub3A_2418 = arith.subf %get3A_2417, %get3A_2405 : vector<16xf32>
      %mul3A_2419 = arith.mulf %broadcast_in_dim3A_2341, %sub3A_2418 : vector<16xf32>
      %add3A_2420 = arith.addf %get3A_2405, %mul3A_2419 : vector<16xf32>
      %sub3A_2421 = arith.subf %add3A_2420, %get3A_2411 : vector<16xf32>
      %abs3A_2422 = math.absf %sub3A_2421 : vector<16xf32>
      %sub3A_2423 = arith.subf %get3A_2405, %get3A_2411 : vector<16xf32>
      %abs3A_2424 = math.absf %sub3A_2423 : vector<16xf32>
      %sub3A_2425 = arith.subf %abs3A_2422, %abs3A_2424 : vector<16xf32>
      %add3A_2426 = arith.addf %add3A_2399, %sub3A_2425 : vector<16xf32>
      %get3A_2427 = arith.constant 0 : i32
      %get3A_2428 = arith.index_cast %get3A_2427 : i32 to index
      %get3A_2429 = arith.index_cast %add3A_2345 : i32 to index
      %get3A_2430 = arith.constant 48 : index
      %get3A_2431 = tpu.vector_load %arg11[%get3A_2428, %get3A_2429, %get3A_2430] {strides = array<i32>} : memref<2x128x64xf32, #tpu.memory_space<vmem>>, vector<1x1x16xf32>,
      %get3A_2432 = vector.shape_cast %get3A_2431 : vector<1x1x16xf32> to vector<16xf32>
      %get3A_2433 = arith.constant 0 : i32
      %get3A_2434 = arith.index_cast %get3A_2433 : i32 to index
      %get3A_2435 = arith.index_cast %add3A_2345 : i32 to index
      %get3A_2436 = arith.constant 48 : index
      %get3A_2437 = tpu.vector_load %arg12[%get3A_2434, %get3A_2435, %get3A_2436] {strides = array<i32>} : memref<2x128x64xf32, #tpu.memory_space<vmem>>, vector<1x1x16xf32>,
      %get3A_2438 = vector.shape_cast %get3A_2437 : vector<1x1x16xf32> to vector<16xf32>
      %get3A_2439 = arith.constant 0 : i32
      %get3A_2440 = arith.index_cast %get3A_2439 : i32 to index
      %get3A_2441 = arith.index_cast %add3A_2345 : i32 to index
      %get3A_2442 = arith.constant 48 : index
      %get3A_2443 = tpu.vector_load %arg13[%get3A_2440, %get3A_2441, %get3A_2442] {strides = array<i32>} : memref<2x128x64xf32, #tpu.memory_space<vmem>>, vector<1x1x16xf32>,
      %get3A_2444 = vector.shape_cast %get3A_2443 : vector<1x1x16xf32> to vector<16xf32>
      %sub3A_2445 = arith.subf %get3A_2444, %get3A_2432 : vector<16xf32>
      %mul3A_2446 = arith.mulf %broadcast_in_dim3A_2341, %sub3A_2445 : vector<16xf32>
      %add3A_2447 = arith.addf %get3A_2432, %mul3A_2446 : vector<16xf32>
      %sub3A_2448 = arith.subf %add3A_2447, %get3A_2438 : vector<16xf32>
      %abs3A_2449 = math.absf %sub3A_2448 : vector<16xf32>
      %sub3A_2450 = arith.subf %get3A_2432, %get3A_2438 : vector<16xf32>
      %abs3A_2451 = math.absf %sub3A_2450 : vector<16xf32>
      %sub3A_2452 = arith.subf %abs3A_2449, %abs3A_2451 : vector<16xf32>
      %add3A_2453 = arith.addf %add3A_2426, %sub3A_2452 : vector<16xf32>
      %mul3A_2454 = arith.constant 16 : i32
      %mul3A_2455 = arith.muli %scan3A_609, %mul3A_2454 : i32
      %add3A_2456 = arith.constant 128 : i32
      %add3A_2457 = arith.addi %add3A_2456, %mul3A_2455 : i32
      %get3A_2458 = arith.index_cast %add3A_2457 : i32 to index
      %get3A_2459 = tpu.vector_load %arg10[%get3A_2458] {strides = array<i32>} : memref<256xf32, #tpu.memory_space<vmem>>, vector<16xf32>,
      %get3A_2460 = vector.shape_cast %get3A_2459 : vector<16xf32> to vector<16xf32>
      %slice3A_2461 = vector.extract_strided_slice %get3A_2460 {offsets = [0], sizes = [1], strides = [1]} : vector<16xf32> to vector<1xf32>
      %squeeze3A_2462 = vector.extract %slice3A_2461[0] : f32 from vector<1xf32>
      %broadcast_in_dim3A_2463 = vector.broadcast %squeeze3A_2462 : f32 to vector<16xf32>
      %mul3A_2464 = arith.constant 16 : i32
      %mul3A_2465 = arith.muli %scan3A_609, %mul3A_2464 : i32
      %add3A_2466 = arith.constant 0 : i32
      %add3A_2467 = arith.addi %mul3A_2465, %add3A_2466 : i32
      %get3A_2468 = arith.constant 1 : i32
      %get3A_2469 = arith.index_cast %get3A_2468 : i32 to index
      %get3A_2470 = arith.index_cast %add3A_2467 : i32 to index
      %get3A_2471 = arith.constant 0 : index
      %get3A_2472 = tpu.vector_load %arg11[%get3A_2469, %get3A_2470, %get3A_2471] {strides = array<i32>} : memref<2x128x64xf32, #tpu.memory_space<vmem>>, vector<1x1x16xf32>,
      %get3A_2473 = vector.shape_cast %get3A_2472 : vector<1x1x16xf32> to vector<16xf32>
      %get3A_2474 = arith.constant 1 : i32
      %get3A_2475 = arith.index_cast %get3A_2474 : i32 to index
      %get3A_2476 = arith.index_cast %add3A_2467 : i32 to index
      %get3A_2477 = arith.constant 0 : index
      %get3A_2478 = tpu.vector_load %arg12[%get3A_2475, %get3A_2476, %get3A_2477] {strides = array<i32>} : memref<2x128x64xf32, #tpu.memory_space<vmem>>, vector<1x1x16xf32>,
      %get3A_2479 = vector.shape_cast %get3A_2478 : vector<1x1x16xf32> to vector<16xf32>
      %get3A_2480 = arith.constant 1 : i32
      %get3A_2481 = arith.index_cast %get3A_2480 : i32 to index
      %get3A_2482 = arith.index_cast %add3A_2467 : i32 to index
      %get3A_2483 = arith.constant 0 : index
      %get3A_2484 = tpu.vector_load %arg13[%get3A_2481, %get3A_2482, %get3A_2483] {strides = array<i32>} : memref<2x128x64xf32, #tpu.memory_space<vmem>>, vector<1x1x16xf32>,
      %get3A_2485 = vector.shape_cast %get3A_2484 : vector<1x1x16xf32> to vector<16xf32>
      %sub3A_2486 = arith.subf %get3A_2485, %get3A_2473 : vector<16xf32>
      %mul3A_2487 = arith.mulf %broadcast_in_dim3A_2463, %sub3A_2486 : vector<16xf32>
      %add3A_2488 = arith.addf %get3A_2473, %mul3A_2487 : vector<16xf32>
      %sub3A_2489 = arith.subf %add3A_2488, %get3A_2479 : vector<16xf32>
      %abs3A_2490 = math.absf %sub3A_2489 : vector<16xf32>
      %sub3A_2491 = arith.subf %get3A_2473, %get3A_2479 : vector<16xf32>
      %abs3A_2492 = math.absf %sub3A_2491 : vector<16xf32>
      %sub3A_2493 = arith.subf %abs3A_2490, %abs3A_2492 : vector<16xf32>
      %add3A_2494 = arith.addf %add3A_2453, %sub3A_2493 : vector<16xf32>
      %get3A_2495 = arith.constant 1 : i32
      %get3A_2496 = arith.index_cast %get3A_2495 : i32 to index
      %get3A_2497 = arith.index_cast %add3A_2467 : i32 to index
      %get3A_2498 = arith.constant 16 : index
      %get3A_2499 = tpu.vector_load %arg11[%get3A_2496, %get3A_2497, %get3A_2498] {strides = array<i32>} : memref<2x128x64xf32, #tpu.memory_space<vmem>>, vector<1x1x16xf32>,
      %get3A_2500 = vector.shape_cast %get3A_2499 : vector<1x1x16xf32> to vector<16xf32>
      %get3A_2501 = arith.constant 1 : i32
      %get3A_2502 = arith.index_cast %get3A_2501 : i32 to index
      %get3A_2503 = arith.index_cast %add3A_2467 : i32 to index
      %get3A_2504 = arith.constant 16 : index
      %get3A_2505 = tpu.vector_load %arg12[%get3A_2502, %get3A_2503, %get3A_2504] {strides = array<i32>} : memref<2x128x64xf32, #tpu.memory_space<vmem>>, vector<1x1x16xf32>,
      %get3A_2506 = vector.shape_cast %get3A_2505 : vector<1x1x16xf32> to vector<16xf32>
      %get3A_2507 = arith.constant 1 : i32
      %get3A_2508 = arith.index_cast %get3A_2507 : i32 to index
      %get3A_2509 = arith.index_cast %add3A_2467 : i32 to index
      %get3A_2510 = arith.constant 16 : index
      %get3A_2511 = tpu.vector_load %arg13[%get3A_2508, %get3A_2509, %get3A_2510] {strides = array<i32>} : memref<2x128x64xf32, #tpu.memory_space<vmem>>, vector<1x1x16xf32>,
      %get3A_2512 = vector.shape_cast %get3A_2511 : vector<1x1x16xf32> to vector<16xf32>
      %sub3A_2513 = arith.subf %get3A_2512, %get3A_2500 : vector<16xf32>
      %mul3A_2514 = arith.mulf %broadcast_in_dim3A_2463, %sub3A_2513 : vector<16xf32>
      %add3A_2515 = arith.addf %get3A_2500, %mul3A_2514 : vector<16xf32>
      %sub3A_2516 = arith.subf %add3A_2515, %get3A_2506 : vector<16xf32>
      %abs3A_2517 = math.absf %sub3A_2516 : vector<16xf32>
      %sub3A_2518 = arith.subf %get3A_2500, %get3A_2506 : vector<16xf32>
      %abs3A_2519 = math.absf %sub3A_2518 : vector<16xf32>
      %sub3A_2520 = arith.subf %abs3A_2517, %abs3A_2519 : vector<16xf32>
      %add3A_2521 = arith.addf %add3A_2494, %sub3A_2520 : vector<16xf32>
      %get3A_2522 = arith.constant 1 : i32
      %get3A_2523 = arith.index_cast %get3A_2522 : i32 to index
      %get3A_2524 = arith.index_cast %add3A_2467 : i32 to index
      %get3A_2525 = arith.constant 32 : index
      %get3A_2526 = tpu.vector_load %arg11[%get3A_2523, %get3A_2524, %get3A_2525] {strides = array<i32>} : memref<2x128x64xf32, #tpu.memory_space<vmem>>, vector<1x1x16xf32>,
      %get3A_2527 = vector.shape_cast %get3A_2526 : vector<1x1x16xf32> to vector<16xf32>
      %get3A_2528 = arith.constant 1 : i32
      %get3A_2529 = arith.index_cast %get3A_2528 : i32 to index
      %get3A_2530 = arith.index_cast %add3A_2467 : i32 to index
      %get3A_2531 = arith.constant 32 : index
      %get3A_2532 = tpu.vector_load %arg12[%get3A_2529, %get3A_2530, %get3A_2531] {strides = array<i32>} : memref<2x128x64xf32, #tpu.memory_space<vmem>>, vector<1x1x16xf32>,
      %get3A_2533 = vector.shape_cast %get3A_2532 : vector<1x1x16xf32> to vector<16xf32>
      %get3A_2534 = arith.constant 1 : i32
      %get3A_2535 = arith.index_cast %get3A_2534 : i32 to index
      %get3A_2536 = arith.index_cast %add3A_2467 : i32 to index
      %get3A_2537 = arith.constant 32 : index
      %get3A_2538 = tpu.vector_load %arg13[%get3A_2535, %get3A_2536, %get3A_2537] {strides = array<i32>} : memref<2x128x64xf32, #tpu.memory_space<vmem>>, vector<1x1x16xf32>,
      %get3A_2539 = vector.shape_cast %get3A_2538 : vector<1x1x16xf32> to vector<16xf32>
      %sub3A_2540 = arith.subf %get3A_2539, %get3A_2527 : vector<16xf32>
      %mul3A_2541 = arith.mulf %broadcast_in_dim3A_2463, %sub3A_2540 : vector<16xf32>
      %add3A_2542 = arith.addf %get3A_2527, %mul3A_2541 : vector<16xf32>
      %sub3A_2543 = arith.subf %add3A_2542, %get3A_2533 : vector<16xf32>
      %abs3A_2544 = math.absf %sub3A_2543 : vector<16xf32>
      %sub3A_2545 = arith.subf %get3A_2527, %get3A_2533 : vector<16xf32>
      %abs3A_2546 = math.absf %sub3A_2545 : vector<16xf32>
      %sub3A_2547 = arith.subf %abs3A_2544, %abs3A_2546 : vector<16xf32>
      %add3A_2548 = arith.addf %add3A_2521, %sub3A_2547 : vector<16xf32>
      %get3A_2549 = arith.constant 1 : i32
      %get3A_2550 = arith.index_cast %get3A_2549 : i32 to index
      %get3A_2551 = arith.index_cast %add3A_2467 : i32 to index
      %get3A_2552 = arith.constant 48 : index
      %get3A_2553 = tpu.vector_load %arg11[%get3A_2550, %get3A_2551, %get3A_2552] {strides = array<i32>} : memref<2x128x64xf32, #tpu.memory_space<vmem>>, vector<1x1x16xf32>,
      %get3A_2554 = vector.shape_cast %get3A_2553 : vector<1x1x16xf32> to vector<16xf32>
      %get3A_2555 = arith.constant 1 : i32
      %get3A_2556 = arith.index_cast %get3A_2555 : i32 to index
      %get3A_2557 = arith.index_cast %add3A_2467 : i32 to index
      %get3A_2558 = arith.constant 48 : index
      %get3A_2559 = tpu.vector_load %arg12[%get3A_2556, %get3A_2557, %get3A_2558] {strides = array<i32>} : memref<2x128x64xf32, #tpu.memory_space<vmem>>, vector<1x1x16xf32>,
      %get3A_2560 = vector.shape_cast %get3A_2559 : vector<1x1x16xf32> to vector<16xf32>
      %get3A_2561 = arith.constant 1 : i32
      %get3A_2562 = arith.index_cast %get3A_2561 : i32 to index
      %get3A_2563 = arith.index_cast %add3A_2467 : i32 to index
      %get3A_2564 = arith.constant 48 : index
      %get3A_2565 = tpu.vector_load %arg13[%get3A_2562, %get3A_2563, %get3A_2564] {strides = array<i32>} : memref<2x128x64xf32, #tpu.memory_space<vmem>>, vector<1x1x16xf32>,
      %get3A_2566 = vector.shape_cast %get3A_2565 : vector<1x1x16xf32> to vector<16xf32>
      %sub3A_2567 = arith.subf %get3A_2566, %get3A_2554 : vector<16xf32>
      %mul3A_2568 = arith.mulf %broadcast_in_dim3A_2463, %sub3A_2567 : vector<16xf32>
      %add3A_2569 = arith.addf %get3A_2554, %mul3A_2568 : vector<16xf32>
      %sub3A_2570 = arith.subf %add3A_2569, %get3A_2560 : vector<16xf32>
      %abs3A_2571 = math.absf %sub3A_2570 : vector<16xf32>
      %sub3A_2572 = arith.subf %get3A_2554, %get3A_2560 : vector<16xf32>
      %abs3A_2573 = math.absf %sub3A_2572 : vector<16xf32>
      %sub3A_2574 = arith.subf %abs3A_2571, %abs3A_2573 : vector<16xf32>
      %add3A_2575 = arith.addf %add3A_2548, %sub3A_2574 : vector<16xf32>
      %slice3A_2576 = vector.extract_strided_slice %get3A_2460 {offsets = [1], sizes = [1], strides = [1]} : vector<16xf32> to vector<1xf32>
      %squeeze3A_2577 = vector.extract %slice3A_2576[0] : f32 from vector<1xf32>
      %broadcast_in_dim3A_2578 = vector.broadcast %squeeze3A_2577 : f32 to vector<16xf32>
      %mul3A_2579 = arith.constant 16 : i32
      %mul3A_2580 = arith.muli %scan3A_609, %mul3A_2579 : i32
      %add3A_2581 = arith.constant 1 : i32
      %add3A_2582 = arith.addi %mul3A_2580, %add3A_2581 : i32
      %get3A_2583 = arith.constant 1 : i32
      %get3A_2584 = arith.index_cast %get3A_2583 : i32 to index
      %get3A_2585 = arith.index_cast %add3A_2582 : i32 to index
      %get3A_2586 = arith.constant 0 : index
      %get3A_2587 = tpu.vector_load %arg11[%get3A_2584, %get3A_2585, %get3A_2586] {strides = array<i32>} : memref<2x128x64xf32, #tpu.memory_space<vmem>>, vector<1x1x16xf32>,
      %get3A_2588 = vector.shape_cast %get3A_2587 : vector<1x1x16xf32> to vector<16xf32>
      %get3A_2589 = arith.constant 1 : i32
      %get3A_2590 = arith.index_cast %get3A_2589 : i32 to index
      %get3A_2591 = arith.index_cast %add3A_2582 : i32 to index
      %get3A_2592 = arith.constant 0 : index
      %get3A_2593 = tpu.vector_load %arg12[%get3A_2590, %get3A_2591, %get3A_2592] {strides = array<i32>} : memref<2x128x64xf32, #tpu.memory_space<vmem>>, vector<1x1x16xf32>,
      %get3A_2594 = vector.shape_cast %get3A_2593 : vector<1x1x16xf32> to vector<16xf32>
      %get3A_2595 = arith.constant 1 : i32
      %get3A_2596 = arith.index_cast %get3A_2595 : i32 to index
      %get3A_2597 = arith.index_cast %add3A_2582 : i32 to index
      %get3A_2598 = arith.constant 0 : index
      %get3A_2599 = tpu.vector_load %arg13[%get3A_2596, %get3A_2597, %get3A_2598] {strides = array<i32>} : memref<2x128x64xf32, #tpu.memory_space<vmem>>, vector<1x1x16xf32>,
      %get3A_2600 = vector.shape_cast %get3A_2599 : vector<1x1x16xf32> to vector<16xf32>
      %sub3A_2601 = arith.subf %get3A_2600, %get3A_2588 : vector<16xf32>
      %mul3A_2602 = arith.mulf %broadcast_in_dim3A_2578, %sub3A_2601 : vector<16xf32>
      %add3A_2603 = arith.addf %get3A_2588, %mul3A_2602 : vector<16xf32>
      %sub3A_2604 = arith.subf %add3A_2603, %get3A_2594 : vector<16xf32>
      %abs3A_2605 = math.absf %sub3A_2604 : vector<16xf32>
      %sub3A_2606 = arith.subf %get3A_2588, %get3A_2594 : vector<16xf32>
      %abs3A_2607 = math.absf %sub3A_2606 : vector<16xf32>
      %sub3A_2608 = arith.subf %abs3A_2605, %abs3A_2607 : vector<16xf32>
      %add3A_2609 = arith.addf %add3A_2575, %sub3A_2608 : vector<16xf32>
      %get3A_2610 = arith.constant 1 : i32
      %get3A_2611 = arith.index_cast %get3A_2610 : i32 to index
      %get3A_2612 = arith.index_cast %add3A_2582 : i32 to index
      %get3A_2613 = arith.constant 16 : index
      %get3A_2614 = tpu.vector_load %arg11[%get3A_2611, %get3A_2612, %get3A_2613] {strides = array<i32>} : memref<2x128x64xf32, #tpu.memory_space<vmem>>, vector<1x1x16xf32>,
      %get3A_2615 = vector.shape_cast %get3A_2614 : vector<1x1x16xf32> to vector<16xf32>
      %get3A_2616 = arith.constant 1 : i32
      %get3A_2617 = arith.index_cast %get3A_2616 : i32 to index
      %get3A_2618 = arith.index_cast %add3A_2582 : i32 to index
      %get3A_2619 = arith.constant 16 : index
      %get3A_2620 = tpu.vector_load %arg12[%get3A_2617, %get3A_2618, %get3A_2619] {strides = array<i32>} : memref<2x128x64xf32, #tpu.memory_space<vmem>>, vector<1x1x16xf32>,
      %get3A_2621 = vector.shape_cast %get3A_2620 : vector<1x1x16xf32> to vector<16xf32>
      %get3A_2622 = arith.constant 1 : i32
      %get3A_2623 = arith.index_cast %get3A_2622 : i32 to index
      %get3A_2624 = arith.index_cast %add3A_2582 : i32 to index
      %get3A_2625 = arith.constant 16 : index
      %get3A_2626 = tpu.vector_load %arg13[%get3A_2623, %get3A_2624, %get3A_2625] {strides = array<i32>} : memref<2x128x64xf32, #tpu.memory_space<vmem>>, vector<1x1x16xf32>,
      %get3A_2627 = vector.shape_cast %get3A_2626 : vector<1x1x16xf32> to vector<16xf32>
      %sub3A_2628 = arith.subf %get3A_2627, %get3A_2615 : vector<16xf32>
      %mul3A_2629 = arith.mulf %broadcast_in_dim3A_2578, %sub3A_2628 : vector<16xf32>
      %add3A_2630 = arith.addf %get3A_2615, %mul3A_2629 : vector<16xf32>
      %sub3A_2631 = arith.subf %add3A_2630, %get3A_2621 : vector<16xf32>
      %abs3A_2632 = math.absf %sub3A_2631 : vector<16xf32>
      %sub3A_2633 = arith.subf %get3A_2615, %get3A_2621 : vector<16xf32>
      %abs3A_2634 = math.absf %sub3A_2633 : vector<16xf32>
      %sub3A_2635 = arith.subf %abs3A_2632, %abs3A_2634 : vector<16xf32>
      %add3A_2636 = arith.addf %add3A_2609, %sub3A_2635 : vector<16xf32>
      %get3A_2637 = arith.constant 1 : i32
      %get3A_2638 = arith.index_cast %get3A_2637 : i32 to index
      %get3A_2639 = arith.index_cast %add3A_2582 : i32 to index
      %get3A_2640 = arith.constant 32 : index
      %get3A_2641 = tpu.vector_load %arg11[%get3A_2638, %get3A_2639, %get3A_2640] {strides = array<i32>} : memref<2x128x64xf32, #tpu.memory_space<vmem>>, vector<1x1x16xf32>,
      %get3A_2642 = vector.shape_cast %get3A_2641 : vector<1x1x16xf32> to vector<16xf32>
      %get3A_2643 = arith.constant 1 : i32
      %get3A_2644 = arith.index_cast %get3A_2643 : i32 to index
      %get3A_2645 = arith.index_cast %add3A_2582 : i32 to index
      %get3A_2646 = arith.constant 32 : index
      %get3A_2647 = tpu.vector_load %arg12[%get3A_2644, %get3A_2645, %get3A_2646] {strides = array<i32>} : memref<2x128x64xf32, #tpu.memory_space<vmem>>, vector<1x1x16xf32>,
      %get3A_2648 = vector.shape_cast %get3A_2647 : vector<1x1x16xf32> to vector<16xf32>
      %get3A_2649 = arith.constant 1 : i32
      %get3A_2650 = arith.index_cast %get3A_2649 : i32 to index
      %get3A_2651 = arith.index_cast %add3A_2582 : i32 to index
      %get3A_2652 = arith.constant 32 : index
      %get3A_2653 = tpu.vector_load %arg13[%get3A_2650, %get3A_2651, %get3A_2652] {strides = array<i32>} : memref<2x128x64xf32, #tpu.memory_space<vmem>>, vector<1x1x16xf32>,
      %get3A_2654 = vector.shape_cast %get3A_2653 : vector<1x1x16xf32> to vector<16xf32>
      %sub3A_2655 = arith.subf %get3A_2654, %get3A_2642 : vector<16xf32>
      %mul3A_2656 = arith.mulf %broadcast_in_dim3A_2578, %sub3A_2655 : vector<16xf32>
      %add3A_2657 = arith.addf %get3A_2642, %mul3A_2656 : vector<16xf32>
      %sub3A_2658 = arith.subf %add3A_2657, %get3A_2648 : vector<16xf32>
      %abs3A_2659 = math.absf %sub3A_2658 : vector<16xf32>
      %sub3A_2660 = arith.subf %get3A_2642, %get3A_2648 : vector<16xf32>
      %abs3A_2661 = math.absf %sub3A_2660 : vector<16xf32>
      %sub3A_2662 = arith.subf %abs3A_2659, %abs3A_2661 : vector<16xf32>
      %add3A_2663 = arith.addf %add3A_2636, %sub3A_2662 : vector<16xf32>
      %get3A_2664 = arith.constant 1 : i32
      %get3A_2665 = arith.index_cast %get3A_2664 : i32 to index
      %get3A_2666 = arith.index_cast %add3A_2582 : i32 to index
      %get3A_2667 = arith.constant 48 : index
      %get3A_2668 = tpu.vector_load %arg11[%get3A_2665, %get3A_2666, %get3A_2667] {strides = array<i32>} : memref<2x128x64xf32, #tpu.memory_space<vmem>>, vector<1x1x16xf32>,
      %get3A_2669 = vector.shape_cast %get3A_2668 : vector<1x1x16xf32> to vector<16xf32>
      %get3A_2670 = arith.constant 1 : i32
      %get3A_2671 = arith.index_cast %get3A_2670 : i32 to index
      %get3A_2672 = arith.index_cast %add3A_2582 : i32 to index
      %get3A_2673 = arith.constant 48 : index
      %get3A_2674 = tpu.vector_load %arg12[%get3A_2671, %get3A_2672, %get3A_2673] {strides = array<i32>} : memref<2x128x64xf32, #tpu.memory_space<vmem>>, vector<1x1x16xf32>,
      %get3A_2675 = vector.shape_cast %get3A_2674 : vector<1x1x16xf32> to vector<16xf32>
      %get3A_2676 = arith.constant 1 : i32
      %get3A_2677 = arith.index_cast %get3A_2676 : i32 to index
      %get3A_2678 = arith.index_cast %add3A_2582 : i32 to index
      %get3A_2679 = arith.constant 48 : index
      %get3A_2680 = tpu.vector_load %arg13[%get3A_2677, %get3A_2678, %get3A_2679] {strides = array<i32>} : memref<2x128x64xf32, #tpu.memory_space<vmem>>, vector<1x1x16xf32>,
      %get3A_2681 = vector.shape_cast %get3A_2680 : vector<1x1x16xf32> to vector<16xf32>
      %sub3A_2682 = arith.subf %get3A_2681, %get3A_2669 : vector<16xf32>
      %mul3A_2683 = arith.mulf %broadcast_in_dim3A_2578, %sub3A_2682 : vector<16xf32>
      %add3A_2684 = arith.addf %get3A_2669, %mul3A_2683 : vector<16xf32>
      %sub3A_2685 = arith.subf %add3A_2684, %get3A_2675 : vector<16xf32>
      %abs3A_2686 = math.absf %sub3A_2685 : vector<16xf32>
      %sub3A_2687 = arith.subf %get3A_2669, %get3A_2675 : vector<16xf32>
      %abs3A_2688 = math.absf %sub3A_2687 : vector<16xf32>
      %sub3A_2689 = arith.subf %abs3A_2686, %abs3A_2688 : vector<16xf32>
      %add3A_2690 = arith.addf %add3A_2663, %sub3A_2689 : vector<16xf32>
      %slice3A_2691 = vector.extract_strided_slice %get3A_2460 {offsets = [2], sizes = [1], strides = [1]} : vector<16xf32> to vector<1xf32>
      %squeeze3A_2692 = vector.extract %slice3A_2691[0] : f32 from vector<1xf32>
      %broadcast_in_dim3A_2693 = vector.broadcast %squeeze3A_2692 : f32 to vector<16xf32>
      %mul3A_2694 = arith.constant 16 : i32
      %mul3A_2695 = arith.muli %scan3A_609, %mul3A_2694 : i32
      %add3A_2696 = arith.constant 2 : i32
      %add3A_2697 = arith.addi %mul3A_2695, %add3A_2696 : i32
      %get3A_2698 = arith.constant 1 : i32
      %get3A_2699 = arith.index_cast %get3A_2698 : i32 to index
      %get3A_2700 = arith.index_cast %add3A_2697 : i32 to index
      %get3A_2701 = arith.constant 0 : index
      %get3A_2702 = tpu.vector_load %arg11[%get3A_2699, %get3A_2700, %get3A_2701] {strides = array<i32>} : memref<2x128x64xf32, #tpu.memory_space<vmem>>, vector<1x1x16xf32>,
      %get3A_2703 = vector.shape_cast %get3A_2702 : vector<1x1x16xf32> to vector<16xf32>
      %get3A_2704 = arith.constant 1 : i32
      %get3A_2705 = arith.index_cast %get3A_2704 : i32 to index
      %get3A_2706 = arith.index_cast %add3A_2697 : i32 to index
      %get3A_2707 = arith.constant 0 : index
      %get3A_2708 = tpu.vector_load %arg12[%get3A_2705, %get3A_2706, %get3A_2707] {strides = array<i32>} : memref<2x128x64xf32, #tpu.memory_space<vmem>>, vector<1x1x16xf32>,
      %get3A_2709 = vector.shape_cast %get3A_2708 : vector<1x1x16xf32> to vector<16xf32>
      %get3A_2710 = arith.constant 1 : i32
      %get3A_2711 = arith.index_cast %get3A_2710 : i32 to index
      %get3A_2712 = arith.index_cast %add3A_2697 : i32 to index
      %get3A_2713 = arith.constant 0 : index
      %get3A_2714 = tpu.vector_load %arg13[%get3A_2711, %get3A_2712, %get3A_2713] {strides = array<i32>} : memref<2x128x64xf32, #tpu.memory_space<vmem>>, vector<1x1x16xf32>,
      %get3A_2715 = vector.shape_cast %get3A_2714 : vector<1x1x16xf32> to vector<16xf32>
      %sub3A_2716 = arith.subf %get3A_2715, %get3A_2703 : vector<16xf32>
      %mul3A_2717 = arith.mulf %broadcast_in_dim3A_2693, %sub3A_2716 : vector<16xf32>
      %add3A_2718 = arith.addf %get3A_2703, %mul3A_2717 : vector<16xf32>
      %sub3A_2719 = arith.subf %add3A_2718, %get3A_2709 : vector<16xf32>
      %abs3A_2720 = math.absf %sub3A_2719 : vector<16xf32>
      %sub3A_2721 = arith.subf %get3A_2703, %get3A_2709 : vector<16xf32>
      %abs3A_2722 = math.absf %sub3A_2721 : vector<16xf32>
      %sub3A_2723 = arith.subf %abs3A_2720, %abs3A_2722 : vector<16xf32>
      %add3A_2724 = arith.addf %add3A_2690, %sub3A_2723 : vector<16xf32>
      %get3A_2725 = arith.constant 1 : i32
      %get3A_2726 = arith.index_cast %get3A_2725 : i32 to index
      %get3A_2727 = arith.index_cast %add3A_2697 : i32 to index
      %get3A_2728 = arith.constant 16 : index
      %get3A_2729 = tpu.vector_load %arg11[%get3A_2726, %get3A_2727, %get3A_2728] {strides = array<i32>} : memref<2x128x64xf32, #tpu.memory_space<vmem>>, vector<1x1x16xf32>,
      %get3A_2730 = vector.shape_cast %get3A_2729 : vector<1x1x16xf32> to vector<16xf32>
      %get3A_2731 = arith.constant 1 : i32
      %get3A_2732 = arith.index_cast %get3A_2731 : i32 to index
      %get3A_2733 = arith.index_cast %add3A_2697 : i32 to index
      %get3A_2734 = arith.constant 16 : index
      %get3A_2735 = tpu.vector_load %arg12[%get3A_2732, %get3A_2733, %get3A_2734] {strides = array<i32>} : memref<2x128x64xf32, #tpu.memory_space<vmem>>, vector<1x1x16xf32>,
      %get3A_2736 = vector.shape_cast %get3A_2735 : vector<1x1x16xf32> to vector<16xf32>
      %get3A_2737 = arith.constant 1 : i32
      %get3A_2738 = arith.index_cast %get3A_2737 : i32 to index
      %get3A_2739 = arith.index_cast %add3A_2697 : i32 to index
      %get3A_2740 = arith.constant 16 : index
      %get3A_2741 = tpu.vector_load %arg13[%get3A_2738, %get3A_2739, %get3A_2740] {strides = array<i32>} : memref<2x128x64xf32, #tpu.memory_space<vmem>>, vector<1x1x16xf32>,
      %get3A_2742 = vector.shape_cast %get3A_2741 : vector<1x1x16xf32> to vector<16xf32>
      %sub3A_2743 = arith.subf %get3A_2742, %get3A_2730 : vector<16xf32>
      %mul3A_2744 = arith.mulf %broadcast_in_dim3A_2693, %sub3A_2743 : vector<16xf32>
      %add3A_2745 = arith.addf %get3A_2730, %mul3A_2744 : vector<16xf32>
      %sub3A_2746 = arith.subf %add3A_2745, %get3A_2736 : vector<16xf32>
      %abs3A_2747 = math.absf %sub3A_2746 : vector<16xf32>
      %sub3A_2748 = arith.subf %get3A_2730, %get3A_2736 : vector<16xf32>
      %abs3A_2749 = math.absf %sub3A_2748 : vector<16xf32>
      %sub3A_2750 = arith.subf %abs3A_2747, %abs3A_2749 : vector<16xf32>
      %add3A_2751 = arith.addf %add3A_2724, %sub3A_2750 : vector<16xf32>
      %get3A_2752 = arith.constant 1 : i32
      %get3A_2753 = arith.index_cast %get3A_2752 : i32 to index
      %get3A_2754 = arith.index_cast %add3A_2697 : i32 to index
      %get3A_2755 = arith.constant 32 : index
      %get3A_2756 = tpu.vector_load %arg11[%get3A_2753, %get3A_2754, %get3A_2755] {strides = array<i32>} : memref<2x128x64xf32, #tpu.memory_space<vmem>>, vector<1x1x16xf32>,
      %get3A_2757 = vector.shape_cast %get3A_2756 : vector<1x1x16xf32> to vector<16xf32>
      %get3A_2758 = arith.constant 1 : i32
      %get3A_2759 = arith.index_cast %get3A_2758 : i32 to index
      %get3A_2760 = arith.index_cast %add3A_2697 : i32 to index
      %get3A_2761 = arith.constant 32 : index
      %get3A_2762 = tpu.vector_load %arg12[%get3A_2759, %get3A_2760, %get3A_2761] {strides = array<i32>} : memref<2x128x64xf32, #tpu.memory_space<vmem>>, vector<1x1x16xf32>,
      %get3A_2763 = vector.shape_cast %get3A_2762 : vector<1x1x16xf32> to vector<16xf32>
      %get3A_2764 = arith.constant 1 : i32
      %get3A_2765 = arith.index_cast %get3A_2764 : i32 to index
      %get3A_2766 = arith.index_cast %add3A_2697 : i32 to index
      %get3A_2767 = arith.constant 32 : index
      %get3A_2768 = tpu.vector_load %arg13[%get3A_2765, %get3A_2766, %get3A_2767] {strides = array<i32>} : memref<2x128x64xf32, #tpu.memory_space<vmem>>, vector<1x1x16xf32>,
      %get3A_2769 = vector.shape_cast %get3A_2768 : vector<1x1x16xf32> to vector<16xf32>
      %sub3A_2770 = arith.subf %get3A_2769, %get3A_2757 : vector<16xf32>
      %mul3A_2771 = arith.mulf %broadcast_in_dim3A_2693, %sub3A_2770 : vector<16xf32>
      %add3A_2772 = arith.addf %get3A_2757, %mul3A_2771 : vector<16xf32>
      %sub3A_2773 = arith.subf %add3A_2772, %get3A_2763 : vector<16xf32>
      %abs3A_2774 = math.absf %sub3A_2773 : vector<16xf32>
      %sub3A_2775 = arith.subf %get3A_2757, %get3A_2763 : vector<16xf32>
      %abs3A_2776 = math.absf %sub3A_2775 : vector<16xf32>
      %sub3A_2777 = arith.subf %abs3A_2774, %abs3A_2776 : vector<16xf32>
      %add3A_2778 = arith.addf %add3A_2751, %sub3A_2777 : vector<16xf32>
      %get3A_2779 = arith.constant 1 : i32
      %get3A_2780 = arith.index_cast %get3A_2779 : i32 to index
      %get3A_2781 = arith.index_cast %add3A_2697 : i32 to index
      %get3A_2782 = arith.constant 48 : index
      %get3A_2783 = tpu.vector_load %arg11[%get3A_2780, %get3A_2781, %get3A_2782] {strides = array<i32>} : memref<2x128x64xf32, #tpu.memory_space<vmem>>, vector<1x1x16xf32>,
      %get3A_2784 = vector.shape_cast %get3A_2783 : vector<1x1x16xf32> to vector<16xf32>
      %get3A_2785 = arith.constant 1 : i32
      %get3A_2786 = arith.index_cast %get3A_2785 : i32 to index
      %get3A_2787 = arith.index_cast %add3A_2697 : i32 to index
      %get3A_2788 = arith.constant 48 : index
      %get3A_2789 = tpu.vector_load %arg12[%get3A_2786, %get3A_2787, %get3A_2788] {strides = array<i32>} : memref<2x128x64xf32, #tpu.memory_space<vmem>>, vector<1x1x16xf32>,
      %get3A_2790 = vector.shape_cast %get3A_2789 : vector<1x1x16xf32> to vector<16xf32>
      %get3A_2791 = arith.constant 1 : i32
      %get3A_2792 = arith.index_cast %get3A_2791 : i32 to index
      %get3A_2793 = arith.index_cast %add3A_2697 : i32 to index
      %get3A_2794 = arith.constant 48 : index
      %get3A_2795 = tpu.vector_load %arg13[%get3A_2792, %get3A_2793, %get3A_2794] {strides = array<i32>} : memref<2x128x64xf32, #tpu.memory_space<vmem>>, vector<1x1x16xf32>,
      %get3A_2796 = vector.shape_cast %get3A_2795 : vector<1x1x16xf32> to vector<16xf32>
      %sub3A_2797 = arith.subf %get3A_2796, %get3A_2784 : vector<16xf32>
      %mul3A_2798 = arith.mulf %broadcast_in_dim3A_2693, %sub3A_2797 : vector<16xf32>
      %add3A_2799 = arith.addf %get3A_2784, %mul3A_2798 : vector<16xf32>
      %sub3A_2800 = arith.subf %add3A_2799, %get3A_2790 : vector<16xf32>
      %abs3A_2801 = math.absf %sub3A_2800 : vector<16xf32>
      %sub3A_2802 = arith.subf %get3A_2784, %get3A_2790 : vector<16xf32>
      %abs3A_2803 = math.absf %sub3A_2802 : vector<16xf32>
      %sub3A_2804 = arith.subf %abs3A_2801, %abs3A_2803 : vector<16xf32>
      %add3A_2805 = arith.addf %add3A_2778, %sub3A_2804 : vector<16xf32>
      %slice3A_2806 = vector.extract_strided_slice %get3A_2460 {offsets = [3], sizes = [1], strides = [1]} : vector<16xf32> to vector<1xf32>
      %squeeze3A_2807 = vector.extract %slice3A_2806[0] : f32 from vector<1xf32>
      %broadcast_in_dim3A_2808 = vector.broadcast %squeeze3A_2807 : f32 to vector<16xf32>
      %mul3A_2809 = arith.constant 16 : i32
      %mul3A_2810 = arith.muli %scan3A_609, %mul3A_2809 : i32
      %add3A_2811 = arith.constant 3 : i32
      %add3A_2812 = arith.addi %mul3A_2810, %add3A_2811 : i32
      %get3A_2813 = arith.constant 1 : i32
      %get3A_2814 = arith.index_cast %get3A_2813 : i32 to index
      %get3A_2815 = arith.index_cast %add3A_2812 : i32 to index
      %get3A_2816 = arith.constant 0 : index
      %get3A_2817 = tpu.vector_load %arg11[%get3A_2814, %get3A_2815, %get3A_2816] {strides = array<i32>} : memref<2x128x64xf32, #tpu.memory_space<vmem>>, vector<1x1x16xf32>,
      %get3A_2818 = vector.shape_cast %get3A_2817 : vector<1x1x16xf32> to vector<16xf32>
      %get3A_2819 = arith.constant 1 : i32
      %get3A_2820 = arith.index_cast %get3A_2819 : i32 to index
      %get3A_2821 = arith.index_cast %add3A_2812 : i32 to index
      %get3A_2822 = arith.constant 0 : index
      %get3A_2823 = tpu.vector_load %arg12[%get3A_2820, %get3A_2821, %get3A_2822] {strides = array<i32>} : memref<2x128x64xf32, #tpu.memory_space<vmem>>, vector<1x1x16xf32>,
      %get3A_2824 = vector.shape_cast %get3A_2823 : vector<1x1x16xf32> to vector<16xf32>
      %get3A_2825 = arith.constant 1 : i32
      %get3A_2826 = arith.index_cast %get3A_2825 : i32 to index
      %get3A_2827 = arith.index_cast %add3A_2812 : i32 to index
      %get3A_2828 = arith.constant 0 : index
      %get3A_2829 = tpu.vector_load %arg13[%get3A_2826, %get3A_2827, %get3A_2828] {strides = array<i32>} : memref<2x128x64xf32, #tpu.memory_space<vmem>>, vector<1x1x16xf32>,
      %get3A_2830 = vector.shape_cast %get3A_2829 : vector<1x1x16xf32> to vector<16xf32>
      %sub3A_2831 = arith.subf %get3A_2830, %get3A_2818 : vector<16xf32>
      %mul3A_2832 = arith.mulf %broadcast_in_dim3A_2808, %sub3A_2831 : vector<16xf32>
      %add3A_2833 = arith.addf %get3A_2818, %mul3A_2832 : vector<16xf32>
      %sub3A_2834 = arith.subf %add3A_2833, %get3A_2824 : vector<16xf32>
      %abs3A_2835 = math.absf %sub3A_2834 : vector<16xf32>
      %sub3A_2836 = arith.subf %get3A_2818, %get3A_2824 : vector<16xf32>
      %abs3A_2837 = math.absf %sub3A_2836 : vector<16xf32>
      %sub3A_2838 = arith.subf %abs3A_2835, %abs3A_2837 : vector<16xf32>
      %add3A_2839 = arith.addf %add3A_2805, %sub3A_2838 : vector<16xf32>
      %get3A_2840 = arith.constant 1 : i32
      %get3A_2841 = arith.index_cast %get3A_2840 : i32 to index
      %get3A_2842 = arith.index_cast %add3A_2812 : i32 to index
      %get3A_2843 = arith.constant 16 : index
      %get3A_2844 = tpu.vector_load %arg11[%get3A_2841, %get3A_2842, %get3A_2843] {strides = array<i32>} : memref<2x128x64xf32, #tpu.memory_space<vmem>>, vector<1x1x16xf32>,
      %get3A_2845 = vector.shape_cast %get3A_2844 : vector<1x1x16xf32> to vector<16xf32>
      %get3A_2846 = arith.constant 1 : i32
      %get3A_2847 = arith.index_cast %get3A_2846 : i32 to index
      %get3A_2848 = arith.index_cast %add3A_2812 : i32 to index
      %get3A_2849 = arith.constant 16 : index
      %get3A_2850 = tpu.vector_load %arg12[%get3A_2847, %get3A_2848, %get3A_2849] {strides = array<i32>} : memref<2x128x64xf32, #tpu.memory_space<vmem>>, vector<1x1x16xf32>,
      %get3A_2851 = vector.shape_cast %get3A_2850 : vector<1x1x16xf32> to vector<16xf32>
      %get3A_2852 = arith.constant 1 : i32
      %get3A_2853 = arith.index_cast %get3A_2852 : i32 to index
      %get3A_2854 = arith.index_cast %add3A_2812 : i32 to index
      %get3A_2855 = arith.constant 16 : index
      %get3A_2856 = tpu.vector_load %arg13[%get3A_2853, %get3A_2854, %get3A_2855] {strides = array<i32>} : memref<2x128x64xf32, #tpu.memory_space<vmem>>, vector<1x1x16xf32>,
      %get3A_2857 = vector.shape_cast %get3A_2856 : vector<1x1x16xf32> to vector<16xf32>
      %sub3A_2858 = arith.subf %get3A_2857, %get3A_2845 : vector<16xf32>
      %mul3A_2859 = arith.mulf %broadcast_in_dim3A_2808, %sub3A_2858 : vector<16xf32>
      %add3A_2860 = arith.addf %get3A_2845, %mul3A_2859 : vector<16xf32>
      %sub3A_2861 = arith.subf %add3A_2860, %get3A_2851 : vector<16xf32>
      %abs3A_2862 = math.absf %sub3A_2861 : vector<16xf32>
      %sub3A_2863 = arith.subf %get3A_2845, %get3A_2851 : vector<16xf32>
      %abs3A_2864 = math.absf %sub3A_2863 : vector<16xf32>
      %sub3A_2865 = arith.subf %abs3A_2862, %abs3A_2864 : vector<16xf32>
      %add3A_2866 = arith.addf %add3A_2839, %sub3A_2865 : vector<16xf32>
      %get3A_2867 = arith.constant 1 : i32
      %get3A_2868 = arith.index_cast %get3A_2867 : i32 to index
      %get3A_2869 = arith.index_cast %add3A_2812 : i32 to index
      %get3A_2870 = arith.constant 32 : index
      %get3A_2871 = tpu.vector_load %arg11[%get3A_2868, %get3A_2869, %get3A_2870] {strides = array<i32>} : memref<2x128x64xf32, #tpu.memory_space<vmem>>, vector<1x1x16xf32>,
      %get3A_2872 = vector.shape_cast %get3A_2871 : vector<1x1x16xf32> to vector<16xf32>
      %get3A_2873 = arith.constant 1 : i32
      %get3A_2874 = arith.index_cast %get3A_2873 : i32 to index
      %get3A_2875 = arith.index_cast %add3A_2812 : i32 to index
      %get3A_2876 = arith.constant 32 : index
      %get3A_2877 = tpu.vector_load %arg12[%get3A_2874, %get3A_2875, %get3A_2876] {strides = array<i32>} : memref<2x128x64xf32, #tpu.memory_space<vmem>>, vector<1x1x16xf32>,
      %get3A_2878 = vector.shape_cast %get3A_2877 : vector<1x1x16xf32> to vector<16xf32>
      %get3A_2879 = arith.constant 1 : i32
      %get3A_2880 = arith.index_cast %get3A_2879 : i32 to index
      %get3A_2881 = arith.index_cast %add3A_2812 : i32 to index
      %get3A_2882 = arith.constant 32 : index
      %get3A_2883 = tpu.vector_load %arg13[%get3A_2880, %get3A_2881, %get3A_2882] {strides = array<i32>} : memref<2x128x64xf32, #tpu.memory_space<vmem>>, vector<1x1x16xf32>,
      %get3A_2884 = vector.shape_cast %get3A_2883 : vector<1x1x16xf32> to vector<16xf32>
      %sub3A_2885 = arith.subf %get3A_2884, %get3A_2872 : vector<16xf32>
      %mul3A_2886 = arith.mulf %broadcast_in_dim3A_2808, %sub3A_2885 : vector<16xf32>
      %add3A_2887 = arith.addf %get3A_2872, %mul3A_2886 : vector<16xf32>
      %sub3A_2888 = arith.subf %add3A_2887, %get3A_2878 : vector<16xf32>
      %abs3A_2889 = math.absf %sub3A_2888 : vector<16xf32>
      %sub3A_2890 = arith.subf %get3A_2872, %get3A_2878 : vector<16xf32>
      %abs3A_2891 = math.absf %sub3A_2890 : vector<16xf32>
      %sub3A_2892 = arith.subf %abs3A_2889, %abs3A_2891 : vector<16xf32>
      %add3A_2893 = arith.addf %add3A_2866, %sub3A_2892 : vector<16xf32>
      %get3A_2894 = arith.constant 1 : i32
      %get3A_2895 = arith.index_cast %get3A_2894 : i32 to index
      %get3A_2896 = arith.index_cast %add3A_2812 : i32 to index
      %get3A_2897 = arith.constant 48 : index
      %get3A_2898 = tpu.vector_load %arg11[%get3A_2895, %get3A_2896, %get3A_2897] {strides = array<i32>} : memref<2x128x64xf32, #tpu.memory_space<vmem>>, vector<1x1x16xf32>,
      %get3A_2899 = vector.shape_cast %get3A_2898 : vector<1x1x16xf32> to vector<16xf32>
      %get3A_2900 = arith.constant 1 : i32
      %get3A_2901 = arith.index_cast %get3A_2900 : i32 to index
      %get3A_2902 = arith.index_cast %add3A_2812 : i32 to index
      %get3A_2903 = arith.constant 48 : index
      %get3A_2904 = tpu.vector_load %arg12[%get3A_2901, %get3A_2902, %get3A_2903] {strides = array<i32>} : memref<2x128x64xf32, #tpu.memory_space<vmem>>, vector<1x1x16xf32>,
      %get3A_2905 = vector.shape_cast %get3A_2904 : vector<1x1x16xf32> to vector<16xf32>
      %get3A_2906 = arith.constant 1 : i32
      %get3A_2907 = arith.index_cast %get3A_2906 : i32 to index
      %get3A_2908 = arith.index_cast %add3A_2812 : i32 to index
      %get3A_2909 = arith.constant 48 : index
      %get3A_2910 = tpu.vector_load %arg13[%get3A_2907, %get3A_2908, %get3A_2909] {strides = array<i32>} : memref<2x128x64xf32, #tpu.memory_space<vmem>>, vector<1x1x16xf32>,
      %get3A_2911 = vector.shape_cast %get3A_2910 : vector<1x1x16xf32> to vector<16xf32>
      %sub3A_2912 = arith.subf %get3A_2911, %get3A_2899 : vector<16xf32>
      %mul3A_2913 = arith.mulf %broadcast_in_dim3A_2808, %sub3A_2912 : vector<16xf32>
      %add3A_2914 = arith.addf %get3A_2899, %mul3A_2913 : vector<16xf32>
      %sub3A_2915 = arith.subf %add3A_2914, %get3A_2905 : vector<16xf32>
      %abs3A_2916 = math.absf %sub3A_2915 : vector<16xf32>
      %sub3A_2917 = arith.subf %get3A_2899, %get3A_2905 : vector<16xf32>
      %abs3A_2918 = math.absf %sub3A_2917 : vector<16xf32>
      %sub3A_2919 = arith.subf %abs3A_2916, %abs3A_2918 : vector<16xf32>
      %add3A_2920 = arith.addf %add3A_2893, %sub3A_2919 : vector<16xf32>
      %slice3A_2921 = vector.extract_strided_slice %get3A_2460 {offsets = [4], sizes = [1], strides = [1]} : vector<16xf32> to vector<1xf32>
      %squeeze3A_2922 = vector.extract %slice3A_2921[0] : f32 from vector<1xf32>
      %broadcast_in_dim3A_2923 = vector.broadcast %squeeze3A_2922 : f32 to vector<16xf32>
      %mul3A_2924 = arith.constant 16 : i32
      %mul3A_2925 = arith.muli %scan3A_609, %mul3A_2924 : i32
      %add3A_2926 = arith.constant 4 : i32
      %add3A_2927 = arith.addi %mul3A_2925, %add3A_2926 : i32
      %get3A_2928 = arith.constant 1 : i32
      %get3A_2929 = arith.index_cast %get3A_2928 : i32 to index
      %get3A_2930 = arith.index_cast %add3A_2927 : i32 to index
      %get3A_2931 = arith.constant 0 : index
      %get3A_2932 = tpu.vector_load %arg11[%get3A_2929, %get3A_2930, %get3A_2931] {strides = array<i32>} : memref<2x128x64xf32, #tpu.memory_space<vmem>>, vector<1x1x16xf32>,
      %get3A_2933 = vector.shape_cast %get3A_2932 : vector<1x1x16xf32> to vector<16xf32>
      %get3A_2934 = arith.constant 1 : i32
      %get3A_2935 = arith.index_cast %get3A_2934 : i32 to index
      %get3A_2936 = arith.index_cast %add3A_2927 : i32 to index
      %get3A_2937 = arith.constant 0 : index
      %get3A_2938 = tpu.vector_load %arg12[%get3A_2935, %get3A_2936, %get3A_2937] {strides = array<i32>} : memref<2x128x64xf32, #tpu.memory_space<vmem>>, vector<1x1x16xf32>,
      %get3A_2939 = vector.shape_cast %get3A_2938 : vector<1x1x16xf32> to vector<16xf32>
      %get3A_2940 = arith.constant 1 : i32
      %get3A_2941 = arith.index_cast %get3A_2940 : i32 to index
      %get3A_2942 = arith.index_cast %add3A_2927 : i32 to index
      %get3A_2943 = arith.constant 0 : index
      %get3A_2944 = tpu.vector_load %arg13[%get3A_2941, %get3A_2942, %get3A_2943] {strides = array<i32>} : memref<2x128x64xf32, #tpu.memory_space<vmem>>, vector<1x1x16xf32>,
      %get3A_2945 = vector.shape_cast %get3A_2944 : vector<1x1x16xf32> to vector<16xf32>
      %sub3A_2946 = arith.subf %get3A_2945, %get3A_2933 : vector<16xf32>
      %mul3A_2947 = arith.mulf %broadcast_in_dim3A_2923, %sub3A_2946 : vector<16xf32>
      %add3A_2948 = arith.addf %get3A_2933, %mul3A_2947 : vector<16xf32>
      %sub3A_2949 = arith.subf %add3A_2948, %get3A_2939 : vector<16xf32>
      %abs3A_2950 = math.absf %sub3A_2949 : vector<16xf32>
      %sub3A_2951 = arith.subf %get3A_2933, %get3A_2939 : vector<16xf32>
      %abs3A_2952 = math.absf %sub3A_2951 : vector<16xf32>
      %sub3A_2953 = arith.subf %abs3A_2950, %abs3A_2952 : vector<16xf32>
      %add3A_2954 = arith.addf %add3A_2920, %sub3A_2953 : vector<16xf32>
      %get3A_2955 = arith.constant 1 : i32
      %get3A_2956 = arith.index_cast %get3A_2955 : i32 to index
      %get3A_2957 = arith.index_cast %add3A_2927 : i32 to index
      %get3A_2958 = arith.constant 16 : index
      %get3A_2959 = tpu.vector_load %arg11[%get3A_2956, %get3A_2957, %get3A_2958] {strides = array<i32>} : memref<2x128x64xf32, #tpu.memory_space<vmem>>, vector<1x1x16xf32>,
      %get3A_2960 = vector.shape_cast %get3A_2959 : vector<1x1x16xf32> to vector<16xf32>
      %get3A_2961 = arith.constant 1 : i32
      %get3A_2962 = arith.index_cast %get3A_2961 : i32 to index
      %get3A_2963 = arith.index_cast %add3A_2927 : i32 to index
      %get3A_2964 = arith.constant 16 : index
      %get3A_2965 = tpu.vector_load %arg12[%get3A_2962, %get3A_2963, %get3A_2964] {strides = array<i32>} : memref<2x128x64xf32, #tpu.memory_space<vmem>>, vector<1x1x16xf32>,
      %get3A_2966 = vector.shape_cast %get3A_2965 : vector<1x1x16xf32> to vector<16xf32>
      %get3A_2967 = arith.constant 1 : i32
      %get3A_2968 = arith.index_cast %get3A_2967 : i32 to index
      %get3A_2969 = arith.index_cast %add3A_2927 : i32 to index
      %get3A_2970 = arith.constant 16 : index
      %get3A_2971 = tpu.vector_load %arg13[%get3A_2968, %get3A_2969, %get3A_2970] {strides = array<i32>} : memref<2x128x64xf32, #tpu.memory_space<vmem>>, vector<1x1x16xf32>,
      %get3A_2972 = vector.shape_cast %get3A_2971 : vector<1x1x16xf32> to vector<16xf32>
      %sub3A_2973 = arith.subf %get3A_2972, %get3A_2960 : vector<16xf32>
      %mul3A_2974 = arith.mulf %broadcast_in_dim3A_2923, %sub3A_2973 : vector<16xf32>
      %add3A_2975 = arith.addf %get3A_2960, %mul3A_2974 : vector<16xf32>
      %sub3A_2976 = arith.subf %add3A_2975, %get3A_2966 : vector<16xf32>
      %abs3A_2977 = math.absf %sub3A_2976 : vector<16xf32>
      %sub3A_2978 = arith.subf %get3A_2960, %get3A_2966 : vector<16xf32>
      %abs3A_2979 = math.absf %sub3A_2978 : vector<16xf32>
      %sub3A_2980 = arith.subf %abs3A_2977, %abs3A_2979 : vector<16xf32>
      %add3A_2981 = arith.addf %add3A_2954, %sub3A_2980 : vector<16xf32>
      %get3A_2982 = arith.constant 1 : i32
      %get3A_2983 = arith.index_cast %get3A_2982 : i32 to index
      %get3A_2984 = arith.index_cast %add3A_2927 : i32 to index
      %get3A_2985 = arith.constant 32 : index
      %get3A_2986 = tpu.vector_load %arg11[%get3A_2983, %get3A_2984, %get3A_2985] {strides = array<i32>} : memref<2x128x64xf32, #tpu.memory_space<vmem>>, vector<1x1x16xf32>,
      %get3A_2987 = vector.shape_cast %get3A_2986 : vector<1x1x16xf32> to vector<16xf32>
      %get3A_2988 = arith.constant 1 : i32
      %get3A_2989 = arith.index_cast %get3A_2988 : i32 to index
      %get3A_2990 = arith.index_cast %add3A_2927 : i32 to index
      %get3A_2991 = arith.constant 32 : index
      %get3A_2992 = tpu.vector_load %arg12[%get3A_2989, %get3A_2990, %get3A_2991] {strides = array<i32>} : memref<2x128x64xf32, #tpu.memory_space<vmem>>, vector<1x1x16xf32>,
      %get3A_2993 = vector.shape_cast %get3A_2992 : vector<1x1x16xf32> to vector<16xf32>
      %get3A_2994 = arith.constant 1 : i32
      %get3A_2995 = arith.index_cast %get3A_2994 : i32 to index
      %get3A_2996 = arith.index_cast %add3A_2927 : i32 to index
      %get3A_2997 = arith.constant 32 : index
      %get3A_2998 = tpu.vector_load %arg13[%get3A_2995, %get3A_2996, %get3A_2997] {strides = array<i32>} : memref<2x128x64xf32, #tpu.memory_space<vmem>>, vector<1x1x16xf32>,
      %get3A_2999 = vector.shape_cast %get3A_2998 : vector<1x1x16xf32> to vector<16xf32>
      %sub3A_3000 = arith.subf %get3A_2999, %get3A_2987 : vector<16xf32>
      %mul3A_3001 = arith.mulf %broadcast_in_dim3A_2923, %sub3A_3000 : vector<16xf32>
      %add3A_3002 = arith.addf %get3A_2987, %mul3A_3001 : vector<16xf32>
      %sub3A_3003 = arith.subf %add3A_3002, %get3A_2993 : vector<16xf32>
      %abs3A_3004 = math.absf %sub3A_3003 : vector<16xf32>
      %sub3A_3005 = arith.subf %get3A_2987, %get3A_2993 : vector<16xf32>
      %abs3A_3006 = math.absf %sub3A_3005 : vector<16xf32>
      %sub3A_3007 = arith.subf %abs3A_3004, %abs3A_3006 : vector<16xf32>
      %add3A_3008 = arith.addf %add3A_2981, %sub3A_3007 : vector<16xf32>
      %get3A_3009 = arith.constant 1 : i32
      %get3A_3010 = arith.index_cast %get3A_3009 : i32 to index
      %get3A_3011 = arith.index_cast %add3A_2927 : i32 to index
      %get3A_3012 = arith.constant 48 : index
      %get3A_3013 = tpu.vector_load %arg11[%get3A_3010, %get3A_3011, %get3A_3012] {strides = array<i32>} : memref<2x128x64xf32, #tpu.memory_space<vmem>>, vector<1x1x16xf32>,
      %get3A_3014 = vector.shape_cast %get3A_3013 : vector<1x1x16xf32> to vector<16xf32>
      %get3A_3015 = arith.constant 1 : i32
      %get3A_3016 = arith.index_cast %get3A_3015 : i32 to index
      %get3A_3017 = arith.index_cast %add3A_2927 : i32 to index
      %get3A_3018 = arith.constant 48 : index
      %get3A_3019 = tpu.vector_load %arg12[%get3A_3016, %get3A_3017, %get3A_3018] {strides = array<i32>} : memref<2x128x64xf32, #tpu.memory_space<vmem>>, vector<1x1x16xf32>,
      %get3A_3020 = vector.shape_cast %get3A_3019 : vector<1x1x16xf32> to vector<16xf32>
      %get3A_3021 = arith.constant 1 : i32
      %get3A_3022 = arith.index_cast %get3A_3021 : i32 to index
      %get3A_3023 = arith.index_cast %add3A_2927 : i32 to index
      %get3A_3024 = arith.constant 48 : index
      %get3A_3025 = tpu.vector_load %arg13[%get3A_3022, %get3A_3023, %get3A_3024] {strides = array<i32>} : memref<2x128x64xf32, #tpu.memory_space<vmem>>, vector<1x1x16xf32>,
      %get3A_3026 = vector.shape_cast %get3A_3025 : vector<1x1x16xf32> to vector<16xf32>
      %sub3A_3027 = arith.subf %get3A_3026, %get3A_3014 : vector<16xf32>
      %mul3A_3028 = arith.mulf %broadcast_in_dim3A_2923, %sub3A_3027 : vector<16xf32>
      %add3A_3029 = arith.addf %get3A_3014, %mul3A_3028 : vector<16xf32>
      %sub3A_3030 = arith.subf %add3A_3029, %get3A_3020 : vector<16xf32>
      %abs3A_3031 = math.absf %sub3A_3030 : vector<16xf32>
      %sub3A_3032 = arith.subf %get3A_3014, %get3A_3020 : vector<16xf32>
      %abs3A_3033 = math.absf %sub3A_3032 : vector<16xf32>
      %sub3A_3034 = arith.subf %abs3A_3031, %abs3A_3033 : vector<16xf32>
      %add3A_3035 = arith.addf %add3A_3008, %sub3A_3034 : vector<16xf32>
      %slice3A_3036 = vector.extract_strided_slice %get3A_2460 {offsets = [5], sizes = [1], strides = [1]} : vector<16xf32> to vector<1xf32>
      %squeeze3A_3037 = vector.extract %slice3A_3036[0] : f32 from vector<1xf32>
      %broadcast_in_dim3A_3038 = vector.broadcast %squeeze3A_3037 : f32 to vector<16xf32>
      %mul3A_3039 = arith.constant 16 : i32
      %mul3A_3040 = arith.muli %scan3A_609, %mul3A_3039 : i32
      %add3A_3041 = arith.constant 5 : i32
      %add3A_3042 = arith.addi %mul3A_3040, %add3A_3041 : i32
      %get3A_3043 = arith.constant 1 : i32
      %get3A_3044 = arith.index_cast %get3A_3043 : i32 to index
      %get3A_3045 = arith.index_cast %add3A_3042 : i32 to index
      %get3A_3046 = arith.constant 0 : index
      %get3A_3047 = tpu.vector_load %arg11[%get3A_3044, %get3A_3045, %get3A_3046] {strides = array<i32>} : memref<2x128x64xf32, #tpu.memory_space<vmem>>, vector<1x1x16xf32>,
      %get3A_3048 = vector.shape_cast %get3A_3047 : vector<1x1x16xf32> to vector<16xf32>
      %get3A_3049 = arith.constant 1 : i32
      %get3A_3050 = arith.index_cast %get3A_3049 : i32 to index
      %get3A_3051 = arith.index_cast %add3A_3042 : i32 to index
      %get3A_3052 = arith.constant 0 : index
      %get3A_3053 = tpu.vector_load %arg12[%get3A_3050, %get3A_3051, %get3A_3052] {strides = array<i32>} : memref<2x128x64xf32, #tpu.memory_space<vmem>>, vector<1x1x16xf32>,
      %get3A_3054 = vector.shape_cast %get3A_3053 : vector<1x1x16xf32> to vector<16xf32>
      %get3A_3055 = arith.constant 1 : i32
      %get3A_3056 = arith.index_cast %get3A_3055 : i32 to index
      %get3A_3057 = arith.index_cast %add3A_3042 : i32 to index
      %get3A_3058 = arith.constant 0 : index
      %get3A_3059 = tpu.vector_load %arg13[%get3A_3056, %get3A_3057, %get3A_3058] {strides = array<i32>} : memref<2x128x64xf32, #tpu.memory_space<vmem>>, vector<1x1x16xf32>,
      %get3A_3060 = vector.shape_cast %get3A_3059 : vector<1x1x16xf32> to vector<16xf32>
      %sub3A_3061 = arith.subf %get3A_3060, %get3A_3048 : vector<16xf32>
      %mul3A_3062 = arith.mulf %broadcast_in_dim3A_3038, %sub3A_3061 : vector<16xf32>
      %add3A_3063 = arith.addf %get3A_3048, %mul3A_3062 : vector<16xf32>
      %sub3A_3064 = arith.subf %add3A_3063, %get3A_3054 : vector<16xf32>
      %abs3A_3065 = math.absf %sub3A_3064 : vector<16xf32>
      %sub3A_3066 = arith.subf %get3A_3048, %get3A_3054 : vector<16xf32>
      %abs3A_3067 = math.absf %sub3A_3066 : vector<16xf32>
      %sub3A_3068 = arith.subf %abs3A_3065, %abs3A_3067 : vector<16xf32>
      %add3A_3069 = arith.addf %add3A_3035, %sub3A_3068 : vector<16xf32>
      %get3A_3070 = arith.constant 1 : i32
      %get3A_3071 = arith.index_cast %get3A_3070 : i32 to index
      %get3A_3072 = arith.index_cast %add3A_3042 : i32 to index
      %get3A_3073 = arith.constant 16 : index
      %get3A_3074 = tpu.vector_load %arg11[%get3A_3071, %get3A_3072, %get3A_3073] {strides = array<i32>} : memref<2x128x64xf32, #tpu.memory_space<vmem>>, vector<1x1x16xf32>,
      %get3A_3075 = vector.shape_cast %get3A_3074 : vector<1x1x16xf32> to vector<16xf32>
      %get3A_3076 = arith.constant 1 : i32
      %get3A_3077 = arith.index_cast %get3A_3076 : i32 to index
      %get3A_3078 = arith.index_cast %add3A_3042 : i32 to index
      %get3A_3079 = arith.constant 16 : index
      %get3A_3080 = tpu.vector_load %arg12[%get3A_3077, %get3A_3078, %get3A_3079] {strides = array<i32>} : memref<2x128x64xf32, #tpu.memory_space<vmem>>, vector<1x1x16xf32>,
      %get3A_3081 = vector.shape_cast %get3A_3080 : vector<1x1x16xf32> to vector<16xf32>
      %get3A_3082 = arith.constant 1 : i32
      %get3A_3083 = arith.index_cast %get3A_3082 : i32 to index
      %get3A_3084 = arith.index_cast %add3A_3042 : i32 to index
      %get3A_3085 = arith.constant 16 : index
      %get3A_3086 = tpu.vector_load %arg13[%get3A_3083, %get3A_3084, %get3A_3085] {strides = array<i32>} : memref<2x128x64xf32, #tpu.memory_space<vmem>>, vector<1x1x16xf32>,
      %get3A_3087 = vector.shape_cast %get3A_3086 : vector<1x1x16xf32> to vector<16xf32>
      %sub3A_3088 = arith.subf %get3A_3087, %get3A_3075 : vector<16xf32>
      %mul3A_3089 = arith.mulf %broadcast_in_dim3A_3038, %sub3A_3088 : vector<16xf32>
      %add3A_3090 = arith.addf %get3A_3075, %mul3A_3089 : vector<16xf32>
      %sub3A_3091 = arith.subf %add3A_3090, %get3A_3081 : vector<16xf32>
      %abs3A_3092 = math.absf %sub3A_3091 : vector<16xf32>
      %sub3A_3093 = arith.subf %get3A_3075, %get3A_3081 : vector<16xf32>
      %abs3A_3094 = math.absf %sub3A_3093 : vector<16xf32>
      %sub3A_3095 = arith.subf %abs3A_3092, %abs3A_3094 : vector<16xf32>
      %add3A_3096 = arith.addf %add3A_3069, %sub3A_3095 : vector<16xf32>
      %get3A_3097 = arith.constant 1 : i32
      %get3A_3098 = arith.index_cast %get3A_3097 : i32 to index
      %get3A_3099 = arith.index_cast %add3A_3042 : i32 to index
      %get3A_3100 = arith.constant 32 : index
      %get3A_3101 = tpu.vector_load %arg11[%get3A_3098, %get3A_3099, %get3A_3100] {strides = array<i32>} : memref<2x128x64xf32, #tpu.memory_space<vmem>>, vector<1x1x16xf32>,
      %get3A_3102 = vector.shape_cast %get3A_3101 : vector<1x1x16xf32> to vector<16xf32>
      %get3A_3103 = arith.constant 1 : i32
      %get3A_3104 = arith.index_cast %get3A_3103 : i32 to index
      %get3A_3105 = arith.index_cast %add3A_3042 : i32 to index
      %get3A_3106 = arith.constant 32 : index
      %get3A_3107 = tpu.vector_load %arg12[%get3A_3104, %get3A_3105, %get3A_3106] {strides = array<i32>} : memref<2x128x64xf32, #tpu.memory_space<vmem>>, vector<1x1x16xf32>,
      %get3A_3108 = vector.shape_cast %get3A_3107 : vector<1x1x16xf32> to vector<16xf32>
      %get3A_3109 = arith.constant 1 : i32
      %get3A_3110 = arith.index_cast %get3A_3109 : i32 to index
      %get3A_3111 = arith.index_cast %add3A_3042 : i32 to index
      %get3A_3112 = arith.constant 32 : index
      %get3A_3113 = tpu.vector_load %arg13[%get3A_3110, %get3A_3111, %get3A_3112] {strides = array<i32>} : memref<2x128x64xf32, #tpu.memory_space<vmem>>, vector<1x1x16xf32>,
      %get3A_3114 = vector.shape_cast %get3A_3113 : vector<1x1x16xf32> to vector<16xf32>
      %sub3A_3115 = arith.subf %get3A_3114, %get3A_3102 : vector<16xf32>
      %mul3A_3116 = arith.mulf %broadcast_in_dim3A_3038, %sub3A_3115 : vector<16xf32>
      %add3A_3117 = arith.addf %get3A_3102, %mul3A_3116 : vector<16xf32>
      %sub3A_3118 = arith.subf %add3A_3117, %get3A_3108 : vector<16xf32>
      %abs3A_3119 = math.absf %sub3A_3118 : vector<16xf32>
      %sub3A_3120 = arith.subf %get3A_3102, %get3A_3108 : vector<16xf32>
      %abs3A_3121 = math.absf %sub3A_3120 : vector<16xf32>
      %sub3A_3122 = arith.subf %abs3A_3119, %abs3A_3121 : vector<16xf32>
      %add3A_3123 = arith.addf %add3A_3096, %sub3A_3122 : vector<16xf32>
      %get3A_3124 = arith.constant 1 : i32
      %get3A_3125 = arith.index_cast %get3A_3124 : i32 to index
      %get3A_3126 = arith.index_cast %add3A_3042 : i32 to index
      %get3A_3127 = arith.constant 48 : index
      %get3A_3128 = tpu.vector_load %arg11[%get3A_3125, %get3A_3126, %get3A_3127] {strides = array<i32>} : memref<2x128x64xf32, #tpu.memory_space<vmem>>, vector<1x1x16xf32>,
      %get3A_3129 = vector.shape_cast %get3A_3128 : vector<1x1x16xf32> to vector<16xf32>
      %get3A_3130 = arith.constant 1 : i32
      %get3A_3131 = arith.index_cast %get3A_3130 : i32 to index
      %get3A_3132 = arith.index_cast %add3A_3042 : i32 to index
      %get3A_3133 = arith.constant 48 : index
      %get3A_3134 = tpu.vector_load %arg12[%get3A_3131, %get3A_3132, %get3A_3133] {strides = array<i32>} : memref<2x128x64xf32, #tpu.memory_space<vmem>>, vector<1x1x16xf32>,
      %get3A_3135 = vector.shape_cast %get3A_3134 : vector<1x1x16xf32> to vector<16xf32>
      %get3A_3136 = arith.constant 1 : i32
      %get3A_3137 = arith.index_cast %get3A_3136 : i32 to index
      %get3A_3138 = arith.index_cast %add3A_3042 : i32 to index
      %get3A_3139 = arith.constant 48 : index
      %get3A_3140 = tpu.vector_load %arg13[%get3A_3137, %get3A_3138, %get3A_3139] {strides = array<i32>} : memref<2x128x64xf32, #tpu.memory_space<vmem>>, vector<1x1x16xf32>,
      %get3A_3141 = vector.shape_cast %get3A_3140 : vector<1x1x16xf32> to vector<16xf32>
      %sub3A_3142 = arith.subf %get3A_3141, %get3A_3129 : vector<16xf32>
      %mul3A_3143 = arith.mulf %broadcast_in_dim3A_3038, %sub3A_3142 : vector<16xf32>
      %add3A_3144 = arith.addf %get3A_3129, %mul3A_3143 : vector<16xf32>
      %sub3A_3145 = arith.subf %add3A_3144, %get3A_3135 : vector<16xf32>
      %abs3A_3146 = math.absf %sub3A_3145 : vector<16xf32>
      %sub3A_3147 = arith.subf %get3A_3129, %get3A_3135 : vector<16xf32>
      %abs3A_3148 = math.absf %sub3A_3147 : vector<16xf32>
      %sub3A_3149 = arith.subf %abs3A_3146, %abs3A_3148 : vector<16xf32>
      %add3A_3150 = arith.addf %add3A_3123, %sub3A_3149 : vector<16xf32>
      %slice3A_3151 = vector.extract_strided_slice %get3A_2460 {offsets = [6], sizes = [1], strides = [1]} : vector<16xf32> to vector<1xf32>
      %squeeze3A_3152 = vector.extract %slice3A_3151[0] : f32 from vector<1xf32>
      %broadcast_in_dim3A_3153 = vector.broadcast %squeeze3A_3152 : f32 to vector<16xf32>
      %mul3A_3154 = arith.constant 16 : i32
      %mul3A_3155 = arith.muli %scan3A_609, %mul3A_3154 : i32
      %add3A_3156 = arith.constant 6 : i32
      %add3A_3157 = arith.addi %mul3A_3155, %add3A_3156 : i32
      %get3A_3158 = arith.constant 1 : i32
      %get3A_3159 = arith.index_cast %get3A_3158 : i32 to index
      %get3A_3160 = arith.index_cast %add3A_3157 : i32 to index
      %get3A_3161 = arith.constant 0 : index
      %get3A_3162 = tpu.vector_load %arg11[%get3A_3159, %get3A_3160, %get3A_3161] {strides = array<i32>} : memref<2x128x64xf32, #tpu.memory_space<vmem>>, vector<1x1x16xf32>,
      %get3A_3163 = vector.shape_cast %get3A_3162 : vector<1x1x16xf32> to vector<16xf32>
      %get3A_3164 = arith.constant 1 : i32
      %get3A_3165 = arith.index_cast %get3A_3164 : i32 to index
      %get3A_3166 = arith.index_cast %add3A_3157 : i32 to index
      %get3A_3167 = arith.constant 0 : index
      %get3A_3168 = tpu.vector_load %arg12[%get3A_3165, %get3A_3166, %get3A_3167] {strides = array<i32>} : memref<2x128x64xf32, #tpu.memory_space<vmem>>, vector<1x1x16xf32>,
      %get3A_3169 = vector.shape_cast %get3A_3168 : vector<1x1x16xf32> to vector<16xf32>
      %get3A_3170 = arith.constant 1 : i32
      %get3A_3171 = arith.index_cast %get3A_3170 : i32 to index
      %get3A_3172 = arith.index_cast %add3A_3157 : i32 to index
      %get3A_3173 = arith.constant 0 : index
      %get3A_3174 = tpu.vector_load %arg13[%get3A_3171, %get3A_3172, %get3A_3173] {strides = array<i32>} : memref<2x128x64xf32, #tpu.memory_space<vmem>>, vector<1x1x16xf32>,
      %get3A_3175 = vector.shape_cast %get3A_3174 : vector<1x1x16xf32> to vector<16xf32>
      %sub3A_3176 = arith.subf %get3A_3175, %get3A_3163 : vector<16xf32>
      %mul3A_3177 = arith.mulf %broadcast_in_dim3A_3153, %sub3A_3176 : vector<16xf32>
      %add3A_3178 = arith.addf %get3A_3163, %mul3A_3177 : vector<16xf32>
      %sub3A_3179 = arith.subf %add3A_3178, %get3A_3169 : vector<16xf32>
      %abs3A_3180 = math.absf %sub3A_3179 : vector<16xf32>
      %sub3A_3181 = arith.subf %get3A_3163, %get3A_3169 : vector<16xf32>
      %abs3A_3182 = math.absf %sub3A_3181 : vector<16xf32>
      %sub3A_3183 = arith.subf %abs3A_3180, %abs3A_3182 : vector<16xf32>
      %add3A_3184 = arith.addf %add3A_3150, %sub3A_3183 : vector<16xf32>
      %get3A_3185 = arith.constant 1 : i32
      %get3A_3186 = arith.index_cast %get3A_3185 : i32 to index
      %get3A_3187 = arith.index_cast %add3A_3157 : i32 to index
      %get3A_3188 = arith.constant 16 : index
      %get3A_3189 = tpu.vector_load %arg11[%get3A_3186, %get3A_3187, %get3A_3188] {strides = array<i32>} : memref<2x128x64xf32, #tpu.memory_space<vmem>>, vector<1x1x16xf32>,
      %get3A_3190 = vector.shape_cast %get3A_3189 : vector<1x1x16xf32> to vector<16xf32>
      %get3A_3191 = arith.constant 1 : i32
      %get3A_3192 = arith.index_cast %get3A_3191 : i32 to index
      %get3A_3193 = arith.index_cast %add3A_3157 : i32 to index
      %get3A_3194 = arith.constant 16 : index
      %get3A_3195 = tpu.vector_load %arg12[%get3A_3192, %get3A_3193, %get3A_3194] {strides = array<i32>} : memref<2x128x64xf32, #tpu.memory_space<vmem>>, vector<1x1x16xf32>,
      %get3A_3196 = vector.shape_cast %get3A_3195 : vector<1x1x16xf32> to vector<16xf32>
      %get3A_3197 = arith.constant 1 : i32
      %get3A_3198 = arith.index_cast %get3A_3197 : i32 to index
      %get3A_3199 = arith.index_cast %add3A_3157 : i32 to index
      %get3A_3200 = arith.constant 16 : index
      %get3A_3201 = tpu.vector_load %arg13[%get3A_3198, %get3A_3199, %get3A_3200] {strides = array<i32>} : memref<2x128x64xf32, #tpu.memory_space<vmem>>, vector<1x1x16xf32>,
      %get3A_3202 = vector.shape_cast %get3A_3201 : vector<1x1x16xf32> to vector<16xf32>
      %sub3A_3203 = arith.subf %get3A_3202, %get3A_3190 : vector<16xf32>
      %mul3A_3204 = arith.mulf %broadcast_in_dim3A_3153, %sub3A_3203 : vector<16xf32>
      %add3A_3205 = arith.addf %get3A_3190, %mul3A_3204 : vector<16xf32>
      %sub3A_3206 = arith.subf %add3A_3205, %get3A_3196 : vector<16xf32>
      %abs3A_3207 = math.absf %sub3A_3206 : vector<16xf32>
      %sub3A_3208 = arith.subf %get3A_3190, %get3A_3196 : vector<16xf32>
      %abs3A_3209 = math.absf %sub3A_3208 : vector<16xf32>
      %sub3A_3210 = arith.subf %abs3A_3207, %abs3A_3209 : vector<16xf32>
      %add3A_3211 = arith.addf %add3A_3184, %sub3A_3210 : vector<16xf32>
      %get3A_3212 = arith.constant 1 : i32
      %get3A_3213 = arith.index_cast %get3A_3212 : i32 to index
      %get3A_3214 = arith.index_cast %add3A_3157 : i32 to index
      %get3A_3215 = arith.constant 32 : index
      %get3A_3216 = tpu.vector_load %arg11[%get3A_3213, %get3A_3214, %get3A_3215] {strides = array<i32>} : memref<2x128x64xf32, #tpu.memory_space<vmem>>, vector<1x1x16xf32>,
      %get3A_3217 = vector.shape_cast %get3A_3216 : vector<1x1x16xf32> to vector<16xf32>
      %get3A_3218 = arith.constant 1 : i32
      %get3A_3219 = arith.index_cast %get3A_3218 : i32 to index
      %get3A_3220 = arith.index_cast %add3A_3157 : i32 to index
      %get3A_3221 = arith.constant 32 : index
      %get3A_3222 = tpu.vector_load %arg12[%get3A_3219, %get3A_3220, %get3A_3221] {strides = array<i32>} : memref<2x128x64xf32, #tpu.memory_space<vmem>>, vector<1x1x16xf32>,
      %get3A_3223 = vector.shape_cast %get3A_3222 : vector<1x1x16xf32> to vector<16xf32>
      %get3A_3224 = arith.constant 1 : i32
      %get3A_3225 = arith.index_cast %get3A_3224 : i32 to index
      %get3A_3226 = arith.index_cast %add3A_3157 : i32 to index
      %get3A_3227 = arith.constant 32 : index
      %get3A_3228 = tpu.vector_load %arg13[%get3A_3225, %get3A_3226, %get3A_3227] {strides = array<i32>} : memref<2x128x64xf32, #tpu.memory_space<vmem>>, vector<1x1x16xf32>,
      %get3A_3229 = vector.shape_cast %get3A_3228 : vector<1x1x16xf32> to vector<16xf32>
      %sub3A_3230 = arith.subf %get3A_3229, %get3A_3217 : vector<16xf32>
      %mul3A_3231 = arith.mulf %broadcast_in_dim3A_3153, %sub3A_3230 : vector<16xf32>
      %add3A_3232 = arith.addf %get3A_3217, %mul3A_3231 : vector<16xf32>
      %sub3A_3233 = arith.subf %add3A_3232, %get3A_3223 : vector<16xf32>
      %abs3A_3234 = math.absf %sub3A_3233 : vector<16xf32>
      %sub3A_3235 = arith.subf %get3A_3217, %get3A_3223 : vector<16xf32>
      %abs3A_3236 = math.absf %sub3A_3235 : vector<16xf32>
      %sub3A_3237 = arith.subf %abs3A_3234, %abs3A_3236 : vector<16xf32>
      %add3A_3238 = arith.addf %add3A_3211, %sub3A_3237 : vector<16xf32>
      %get3A_3239 = arith.constant 1 : i32
      %get3A_3240 = arith.index_cast %get3A_3239 : i32 to index
      %get3A_3241 = arith.index_cast %add3A_3157 : i32 to index
      %get3A_3242 = arith.constant 48 : index
      %get3A_3243 = tpu.vector_load %arg11[%get3A_3240, %get3A_3241, %get3A_3242] {strides = array<i32>} : memref<2x128x64xf32, #tpu.memory_space<vmem>>, vector<1x1x16xf32>,
      %get3A_3244 = vector.shape_cast %get3A_3243 : vector<1x1x16xf32> to vector<16xf32>
      %get3A_3245 = arith.constant 1 : i32
      %get3A_3246 = arith.index_cast %get3A_3245 : i32 to index
      %get3A_3247 = arith.index_cast %add3A_3157 : i32 to index
      %get3A_3248 = arith.constant 48 : index
      %get3A_3249 = tpu.vector_load %arg12[%get3A_3246, %get3A_3247, %get3A_3248] {strides = array<i32>} : memref<2x128x64xf32, #tpu.memory_space<vmem>>, vector<1x1x16xf32>,
      %get3A_3250 = vector.shape_cast %get3A_3249 : vector<1x1x16xf32> to vector<16xf32>
      %get3A_3251 = arith.constant 1 : i32
      %get3A_3252 = arith.index_cast %get3A_3251 : i32 to index
      %get3A_3253 = arith.index_cast %add3A_3157 : i32 to index
      %get3A_3254 = arith.constant 48 : index
      %get3A_3255 = tpu.vector_load %arg13[%get3A_3252, %get3A_3253, %get3A_3254] {strides = array<i32>} : memref<2x128x64xf32, #tpu.memory_space<vmem>>, vector<1x1x16xf32>,
      %get3A_3256 = vector.shape_cast %get3A_3255 : vector<1x1x16xf32> to vector<16xf32>
      %sub3A_3257 = arith.subf %get3A_3256, %get3A_3244 : vector<16xf32>
      %mul3A_3258 = arith.mulf %broadcast_in_dim3A_3153, %sub3A_3257 : vector<16xf32>
      %add3A_3259 = arith.addf %get3A_3244, %mul3A_3258 : vector<16xf32>
      %sub3A_3260 = arith.subf %add3A_3259, %get3A_3250 : vector<16xf32>
      %abs3A_3261 = math.absf %sub3A_3260 : vector<16xf32>
      %sub3A_3262 = arith.subf %get3A_3244, %get3A_3250 : vector<16xf32>
      %abs3A_3263 = math.absf %sub3A_3262 : vector<16xf32>
      %sub3A_3264 = arith.subf %abs3A_3261, %abs3A_3263 : vector<16xf32>
      %add3A_3265 = arith.addf %add3A_3238, %sub3A_3264 : vector<16xf32>
      %slice3A_3266 = vector.extract_strided_slice %get3A_2460 {offsets = [7], sizes = [1], strides = [1]} : vector<16xf32> to vector<1xf32>
      %squeeze3A_3267 = vector.extract %slice3A_3266[0] : f32 from vector<1xf32>
      %broadcast_in_dim3A_3268 = vector.broadcast %squeeze3A_3267 : f32 to vector<16xf32>
      %mul3A_3269 = arith.constant 16 : i32
      %mul3A_3270 = arith.muli %scan3A_609, %mul3A_3269 : i32
      %add3A_3271 = arith.constant 7 : i32
      %add3A_3272 = arith.addi %mul3A_3270, %add3A_3271 : i32
      %get3A_3273 = arith.constant 1 : i32
      %get3A_3274 = arith.index_cast %get3A_3273 : i32 to index
      %get3A_3275 = arith.index_cast %add3A_3272 : i32 to index
      %get3A_3276 = arith.constant 0 : index
      %get3A_3277 = tpu.vector_load %arg11[%get3A_3274, %get3A_3275, %get3A_3276] {strides = array<i32>} : memref<2x128x64xf32, #tpu.memory_space<vmem>>, vector<1x1x16xf32>,
      %get3A_3278 = vector.shape_cast %get3A_3277 : vector<1x1x16xf32> to vector<16xf32>
      %get3A_3279 = arith.constant 1 : i32
      %get3A_3280 = arith.index_cast %get3A_3279 : i32 to index
      %get3A_3281 = arith.index_cast %add3A_3272 : i32 to index
      %get3A_3282 = arith.constant 0 : index
      %get3A_3283 = tpu.vector_load %arg12[%get3A_3280, %get3A_3281, %get3A_3282] {strides = array<i32>} : memref<2x128x64xf32, #tpu.memory_space<vmem>>, vector<1x1x16xf32>,
      %get3A_3284 = vector.shape_cast %get3A_3283 : vector<1x1x16xf32> to vector<16xf32>
      %get3A_3285 = arith.constant 1 : i32
      %get3A_3286 = arith.index_cast %get3A_3285 : i32 to index
      %get3A_3287 = arith.index_cast %add3A_3272 : i32 to index
      %get3A_3288 = arith.constant 0 : index
      %get3A_3289 = tpu.vector_load %arg13[%get3A_3286, %get3A_3287, %get3A_3288] {strides = array<i32>} : memref<2x128x64xf32, #tpu.memory_space<vmem>>, vector<1x1x16xf32>,
      %get3A_3290 = vector.shape_cast %get3A_3289 : vector<1x1x16xf32> to vector<16xf32>
      %sub3A_3291 = arith.subf %get3A_3290, %get3A_3278 : vector<16xf32>
      %mul3A_3292 = arith.mulf %broadcast_in_dim3A_3268, %sub3A_3291 : vector<16xf32>
      %add3A_3293 = arith.addf %get3A_3278, %mul3A_3292 : vector<16xf32>
      %sub3A_3294 = arith.subf %add3A_3293, %get3A_3284 : vector<16xf32>
      %abs3A_3295 = math.absf %sub3A_3294 : vector<16xf32>
      %sub3A_3296 = arith.subf %get3A_3278, %get3A_3284 : vector<16xf32>
      %abs3A_3297 = math.absf %sub3A_3296 : vector<16xf32>
      %sub3A_3298 = arith.subf %abs3A_3295, %abs3A_3297 : vector<16xf32>
      %add3A_3299 = arith.addf %add3A_3265, %sub3A_3298 : vector<16xf32>
      %get3A_3300 = arith.constant 1 : i32
      %get3A_3301 = arith.index_cast %get3A_3300 : i32 to index
      %get3A_3302 = arith.index_cast %add3A_3272 : i32 to index
      %get3A_3303 = arith.constant 16 : index
      %get3A_3304 = tpu.vector_load %arg11[%get3A_3301, %get3A_3302, %get3A_3303] {strides = array<i32>} : memref<2x128x64xf32, #tpu.memory_space<vmem>>, vector<1x1x16xf32>,
      %get3A_3305 = vector.shape_cast %get3A_3304 : vector<1x1x16xf32> to vector<16xf32>
      %get3A_3306 = arith.constant 1 : i32
      %get3A_3307 = arith.index_cast %get3A_3306 : i32 to index
      %get3A_3308 = arith.index_cast %add3A_3272 : i32 to index
      %get3A_3309 = arith.constant 16 : index
      %get3A_3310 = tpu.vector_load %arg12[%get3A_3307, %get3A_3308, %get3A_3309] {strides = array<i32>} : memref<2x128x64xf32, #tpu.memory_space<vmem>>, vector<1x1x16xf32>,
      %get3A_3311 = vector.shape_cast %get3A_3310 : vector<1x1x16xf32> to vector<16xf32>
      %get3A_3312 = arith.constant 1 : i32
      %get3A_3313 = arith.index_cast %get3A_3312 : i32 to index
      %get3A_3314 = arith.index_cast %add3A_3272 : i32 to index
      %get3A_3315 = arith.constant 16 : index
      %get3A_3316 = tpu.vector_load %arg13[%get3A_3313, %get3A_3314, %get3A_3315] {strides = array<i32>} : memref<2x128x64xf32, #tpu.memory_space<vmem>>, vector<1x1x16xf32>,
      %get3A_3317 = vector.shape_cast %get3A_3316 : vector<1x1x16xf32> to vector<16xf32>
      %sub3A_3318 = arith.subf %get3A_3317, %get3A_3305 : vector<16xf32>
      %mul3A_3319 = arith.mulf %broadcast_in_dim3A_3268, %sub3A_3318 : vector<16xf32>
      %add3A_3320 = arith.addf %get3A_3305, %mul3A_3319 : vector<16xf32>
      %sub3A_3321 = arith.subf %add3A_3320, %get3A_3311 : vector<16xf32>
      %abs3A_3322 = math.absf %sub3A_3321 : vector<16xf32>
      %sub3A_3323 = arith.subf %get3A_3305, %get3A_3311 : vector<16xf32>
      %abs3A_3324 = math.absf %sub3A_3323 : vector<16xf32>
      %sub3A_3325 = arith.subf %abs3A_3322, %abs3A_3324 : vector<16xf32>
      %add3A_3326 = arith.addf %add3A_3299, %sub3A_3325 : vector<16xf32>
      %get3A_3327 = arith.constant 1 : i32
      %get3A_3328 = arith.index_cast %get3A_3327 : i32 to index
      %get3A_3329 = arith.index_cast %add3A_3272 : i32 to index
      %get3A_3330 = arith.constant 32 : index
      %get3A_3331 = tpu.vector_load %arg11[%get3A_3328, %get3A_3329, %get3A_3330] {strides = array<i32>} : memref<2x128x64xf32, #tpu.memory_space<vmem>>, vector<1x1x16xf32>,
      %get3A_3332 = vector.shape_cast %get3A_3331 : vector<1x1x16xf32> to vector<16xf32>
      %get3A_3333 = arith.constant 1 : i32
      %get3A_3334 = arith.index_cast %get3A_3333 : i32 to index
      %get3A_3335 = arith.index_cast %add3A_3272 : i32 to index
      %get3A_3336 = arith.constant 32 : index
      %get3A_3337 = tpu.vector_load %arg12[%get3A_3334, %get3A_3335, %get3A_3336] {strides = array<i32>} : memref<2x128x64xf32, #tpu.memory_space<vmem>>, vector<1x1x16xf32>,
      %get3A_3338 = vector.shape_cast %get3A_3337 : vector<1x1x16xf32> to vector<16xf32>
      %get3A_3339 = arith.constant 1 : i32
      %get3A_3340 = arith.index_cast %get3A_3339 : i32 to index
      %get3A_3341 = arith.index_cast %add3A_3272 : i32 to index
      %get3A_3342 = arith.constant 32 : index
      %get3A_3343 = tpu.vector_load %arg13[%get3A_3340, %get3A_3341, %get3A_3342] {strides = array<i32>} : memref<2x128x64xf32, #tpu.memory_space<vmem>>, vector<1x1x16xf32>,
      %get3A_3344 = vector.shape_cast %get3A_3343 : vector<1x1x16xf32> to vector<16xf32>
      %sub3A_3345 = arith.subf %get3A_3344, %get3A_3332 : vector<16xf32>
      %mul3A_3346 = arith.mulf %broadcast_in_dim3A_3268, %sub3A_3345 : vector<16xf32>
      %add3A_3347 = arith.addf %get3A_3332, %mul3A_3346 : vector<16xf32>
      %sub3A_3348 = arith.subf %add3A_3347, %get3A_3338 : vector<16xf32>
      %abs3A_3349 = math.absf %sub3A_3348 : vector<16xf32>
      %sub3A_3350 = arith.subf %get3A_3332, %get3A_3338 : vector<16xf32>
      %abs3A_3351 = math.absf %sub3A_3350 : vector<16xf32>
      %sub3A_3352 = arith.subf %abs3A_3349, %abs3A_3351 : vector<16xf32>
      %add3A_3353 = arith.addf %add3A_3326, %sub3A_3352 : vector<16xf32>
      %get3A_3354 = arith.constant 1 : i32
      %get3A_3355 = arith.index_cast %get3A_3354 : i32 to index
      %get3A_3356 = arith.index_cast %add3A_3272 : i32 to index
      %get3A_3357 = arith.constant 48 : index
      %get3A_3358 = tpu.vector_load %arg11[%get3A_3355, %get3A_3356, %get3A_3357] {strides = array<i32>} : memref<2x128x64xf32, #tpu.memory_space<vmem>>, vector<1x1x16xf32>,
      %get3A_3359 = vector.shape_cast %get3A_3358 : vector<1x1x16xf32> to vector<16xf32>
      %get3A_3360 = arith.constant 1 : i32
      %get3A_3361 = arith.index_cast %get3A_3360 : i32 to index
      %get3A_3362 = arith.index_cast %add3A_3272 : i32 to index
      %get3A_3363 = arith.constant 48 : index
      %get3A_3364 = tpu.vector_load %arg12[%get3A_3361, %get3A_3362, %get3A_3363] {strides = array<i32>} : memref<2x128x64xf32, #tpu.memory_space<vmem>>, vector<1x1x16xf32>,
      %get3A_3365 = vector.shape_cast %get3A_3364 : vector<1x1x16xf32> to vector<16xf32>
      %get3A_3366 = arith.constant 1 : i32
      %get3A_3367 = arith.index_cast %get3A_3366 : i32 to index
      %get3A_3368 = arith.index_cast %add3A_3272 : i32 to index
      %get3A_3369 = arith.constant 48 : index
      %get3A_3370 = tpu.vector_load %arg13[%get3A_3367, %get3A_3368, %get3A_3369] {strides = array<i32>} : memref<2x128x64xf32, #tpu.memory_space<vmem>>, vector<1x1x16xf32>,
      %get3A_3371 = vector.shape_cast %get3A_3370 : vector<1x1x16xf32> to vector<16xf32>
      %sub3A_3372 = arith.subf %get3A_3371, %get3A_3359 : vector<16xf32>
      %mul3A_3373 = arith.mulf %broadcast_in_dim3A_3268, %sub3A_3372 : vector<16xf32>
      %add3A_3374 = arith.addf %get3A_3359, %mul3A_3373 : vector<16xf32>
      %sub3A_3375 = arith.subf %add3A_3374, %get3A_3365 : vector<16xf32>
      %abs3A_3376 = math.absf %sub3A_3375 : vector<16xf32>
      %sub3A_3377 = arith.subf %get3A_3359, %get3A_3365 : vector<16xf32>
      %abs3A_3378 = math.absf %sub3A_3377 : vector<16xf32>
      %sub3A_3379 = arith.subf %abs3A_3376, %abs3A_3378 : vector<16xf32>
      %add3A_3380 = arith.addf %add3A_3353, %sub3A_3379 : vector<16xf32>
      %slice3A_3381 = vector.extract_strided_slice %get3A_2460 {offsets = [8], sizes = [1], strides = [1]} : vector<16xf32> to vector<1xf32>
      %squeeze3A_3382 = vector.extract %slice3A_3381[0] : f32 from vector<1xf32>
      %broadcast_in_dim3A_3383 = vector.broadcast %squeeze3A_3382 : f32 to vector<16xf32>
      %mul3A_3384 = arith.constant 16 : i32
      %mul3A_3385 = arith.muli %scan3A_609, %mul3A_3384 : i32
      %add3A_3386 = arith.constant 8 : i32
      %add3A_3387 = arith.addi %mul3A_3385, %add3A_3386 : i32
      %get3A_3388 = arith.constant 1 : i32
      %get3A_3389 = arith.index_cast %get3A_3388 : i32 to index
      %get3A_3390 = arith.index_cast %add3A_3387 : i32 to index
      %get3A_3391 = arith.constant 0 : index
      %get3A_3392 = tpu.vector_load %arg11[%get3A_3389, %get3A_3390, %get3A_3391] {strides = array<i32>} : memref<2x128x64xf32, #tpu.memory_space<vmem>>, vector<1x1x16xf32>,
      %get3A_3393 = vector.shape_cast %get3A_3392 : vector<1x1x16xf32> to vector<16xf32>
      %get3A_3394 = arith.constant 1 : i32
      %get3A_3395 = arith.index_cast %get3A_3394 : i32 to index
      %get3A_3396 = arith.index_cast %add3A_3387 : i32 to index
      %get3A_3397 = arith.constant 0 : index
      %get3A_3398 = tpu.vector_load %arg12[%get3A_3395, %get3A_3396, %get3A_3397] {strides = array<i32>} : memref<2x128x64xf32, #tpu.memory_space<vmem>>, vector<1x1x16xf32>,
      %get3A_3399 = vector.shape_cast %get3A_3398 : vector<1x1x16xf32> to vector<16xf32>
      %get3A_3400 = arith.constant 1 : i32
      %get3A_3401 = arith.index_cast %get3A_3400 : i32 to index
      %get3A_3402 = arith.index_cast %add3A_3387 : i32 to index
      %get3A_3403 = arith.constant 0 : index
      %get3A_3404 = tpu.vector_load %arg13[%get3A_3401, %get3A_3402, %get3A_3403] {strides = array<i32>} : memref<2x128x64xf32, #tpu.memory_space<vmem>>, vector<1x1x16xf32>,
      %get3A_3405 = vector.shape_cast %get3A_3404 : vector<1x1x16xf32> to vector<16xf32>
      %sub3A_3406 = arith.subf %get3A_3405, %get3A_3393 : vector<16xf32>
      %mul3A_3407 = arith.mulf %broadcast_in_dim3A_3383, %sub3A_3406 : vector<16xf32>
      %add3A_3408 = arith.addf %get3A_3393, %mul3A_3407 : vector<16xf32>
      %sub3A_3409 = arith.subf %add3A_3408, %get3A_3399 : vector<16xf32>
      %abs3A_3410 = math.absf %sub3A_3409 : vector<16xf32>
      %sub3A_3411 = arith.subf %get3A_3393, %get3A_3399 : vector<16xf32>
      %abs3A_3412 = math.absf %sub3A_3411 : vector<16xf32>
      %sub3A_3413 = arith.subf %abs3A_3410, %abs3A_3412 : vector<16xf32>
      %add3A_3414 = arith.addf %add3A_3380, %sub3A_3413 : vector<16xf32>
      %get3A_3415 = arith.constant 1 : i32
      %get3A_3416 = arith.index_cast %get3A_3415 : i32 to index
      %get3A_3417 = arith.index_cast %add3A_3387 : i32 to index
      %get3A_3418 = arith.constant 16 : index
      %get3A_3419 = tpu.vector_load %arg11[%get3A_3416, %get3A_3417, %get3A_3418] {strides = array<i32>} : memref<2x128x64xf32, #tpu.memory_space<vmem>>, vector<1x1x16xf32>,
      %get3A_3420 = vector.shape_cast %get3A_3419 : vector<1x1x16xf32> to vector<16xf32>
      %get3A_3421 = arith.constant 1 : i32
      %get3A_3422 = arith.index_cast %get3A_3421 : i32 to index
      %get3A_3423 = arith.index_cast %add3A_3387 : i32 to index
      %get3A_3424 = arith.constant 16 : index
      %get3A_3425 = tpu.vector_load %arg12[%get3A_3422, %get3A_3423, %get3A_3424] {strides = array<i32>} : memref<2x128x64xf32, #tpu.memory_space<vmem>>, vector<1x1x16xf32>,
      %get3A_3426 = vector.shape_cast %get3A_3425 : vector<1x1x16xf32> to vector<16xf32>
      %get3A_3427 = arith.constant 1 : i32
      %get3A_3428 = arith.index_cast %get3A_3427 : i32 to index
      %get3A_3429 = arith.index_cast %add3A_3387 : i32 to index
      %get3A_3430 = arith.constant 16 : index
      %get3A_3431 = tpu.vector_load %arg13[%get3A_3428, %get3A_3429, %get3A_3430] {strides = array<i32>} : memref<2x128x64xf32, #tpu.memory_space<vmem>>, vector<1x1x16xf32>,
      %get3A_3432 = vector.shape_cast %get3A_3431 : vector<1x1x16xf32> to vector<16xf32>
      %sub3A_3433 = arith.subf %get3A_3432, %get3A_3420 : vector<16xf32>
      %mul3A_3434 = arith.mulf %broadcast_in_dim3A_3383, %sub3A_3433 : vector<16xf32>
      %add3A_3435 = arith.addf %get3A_3420, %mul3A_3434 : vector<16xf32>
      %sub3A_3436 = arith.subf %add3A_3435, %get3A_3426 : vector<16xf32>
      %abs3A_3437 = math.absf %sub3A_3436 : vector<16xf32>
      %sub3A_3438 = arith.subf %get3A_3420, %get3A_3426 : vector<16xf32>
      %abs3A_3439 = math.absf %sub3A_3438 : vector<16xf32>
      %sub3A_3440 = arith.subf %abs3A_3437, %abs3A_3439 : vector<16xf32>
      %add3A_3441 = arith.addf %add3A_3414, %sub3A_3440 : vector<16xf32>
      %get3A_3442 = arith.constant 1 : i32
      %get3A_3443 = arith.index_cast %get3A_3442 : i32 to index
      %get3A_3444 = arith.index_cast %add3A_3387 : i32 to index
      %get3A_3445 = arith.constant 32 : index
      %get3A_3446 = tpu.vector_load %arg11[%get3A_3443, %get3A_3444, %get3A_3445] {strides = array<i32>} : memref<2x128x64xf32, #tpu.memory_space<vmem>>, vector<1x1x16xf32>,
      %get3A_3447 = vector.shape_cast %get3A_3446 : vector<1x1x16xf32> to vector<16xf32>
      %get3A_3448 = arith.constant 1 : i32
      %get3A_3449 = arith.index_cast %get3A_3448 : i32 to index
      %get3A_3450 = arith.index_cast %add3A_3387 : i32 to index
      %get3A_3451 = arith.constant 32 : index
      %get3A_3452 = tpu.vector_load %arg12[%get3A_3449, %get3A_3450, %get3A_3451] {strides = array<i32>} : memref<2x128x64xf32, #tpu.memory_space<vmem>>, vector<1x1x16xf32>,
      %get3A_3453 = vector.shape_cast %get3A_3452 : vector<1x1x16xf32> to vector<16xf32>
      %get3A_3454 = arith.constant 1 : i32
      %get3A_3455 = arith.index_cast %get3A_3454 : i32 to index
      %get3A_3456 = arith.index_cast %add3A_3387 : i32 to index
      %get3A_3457 = arith.constant 32 : index
      %get3A_3458 = tpu.vector_load %arg13[%get3A_3455, %get3A_3456, %get3A_3457] {strides = array<i32>} : memref<2x128x64xf32, #tpu.memory_space<vmem>>, vector<1x1x16xf32>,
      %get3A_3459 = vector.shape_cast %get3A_3458 : vector<1x1x16xf32> to vector<16xf32>
      %sub3A_3460 = arith.subf %get3A_3459, %get3A_3447 : vector<16xf32>
      %mul3A_3461 = arith.mulf %broadcast_in_dim3A_3383, %sub3A_3460 : vector<16xf32>
      %add3A_3462 = arith.addf %get3A_3447, %mul3A_3461 : vector<16xf32>
      %sub3A_3463 = arith.subf %add3A_3462, %get3A_3453 : vector<16xf32>
      %abs3A_3464 = math.absf %sub3A_3463 : vector<16xf32>
      %sub3A_3465 = arith.subf %get3A_3447, %get3A_3453 : vector<16xf32>
      %abs3A_3466 = math.absf %sub3A_3465 : vector<16xf32>
      %sub3A_3467 = arith.subf %abs3A_3464, %abs3A_3466 : vector<16xf32>
      %add3A_3468 = arith.addf %add3A_3441, %sub3A_3467 : vector<16xf32>
      %get3A_3469 = arith.constant 1 : i32
      %get3A_3470 = arith.index_cast %get3A_3469 : i32 to index
      %get3A_3471 = arith.index_cast %add3A_3387 : i32 to index
      %get3A_3472 = arith.constant 48 : index
      %get3A_3473 = tpu.vector_load %arg11[%get3A_3470, %get3A_3471, %get3A_3472] {strides = array<i32>} : memref<2x128x64xf32, #tpu.memory_space<vmem>>, vector<1x1x16xf32>,
      %get3A_3474 = vector.shape_cast %get3A_3473 : vector<1x1x16xf32> to vector<16xf32>
      %get3A_3475 = arith.constant 1 : i32
      %get3A_3476 = arith.index_cast %get3A_3475 : i32 to index
      %get3A_3477 = arith.index_cast %add3A_3387 : i32 to index
      %get3A_3478 = arith.constant 48 : index
      %get3A_3479 = tpu.vector_load %arg12[%get3A_3476, %get3A_3477, %get3A_3478] {strides = array<i32>} : memref<2x128x64xf32, #tpu.memory_space<vmem>>, vector<1x1x16xf32>,
      %get3A_3480 = vector.shape_cast %get3A_3479 : vector<1x1x16xf32> to vector<16xf32>
      %get3A_3481 = arith.constant 1 : i32
      %get3A_3482 = arith.index_cast %get3A_3481 : i32 to index
      %get3A_3483 = arith.index_cast %add3A_3387 : i32 to index
      %get3A_3484 = arith.constant 48 : index
      %get3A_3485 = tpu.vector_load %arg13[%get3A_3482, %get3A_3483, %get3A_3484] {strides = array<i32>} : memref<2x128x64xf32, #tpu.memory_space<vmem>>, vector<1x1x16xf32>,
      %get3A_3486 = vector.shape_cast %get3A_3485 : vector<1x1x16xf32> to vector<16xf32>
      %sub3A_3487 = arith.subf %get3A_3486, %get3A_3474 : vector<16xf32>
      %mul3A_3488 = arith.mulf %broadcast_in_dim3A_3383, %sub3A_3487 : vector<16xf32>
      %add3A_3489 = arith.addf %get3A_3474, %mul3A_3488 : vector<16xf32>
      %sub3A_3490 = arith.subf %add3A_3489, %get3A_3480 : vector<16xf32>
      %abs3A_3491 = math.absf %sub3A_3490 : vector<16xf32>
      %sub3A_3492 = arith.subf %get3A_3474, %get3A_3480 : vector<16xf32>
      %abs3A_3493 = math.absf %sub3A_3492 : vector<16xf32>
      %sub3A_3494 = arith.subf %abs3A_3491, %abs3A_3493 : vector<16xf32>
      %add3A_3495 = arith.addf %add3A_3468, %sub3A_3494 : vector<16xf32>
      %slice3A_3496 = vector.extract_strided_slice %get3A_2460 {offsets = [9], sizes = [1], strides = [1]} : vector<16xf32> to vector<1xf32>
      %squeeze3A_3497 = vector.extract %slice3A_3496[0] : f32 from vector<1xf32>
      %broadcast_in_dim3A_3498 = vector.broadcast %squeeze3A_3497 : f32 to vector<16xf32>
      %mul3A_3499 = arith.constant 16 : i32
      %mul3A_3500 = arith.muli %scan3A_609, %mul3A_3499 : i32
      %add3A_3501 = arith.constant 9 : i32
      %add3A_3502 = arith.addi %mul3A_3500, %add3A_3501 : i32
      %get3A_3503 = arith.constant 1 : i32
      %get3A_3504 = arith.index_cast %get3A_3503 : i32 to index
      %get3A_3505 = arith.index_cast %add3A_3502 : i32 to index
      %get3A_3506 = arith.constant 0 : index
      %get3A_3507 = tpu.vector_load %arg11[%get3A_3504, %get3A_3505, %get3A_3506] {strides = array<i32>} : memref<2x128x64xf32, #tpu.memory_space<vmem>>, vector<1x1x16xf32>,
      %get3A_3508 = vector.shape_cast %get3A_3507 : vector<1x1x16xf32> to vector<16xf32>
      %get3A_3509 = arith.constant 1 : i32
      %get3A_3510 = arith.index_cast %get3A_3509 : i32 to index
      %get3A_3511 = arith.index_cast %add3A_3502 : i32 to index
      %get3A_3512 = arith.constant 0 : index
      %get3A_3513 = tpu.vector_load %arg12[%get3A_3510, %get3A_3511, %get3A_3512] {strides = array<i32>} : memref<2x128x64xf32, #tpu.memory_space<vmem>>, vector<1x1x16xf32>,
      %get3A_3514 = vector.shape_cast %get3A_3513 : vector<1x1x16xf32> to vector<16xf32>
      %get3A_3515 = arith.constant 1 : i32
      %get3A_3516 = arith.index_cast %get3A_3515 : i32 to index
      %get3A_3517 = arith.index_cast %add3A_3502 : i32 to index
      %get3A_3518 = arith.constant 0 : index
      %get3A_3519 = tpu.vector_load %arg13[%get3A_3516, %get3A_3517, %get3A_3518] {strides = array<i32>} : memref<2x128x64xf32, #tpu.memory_space<vmem>>, vector<1x1x16xf32>,
      %get3A_3520 = vector.shape_cast %get3A_3519 : vector<1x1x16xf32> to vector<16xf32>
      %sub3A_3521 = arith.subf %get3A_3520, %get3A_3508 : vector<16xf32>
      %mul3A_3522 = arith.mulf %broadcast_in_dim3A_3498, %sub3A_3521 : vector<16xf32>
      %add3A_3523 = arith.addf %get3A_3508, %mul3A_3522 : vector<16xf32>
      %sub3A_3524 = arith.subf %add3A_3523, %get3A_3514 : vector<16xf32>
      %abs3A_3525 = math.absf %sub3A_3524 : vector<16xf32>
      %sub3A_3526 = arith.subf %get3A_3508, %get3A_3514 : vector<16xf32>
      %abs3A_3527 = math.absf %sub3A_3526 : vector<16xf32>
      %sub3A_3528 = arith.subf %abs3A_3525, %abs3A_3527 : vector<16xf32>
      %add3A_3529 = arith.addf %add3A_3495, %sub3A_3528 : vector<16xf32>
      %get3A_3530 = arith.constant 1 : i32
      %get3A_3531 = arith.index_cast %get3A_3530 : i32 to index
      %get3A_3532 = arith.index_cast %add3A_3502 : i32 to index
      %get3A_3533 = arith.constant 16 : index
      %get3A_3534 = tpu.vector_load %arg11[%get3A_3531, %get3A_3532, %get3A_3533] {strides = array<i32>} : memref<2x128x64xf32, #tpu.memory_space<vmem>>, vector<1x1x16xf32>,
      %get3A_3535 = vector.shape_cast %get3A_3534 : vector<1x1x16xf32> to vector<16xf32>
      %get3A_3536 = arith.constant 1 : i32
      %get3A_3537 = arith.index_cast %get3A_3536 : i32 to index
      %get3A_3538 = arith.index_cast %add3A_3502 : i32 to index
      %get3A_3539 = arith.constant 16 : index
      %get3A_3540 = tpu.vector_load %arg12[%get3A_3537, %get3A_3538, %get3A_3539] {strides = array<i32>} : memref<2x128x64xf32, #tpu.memory_space<vmem>>, vector<1x1x16xf32>,
      %get3A_3541 = vector.shape_cast %get3A_3540 : vector<1x1x16xf32> to vector<16xf32>
      %get3A_3542 = arith.constant 1 : i32
      %get3A_3543 = arith.index_cast %get3A_3542 : i32 to index
      %get3A_3544 = arith.index_cast %add3A_3502 : i32 to index
      %get3A_3545 = arith.constant 16 : index
      %get3A_3546 = tpu.vector_load %arg13[%get3A_3543, %get3A_3544, %get3A_3545] {strides = array<i32>} : memref<2x128x64xf32, #tpu.memory_space<vmem>>, vector<1x1x16xf32>,
      %get3A_3547 = vector.shape_cast %get3A_3546 : vector<1x1x16xf32> to vector<16xf32>
      %sub3A_3548 = arith.subf %get3A_3547, %get3A_3535 : vector<16xf32>
      %mul3A_3549 = arith.mulf %broadcast_in_dim3A_3498, %sub3A_3548 : vector<16xf32>
      %add3A_3550 = arith.addf %get3A_3535, %mul3A_3549 : vector<16xf32>
      %sub3A_3551 = arith.subf %add3A_3550, %get3A_3541 : vector<16xf32>
      %abs3A_3552 = math.absf %sub3A_3551 : vector<16xf32>
      %sub3A_3553 = arith.subf %get3A_3535, %get3A_3541 : vector<16xf32>
      %abs3A_3554 = math.absf %sub3A_3553 : vector<16xf32>
      %sub3A_3555 = arith.subf %abs3A_3552, %abs3A_3554 : vector<16xf32>
      %add3A_3556 = arith.addf %add3A_3529, %sub3A_3555 : vector<16xf32>
      %get3A_3557 = arith.constant 1 : i32
      %get3A_3558 = arith.index_cast %get3A_3557 : i32 to index
      %get3A_3559 = arith.index_cast %add3A_3502 : i32 to index
      %get3A_3560 = arith.constant 32 : index
      %get3A_3561 = tpu.vector_load %arg11[%get3A_3558, %get3A_3559, %get3A_3560] {strides = array<i32>} : memref<2x128x64xf32, #tpu.memory_space<vmem>>, vector<1x1x16xf32>,
      %get3A_3562 = vector.shape_cast %get3A_3561 : vector<1x1x16xf32> to vector<16xf32>
      %get3A_3563 = arith.constant 1 : i32
      %get3A_3564 = arith.index_cast %get3A_3563 : i32 to index
      %get3A_3565 = arith.index_cast %add3A_3502 : i32 to index
      %get3A_3566 = arith.constant 32 : index
      %get3A_3567 = tpu.vector_load %arg12[%get3A_3564, %get3A_3565, %get3A_3566] {strides = array<i32>} : memref<2x128x64xf32, #tpu.memory_space<vmem>>, vector<1x1x16xf32>,
      %get3A_3568 = vector.shape_cast %get3A_3567 : vector<1x1x16xf32> to vector<16xf32>
      %get3A_3569 = arith.constant 1 : i32
      %get3A_3570 = arith.index_cast %get3A_3569 : i32 to index
      %get3A_3571 = arith.index_cast %add3A_3502 : i32 to index
      %get3A_3572 = arith.constant 32 : index
      %get3A_3573 = tpu.vector_load %arg13[%get3A_3570, %get3A_3571, %get3A_3572] {strides = array<i32>} : memref<2x128x64xf32, #tpu.memory_space<vmem>>, vector<1x1x16xf32>,
      %get3A_3574 = vector.shape_cast %get3A_3573 : vector<1x1x16xf32> to vector<16xf32>
      %sub3A_3575 = arith.subf %get3A_3574, %get3A_3562 : vector<16xf32>
      %mul3A_3576 = arith.mulf %broadcast_in_dim3A_3498, %sub3A_3575 : vector<16xf32>
      %add3A_3577 = arith.addf %get3A_3562, %mul3A_3576 : vector<16xf32>
      %sub3A_3578 = arith.subf %add3A_3577, %get3A_3568 : vector<16xf32>
      %abs3A_3579 = math.absf %sub3A_3578 : vector<16xf32>
      %sub3A_3580 = arith.subf %get3A_3562, %get3A_3568 : vector<16xf32>
      %abs3A_3581 = math.absf %sub3A_3580 : vector<16xf32>
      %sub3A_3582 = arith.subf %abs3A_3579, %abs3A_3581 : vector<16xf32>
      %add3A_3583 = arith.addf %add3A_3556, %sub3A_3582 : vector<16xf32>
      %get3A_3584 = arith.constant 1 : i32
      %get3A_3585 = arith.index_cast %get3A_3584 : i32 to index
      %get3A_3586 = arith.index_cast %add3A_3502 : i32 to index
      %get3A_3587 = arith.constant 48 : index
      %get3A_3588 = tpu.vector_load %arg11[%get3A_3585, %get3A_3586, %get3A_3587] {strides = array<i32>} : memref<2x128x64xf32, #tpu.memory_space<vmem>>, vector<1x1x16xf32>,
      %get3A_3589 = vector.shape_cast %get3A_3588 : vector<1x1x16xf32> to vector<16xf32>
      %get3A_3590 = arith.constant 1 : i32
      %get3A_3591 = arith.index_cast %get3A_3590 : i32 to index
      %get3A_3592 = arith.index_cast %add3A_3502 : i32 to index
      %get3A_3593 = arith.constant 48 : index
      %get3A_3594 = tpu.vector_load %arg12[%get3A_3591, %get3A_3592, %get3A_3593] {strides = array<i32>} : memref<2x128x64xf32, #tpu.memory_space<vmem>>, vector<1x1x16xf32>,
      %get3A_3595 = vector.shape_cast %get3A_3594 : vector<1x1x16xf32> to vector<16xf32>
      %get3A_3596 = arith.constant 1 : i32
      %get3A_3597 = arith.index_cast %get3A_3596 : i32 to index
      %get3A_3598 = arith.index_cast %add3A_3502 : i32 to index
      %get3A_3599 = arith.constant 48 : index
      %get3A_3600 = tpu.vector_load %arg13[%get3A_3597, %get3A_3598, %get3A_3599] {strides = array<i32>} : memref<2x128x64xf32, #tpu.memory_space<vmem>>, vector<1x1x16xf32>,
      %get3A_3601 = vector.shape_cast %get3A_3600 : vector<1x1x16xf32> to vector<16xf32>
      %sub3A_3602 = arith.subf %get3A_3601, %get3A_3589 : vector<16xf32>
      %mul3A_3603 = arith.mulf %broadcast_in_dim3A_3498, %sub3A_3602 : vector<16xf32>
      %add3A_3604 = arith.addf %get3A_3589, %mul3A_3603 : vector<16xf32>
      %sub3A_3605 = arith.subf %add3A_3604, %get3A_3595 : vector<16xf32>
      %abs3A_3606 = math.absf %sub3A_3605 : vector<16xf32>
      %sub3A_3607 = arith.subf %get3A_3589, %get3A_3595 : vector<16xf32>
      %abs3A_3608 = math.absf %sub3A_3607 : vector<16xf32>
      %sub3A_3609 = arith.subf %abs3A_3606, %abs3A_3608 : vector<16xf32>
      %add3A_3610 = arith.addf %add3A_3583, %sub3A_3609 : vector<16xf32>
      %slice3A_3611 = vector.extract_strided_slice %get3A_2460 {offsets = [10], sizes = [1], strides = [1]} : vector<16xf32> to vector<1xf32>
      %squeeze3A_3612 = vector.extract %slice3A_3611[0] : f32 from vector<1xf32>
      %broadcast_in_dim3A_3613 = vector.broadcast %squeeze3A_3612 : f32 to vector<16xf32>
      %mul3A_3614 = arith.constant 16 : i32
      %mul3A_3615 = arith.muli %scan3A_609, %mul3A_3614 : i32
      %add3A_3616 = arith.constant 10 : i32
      %add3A_3617 = arith.addi %mul3A_3615, %add3A_3616 : i32
      %get3A_3618 = arith.constant 1 : i32
      %get3A_3619 = arith.index_cast %get3A_3618 : i32 to index
      %get3A_3620 = arith.index_cast %add3A_3617 : i32 to index
      %get3A_3621 = arith.constant 0 : index
      %get3A_3622 = tpu.vector_load %arg11[%get3A_3619, %get3A_3620, %get3A_3621] {strides = array<i32>} : memref<2x128x64xf32, #tpu.memory_space<vmem>>, vector<1x1x16xf32>,
      %get3A_3623 = vector.shape_cast %get3A_3622 : vector<1x1x16xf32> to vector<16xf32>
      %get3A_3624 = arith.constant 1 : i32
      %get3A_3625 = arith.index_cast %get3A_3624 : i32 to index
      %get3A_3626 = arith.index_cast %add3A_3617 : i32 to index
      %get3A_3627 = arith.constant 0 : index
      %get3A_3628 = tpu.vector_load %arg12[%get3A_3625, %get3A_3626, %get3A_3627] {strides = array<i32>} : memref<2x128x64xf32, #tpu.memory_space<vmem>>, vector<1x1x16xf32>,
      %get3A_3629 = vector.shape_cast %get3A_3628 : vector<1x1x16xf32> to vector<16xf32>
      %get3A_3630 = arith.constant 1 : i32
      %get3A_3631 = arith.index_cast %get3A_3630 : i32 to index
      %get3A_3632 = arith.index_cast %add3A_3617 : i32 to index
      %get3A_3633 = arith.constant 0 : index
      %get3A_3634 = tpu.vector_load %arg13[%get3A_3631, %get3A_3632, %get3A_3633] {strides = array<i32>} : memref<2x128x64xf32, #tpu.memory_space<vmem>>, vector<1x1x16xf32>,
      %get3A_3635 = vector.shape_cast %get3A_3634 : vector<1x1x16xf32> to vector<16xf32>
      %sub3A_3636 = arith.subf %get3A_3635, %get3A_3623 : vector<16xf32>
      %mul3A_3637 = arith.mulf %broadcast_in_dim3A_3613, %sub3A_3636 : vector<16xf32>
      %add3A_3638 = arith.addf %get3A_3623, %mul3A_3637 : vector<16xf32>
      %sub3A_3639 = arith.subf %add3A_3638, %get3A_3629 : vector<16xf32>
      %abs3A_3640 = math.absf %sub3A_3639 : vector<16xf32>
      %sub3A_3641 = arith.subf %get3A_3623, %get3A_3629 : vector<16xf32>
      %abs3A_3642 = math.absf %sub3A_3641 : vector<16xf32>
      %sub3A_3643 = arith.subf %abs3A_3640, %abs3A_3642 : vector<16xf32>
      %add3A_3644 = arith.addf %add3A_3610, %sub3A_3643 : vector<16xf32>
      %get3A_3645 = arith.constant 1 : i32
      %get3A_3646 = arith.index_cast %get3A_3645 : i32 to index
      %get3A_3647 = arith.index_cast %add3A_3617 : i32 to index
      %get3A_3648 = arith.constant 16 : index
      %get3A_3649 = tpu.vector_load %arg11[%get3A_3646, %get3A_3647, %get3A_3648] {strides = array<i32>} : memref<2x128x64xf32, #tpu.memory_space<vmem>>, vector<1x1x16xf32>,
      %get3A_3650 = vector.shape_cast %get3A_3649 : vector<1x1x16xf32> to vector<16xf32>
      %get3A_3651 = arith.constant 1 : i32
      %get3A_3652 = arith.index_cast %get3A_3651 : i32 to index
      %get3A_3653 = arith.index_cast %add3A_3617 : i32 to index
      %get3A_3654 = arith.constant 16 : index
      %get3A_3655 = tpu.vector_load %arg12[%get3A_3652, %get3A_3653, %get3A_3654] {strides = array<i32>} : memref<2x128x64xf32, #tpu.memory_space<vmem>>, vector<1x1x16xf32>,
      %get3A_3656 = vector.shape_cast %get3A_3655 : vector<1x1x16xf32> to vector<16xf32>
      %get3A_3657 = arith.constant 1 : i32
      %get3A_3658 = arith.index_cast %get3A_3657 : i32 to index
      %get3A_3659 = arith.index_cast %add3A_3617 : i32 to index
      %get3A_3660 = arith.constant 16 : index
      %get3A_3661 = tpu.vector_load %arg13[%get3A_3658, %get3A_3659, %get3A_3660] {strides = array<i32>} : memref<2x128x64xf32, #tpu.memory_space<vmem>>, vector<1x1x16xf32>,
      %get3A_3662 = vector.shape_cast %get3A_3661 : vector<1x1x16xf32> to vector<16xf32>
      %sub3A_3663 = arith.subf %get3A_3662, %get3A_3650 : vector<16xf32>
      %mul3A_3664 = arith.mulf %broadcast_in_dim3A_3613, %sub3A_3663 : vector<16xf32>
      %add3A_3665 = arith.addf %get3A_3650, %mul3A_3664 : vector<16xf32>
      %sub3A_3666 = arith.subf %add3A_3665, %get3A_3656 : vector<16xf32>
      %abs3A_3667 = math.absf %sub3A_3666 : vector<16xf32>
      %sub3A_3668 = arith.subf %get3A_3650, %get3A_3656 : vector<16xf32>
      %abs3A_3669 = math.absf %sub3A_3668 : vector<16xf32>
      %sub3A_3670 = arith.subf %abs3A_3667, %abs3A_3669 : vector<16xf32>
      %add3A_3671 = arith.addf %add3A_3644, %sub3A_3670 : vector<16xf32>
      %get3A_3672 = arith.constant 1 : i32
      %get3A_3673 = arith.index_cast %get3A_3672 : i32 to index
      %get3A_3674 = arith.index_cast %add3A_3617 : i32 to index
      %get3A_3675 = arith.constant 32 : index
      %get3A_3676 = tpu.vector_load %arg11[%get3A_3673, %get3A_3674, %get3A_3675] {strides = array<i32>} : memref<2x128x64xf32, #tpu.memory_space<vmem>>, vector<1x1x16xf32>,
      %get3A_3677 = vector.shape_cast %get3A_3676 : vector<1x1x16xf32> to vector<16xf32>
      %get3A_3678 = arith.constant 1 : i32
      %get3A_3679 = arith.index_cast %get3A_3678 : i32 to index
      %get3A_3680 = arith.index_cast %add3A_3617 : i32 to index
      %get3A_3681 = arith.constant 32 : index
      %get3A_3682 = tpu.vector_load %arg12[%get3A_3679, %get3A_3680, %get3A_3681] {strides = array<i32>} : memref<2x128x64xf32, #tpu.memory_space<vmem>>, vector<1x1x16xf32>,
      %get3A_3683 = vector.shape_cast %get3A_3682 : vector<1x1x16xf32> to vector<16xf32>
      %get3A_3684 = arith.constant 1 : i32
      %get3A_3685 = arith.index_cast %get3A_3684 : i32 to index
      %get3A_3686 = arith.index_cast %add3A_3617 : i32 to index
      %get3A_3687 = arith.constant 32 : index
      %get3A_3688 = tpu.vector_load %arg13[%get3A_3685, %get3A_3686, %get3A_3687] {strides = array<i32>} : memref<2x128x64xf32, #tpu.memory_space<vmem>>, vector<1x1x16xf32>,
      %get3A_3689 = vector.shape_cast %get3A_3688 : vector<1x1x16xf32> to vector<16xf32>
      %sub3A_3690 = arith.subf %get3A_3689, %get3A_3677 : vector<16xf32>
      %mul3A_3691 = arith.mulf %broadcast_in_dim3A_3613, %sub3A_3690 : vector<16xf32>
      %add3A_3692 = arith.addf %get3A_3677, %mul3A_3691 : vector<16xf32>
      %sub3A_3693 = arith.subf %add3A_3692, %get3A_3683 : vector<16xf32>
      %abs3A_3694 = math.absf %sub3A_3693 : vector<16xf32>
      %sub3A_3695 = arith.subf %get3A_3677, %get3A_3683 : vector<16xf32>
      %abs3A_3696 = math.absf %sub3A_3695 : vector<16xf32>
      %sub3A_3697 = arith.subf %abs3A_3694, %abs3A_3696 : vector<16xf32>
      %add3A_3698 = arith.addf %add3A_3671, %sub3A_3697 : vector<16xf32>
      %get3A_3699 = arith.constant 1 : i32
      %get3A_3700 = arith.index_cast %get3A_3699 : i32 to index
      %get3A_3701 = arith.index_cast %add3A_3617 : i32 to index
      %get3A_3702 = arith.constant 48 : index
      %get3A_3703 = tpu.vector_load %arg11[%get3A_3700, %get3A_3701, %get3A_3702] {strides = array<i32>} : memref<2x128x64xf32, #tpu.memory_space<vmem>>, vector<1x1x16xf32>,
      %get3A_3704 = vector.shape_cast %get3A_3703 : vector<1x1x16xf32> to vector<16xf32>
      %get3A_3705 = arith.constant 1 : i32
      %get3A_3706 = arith.index_cast %get3A_3705 : i32 to index
      %get3A_3707 = arith.index_cast %add3A_3617 : i32 to index
      %get3A_3708 = arith.constant 48 : index
      %get3A_3709 = tpu.vector_load %arg12[%get3A_3706, %get3A_3707, %get3A_3708] {strides = array<i32>} : memref<2x128x64xf32, #tpu.memory_space<vmem>>, vector<1x1x16xf32>,
      %get3A_3710 = vector.shape_cast %get3A_3709 : vector<1x1x16xf32> to vector<16xf32>
      %get3A_3711 = arith.constant 1 : i32
      %get3A_3712 = arith.index_cast %get3A_3711 : i32 to index
      %get3A_3713 = arith.index_cast %add3A_3617 : i32 to index
      %get3A_3714 = arith.constant 48 : index
      %get3A_3715 = tpu.vector_load %arg13[%get3A_3712, %get3A_3713, %get3A_3714] {strides = array<i32>} : memref<2x128x64xf32, #tpu.memory_space<vmem>>, vector<1x1x16xf32>,
      %get3A_3716 = vector.shape_cast %get3A_3715 : vector<1x1x16xf32> to vector<16xf32>
      %sub3A_3717 = arith.subf %get3A_3716, %get3A_3704 : vector<16xf32>
      %mul3A_3718 = arith.mulf %broadcast_in_dim3A_3613, %sub3A_3717 : vector<16xf32>
      %add3A_3719 = arith.addf %get3A_3704, %mul3A_3718 : vector<16xf32>
      %sub3A_3720 = arith.subf %add3A_3719, %get3A_3710 : vector<16xf32>
      %abs3A_3721 = math.absf %sub3A_3720 : vector<16xf32>
      %sub3A_3722 = arith.subf %get3A_3704, %get3A_3710 : vector<16xf32>
      %abs3A_3723 = math.absf %sub3A_3722 : vector<16xf32>
      %sub3A_3724 = arith.subf %abs3A_3721, %abs3A_3723 : vector<16xf32>
      %add3A_3725 = arith.addf %add3A_3698, %sub3A_3724 : vector<16xf32>
      %slice3A_3726 = vector.extract_strided_slice %get3A_2460 {offsets = [11], sizes = [1], strides = [1]} : vector<16xf32> to vector<1xf32>
      %squeeze3A_3727 = vector.extract %slice3A_3726[0] : f32 from vector<1xf32>
      %broadcast_in_dim3A_3728 = vector.broadcast %squeeze3A_3727 : f32 to vector<16xf32>
      %mul3A_3729 = arith.constant 16 : i32
      %mul3A_3730 = arith.muli %scan3A_609, %mul3A_3729 : i32
      %add3A_3731 = arith.constant 11 : i32
      %add3A_3732 = arith.addi %mul3A_3730, %add3A_3731 : i32
      %get3A_3733 = arith.constant 1 : i32
      %get3A_3734 = arith.index_cast %get3A_3733 : i32 to index
      %get3A_3735 = arith.index_cast %add3A_3732 : i32 to index
      %get3A_3736 = arith.constant 0 : index
      %get3A_3737 = tpu.vector_load %arg11[%get3A_3734, %get3A_3735, %get3A_3736] {strides = array<i32>} : memref<2x128x64xf32, #tpu.memory_space<vmem>>, vector<1x1x16xf32>,
      %get3A_3738 = vector.shape_cast %get3A_3737 : vector<1x1x16xf32> to vector<16xf32>
      %get3A_3739 = arith.constant 1 : i32
      %get3A_3740 = arith.index_cast %get3A_3739 : i32 to index
      %get3A_3741 = arith.index_cast %add3A_3732 : i32 to index
      %get3A_3742 = arith.constant 0 : index
      %get3A_3743 = tpu.vector_load %arg12[%get3A_3740, %get3A_3741, %get3A_3742] {strides = array<i32>} : memref<2x128x64xf32, #tpu.memory_space<vmem>>, vector<1x1x16xf32>,
      %get3A_3744 = vector.shape_cast %get3A_3743 : vector<1x1x16xf32> to vector<16xf32>
      %get3A_3745 = arith.constant 1 : i32
      %get3A_3746 = arith.index_cast %get3A_3745 : i32 to index
      %get3A_3747 = arith.index_cast %add3A_3732 : i32 to index
      %get3A_3748 = arith.constant 0 : index
      %get3A_3749 = tpu.vector_load %arg13[%get3A_3746, %get3A_3747, %get3A_3748] {strides = array<i32>} : memref<2x128x64xf32, #tpu.memory_space<vmem>>, vector<1x1x16xf32>,
      %get3A_3750 = vector.shape_cast %get3A_3749 : vector<1x1x16xf32> to vector<16xf32>
      %sub3A_3751 = arith.subf %get3A_3750, %get3A_3738 : vector<16xf32>
      %mul3A_3752 = arith.mulf %broadcast_in_dim3A_3728, %sub3A_3751 : vector<16xf32>
      %add3A_3753 = arith.addf %get3A_3738, %mul3A_3752 : vector<16xf32>
      %sub3A_3754 = arith.subf %add3A_3753, %get3A_3744 : vector<16xf32>
      %abs3A_3755 = math.absf %sub3A_3754 : vector<16xf32>
      %sub3A_3756 = arith.subf %get3A_3738, %get3A_3744 : vector<16xf32>
      %abs3A_3757 = math.absf %sub3A_3756 : vector<16xf32>
      %sub3A_3758 = arith.subf %abs3A_3755, %abs3A_3757 : vector<16xf32>
      %add3A_3759 = arith.addf %add3A_3725, %sub3A_3758 : vector<16xf32>
      %get3A_3760 = arith.constant 1 : i32
      %get3A_3761 = arith.index_cast %get3A_3760 : i32 to index
      %get3A_3762 = arith.index_cast %add3A_3732 : i32 to index
      %get3A_3763 = arith.constant 16 : index
      %get3A_3764 = tpu.vector_load %arg11[%get3A_3761, %get3A_3762, %get3A_3763] {strides = array<i32>} : memref<2x128x64xf32, #tpu.memory_space<vmem>>, vector<1x1x16xf32>,
      %get3A_3765 = vector.shape_cast %get3A_3764 : vector<1x1x16xf32> to vector<16xf32>
      %get3A_3766 = arith.constant 1 : i32
      %get3A_3767 = arith.index_cast %get3A_3766 : i32 to index
      %get3A_3768 = arith.index_cast %add3A_3732 : i32 to index
      %get3A_3769 = arith.constant 16 : index
      %get3A_3770 = tpu.vector_load %arg12[%get3A_3767, %get3A_3768, %get3A_3769] {strides = array<i32>} : memref<2x128x64xf32, #tpu.memory_space<vmem>>, vector<1x1x16xf32>,
      %get3A_3771 = vector.shape_cast %get3A_3770 : vector<1x1x16xf32> to vector<16xf32>
      %get3A_3772 = arith.constant 1 : i32
      %get3A_3773 = arith.index_cast %get3A_3772 : i32 to index
      %get3A_3774 = arith.index_cast %add3A_3732 : i32 to index
      %get3A_3775 = arith.constant 16 : index
      %get3A_3776 = tpu.vector_load %arg13[%get3A_3773, %get3A_3774, %get3A_3775] {strides = array<i32>} : memref<2x128x64xf32, #tpu.memory_space<vmem>>, vector<1x1x16xf32>,
      %get3A_3777 = vector.shape_cast %get3A_3776 : vector<1x1x16xf32> to vector<16xf32>
      %sub3A_3778 = arith.subf %get3A_3777, %get3A_3765 : vector<16xf32>
      %mul3A_3779 = arith.mulf %broadcast_in_dim3A_3728, %sub3A_3778 : vector<16xf32>
      %add3A_3780 = arith.addf %get3A_3765, %mul3A_3779 : vector<16xf32>
      %sub3A_3781 = arith.subf %add3A_3780, %get3A_3771 : vector<16xf32>
      %abs3A_3782 = math.absf %sub3A_3781 : vector<16xf32>
      %sub3A_3783 = arith.subf %get3A_3765, %get3A_3771 : vector<16xf32>
      %abs3A_3784 = math.absf %sub3A_3783 : vector<16xf32>
      %sub3A_3785 = arith.subf %abs3A_3782, %abs3A_3784 : vector<16xf32>
      %add3A_3786 = arith.addf %add3A_3759, %sub3A_3785 : vector<16xf32>
      %get3A_3787 = arith.constant 1 : i32
      %get3A_3788 = arith.index_cast %get3A_3787 : i32 to index
      %get3A_3789 = arith.index_cast %add3A_3732 : i32 to index
      %get3A_3790 = arith.constant 32 : index
      %get3A_3791 = tpu.vector_load %arg11[%get3A_3788, %get3A_3789, %get3A_3790] {strides = array<i32>} : memref<2x128x64xf32, #tpu.memory_space<vmem>>, vector<1x1x16xf32>,
      %get3A_3792 = vector.shape_cast %get3A_3791 : vector<1x1x16xf32> to vector<16xf32>
      %get3A_3793 = arith.constant 1 : i32
      %get3A_3794 = arith.index_cast %get3A_3793 : i32 to index
      %get3A_3795 = arith.index_cast %add3A_3732 : i32 to index
      %get3A_3796 = arith.constant 32 : index
      %get3A_3797 = tpu.vector_load %arg12[%get3A_3794, %get3A_3795, %get3A_3796] {strides = array<i32>} : memref<2x128x64xf32, #tpu.memory_space<vmem>>, vector<1x1x16xf32>,
      %get3A_3798 = vector.shape_cast %get3A_3797 : vector<1x1x16xf32> to vector<16xf32>
      %get3A_3799 = arith.constant 1 : i32
      %get3A_3800 = arith.index_cast %get3A_3799 : i32 to index
      %get3A_3801 = arith.index_cast %add3A_3732 : i32 to index
      %get3A_3802 = arith.constant 32 : index
      %get3A_3803 = tpu.vector_load %arg13[%get3A_3800, %get3A_3801, %get3A_3802] {strides = array<i32>} : memref<2x128x64xf32, #tpu.memory_space<vmem>>, vector<1x1x16xf32>,
      %get3A_3804 = vector.shape_cast %get3A_3803 : vector<1x1x16xf32> to vector<16xf32>
      %sub3A_3805 = arith.subf %get3A_3804, %get3A_3792 : vector<16xf32>
      %mul3A_3806 = arith.mulf %broadcast_in_dim3A_3728, %sub3A_3805 : vector<16xf32>
      %add3A_3807 = arith.addf %get3A_3792, %mul3A_3806 : vector<16xf32>
      %sub3A_3808 = arith.subf %add3A_3807, %get3A_3798 : vector<16xf32>
      %abs3A_3809 = math.absf %sub3A_3808 : vector<16xf32>
      %sub3A_3810 = arith.subf %get3A_3792, %get3A_3798 : vector<16xf32>
      %abs3A_3811 = math.absf %sub3A_3810 : vector<16xf32>
      %sub3A_3812 = arith.subf %abs3A_3809, %abs3A_3811 : vector<16xf32>
      %add3A_3813 = arith.addf %add3A_3786, %sub3A_3812 : vector<16xf32>
      %get3A_3814 = arith.constant 1 : i32
      %get3A_3815 = arith.index_cast %get3A_3814 : i32 to index
      %get3A_3816 = arith.index_cast %add3A_3732 : i32 to index
      %get3A_3817 = arith.constant 48 : index
      %get3A_3818 = tpu.vector_load %arg11[%get3A_3815, %get3A_3816, %get3A_3817] {strides = array<i32>} : memref<2x128x64xf32, #tpu.memory_space<vmem>>, vector<1x1x16xf32>,
      %get3A_3819 = vector.shape_cast %get3A_3818 : vector<1x1x16xf32> to vector<16xf32>
      %get3A_3820 = arith.constant 1 : i32
      %get3A_3821 = arith.index_cast %get3A_3820 : i32 to index
      %get3A_3822 = arith.index_cast %add3A_3732 : i32 to index
      %get3A_3823 = arith.constant 48 : index
      %get3A_3824 = tpu.vector_load %arg12[%get3A_3821, %get3A_3822, %get3A_3823] {strides = array<i32>} : memref<2x128x64xf32, #tpu.memory_space<vmem>>, vector<1x1x16xf32>,
      %get3A_3825 = vector.shape_cast %get3A_3824 : vector<1x1x16xf32> to vector<16xf32>
      %get3A_3826 = arith.constant 1 : i32
      %get3A_3827 = arith.index_cast %get3A_3826 : i32 to index
      %get3A_3828 = arith.index_cast %add3A_3732 : i32 to index
      %get3A_3829 = arith.constant 48 : index
      %get3A_3830 = tpu.vector_load %arg13[%get3A_3827, %get3A_3828, %get3A_3829] {strides = array<i32>} : memref<2x128x64xf32, #tpu.memory_space<vmem>>, vector<1x1x16xf32>,
      %get3A_3831 = vector.shape_cast %get3A_3830 : vector<1x1x16xf32> to vector<16xf32>
      %sub3A_3832 = arith.subf %get3A_3831, %get3A_3819 : vector<16xf32>
      %mul3A_3833 = arith.mulf %broadcast_in_dim3A_3728, %sub3A_3832 : vector<16xf32>
      %add3A_3834 = arith.addf %get3A_3819, %mul3A_3833 : vector<16xf32>
      %sub3A_3835 = arith.subf %add3A_3834, %get3A_3825 : vector<16xf32>
      %abs3A_3836 = math.absf %sub3A_3835 : vector<16xf32>
      %sub3A_3837 = arith.subf %get3A_3819, %get3A_3825 : vector<16xf32>
      %abs3A_3838 = math.absf %sub3A_3837 : vector<16xf32>
      %sub3A_3839 = arith.subf %abs3A_3836, %abs3A_3838 : vector<16xf32>
      %add3A_3840 = arith.addf %add3A_3813, %sub3A_3839 : vector<16xf32>
      %slice3A_3841 = vector.extract_strided_slice %get3A_2460 {offsets = [12], sizes = [1], strides = [1]} : vector<16xf32> to vector<1xf32>
      %squeeze3A_3842 = vector.extract %slice3A_3841[0] : f32 from vector<1xf32>
      %broadcast_in_dim3A_3843 = vector.broadcast %squeeze3A_3842 : f32 to vector<16xf32>
      %mul3A_3844 = arith.constant 16 : i32
      %mul3A_3845 = arith.muli %scan3A_609, %mul3A_3844 : i32
      %add3A_3846 = arith.constant 12 : i32
      %add3A_3847 = arith.addi %mul3A_3845, %add3A_3846 : i32
      %get3A_3848 = arith.constant 1 : i32
      %get3A_3849 = arith.index_cast %get3A_3848 : i32 to index
      %get3A_3850 = arith.index_cast %add3A_3847 : i32 to index
      %get3A_3851 = arith.constant 0 : index
      %get3A_3852 = tpu.vector_load %arg11[%get3A_3849, %get3A_3850, %get3A_3851] {strides = array<i32>} : memref<2x128x64xf32, #tpu.memory_space<vmem>>, vector<1x1x16xf32>,
      %get3A_3853 = vector.shape_cast %get3A_3852 : vector<1x1x16xf32> to vector<16xf32>
      %get3A_3854 = arith.constant 1 : i32
      %get3A_3855 = arith.index_cast %get3A_3854 : i32 to index
      %get3A_3856 = arith.index_cast %add3A_3847 : i32 to index
      %get3A_3857 = arith.constant 0 : index
      %get3A_3858 = tpu.vector_load %arg12[%get3A_3855, %get3A_3856, %get3A_3857] {strides = array<i32>} : memref<2x128x64xf32, #tpu.memory_space<vmem>>, vector<1x1x16xf32>,
      %get3A_3859 = vector.shape_cast %get3A_3858 : vector<1x1x16xf32> to vector<16xf32>
      %get3A_3860 = arith.constant 1 : i32
      %get3A_3861 = arith.index_cast %get3A_3860 : i32 to index
      %get3A_3862 = arith.index_cast %add3A_3847 : i32 to index
      %get3A_3863 = arith.constant 0 : index
      %get3A_3864 = tpu.vector_load %arg13[%get3A_3861, %get3A_3862, %get3A_3863] {strides = array<i32>} : memref<2x128x64xf32, #tpu.memory_space<vmem>>, vector<1x1x16xf32>,
      %get3A_3865 = vector.shape_cast %get3A_3864 : vector<1x1x16xf32> to vector<16xf32>
      %sub3A_3866 = arith.subf %get3A_3865, %get3A_3853 : vector<16xf32>
      %mul3A_3867 = arith.mulf %broadcast_in_dim3A_3843, %sub3A_3866 : vector<16xf32>
      %add3A_3868 = arith.addf %get3A_3853, %mul3A_3867 : vector<16xf32>
      %sub3A_3869 = arith.subf %add3A_3868, %get3A_3859 : vector<16xf32>
      %abs3A_3870 = math.absf %sub3A_3869 : vector<16xf32>
      %sub3A_3871 = arith.subf %get3A_3853, %get3A_3859 : vector<16xf32>
      %abs3A_3872 = math.absf %sub3A_3871 : vector<16xf32>
      %sub3A_3873 = arith.subf %abs3A_3870, %abs3A_3872 : vector<16xf32>
      %add3A_3874 = arith.addf %add3A_3840, %sub3A_3873 : vector<16xf32>
      %get3A_3875 = arith.constant 1 : i32
      %get3A_3876 = arith.index_cast %get3A_3875 : i32 to index
      %get3A_3877 = arith.index_cast %add3A_3847 : i32 to index
      %get3A_3878 = arith.constant 16 : index
      %get3A_3879 = tpu.vector_load %arg11[%get3A_3876, %get3A_3877, %get3A_3878] {strides = array<i32>} : memref<2x128x64xf32, #tpu.memory_space<vmem>>, vector<1x1x16xf32>,
      %get3A_3880 = vector.shape_cast %get3A_3879 : vector<1x1x16xf32> to vector<16xf32>
      %get3A_3881 = arith.constant 1 : i32
      %get3A_3882 = arith.index_cast %get3A_3881 : i32 to index
      %get3A_3883 = arith.index_cast %add3A_3847 : i32 to index
      %get3A_3884 = arith.constant 16 : index
      %get3A_3885 = tpu.vector_load %arg12[%get3A_3882, %get3A_3883, %get3A_3884] {strides = array<i32>} : memref<2x128x64xf32, #tpu.memory_space<vmem>>, vector<1x1x16xf32>,
      %get3A_3886 = vector.shape_cast %get3A_3885 : vector<1x1x16xf32> to vector<16xf32>
      %get3A_3887 = arith.constant 1 : i32
      %get3A_3888 = arith.index_cast %get3A_3887 : i32 to index
      %get3A_3889 = arith.index_cast %add3A_3847 : i32 to index
      %get3A_3890 = arith.constant 16 : index
      %get3A_3891 = tpu.vector_load %arg13[%get3A_3888, %get3A_3889, %get3A_3890] {strides = array<i32>} : memref<2x128x64xf32, #tpu.memory_space<vmem>>, vector<1x1x16xf32>,
      %get3A_3892 = vector.shape_cast %get3A_3891 : vector<1x1x16xf32> to vector<16xf32>
      %sub3A_3893 = arith.subf %get3A_3892, %get3A_3880 : vector<16xf32>
      %mul3A_3894 = arith.mulf %broadcast_in_dim3A_3843, %sub3A_3893 : vector<16xf32>
      %add3A_3895 = arith.addf %get3A_3880, %mul3A_3894 : vector<16xf32>
      %sub3A_3896 = arith.subf %add3A_3895, %get3A_3886 : vector<16xf32>
      %abs3A_3897 = math.absf %sub3A_3896 : vector<16xf32>
      %sub3A_3898 = arith.subf %get3A_3880, %get3A_3886 : vector<16xf32>
      %abs3A_3899 = math.absf %sub3A_3898 : vector<16xf32>
      %sub3A_3900 = arith.subf %abs3A_3897, %abs3A_3899 : vector<16xf32>
      %add3A_3901 = arith.addf %add3A_3874, %sub3A_3900 : vector<16xf32>
      %get3A_3902 = arith.constant 1 : i32
      %get3A_3903 = arith.index_cast %get3A_3902 : i32 to index
      %get3A_3904 = arith.index_cast %add3A_3847 : i32 to index
      %get3A_3905 = arith.constant 32 : index
      %get3A_3906 = tpu.vector_load %arg11[%get3A_3903, %get3A_3904, %get3A_3905] {strides = array<i32>} : memref<2x128x64xf32, #tpu.memory_space<vmem>>, vector<1x1x16xf32>,
      %get3A_3907 = vector.shape_cast %get3A_3906 : vector<1x1x16xf32> to vector<16xf32>
      %get3A_3908 = arith.constant 1 : i32
      %get3A_3909 = arith.index_cast %get3A_3908 : i32 to index
      %get3A_3910 = arith.index_cast %add3A_3847 : i32 to index
      %get3A_3911 = arith.constant 32 : index
      %get3A_3912 = tpu.vector_load %arg12[%get3A_3909, %get3A_3910, %get3A_3911] {strides = array<i32>} : memref<2x128x64xf32, #tpu.memory_space<vmem>>, vector<1x1x16xf32>,
      %get3A_3913 = vector.shape_cast %get3A_3912 : vector<1x1x16xf32> to vector<16xf32>
      %get3A_3914 = arith.constant 1 : i32
      %get3A_3915 = arith.index_cast %get3A_3914 : i32 to index
      %get3A_3916 = arith.index_cast %add3A_3847 : i32 to index
      %get3A_3917 = arith.constant 32 : index
      %get3A_3918 = tpu.vector_load %arg13[%get3A_3915, %get3A_3916, %get3A_3917] {strides = array<i32>} : memref<2x128x64xf32, #tpu.memory_space<vmem>>, vector<1x1x16xf32>,
      %get3A_3919 = vector.shape_cast %get3A_3918 : vector<1x1x16xf32> to vector<16xf32>
      %sub3A_3920 = arith.subf %get3A_3919, %get3A_3907 : vector<16xf32>
      %mul3A_3921 = arith.mulf %broadcast_in_dim3A_3843, %sub3A_3920 : vector<16xf32>
      %add3A_3922 = arith.addf %get3A_3907, %mul3A_3921 : vector<16xf32>
      %sub3A_3923 = arith.subf %add3A_3922, %get3A_3913 : vector<16xf32>
      %abs3A_3924 = math.absf %sub3A_3923 : vector<16xf32>
      %sub3A_3925 = arith.subf %get3A_3907, %get3A_3913 : vector<16xf32>
      %abs3A_3926 = math.absf %sub3A_3925 : vector<16xf32>
      %sub3A_3927 = arith.subf %abs3A_3924, %abs3A_3926 : vector<16xf32>
      %add3A_3928 = arith.addf %add3A_3901, %sub3A_3927 : vector<16xf32>
      %get3A_3929 = arith.constant 1 : i32
      %get3A_3930 = arith.index_cast %get3A_3929 : i32 to index
      %get3A_3931 = arith.index_cast %add3A_3847 : i32 to index
      %get3A_3932 = arith.constant 48 : index
      %get3A_3933 = tpu.vector_load %arg11[%get3A_3930, %get3A_3931, %get3A_3932] {strides = array<i32>} : memref<2x128x64xf32, #tpu.memory_space<vmem>>, vector<1x1x16xf32>,
      %get3A_3934 = vector.shape_cast %get3A_3933 : vector<1x1x16xf32> to vector<16xf32>
      %get3A_3935 = arith.constant 1 : i32
      %get3A_3936 = arith.index_cast %get3A_3935 : i32 to index
      %get3A_3937 = arith.index_cast %add3A_3847 : i32 to index
      %get3A_3938 = arith.constant 48 : index
      %get3A_3939 = tpu.vector_load %arg12[%get3A_3936, %get3A_3937, %get3A_3938] {strides = array<i32>} : memref<2x128x64xf32, #tpu.memory_space<vmem>>, vector<1x1x16xf32>,
      %get3A_3940 = vector.shape_cast %get3A_3939 : vector<1x1x16xf32> to vector<16xf32>
      %get3A_3941 = arith.constant 1 : i32
      %get3A_3942 = arith.index_cast %get3A_3941 : i32 to index
      %get3A_3943 = arith.index_cast %add3A_3847 : i32 to index
      %get3A_3944 = arith.constant 48 : index
      %get3A_3945 = tpu.vector_load %arg13[%get3A_3942, %get3A_3943, %get3A_3944] {strides = array<i32>} : memref<2x128x64xf32, #tpu.memory_space<vmem>>, vector<1x1x16xf32>,
      %get3A_3946 = vector.shape_cast %get3A_3945 : vector<1x1x16xf32> to vector<16xf32>
      %sub3A_3947 = arith.subf %get3A_3946, %get3A_3934 : vector<16xf32>
      %mul3A_3948 = arith.mulf %broadcast_in_dim3A_3843, %sub3A_3947 : vector<16xf32>
      %add3A_3949 = arith.addf %get3A_3934, %mul3A_3948 : vector<16xf32>
      %sub3A_3950 = arith.subf %add3A_3949, %get3A_3940 : vector<16xf32>
      %abs3A_3951 = math.absf %sub3A_3950 : vector<16xf32>
      %sub3A_3952 = arith.subf %get3A_3934, %get3A_3940 : vector<16xf32>
      %abs3A_3953 = math.absf %sub3A_3952 : vector<16xf32>
      %sub3A_3954 = arith.subf %abs3A_3951, %abs3A_3953 : vector<16xf32>
      %add3A_3955 = arith.addf %add3A_3928, %sub3A_3954 : vector<16xf32>
      %slice3A_3956 = vector.extract_strided_slice %get3A_2460 {offsets = [13], sizes = [1], strides = [1]} : vector<16xf32> to vector<1xf32>
      %squeeze3A_3957 = vector.extract %slice3A_3956[0] : f32 from vector<1xf32>
      %broadcast_in_dim3A_3958 = vector.broadcast %squeeze3A_3957 : f32 to vector<16xf32>
      %mul3A_3959 = arith.constant 16 : i32
      %mul3A_3960 = arith.muli %scan3A_609, %mul3A_3959 : i32
      %add3A_3961 = arith.constant 13 : i32
      %add3A_3962 = arith.addi %mul3A_3960, %add3A_3961 : i32
      %get3A_3963 = arith.constant 1 : i32
      %get3A_3964 = arith.index_cast %get3A_3963 : i32 to index
      %get3A_3965 = arith.index_cast %add3A_3962 : i32 to index
      %get3A_3966 = arith.constant 0 : index
      %get3A_3967 = tpu.vector_load %arg11[%get3A_3964, %get3A_3965, %get3A_3966] {strides = array<i32>} : memref<2x128x64xf32, #tpu.memory_space<vmem>>, vector<1x1x16xf32>,
      %get3A_3968 = vector.shape_cast %get3A_3967 : vector<1x1x16xf32> to vector<16xf32>
      %get3A_3969 = arith.constant 1 : i32
      %get3A_3970 = arith.index_cast %get3A_3969 : i32 to index
      %get3A_3971 = arith.index_cast %add3A_3962 : i32 to index
      %get3A_3972 = arith.constant 0 : index
      %get3A_3973 = tpu.vector_load %arg12[%get3A_3970, %get3A_3971, %get3A_3972] {strides = array<i32>} : memref<2x128x64xf32, #tpu.memory_space<vmem>>, vector<1x1x16xf32>,
      %get3A_3974 = vector.shape_cast %get3A_3973 : vector<1x1x16xf32> to vector<16xf32>
      %get3A_3975 = arith.constant 1 : i32
      %get3A_3976 = arith.index_cast %get3A_3975 : i32 to index
      %get3A_3977 = arith.index_cast %add3A_3962 : i32 to index
      %get3A_3978 = arith.constant 0 : index
      %get3A_3979 = tpu.vector_load %arg13[%get3A_3976, %get3A_3977, %get3A_3978] {strides = array<i32>} : memref<2x128x64xf32, #tpu.memory_space<vmem>>, vector<1x1x16xf32>,
      %get3A_3980 = vector.shape_cast %get3A_3979 : vector<1x1x16xf32> to vector<16xf32>
      %sub3A_3981 = arith.subf %get3A_3980, %get3A_3968 : vector<16xf32>
      %mul3A_3982 = arith.mulf %broadcast_in_dim3A_3958, %sub3A_3981 : vector<16xf32>
      %add3A_3983 = arith.addf %get3A_3968, %mul3A_3982 : vector<16xf32>
      %sub3A_3984 = arith.subf %add3A_3983, %get3A_3974 : vector<16xf32>
      %abs3A_3985 = math.absf %sub3A_3984 : vector<16xf32>
      %sub3A_3986 = arith.subf %get3A_3968, %get3A_3974 : vector<16xf32>
      %abs3A_3987 = math.absf %sub3A_3986 : vector<16xf32>
      %sub3A_3988 = arith.subf %abs3A_3985, %abs3A_3987 : vector<16xf32>
      %add3A_3989 = arith.addf %add3A_3955, %sub3A_3988 : vector<16xf32>
      %get3A_3990 = arith.constant 1 : i32
      %get3A_3991 = arith.index_cast %get3A_3990 : i32 to index
      %get3A_3992 = arith.index_cast %add3A_3962 : i32 to index
      %get3A_3993 = arith.constant 16 : index
      %get3A_3994 = tpu.vector_load %arg11[%get3A_3991, %get3A_3992, %get3A_3993] {strides = array<i32>} : memref<2x128x64xf32, #tpu.memory_space<vmem>>, vector<1x1x16xf32>,
      %get3A_3995 = vector.shape_cast %get3A_3994 : vector<1x1x16xf32> to vector<16xf32>
      %get3A_3996 = arith.constant 1 : i32
      %get3A_3997 = arith.index_cast %get3A_3996 : i32 to index
      %get3A_3998 = arith.index_cast %add3A_3962 : i32 to index
      %get3A_3999 = arith.constant 16 : index
      %get3A_4000 = tpu.vector_load %arg12[%get3A_3997, %get3A_3998, %get3A_3999] {strides = array<i32>} : memref<2x128x64xf32, #tpu.memory_space<vmem>>, vector<1x1x16xf32>,
      %get3A_4001 = vector.shape_cast %get3A_4000 : vector<1x1x16xf32> to vector<16xf32>
      %get3A_4002 = arith.constant 1 : i32
      %get3A_4003 = arith.index_cast %get3A_4002 : i32 to index
      %get3A_4004 = arith.index_cast %add3A_3962 : i32 to index
      %get3A_4005 = arith.constant 16 : index
      %get3A_4006 = tpu.vector_load %arg13[%get3A_4003, %get3A_4004, %get3A_4005] {strides = array<i32>} : memref<2x128x64xf32, #tpu.memory_space<vmem>>, vector<1x1x16xf32>,
      %get3A_4007 = vector.shape_cast %get3A_4006 : vector<1x1x16xf32> to vector<16xf32>
      %sub3A_4008 = arith.subf %get3A_4007, %get3A_3995 : vector<16xf32>
      %mul3A_4009 = arith.mulf %broadcast_in_dim3A_3958, %sub3A_4008 : vector<16xf32>
      %add3A_4010 = arith.addf %get3A_3995, %mul3A_4009 : vector<16xf32>
      %sub3A_4011 = arith.subf %add3A_4010, %get3A_4001 : vector<16xf32>
      %abs3A_4012 = math.absf %sub3A_4011 : vector<16xf32>
      %sub3A_4013 = arith.subf %get3A_3995, %get3A_4001 : vector<16xf32>
      %abs3A_4014 = math.absf %sub3A_4013 : vector<16xf32>
      %sub3A_4015 = arith.subf %abs3A_4012, %abs3A_4014 : vector<16xf32>
      %add3A_4016 = arith.addf %add3A_3989, %sub3A_4015 : vector<16xf32>
      %get3A_4017 = arith.constant 1 : i32
      %get3A_4018 = arith.index_cast %get3A_4017 : i32 to index
      %get3A_4019 = arith.index_cast %add3A_3962 : i32 to index
      %get3A_4020 = arith.constant 32 : index
      %get3A_4021 = tpu.vector_load %arg11[%get3A_4018, %get3A_4019, %get3A_4020] {strides = array<i32>} : memref<2x128x64xf32, #tpu.memory_space<vmem>>, vector<1x1x16xf32>,
      %get3A_4022 = vector.shape_cast %get3A_4021 : vector<1x1x16xf32> to vector<16xf32>
      %get3A_4023 = arith.constant 1 : i32
      %get3A_4024 = arith.index_cast %get3A_4023 : i32 to index
      %get3A_4025 = arith.index_cast %add3A_3962 : i32 to index
      %get3A_4026 = arith.constant 32 : index
      %get3A_4027 = tpu.vector_load %arg12[%get3A_4024, %get3A_4025, %get3A_4026] {strides = array<i32>} : memref<2x128x64xf32, #tpu.memory_space<vmem>>, vector<1x1x16xf32>,
      %get3A_4028 = vector.shape_cast %get3A_4027 : vector<1x1x16xf32> to vector<16xf32>
      %get3A_4029 = arith.constant 1 : i32
      %get3A_4030 = arith.index_cast %get3A_4029 : i32 to index
      %get3A_4031 = arith.index_cast %add3A_3962 : i32 to index
      %get3A_4032 = arith.constant 32 : index
      %get3A_4033 = tpu.vector_load %arg13[%get3A_4030, %get3A_4031, %get3A_4032] {strides = array<i32>} : memref<2x128x64xf32, #tpu.memory_space<vmem>>, vector<1x1x16xf32>,
      %get3A_4034 = vector.shape_cast %get3A_4033 : vector<1x1x16xf32> to vector<16xf32>
      %sub3A_4035 = arith.subf %get3A_4034, %get3A_4022 : vector<16xf32>
      %mul3A_4036 = arith.mulf %broadcast_in_dim3A_3958, %sub3A_4035 : vector<16xf32>
      %add3A_4037 = arith.addf %get3A_4022, %mul3A_4036 : vector<16xf32>
      %sub3A_4038 = arith.subf %add3A_4037, %get3A_4028 : vector<16xf32>
      %abs3A_4039 = math.absf %sub3A_4038 : vector<16xf32>
      %sub3A_4040 = arith.subf %get3A_4022, %get3A_4028 : vector<16xf32>
      %abs3A_4041 = math.absf %sub3A_4040 : vector<16xf32>
      %sub3A_4042 = arith.subf %abs3A_4039, %abs3A_4041 : vector<16xf32>
      %add3A_4043 = arith.addf %add3A_4016, %sub3A_4042 : vector<16xf32>
      %get3A_4044 = arith.constant 1 : i32
      %get3A_4045 = arith.index_cast %get3A_4044 : i32 to index
      %get3A_4046 = arith.index_cast %add3A_3962 : i32 to index
      %get3A_4047 = arith.constant 48 : index
      %get3A_4048 = tpu.vector_load %arg11[%get3A_4045, %get3A_4046, %get3A_4047] {strides = array<i32>} : memref<2x128x64xf32, #tpu.memory_space<vmem>>, vector<1x1x16xf32>,
      %get3A_4049 = vector.shape_cast %get3A_4048 : vector<1x1x16xf32> to vector<16xf32>
      %get3A_4050 = arith.constant 1 : i32
      %get3A_4051 = arith.index_cast %get3A_4050 : i32 to index
      %get3A_4052 = arith.index_cast %add3A_3962 : i32 to index
      %get3A_4053 = arith.constant 48 : index
      %get3A_4054 = tpu.vector_load %arg12[%get3A_4051, %get3A_4052, %get3A_4053] {strides = array<i32>} : memref<2x128x64xf32, #tpu.memory_space<vmem>>, vector<1x1x16xf32>,
      %get3A_4055 = vector.shape_cast %get3A_4054 : vector<1x1x16xf32> to vector<16xf32>
      %get3A_4056 = arith.constant 1 : i32
      %get3A_4057 = arith.index_cast %get3A_4056 : i32 to index
      %get3A_4058 = arith.index_cast %add3A_3962 : i32 to index
      %get3A_4059 = arith.constant 48 : index
      %get3A_4060 = tpu.vector_load %arg13[%get3A_4057, %get3A_4058, %get3A_4059] {strides = array<i32>} : memref<2x128x64xf32, #tpu.memory_space<vmem>>, vector<1x1x16xf32>,
      %get3A_4061 = vector.shape_cast %get3A_4060 : vector<1x1x16xf32> to vector<16xf32>
      %sub3A_4062 = arith.subf %get3A_4061, %get3A_4049 : vector<16xf32>
      %mul3A_4063 = arith.mulf %broadcast_in_dim3A_3958, %sub3A_4062 : vector<16xf32>
      %add3A_4064 = arith.addf %get3A_4049, %mul3A_4063 : vector<16xf32>
      %sub3A_4065 = arith.subf %add3A_4064, %get3A_4055 : vector<16xf32>
      %abs3A_4066 = math.absf %sub3A_4065 : vector<16xf32>
      %sub3A_4067 = arith.subf %get3A_4049, %get3A_4055 : vector<16xf32>
      %abs3A_4068 = math.absf %sub3A_4067 : vector<16xf32>
      %sub3A_4069 = arith.subf %abs3A_4066, %abs3A_4068 : vector<16xf32>
      %add3A_4070 = arith.addf %add3A_4043, %sub3A_4069 : vector<16xf32>
      %slice3A_4071 = vector.extract_strided_slice %get3A_2460 {offsets = [14], sizes = [1], strides = [1]} : vector<16xf32> to vector<1xf32>
      %squeeze3A_4072 = vector.extract %slice3A_4071[0] : f32 from vector<1xf32>
      %broadcast_in_dim3A_4073 = vector.broadcast %squeeze3A_4072 : f32 to vector<16xf32>
      %mul3A_4074 = arith.constant 16 : i32
      %mul3A_4075 = arith.muli %scan3A_609, %mul3A_4074 : i32
      %add3A_4076 = arith.constant 14 : i32
      %add3A_4077 = arith.addi %mul3A_4075, %add3A_4076 : i32
      %get3A_4078 = arith.constant 1 : i32
      %get3A_4079 = arith.index_cast %get3A_4078 : i32 to index
      %get3A_4080 = arith.index_cast %add3A_4077 : i32 to index
      %get3A_4081 = arith.constant 0 : index
      %get3A_4082 = tpu.vector_load %arg11[%get3A_4079, %get3A_4080, %get3A_4081] {strides = array<i32>} : memref<2x128x64xf32, #tpu.memory_space<vmem>>, vector<1x1x16xf32>,
      %get3A_4083 = vector.shape_cast %get3A_4082 : vector<1x1x16xf32> to vector<16xf32>
      %get3A_4084 = arith.constant 1 : i32
      %get3A_4085 = arith.index_cast %get3A_4084 : i32 to index
      %get3A_4086 = arith.index_cast %add3A_4077 : i32 to index
      %get3A_4087 = arith.constant 0 : index
      %get3A_4088 = tpu.vector_load %arg12[%get3A_4085, %get3A_4086, %get3A_4087] {strides = array<i32>} : memref<2x128x64xf32, #tpu.memory_space<vmem>>, vector<1x1x16xf32>,
      %get3A_4089 = vector.shape_cast %get3A_4088 : vector<1x1x16xf32> to vector<16xf32>
      %get3A_4090 = arith.constant 1 : i32
      %get3A_4091 = arith.index_cast %get3A_4090 : i32 to index
      %get3A_4092 = arith.index_cast %add3A_4077 : i32 to index
      %get3A_4093 = arith.constant 0 : index
      %get3A_4094 = tpu.vector_load %arg13[%get3A_4091, %get3A_4092, %get3A_4093] {strides = array<i32>} : memref<2x128x64xf32, #tpu.memory_space<vmem>>, vector<1x1x16xf32>,
      %get3A_4095 = vector.shape_cast %get3A_4094 : vector<1x1x16xf32> to vector<16xf32>
      %sub3A_4096 = arith.subf %get3A_4095, %get3A_4083 : vector<16xf32>
      %mul3A_4097 = arith.mulf %broadcast_in_dim3A_4073, %sub3A_4096 : vector<16xf32>
      %add3A_4098 = arith.addf %get3A_4083, %mul3A_4097 : vector<16xf32>
      %sub3A_4099 = arith.subf %add3A_4098, %get3A_4089 : vector<16xf32>
      %abs3A_4100 = math.absf %sub3A_4099 : vector<16xf32>
      %sub3A_4101 = arith.subf %get3A_4083, %get3A_4089 : vector<16xf32>
      %abs3A_4102 = math.absf %sub3A_4101 : vector<16xf32>
      %sub3A_4103 = arith.subf %abs3A_4100, %abs3A_4102 : vector<16xf32>
      %add3A_4104 = arith.addf %add3A_4070, %sub3A_4103 : vector<16xf32>
      %get3A_4105 = arith.constant 1 : i32
      %get3A_4106 = arith.index_cast %get3A_4105 : i32 to index
      %get3A_4107 = arith.index_cast %add3A_4077 : i32 to index
      %get3A_4108 = arith.constant 16 : index
      %get3A_4109 = tpu.vector_load %arg11[%get3A_4106, %get3A_4107, %get3A_4108] {strides = array<i32>} : memref<2x128x64xf32, #tpu.memory_space<vmem>>, vector<1x1x16xf32>,
      %get3A_4110 = vector.shape_cast %get3A_4109 : vector<1x1x16xf32> to vector<16xf32>
      %get3A_4111 = arith.constant 1 : i32
      %get3A_4112 = arith.index_cast %get3A_4111 : i32 to index
      %get3A_4113 = arith.index_cast %add3A_4077 : i32 to index
      %get3A_4114 = arith.constant 16 : index
      %get3A_4115 = tpu.vector_load %arg12[%get3A_4112, %get3A_4113, %get3A_4114] {strides = array<i32>} : memref<2x128x64xf32, #tpu.memory_space<vmem>>, vector<1x1x16xf32>,
      %get3A_4116 = vector.shape_cast %get3A_4115 : vector<1x1x16xf32> to vector<16xf32>
      %get3A_4117 = arith.constant 1 : i32
      %get3A_4118 = arith.index_cast %get3A_4117 : i32 to index
      %get3A_4119 = arith.index_cast %add3A_4077 : i32 to index
      %get3A_4120 = arith.constant 16 : index
      %get3A_4121 = tpu.vector_load %arg13[%get3A_4118, %get3A_4119, %get3A_4120] {strides = array<i32>} : memref<2x128x64xf32, #tpu.memory_space<vmem>>, vector<1x1x16xf32>,
      %get3A_4122 = vector.shape_cast %get3A_4121 : vector<1x1x16xf32> to vector<16xf32>
      %sub3A_4123 = arith.subf %get3A_4122, %get3A_4110 : vector<16xf32>
      %mul3A_4124 = arith.mulf %broadcast_in_dim3A_4073, %sub3A_4123 : vector<16xf32>
      %add3A_4125 = arith.addf %get3A_4110, %mul3A_4124 : vector<16xf32>
      %sub3A_4126 = arith.subf %add3A_4125, %get3A_4116 : vector<16xf32>
      %abs3A_4127 = math.absf %sub3A_4126 : vector<16xf32>
      %sub3A_4128 = arith.subf %get3A_4110, %get3A_4116 : vector<16xf32>
      %abs3A_4129 = math.absf %sub3A_4128 : vector<16xf32>
      %sub3A_4130 = arith.subf %abs3A_4127, %abs3A_4129 : vector<16xf32>
      %add3A_4131 = arith.addf %add3A_4104, %sub3A_4130 : vector<16xf32>
      %get3A_4132 = arith.constant 1 : i32
      %get3A_4133 = arith.index_cast %get3A_4132 : i32 to index
      %get3A_4134 = arith.index_cast %add3A_4077 : i32 to index
      %get3A_4135 = arith.constant 32 : index
      %get3A_4136 = tpu.vector_load %arg11[%get3A_4133, %get3A_4134, %get3A_4135] {strides = array<i32>} : memref<2x128x64xf32, #tpu.memory_space<vmem>>, vector<1x1x16xf32>,
      %get3A_4137 = vector.shape_cast %get3A_4136 : vector<1x1x16xf32> to vector<16xf32>
      %get3A_4138 = arith.constant 1 : i32
      %get3A_4139 = arith.index_cast %get3A_4138 : i32 to index
      %get3A_4140 = arith.index_cast %add3A_4077 : i32 to index
      %get3A_4141 = arith.constant 32 : index
      %get3A_4142 = tpu.vector_load %arg12[%get3A_4139, %get3A_4140, %get3A_4141] {strides = array<i32>} : memref<2x128x64xf32, #tpu.memory_space<vmem>>, vector<1x1x16xf32>,
      %get3A_4143 = vector.shape_cast %get3A_4142 : vector<1x1x16xf32> to vector<16xf32>
      %get3A_4144 = arith.constant 1 : i32
      %get3A_4145 = arith.index_cast %get3A_4144 : i32 to index
      %get3A_4146 = arith.index_cast %add3A_4077 : i32 to index
      %get3A_4147 = arith.constant 32 : index
      %get3A_4148 = tpu.vector_load %arg13[%get3A_4145, %get3A_4146, %get3A_4147] {strides = array<i32>} : memref<2x128x64xf32, #tpu.memory_space<vmem>>, vector<1x1x16xf32>,
      %get3A_4149 = vector.shape_cast %get3A_4148 : vector<1x1x16xf32> to vector<16xf32>
      %sub3A_4150 = arith.subf %get3A_4149, %get3A_4137 : vector<16xf32>
      %mul3A_4151 = arith.mulf %broadcast_in_dim3A_4073, %sub3A_4150 : vector<16xf32>
      %add3A_4152 = arith.addf %get3A_4137, %mul3A_4151 : vector<16xf32>
      %sub3A_4153 = arith.subf %add3A_4152, %get3A_4143 : vector<16xf32>
      %abs3A_4154 = math.absf %sub3A_4153 : vector<16xf32>
      %sub3A_4155 = arith.subf %get3A_4137, %get3A_4143 : vector<16xf32>
      %abs3A_4156 = math.absf %sub3A_4155 : vector<16xf32>
      %sub3A_4157 = arith.subf %abs3A_4154, %abs3A_4156 : vector<16xf32>
      %add3A_4158 = arith.addf %add3A_4131, %sub3A_4157 : vector<16xf32>
      %get3A_4159 = arith.constant 1 : i32
      %get3A_4160 = arith.index_cast %get3A_4159 : i32 to index
      %get3A_4161 = arith.index_cast %add3A_4077 : i32 to index
      %get3A_4162 = arith.constant 48 : index
      %get3A_4163 = tpu.vector_load %arg11[%get3A_4160, %get3A_4161, %get3A_4162] {strides = array<i32>} : memref<2x128x64xf32, #tpu.memory_space<vmem>>, vector<1x1x16xf32>,
      %get3A_4164 = vector.shape_cast %get3A_4163 : vector<1x1x16xf32> to vector<16xf32>
      %get3A_4165 = arith.constant 1 : i32
      %get3A_4166 = arith.index_cast %get3A_4165 : i32 to index
      %get3A_4167 = arith.index_cast %add3A_4077 : i32 to index
      %get3A_4168 = arith.constant 48 : index
      %get3A_4169 = tpu.vector_load %arg12[%get3A_4166, %get3A_4167, %get3A_4168] {strides = array<i32>} : memref<2x128x64xf32, #tpu.memory_space<vmem>>, vector<1x1x16xf32>,
      %get3A_4170 = vector.shape_cast %get3A_4169 : vector<1x1x16xf32> to vector<16xf32>
      %get3A_4171 = arith.constant 1 : i32
      %get3A_4172 = arith.index_cast %get3A_4171 : i32 to index
      %get3A_4173 = arith.index_cast %add3A_4077 : i32 to index
      %get3A_4174 = arith.constant 48 : index
      %get3A_4175 = tpu.vector_load %arg13[%get3A_4172, %get3A_4173, %get3A_4174] {strides = array<i32>} : memref<2x128x64xf32, #tpu.memory_space<vmem>>, vector<1x1x16xf32>,
      %get3A_4176 = vector.shape_cast %get3A_4175 : vector<1x1x16xf32> to vector<16xf32>
      %sub3A_4177 = arith.subf %get3A_4176, %get3A_4164 : vector<16xf32>
      %mul3A_4178 = arith.mulf %broadcast_in_dim3A_4073, %sub3A_4177 : vector<16xf32>
      %add3A_4179 = arith.addf %get3A_4164, %mul3A_4178 : vector<16xf32>
      %sub3A_4180 = arith.subf %add3A_4179, %get3A_4170 : vector<16xf32>
      %abs3A_4181 = math.absf %sub3A_4180 : vector<16xf32>
      %sub3A_4182 = arith.subf %get3A_4164, %get3A_4170 : vector<16xf32>
      %abs3A_4183 = math.absf %sub3A_4182 : vector<16xf32>
      %sub3A_4184 = arith.subf %abs3A_4181, %abs3A_4183 : vector<16xf32>
      %add3A_4185 = arith.addf %add3A_4158, %sub3A_4184 : vector<16xf32>
      %slice3A_4186 = vector.extract_strided_slice %get3A_2460 {offsets = [15], sizes = [1], strides = [1]} : vector<16xf32> to vector<1xf32>
      %squeeze3A_4187 = vector.extract %slice3A_4186[0] : f32 from vector<1xf32>
      %broadcast_in_dim3A_4188 = vector.broadcast %squeeze3A_4187 : f32 to vector<16xf32>
      %mul3A_4189 = arith.constant 16 : i32
      %mul3A_4190 = arith.muli %scan3A_609, %mul3A_4189 : i32
      %add3A_4191 = arith.constant 15 : i32
      %add3A_4192 = arith.addi %mul3A_4190, %add3A_4191 : i32
      %get3A_4193 = arith.constant 1 : i32
      %get3A_4194 = arith.index_cast %get3A_4193 : i32 to index
      %get3A_4195 = arith.index_cast %add3A_4192 : i32 to index
      %get3A_4196 = arith.constant 0 : index
      %get3A_4197 = tpu.vector_load %arg11[%get3A_4194, %get3A_4195, %get3A_4196] {strides = array<i32>} : memref<2x128x64xf32, #tpu.memory_space<vmem>>, vector<1x1x16xf32>,
      %get3A_4198 = vector.shape_cast %get3A_4197 : vector<1x1x16xf32> to vector<16xf32>
      %get3A_4199 = arith.constant 1 : i32
      %get3A_4200 = arith.index_cast %get3A_4199 : i32 to index
      %get3A_4201 = arith.index_cast %add3A_4192 : i32 to index
      %get3A_4202 = arith.constant 0 : index
      %get3A_4203 = tpu.vector_load %arg12[%get3A_4200, %get3A_4201, %get3A_4202] {strides = array<i32>} : memref<2x128x64xf32, #tpu.memory_space<vmem>>, vector<1x1x16xf32>,
      %get3A_4204 = vector.shape_cast %get3A_4203 : vector<1x1x16xf32> to vector<16xf32>
      %get3A_4205 = arith.constant 1 : i32
      %get3A_4206 = arith.index_cast %get3A_4205 : i32 to index
      %get3A_4207 = arith.index_cast %add3A_4192 : i32 to index
      %get3A_4208 = arith.constant 0 : index
      %get3A_4209 = tpu.vector_load %arg13[%get3A_4206, %get3A_4207, %get3A_4208] {strides = array<i32>} : memref<2x128x64xf32, #tpu.memory_space<vmem>>, vector<1x1x16xf32>,
      %get3A_4210 = vector.shape_cast %get3A_4209 : vector<1x1x16xf32> to vector<16xf32>
      %sub3A_4211 = arith.subf %get3A_4210, %get3A_4198 : vector<16xf32>
      %mul3A_4212 = arith.mulf %broadcast_in_dim3A_4188, %sub3A_4211 : vector<16xf32>
      %add3A_4213 = arith.addf %get3A_4198, %mul3A_4212 : vector<16xf32>
      %sub3A_4214 = arith.subf %add3A_4213, %get3A_4204 : vector<16xf32>
      %abs3A_4215 = math.absf %sub3A_4214 : vector<16xf32>
      %sub3A_4216 = arith.subf %get3A_4198, %get3A_4204 : vector<16xf32>
      %abs3A_4217 = math.absf %sub3A_4216 : vector<16xf32>
      %sub3A_4218 = arith.subf %abs3A_4215, %abs3A_4217 : vector<16xf32>
      %add3A_4219 = arith.addf %add3A_4185, %sub3A_4218 : vector<16xf32>
      %get3A_4220 = arith.constant 1 : i32
      %get3A_4221 = arith.index_cast %get3A_4220 : i32 to index
      %get3A_4222 = arith.index_cast %add3A_4192 : i32 to index
      %get3A_4223 = arith.constant 16 : index
      %get3A_4224 = tpu.vector_load %arg11[%get3A_4221, %get3A_4222, %get3A_4223] {strides = array<i32>} : memref<2x128x64xf32, #tpu.memory_space<vmem>>, vector<1x1x16xf32>,
      %get3A_4225 = vector.shape_cast %get3A_4224 : vector<1x1x16xf32> to vector<16xf32>
      %get3A_4226 = arith.constant 1 : i32
      %get3A_4227 = arith.index_cast %get3A_4226 : i32 to index
      %get3A_4228 = arith.index_cast %add3A_4192 : i32 to index
      %get3A_4229 = arith.constant 16 : index
      %get3A_4230 = tpu.vector_load %arg12[%get3A_4227, %get3A_4228, %get3A_4229] {strides = array<i32>} : memref<2x128x64xf32, #tpu.memory_space<vmem>>, vector<1x1x16xf32>,
      %get3A_4231 = vector.shape_cast %get3A_4230 : vector<1x1x16xf32> to vector<16xf32>
      %get3A_4232 = arith.constant 1 : i32
      %get3A_4233 = arith.index_cast %get3A_4232 : i32 to index
      %get3A_4234 = arith.index_cast %add3A_4192 : i32 to index
      %get3A_4235 = arith.constant 16 : index
      %get3A_4236 = tpu.vector_load %arg13[%get3A_4233, %get3A_4234, %get3A_4235] {strides = array<i32>} : memref<2x128x64xf32, #tpu.memory_space<vmem>>, vector<1x1x16xf32>,
      %get3A_4237 = vector.shape_cast %get3A_4236 : vector<1x1x16xf32> to vector<16xf32>
      %sub3A_4238 = arith.subf %get3A_4237, %get3A_4225 : vector<16xf32>
      %mul3A_4239 = arith.mulf %broadcast_in_dim3A_4188, %sub3A_4238 : vector<16xf32>
      %add3A_4240 = arith.addf %get3A_4225, %mul3A_4239 : vector<16xf32>
      %sub3A_4241 = arith.subf %add3A_4240, %get3A_4231 : vector<16xf32>
      %abs3A_4242 = math.absf %sub3A_4241 : vector<16xf32>
      %sub3A_4243 = arith.subf %get3A_4225, %get3A_4231 : vector<16xf32>
      %abs3A_4244 = math.absf %sub3A_4243 : vector<16xf32>
      %sub3A_4245 = arith.subf %abs3A_4242, %abs3A_4244 : vector<16xf32>
      %add3A_4246 = arith.addf %add3A_4219, %sub3A_4245 : vector<16xf32>
      %get3A_4247 = arith.constant 1 : i32
      %get3A_4248 = arith.index_cast %get3A_4247 : i32 to index
      %get3A_4249 = arith.index_cast %add3A_4192 : i32 to index
      %get3A_4250 = arith.constant 32 : index
      %get3A_4251 = tpu.vector_load %arg11[%get3A_4248, %get3A_4249, %get3A_4250] {strides = array<i32>} : memref<2x128x64xf32, #tpu.memory_space<vmem>>, vector<1x1x16xf32>,
      %get3A_4252 = vector.shape_cast %get3A_4251 : vector<1x1x16xf32> to vector<16xf32>
      %get3A_4253 = arith.constant 1 : i32
      %get3A_4254 = arith.index_cast %get3A_4253 : i32 to index
      %get3A_4255 = arith.index_cast %add3A_4192 : i32 to index
      %get3A_4256 = arith.constant 32 : index
      %get3A_4257 = tpu.vector_load %arg12[%get3A_4254, %get3A_4255, %get3A_4256] {strides = array<i32>} : memref<2x128x64xf32, #tpu.memory_space<vmem>>, vector<1x1x16xf32>,
      %get3A_4258 = vector.shape_cast %get3A_4257 : vector<1x1x16xf32> to vector<16xf32>
      %get3A_4259 = arith.constant 1 : i32
      %get3A_4260 = arith.index_cast %get3A_4259 : i32 to index
      %get3A_4261 = arith.index_cast %add3A_4192 : i32 to index
      %get3A_4262 = arith.constant 32 : index
      %get3A_4263 = tpu.vector_load %arg13[%get3A_4260, %get3A_4261, %get3A_4262] {strides = array<i32>} : memref<2x128x64xf32, #tpu.memory_space<vmem>>, vector<1x1x16xf32>,
      %get3A_4264 = vector.shape_cast %get3A_4263 : vector<1x1x16xf32> to vector<16xf32>
      %sub3A_4265 = arith.subf %get3A_4264, %get3A_4252 : vector<16xf32>
      %mul3A_4266 = arith.mulf %broadcast_in_dim3A_4188, %sub3A_4265 : vector<16xf32>
      %add3A_4267 = arith.addf %get3A_4252, %mul3A_4266 : vector<16xf32>
      %sub3A_4268 = arith.subf %add3A_4267, %get3A_4258 : vector<16xf32>
      %abs3A_4269 = math.absf %sub3A_4268 : vector<16xf32>
      %sub3A_4270 = arith.subf %get3A_4252, %get3A_4258 : vector<16xf32>
      %abs3A_4271 = math.absf %sub3A_4270 : vector<16xf32>
      %sub3A_4272 = arith.subf %abs3A_4269, %abs3A_4271 : vector<16xf32>
      %add3A_4273 = arith.addf %add3A_4246, %sub3A_4272 : vector<16xf32>
      %get3A_4274 = arith.constant 1 : i32
      %get3A_4275 = arith.index_cast %get3A_4274 : i32 to index
      %get3A_4276 = arith.index_cast %add3A_4192 : i32 to index
      %get3A_4277 = arith.constant 48 : index
      %get3A_4278 = tpu.vector_load %arg11[%get3A_4275, %get3A_4276, %get3A_4277] {strides = array<i32>} : memref<2x128x64xf32, #tpu.memory_space<vmem>>, vector<1x1x16xf32>,
      %get3A_4279 = vector.shape_cast %get3A_4278 : vector<1x1x16xf32> to vector<16xf32>
      %get3A_4280 = arith.constant 1 : i32
      %get3A_4281 = arith.index_cast %get3A_4280 : i32 to index
      %get3A_4282 = arith.index_cast %add3A_4192 : i32 to index
      %get3A_4283 = arith.constant 48 : index
      %get3A_4284 = tpu.vector_load %arg12[%get3A_4281, %get3A_4282, %get3A_4283] {strides = array<i32>} : memref<2x128x64xf32, #tpu.memory_space<vmem>>, vector<1x1x16xf32>,
      %get3A_4285 = vector.shape_cast %get3A_4284 : vector<1x1x16xf32> to vector<16xf32>
      %get3A_4286 = arith.constant 1 : i32
      %get3A_4287 = arith.index_cast %get3A_4286 : i32 to index
      %get3A_4288 = arith.index_cast %add3A_4192 : i32 to index
      %get3A_4289 = arith.constant 48 : index
      %get3A_4290 = tpu.vector_load %arg13[%get3A_4287, %get3A_4288, %get3A_4289] {strides = array<i32>} : memref<2x128x64xf32, #tpu.memory_space<vmem>>, vector<1x1x16xf32>,
      %get3A_4291 = vector.shape_cast %get3A_4290 : vector<1x1x16xf32> to vector<16xf32>
      %sub3A_4292 = arith.subf %get3A_4291, %get3A_4279 : vector<16xf32>
      %mul3A_4293 = arith.mulf %broadcast_in_dim3A_4188, %sub3A_4292 : vector<16xf32>
      %add3A_4294 = arith.addf %get3A_4279, %mul3A_4293 : vector<16xf32>
      %sub3A_4295 = arith.subf %add3A_4294, %get3A_4285 : vector<16xf32>
      %abs3A_4296 = math.absf %sub3A_4295 : vector<16xf32>
      %sub3A_4297 = arith.subf %get3A_4279, %get3A_4285 : vector<16xf32>
      %abs3A_4298 = math.absf %sub3A_4297 : vector<16xf32>
      %sub3A_4299 = arith.subf %abs3A_4296, %abs3A_4298 : vector<16xf32>
      %add3A_4300 = arith.addf %add3A_4273, %sub3A_4299 : vector<16xf32>
      scf.yield %add3A_4300 : vector<16xf32>
    }
    %scan3A_604 = arith.constant 8 : i32
    %swap3A_605 = arith.constant 0 : index
    %swap3A_606 = tpu.vector_load %arg14[%swap3A_605] {strides = array<i32>} : memref<16xf32, #tpu.memory_space<vmem>>, vector<16xf32>,
    %swap3A_607 = vector.shape_cast %swap3A_606 : vector<16xf32> to vector<16xf32>
    %swap3A_608 = vector.shape_cast %scan3A_603 : vector<16xf32> to vector<16xf32>
    tpu.vector_store %arg14[%swap3A_605], %swap3A_608 {strides = array<i32>} : memref<16xf32, #tpu.memory_space<vmem>>, vector<16xf32>,
    "tpu.region"() ({
      %run_scoped3A_609 = tpu.sem_alloc : memref<!tpu.dma_semaphore, #tpu.memory_space<semaphore_mem>>
      %dma_start3A_610 = arith.constant 0 : i32
      %dma_start3A_611 = tpu.memref_slice %arg6[%arg1, %dma_start3A_610] : memref<16x16xf32, #tpu.memory_space<hbm>> -> memref<1x16xf32, #tpu.memory_space<hbm>>
      %dma_start3A_612 = tpu.memref_squeeze %dma_start3A_611 : memref<1x16xf32, #tpu.memory_space<hbm>> -> memref<16xf32, #tpu.memory_space<hbm>>
      %dma_start3A_613 = arith.constant 0 : i32
      %dma_start3A_614 = tpu.memref_slice %arg6[%arg1, %dma_start3A_613] : memref<16x16xf32, #tpu.memory_space<hbm>> -> memref<1x16xf32, #tpu.memory_space<hbm>>
      %dma_start3A_615 = tpu.memref_squeeze %dma_start3A_614 : memref<1x16xf32, #tpu.memory_space<hbm>> -> memref<16xf32, #tpu.memory_space<hbm>>
      tpu.enqueue_dma source(%arg14 : memref<16xf32, #tpu.memory_space<vmem>>) target(%dma_start3A_615 : memref<16xf32, #tpu.memory_space<hbm>>) target_semaphore(%run_scoped3A_609 : memref<!tpu.dma_semaphore, #tpu.memory_space<semaphore_mem>>)
      %dma_wait3A_616 = arith.constant 0 : i32
      %dma_wait3A_617 = tpu.memref_slice %arg6[%arg1, %dma_wait3A_616] : memref<16x16xf32, #tpu.memory_space<hbm>> -> memref<1x16xf32, #tpu.memory_space<hbm>>
      %dma_wait3A_618 = tpu.memref_squeeze %dma_wait3A_617 : memref<1x16xf32, #tpu.memory_space<hbm>> -> memref<16xf32, #tpu.memory_space<hbm>>
      %dma_wait3A_619 = arith.constant 0 : i32
      %dma_wait3A_620 = tpu.memref_slice %arg6[%arg1, %dma_wait3A_619] : memref<16x16xf32, #tpu.memory_space<hbm>> -> memref<1x16xf32, #tpu.memory_space<hbm>>
      %dma_wait3A_621 = tpu.memref_squeeze %dma_wait3A_620 : memref<1x16xf32, #tpu.memory_space<hbm>> -> memref<16xf32, #tpu.memory_space<hbm>>
      tpu.wait_dma2 semaphore(%run_scoped3A_609 : memref<!tpu.dma_semaphore, #tpu.memory_space<semaphore_mem>>) src(%arg14 : memref<16xf32, #tpu.memory_space<vmem>>) dst(%dma_wait3A_621 : memref<16xf32, #tpu.memory_space<hbm>>)
      tpu.yield
    }) : () -> ()
    return
  }
}

module attributes {stable_mosaic.version = 14 : i64} {
  func.func @_base_body(%arg0: i32, %arg1: memref<4000x64xf32, #tpu.memory_space<vmem>>, %arg2: memref<4000x64xf32, #tpu.memory_space<vmem>>, %arg3: memref<1x1xf32, #tpu.memory_space<smem>>) attributes {dimension_semantics = [#tpu.dimension_semantics<arbitrary>], iteration_bounds = array<i64: 25>, scalar_prefetch = 0 : i64, scratch_operands = 0 : i64, tpu.core_type = #tpu.core_type<tc>, window_params = [{transform_indices = @transform_0, window_bounds = array<i64: 4000, 64>}, {transform_indices = @transform_1, window_bounds = array<i64: 4000, 64>}, {transform_indices = @transform_2, window_bounds = array<i64: 1, 1>}]} {
    %eq3A = arith.constant 0 : i32
    %eq3A_0 = arith.cmpi eq, %arg0, %eq3A : i32
    %convert_element_type3A = arith.extui %eq3A_0 : i1 to i32
    %cond3A = arith.constant 0 : i32
    %cond3A_1 = arith.cmpi ne, %convert_element_type3A, %cond3A : i32
    scf.if %cond3A_1 {
      %swap3A_16 = arith.constant 0.000000e+00 : f32
      %swap3A_17 = arith.constant 0 : index
      %swap3A_18 = arith.constant 0 : index
      %swap3A_19 = memref.load %arg3[%swap3A_17, %swap3A_18] : memref<1x1xf32, #tpu.memory_space<smem>>
      memref.store %swap3A_16, %arg3[%swap3A_17, %swap3A_18] : memref<1x1xf32, #tpu.memory_space<smem>>
    } else {
    }
    %get3A = arith.constant 0 : index
    %get3A_2 = arith.constant 0 : index
    %get3A_3 = memref.load %arg3[%get3A, %get3A_2] : memref<1x1xf32, #tpu.memory_space<smem>>
    %get3A_4 = arith.constant 0 : index
    %get3A_5 = arith.constant 0 : index
    %get3A_6 = vector.load %arg1[%get3A_4, %get3A_5] : memref<4000x64xf32, #tpu.memory_space<vmem>>, vector<4000x64xf32>
    %get3A_7 = arith.constant 0 : index
    %get3A_8 = arith.constant 0 : index
    %get3A_9 = vector.load %arg2[%get3A_7, %get3A_8] : memref<4000x64xf32, #tpu.memory_space<vmem>>, vector<4000x64xf32>
    %sub3A = arith.subf %get3A_6, %get3A_9 : vector<4000x64xf32>
    %abs3A = math.absf %sub3A : vector<4000x64xf32>
    %reduce_sum3A = vector.shape_cast %abs3A : vector<4000x64xf32> to vector<1x4000x64xf32>
    %reduce_sum3A_10 = arith.constant dense<0.000000e+00> : vector<1xf32>
    %reduce_sum3A_11 = vector.multi_reduction <add>, %reduce_sum3A, %reduce_sum3A_10 [1, 2] : vector<1x4000x64xf32> to vector<1xf32>
    %reduce_sum3A_12 = vector.shape_cast %reduce_sum3A_11 : vector<1xf32> to vector<1x1x1xf32>
    %reduce_sum3A_13 = vector.extract %reduce_sum3A_12[0, 0, 0] : f32 from vector<1x1x1xf32>
    %add3A = arith.addf %get3A_3, %reduce_sum3A_13 : f32
    %swap3A = arith.constant 0 : index
    %swap3A_14 = arith.constant 0 : index
    %swap3A_15 = memref.load %arg3[%swap3A, %swap3A_14] : memref<1x1xf32, #tpu.memory_space<smem>>
    memref.store %add3A, %arg3[%swap3A, %swap3A_14] : memref<1x1xf32, #tpu.memory_space<smem>>
    return
  }
  func.func @transform_0(%arg0: i32) -> (i32, i32) {
    %c0_i32 = arith.constant 0 : i32
    %c0_i32_0 = arith.constant 0 : i32
    return %arg0, %c0_i32 : i32, i32
  }
  func.func @transform_1(%arg0: i32) -> (i32, i32) {
    %c0_i32 = arith.constant 0 : i32
    %c0_i32_0 = arith.constant 0 : i32
    return %arg0, %c0_i32 : i32, i32
  }
  func.func @transform_2(%arg0: i32) -> (i32, i32) {
    %c0_i32 = arith.constant 0 : i32
    %c0_i32_0 = arith.constant 0 : i32
    %c0_i32_1 = arith.constant 0 : i32
    return %c0_i32, %c0_i32_0 : i32, i32
  }
}

</mosaic_0001>

<sc_bundles>
// kernel: kernel.4.cloned.1.call-start
scs
__scs_entry_jumppad:
0x0: {  	(pc) =	sbr.rel $0x88, $3  }
0x1: {  	(tag) =	ssettag $0x0;
	lr =	simm.s32 $0x1  }
0x2: {  	[smem:$0x3F9D] =	sst lr;
	_ =	strace $0xD0000000  }
0x3: {  	_ = 	snop  }
0x4: {  	_ = 	snop  }
0x5: {  	_ = 	snop  }
0x6: {  	_ = 	snop  }
0x7: {  	_ = 	snop  }
__scs_overlays_trampoline_lowered:
0x8: {  	[smem:$0x3FAC] =	sst s0  }
0x9: {  	[smem:$0x3FAD] =	sst s1  }
0xa: {  	[smem:$0x3FAE] =	sst s2  }
0xb: {  	[smem:$0x3FAF] =	sst s3  }
0xc: {  	[smem:$0x3FB0] =	sst s4  }
0xd: {  	[smem:$0x3FB1] =	sst s5  }
0xe: {  	[smem:$0x3FB2] =	sst s6  }
0xf: {  	[smem:$0x3FB3] =	sst s7  }
0x10: {  	[smem:$0x3FB4] =	sst s8  }
0x11: {  	[smem:$0x3FB5] =	sst s9;
	s0 =	simm.s32 @!p0 $0x0  }
0x12: {  	s1 =	sld [smem:$0x3F9B];
	s0 =	simm.s32 @p0 $0x1  }
0x13: {  	[smem:$0x3FB6] =	sst s0;
	s0 =	simm.s32 @!p1 $0x0  }
0x14: {  	s2 =	sld [smem:$0x3F9A];
	s0 =	simm.s32 @p1 $0x1  }
0x15: {  	[smem:$0x3FB7] =	sst s0;
	s0 =	simm.s32 @!p2 $0x0  }
0x16: {  	s3 =	sld [smem:$0x3FDB];
	s0 =	simm.s32 @p2 $0x1  }
0x17: {  	s4 =	simm.s32 $0x1BF5;
	[smem:$0x3FB9] =	sst s0  }
0x18: {  	s0 =	sld [smem:$0x3F9C];
	_ =	swait.ge [sflag:s4], $0x0  }
0x19: {  	s7 =	sld [smem:$0x3F9D]  }
0x1a: {  	s8 =	sadd.s32 $0xFFFFE003, lr  }
0x1b: {  	s9 =	sadd.s32 $0xFFFFFEF7, lr;
	s5 =	simm.s32 $0xFFFFFFFF;
	p2 =	slt.u32 s8, $0xFFFFF086  }
0x1c: {  	p1 =	slt.u32 s9, $0xF7A;
	s5 =	simm.s32 @!p2 $0x0  }
0x1d: {  	s5 =	simm.s32 @p1 $0x1;
	p0 =	seq.s32 s7, s2  }
0x1e: {  	s7 =	smul.u32 @!p0 $0xF7A, s2;
	p2 =	seq.s32 @!p0 s5, $0x0  }
0x1f: {  	s9 =	smul.u32 $0xF7A, s1;
	s8 =	simm.s32 @!p0 $0x1BF5;
	p2 =	por !p2, p0  }
0x20: {  	[sflag:s8] =	ssyncset.s32 @!p0 $0xFFFFF086;
	s6 =	sadd.s32 @!p0 s3, s7;
	s7 =	simm.s32 @!p0 $0x108  }
0x21: {  	s3 =	sadd.s32 s3, s9;
	s6 =	sadd.s32 @!p0 $0x88, s6;
	s7 =	simm.s32 @p2 $0x1082  }
0x22: {  	[simem:s7], [sflag:s8] =	dma.local @!p0 [hbm:s6], $0xF7A  }
0x23: {  	s9 =	sor.u32 $0xD0000000, s2;
	s6 =	simm.s32 $0x108;
	_ =	swait.ge @!p0 [sflag:s8], $0x0  }
0x24: {  	s3 =	sadd.s32 $0x88, s3;
	s6 =	simm.s32 @!p1 $0x1082;
	[sflag:s4] =	ssyncset.s32 $0xFFFFF086  }
0x25: {  	[simem:s6], [sflag:s4] =	dma.local [hbm:s3], $0xF7A  }
0x26: {  	[smem:$0x3F9D] =	sst s1;
	(tag) =	ssettag s2;
	_ =	strace s9  }
0x27: {  	s1 =	sld [smem:$0x3FAD]  }
0x28: {  	s2 =	sld [smem:$0x3FAE]  }
0x29: {  	s4 =	sld [smem:$0x3FB0]  }
0x2a: {  	p0 =	seq.s32 s5, $0x0;
	s5 =	sld [smem:$0x3FB1]  }
0x2b: {  	s6 =	sld [smem:$0x3FB2]  }
0x2c: {  	s7 =	sld [smem:$0x3FB3]  }
0x2d: {  	s3 =	simm.s32 $0x108;
	s8 =	sld [smem:$0x3FB4]  }
0x2e: {  	s3 =	simm.s32 @!p0 $0x1082;
	s9 =	sld [smem:$0x3FB5]  }
0x2f: {  	lr =	sadd.s32 s0, s3;
	s0 =	sld [smem:$0x3FAC]  }
0x30: {  	s3 =	sld [smem:$0x3FAF]  }
0x31: {  	[smem:$0x3FB8] =	sst s10  }
0x32: {  	s10 =	sld [smem:$0x3FB6];
	_ =	sdelay $0x3  }
0x33: {  	p0 =	seq.s32 s10, $0x1;
	s10 =	sld [smem:$0x3FB8];
	_ =	sdelay $0x3  }
0x34: {  	[smem:$0x3FB8] =	sst s10  }
0x35: {  	s10 =	sld [smem:$0x3FB7];
	_ =	sdelay $0x3  }
0x36: {  	p1 =	seq.s32 s10, $0x1;
	s10 =	sld [smem:$0x3FB8];
	_ =	sdelay $0x3  }
0x37: {  	[smem:$0x3FB8] =	sst s10  }
0x38: {  	s10 =	sld [smem:$0x3FB9]  }
0x39: {  	_ = 	snop;
	(pc) =	sbr.ind lr, $3  }
0x3a: {  	_ = 	snop  }
0x3b: {  	_ = 	snop  }
0x3c: {  	p2 =	seq.s32 s10, $0x1;
	s10 =	sld [smem:$0x3FB8]  }
0x3d: {  	_ =	shalt  }
0x3e: {  	_ =	shalt  }
0x3f: {  	_ =	shalt  }
0x40: {  	_ =	shalt  }
0x41: {  	_ =	shalt  }
0x42: {  	_ =	shalt  }
0x43: {  	_ =	shalt  }
0x44: {  	_ =	shalt  }
0x45: {  	_ =	shalt  }
0x46: {  	_ =	shalt  }
0x47: {  	_ =	shalt  }
0x48: {  	_ =	shalt  }
0x49: {  	_ =	shalt  }
0x4a: {  	_ =	shalt  }
0x4b: {  	_ =	shalt  }
0x4c: {  	_ =	shalt  }
0x4d: {  	_ =	shalt  }
0x4e: {  	_ =	shalt  }
0x4f: {  	_ =	shalt  }
0x50: {  	_ =	shalt  }
0x51: {  	_ =	shalt  }
0x52: {  	_ =	shalt  }
0x53: {  	_ =	shalt  }
0x54: {  	_ =	shalt  }
0x55: {  	_ =	shalt  }
0x56: {  	_ =	shalt  }
0x57: {  	_ =	shalt  }
0x58: {  	_ =	shalt  }
0x59: {  	_ =	shalt  }
0x5a: {  	_ =	shalt  }
0x5b: {  	_ =	shalt  }
0x5c: {  	_ =	shalt  }
0x5d: {  	_ =	shalt  }
0x5e: {  	_ =	shalt  }
0x5f: {  	_ =	shalt  }
0x60: {  	_ =	shalt  }
0x61: {  	_ =	shalt  }
0x62: {  	_ =	shalt  }
0x63: {  	_ =	shalt  }
0x64: {  	_ =	shalt  }
0x65: {  	_ =	shalt  }
0x66: {  	_ =	shalt  }
0x67: {  	_ =	shalt  }
0x68: {  	_ =	shalt  }
0x69: {  	_ =	shalt  }
0x6a: {  	_ =	shalt  }
0x6b: {  	_ =	shalt  }
0x6c: {  	_ =	shalt  }
0x6d: {  	_ =	shalt  }
0x6e: {  	_ =	shalt  }
0x6f: {  	_ =	shalt  }
0x70: {  	_ =	shalt  }
0x71: {  	_ =	shalt  }
0x72: {  	_ =	shalt  }
0x73: {  	_ =	shalt  }
0x74: {  	_ =	shalt  }
0x75: {  	_ =	shalt  }
0x76: {  	_ =	shalt  }
0x77: {  	_ =	shalt  }
0x78: {  	_ =	shalt  }
0x79: {  	_ =	shalt  }
0x7a: {  	_ =	shalt  }
0x7b: {  	_ =	shalt  }
0x7c: {  	_ =	shalt  }
0x7d: {  	_ =	shalt  }
0x7e: {  	_ =	shalt  }
0x7f: {  	_ =	shalt  }
0x80: {  	_ =	shalt  }
0x81: {  	_ =	shalt  }
0x82: {  	_ =	shalt  }
0x83: {  	_ =	shalt  }
0x84: {  	_ =	shalt  }
0x85: {  	_ =	shalt  }
0x86: {  	_ =	shalt  }
0x87: {  	_ =	shalt  }
.Lfunc_end0:
.L_simem_size_0:
called_computation_lowered:
.L_overlay_start_0:
0x88: {  	s0 =	sld [smem:$0x3FD9]  }
0x89: {  	s1 =	sld [smem:$0x3FFE];
	_ =	sdelay $0x3  }
0x8a: {  	s0 =	sadd.s32 s1, s0  }
0x8b: {  	[smem:$0x3FC4] =	sst s0  }
0x8c: {  	_ = 	snop  }
0x8d: {  	s0 =	sld [smem:$0x3FC8];
	(tm) =	ssettm $0x1  }
0x8e: {  	s16 =	sld [smem:$0x3FFB];
	_ =	sdelay $0x3  }
0x8f: {  	_ =	strace s16  }
0x90: {  	s1 =	sld [smem:$0x3FFC];
	_ =	sdelay $0x3  }
0x91: {  	_ =	strace s1  }
0x92: {  	s1 =	sld [smem:$0x3FFD];
	_ =	sdelay $0x3  }
0x93: {  	_ =	strace s1  }
0x94: {  	_ =	strace $0x8FFFFFFF  }
0x95: {  	s17 =	sld [smem:$0x3FDB];
	_ =	sdelay $0x1  }
0x96: {  	s2 =	simm.s32 $_scs_section_size  }
0x97: {  	s3 =	simm.s32 $_size__tile_overlayer_lowered;
	s4 =	simm.s32 $_tile_overlayer_lowered  }
0x98: {  	s20 =	simm.s32 $0x1BFF;
	s19 =	sshll.u32 s4, $0x1;
	s1 =	sadd.s32 s2, s17  }
0x99: {  	s5 =	simm.s32 $0x0;
	s18 =	sshll.u32 s3, $0x1;
	s3 =	sadd.s32 s19, s1  }
0x9a: {  	[timem:s5], [sflag:s20] =	dma.local [hbm:s3], s18  }
0x9b: {  	_ =	swait.ge [sflag:s20], s18  }
0x9c: {  	s2 =	ssub.s32 $0x0, s18;
	[sflag:s20] =	ssyncset.done $0x0  }
0x9d: {  	[sflag:s20] =	ssyncadd.s32 s2;
	_ =	sdelay $0x1  }
0x9e: {  	s21 =	simm.s32 $0x1B8B  }
0x9f: {  	_ =	swait.ge [sflag:s21], $0x1  }
0xa0: {  	[sflag:s21] =	ssyncset.done $0x0  }
0xa1: {  	s23 =	simm.s32 $0x1B8E;
	s22 =	sld [smem:$0x3FFE];
	[sflag:s21] =	ssyncadd.s32 $0xFFFFFFFF  }
0xa2: {  	s24 =	simm.s32 $execute0_lowered;
	[smem:$0x3FD2] =	sst s23  }
0xa3: {  	s3 =	sshll.u32 s24, $0x1;
	_ =	strace $0x80000046;
	[dreg:$0x1] =	wrdreg $0xFFFFFFFF  }
0xa4: {  	s25 =	simm.s32 $_size_execute0_lowered;
	s1 =	sadd.s32 s1, s3;
	[dreg:$0x0] =	wrdreg $0x0  }
0xa5: {  	s3 =	sshll.u32 s25, $0x1;
	[dreg:$0x2] =	wrdreg s1  }
0xa6: {  	[dreg:$0x3] =	wrdreg s3  }
0xa7: {  	[dreg:$0x4] =	wrdreg $0xC0  }
0xa8: {  	_ =	task [dreg:s5], $0x5FFFF  }
0xa9: {  	[dreg:$0x1] =	wrdreg $0xFFFFFFFF  }
0xaa: {  	[dreg:$0x0] =	wrdreg $0x60  }
0xab: {  	[dreg:$0x2] =	wrdreg s22  }
0xac: {  	[dreg:$0x3] =	wrdreg s0  }
0xad: {  	[dreg:$0x4] =	wrdreg $0xC4100  }
0xae: {  	[dreg:$0x5] =	wrdreg $0x9  }
0xaf: {  	_ =	task.clear_ibuf [dreg:s5], $0x6FFFF;
	_ =	strace $0x90000046  }
0xb0: {  	s26 =	simm.s32 $0x9;
	_ =	strace $0x80000048  }
0xb1: {  	_ =	swait.ge [sflag:s26], $0x1  }
0xb2: {  	[sflag:s26] =	ssyncadd.s32 $0xFFFFFFFF  }
0xb3: {  	_ =	strace $0x90000048  }
0xb4: {  	_ =	sfence  }
0xb5: {  	s28 =	sld [smem:$0x0];
	_ =	sdelay $0x1  }
0xb6: {  	s29 =	srdreg.scid  }
0xb7: {  	s30 =	sshll.u32 s29, $0xD;
	s31 =	sshrl.u32 s29, $0x2  }
0xb8: {  	s2 =	sand.u32 $0x4000, s30;
	s1 =	sand.u32 $0x1, s29;
	s0 =	sadd.s32 s31, s28  }
0xb9: {  	s1 =	sor.u32 s2, s1;
	s0 =	sshll.u32 s0, $0x11  }
0xba: {  	s0 =	sor.u32 s0, s1  }
0xbb: {  	s0 =	sadd.s32 $0x8F2B, s0  }
0xbc: {  	[sflag:s0] =	ssyncadd.remote.s32 $0x1  }
0xbd: {  	_ =	sfence.sel $0xFFFF  }
0xbe: {  	[dreg:$0x0] =	wrdreg $0xFFFFFFFF;
	(pc) =	sbr.abs _section_cstart, $3  }
0xbf: {  	[dreg:$0x1] =	wrdreg $0xFFFFFFFF  }
0xc0: {  	_ =	task.clear_ibuf [dreg:s5], $0x2FFFF;
	_ =	strace $0x9FFFFFFF  }
0xc1: {  	(tm) =	ssettm $0x7FFFFFFF  }
tec
execute0_lowered:
.L_overlay_start_1:
0x0: {  	(tag) =	ssettag $0x1  }
0x1: {  	s3 =	rddreg [dreg:$0x0]  }
0x2: {  	s6 =	rddreg [dreg:$0x1]  }
0x3: {  	s4 =	rddreg [dreg:$0x2];
	s2 =	simm.s32 $0x0;
	s1 =	stileid.u32  }
0x4: {  	[smem:$0x7FF] =	sst s2;
	s5 =	sshll.u32 s1, $0x5  }
0x5: {  	s0 =	rddreg [dreg:$0x3];
	_ =	strace $0x80000047;
	s5 =	sadd.s32 s6, s5  }
0x6: {  	[tilespmem:s2], [sflag:$0x2] =	stream.linear.gather [hbm4b:s5+s2], $0x80, $0x38;
	[tilespmem:$0xDC80] =	vst v63  }
0x7: {  	s5 =	simm.s32 $0x2  }
0x8: {  	_ =	swait.ge [sflag:s5], $0x80  }
0x9: {  	s7 =	sadd.s32 $0x1C00, s3;
	s8 =	sshll.u32 s1, $0xB;
	[sflag:s5] =	ssyncset.done $0x0  }
0xa: {  	s9 =	simm.s32 $0x8400;
	s8 =	sadd.s32 s7, s8;
	[sflag:s5] =	ssyncadd.s32 $0xFFFFFF80  }
0xb: {  	[tilespmem:s9], [sflag:$0x2] =	stream.linear.gather [hbm4b:s8+s2], $0x2000, $0x38;
	[tilespmem:$0xDC80] =	vst v63  }
0xc: {  	_ =	swait.ge [sflag:s5], $0x2000  }
0xd: {  	v0 =	vlaneseq.u32;
	s22 =	sshll.u32 s1, $0x8;
	[sflag:s5] =	ssyncset.done $0x0  }
0xe: {  	v1 =	vor.u32 s22, v0;
	s23 =	sor.u32 $0x10, s22;
	[sflag:s5] =	ssyncadd.s32 $0xFFFFE000  }
0xf: {  	s24 =	sor.u32 $0x20, s22;
	v2 =	vor.u32 s23, v0;
	[tilespmem:$0x100] =	vst v1  }
0x10: {  	s25 =	sor.u32 $0x30, s22;
	v1 =	vor.u32 s24, v0;
	[tilespmem:$0x110] =	vst v2  }
0x11: {  	s26 =	sor.u32 $0x40, s22;
	v2 =	vor.u32 s25, v0;
	[tilespmem:$0x120] =	vst v1  }
0x12: {  	s28 =	sor.u32 $0x50, s22;
	v1 =	vor.u32 s26, v0;
	[tilespmem:$0x130] =	vst v2  }
0x13: {  	s29 =	sor.u32 $0x60, s22;
	v2 =	vor.u32 s28, v0;
	[tilespmem:$0x140] =	vst v1  }
0x14: {  	s30 =	sor.u32 $0x70, s22;
	s10 =	sor.u32 $0x80, s22;
	v1 =	vor.u32 s29, v0;
	[tilespmem:$0x150] =	vst v2  }
0x15: {  	s31 =	sshrl.u32 s10, $0x3;
	v2 =	vor.u32 s30, v0;
	[tilespmem:$0x160] =	vst v1  }
0x16: {  	s9 =	sadd.s32 s6, s31;
	s6 =	simm.s32 $0x80;
	[tilespmem:$0x170] =	vst v2  }
0x17: {  	[tilespmem:s6], [sflag:$0x2] =	stream.linear.gather [hbm4b:s9+s2], $0x80, $0x38;
	[tilespmem:$0xDC80] =	vst v63  }
0x18: {  	_ =	swait.ge [sflag:s5], $0x80  }
0x19: {  	s11 =	sshll.u32 s10, $0x3;
	[sflag:s5] =	ssyncset.done $0x0  }
0x1a: {  	s12 =	simm.s32 $0xA400;
	s7 =	sadd.s32 s7, s11;
	[sflag:s5] =	ssyncadd.s32 $0xFFFFFF80  }
0x1b: {  	[tilespmem:s12], [sflag:$0x2] =	stream.linear.gather [hbm4b:s7+s2], $0x2000, $0x38;
	[tilespmem:$0xDC80] =	vst v63  }
0x1c: {  	_ =	swait.ge [sflag:s5], $0x2000  }
0x1d: {  	[sflag:s5] =	ssyncset.done $0x0  }
0x1e: {  	s13 =	sor.u32 $0x90, s22;
	v1 =	vor.u32 s10, v0;
	[sflag:s5] =	ssyncadd.s32 $0xFFFFE000  }
0x1f: {  	s14 =	sor.u32 $0xA0, s22;
	v2 =	vor.u32 s13, v0;
	[tilespmem:$0x180] =	vst v1  }
0x20: {  	s15 =	sor.u32 $0xB0, s22;
	v1 =	vor.u32 s14, v0;
	[tilespmem:$0x190] =	vst v2  }
0x21: {  	s16 =	sor.u32 $0xC0, s22;
	v2 =	vor.u32 s15, v0;
	[tilespmem:$0x1A0] =	vst v1  }
0x22: {  	s17 =	sor.u32 $0xD0, s22;
	v1 =	vor.u32 s16, v0;
	[tilespmem:$0x1B0] =	vst v2  }
0x23: {  	s18 =	sor.u32 $0xE0, s22;
	v2 =	vor.u32 s17, v0;
	[tilespmem:$0x1C0] =	vst v1  }
0x24: {  	s19 =	sor.u32 $0xF0, s22;
	v1 =	vor.u32 s18, v0;
	[tilespmem:$0x1D0] =	vst v2  }
0x25: {  	v0 =	vor.u32 s19, v0;
	[tilespmem:$0x1E0] =	vst v1  }
0x26: {  	s20 =	simm.s32 $0x100;
	[tilespmem:$0x1F0] =	vst v0  }
0x27: {  	[spmem:s4] =	stream.indirect.scatter [tilespmem:s20], [sflag:$0x2], $0x1, s2, s6, $0xb8;
	[tilespmem:$0xDC80] =	vst v63  }
0x28: {  	_ =	swait.ge [sflag:s5], $0x80  }
0x29: {  	[sflag:s5] =	ssyncset.done $0x0  }
0x2a: {  	s21 =	simm.s32 $0x180;
	[sflag:s5] =	ssyncadd.s32 $0xFFFFFF80  }
0x2b: {  	[spmem:s4] =	stream.indirect.scatter [tilespmem:s21], [sflag:$0x2], $0x1, s6, s6, $0xb8;
	[tilespmem:$0xDC80] =	vst v63  }
0x2c: {  	_ =	swait.ge [sflag:s5], $0x80  }
0x2d: {  	[sflag:s5] =	ssyncset.done $0x0  }
0x2e: {  	[sflag:s5] =	ssyncadd.s32 $0xFFFFFF80  }
0x2f: {  	s22 =	simm.s32 $0x200;
	[bflag:$0x0] =	sbarrier.arrive $0xFFFF  }
0x30: {  	[tilespmem:s22], [sflag:$0x2] =	stream.indirect.gather [spmem:s4], $0x1, s2, s6, $0xb8;
	[tilespmem:$0xDC80] =	vst v63  }
0x31: {  	_ =	swait.ge [sflag:s5], $0x80  }
0x32: {  	s23 =	sadd.s32 $0x190600, s3;
	[sflag:s5] =	ssyncset.done $0x0  }
0x33: {  	s24 =	simm.s32 $0x400;
	s25 =	simm.s32 $0x1;
	[sflag:s5] =	ssyncadd.s32 $0xFFFFFF80  }
0x34: {  	[tilespmem:s24], [sflag:$0x1] =	stream.indirect.gather [hbm4b:s23+s6], $0x40, s2, s6, $0xb8;
	[tilespmem:$0xDC80] =	vst v63  }
0x35: {  	_ =	swait.ge [sflag:s25], $0x2000  }
0x36: {  	[sflag:s25] =	ssyncset.done $0x0  }
0x37: {  	s26 =	sadd.s32 $0x3DA600, s3;
	s28 =	simm.s32 $0x4400;
	[sflag:s25] =	ssyncadd.s32 $0xFFFFE000  }
0x38: {  	[tilespmem:s28], [sflag:$0x1] =	stream.indirect.gather [hbm4b:s26+s6], $0x40, s2, s6, $0xb8;
	[tilespmem:$0xDC80] =	vst v63  }
0x39: {  	_ =	swait.ge [sflag:s25], $0x2000  }
0x3a: {  	[sflag:s25] =	ssyncset.done $0x0  }
0x3b: {  	s29 =	simm.s32 $0x280;
	[sflag:s25] =	ssyncadd.s32 $0xFFFFE000  }
0x3c: {  	[tilespmem:s29], [sflag:$0x2] =	stream.indirect.gather [spmem:s4], $0x1, s6, s6, $0xb8;
	[tilespmem:$0xDC80] =	vst v63  }
0x3d: {  	_ =	swait.ge [sflag:s5], $0x80  }
0x3e: {  	[sflag:s5] =	ssyncset.done $0x0  }
0x3f: {  	s30 =	simm.s32 $0x2400;
	[sflag:s5] =	ssyncadd.s32 $0xFFFFFF80  }
0x40: {  	[tilespmem:s30], [sflag:$0x1] =	stream.indirect.gather [hbm4b:s23+s6], $0x40, s6, s6, $0xb8;
	[tilespmem:$0xDC80] =	vst v63  }
0x41: {  	_ =	swait.ge [sflag:s25], $0x2000  }
0x42: {  	[sflag:s25] =	ssyncset.done $0x0  }
0x43: {  	s31 =	simm.s32 $0x6400;
	[sflag:s25] =	ssyncadd.s32 $0xFFFFE000  }
0x44: {  	[tilespmem:s31], [sflag:$0x1] =	stream.indirect.gather [hbm4b:s26+s6], $0x40, s6, s6, $0xb8;
	[tilespmem:$0xDC80] =	vst v63  }
0x45: {  	_ =	swait.ge [sflag:s25], $0x2000  }
0x46: {  	[sflag:s25] =	ssyncset.done $0x0  }
0x47: {  	[sflag:s25] =	ssyncadd.s32 $0xFFFFE000  }
0x48: {  	v0 =	vld [tilespmem:$0x200]  }
0x49: {  	v1 =	vld [tilespmem:$0x100]  }
0x4a: {  	v2 =	vld [tilespmem:$0x210]  }
0x4b: {  	v3 =	vld [tilespmem:$0x110]  }
0x4c: {  	v4 =	vld [tilespmem:$0x220]  }
0x4d: {  	v5 =	vld [tilespmem:$0x120]  }
0x4e: {  	v6 =	vld [tilespmem:$0x230]  }
0x4f: {  	v7 =	vld [tilespmem:$0x130]  }
0x50: {  	v8 =	vld [tilespmem:$0x240]  }
0x51: {  	v9 =	vld [tilespmem:$0x140]  }
0x52: {  	v10 =	vld [tilespmem:$0x250]  }
0x53: {  	v11 =	vld [tilespmem:$0x150]  }
0x54: {  	v12 =	vld [tilespmem:$0x260]  }
0x55: {  	v13 =	vld [tilespmem:$0x160]  }
0x56: {  	v14 =	vld [tilespmem:$0x270]  }
0x57: {  	v15 =	vld [tilespmem:$0x170]  }
0x58: {  	v16 =	vld [tilespmem:$0x280]  }
0x59: {  	v17 =	vld [tilespmem:$0x180]  }
0x5a: {  	v18 =	vld [tilespmem:$0x290]  }
0x5b: {  	v19 =	vld [tilespmem:$0x190]  }
0x5c: {  	v20 =	vld [tilespmem:$0x2A0]  }
0x5d: {  	v50 =	vld [tilespmem:$0x1B0];
	vm0 =	veq.s32 v0, v1;
	v1 =	vimm.f32 $0.0e+00  }
0x5e: {  	v51 =	vld [tilespmem:$0x2C0];
	vm13 =	veq.s32 v2, v3;
	v21 =	vsel vm0, $0x3D4CCCCD, v1  }
0x5f: {  	v53 =	vld [tilespmem:$0x2D0];
	vm15 =	veq.s32 v6, v7;
	v3 =	vsel vm13, $0x3D4CCCCD, v1;
	[tilespmem:$0x300] =	vst v21  }
0x60: {  	v55 =	vld [tilespmem:$0x1D0];
	vm4 =	veq.s32 v8, v9;
	v6 =	vsel vm15, $0x3D4CCCCD, v1;
	[tilespmem:$0x310] =	vst v3  }
0x61: {  	v57 =	vld [tilespmem:$0x2E0];
	vm5 =	veq.s32 v10, v11;
	v52 =	vsel vm4, $0x3D4CCCCD, v1;
	[tilespmem:$0x330] =	vst v6  }
0x62: {  	v0 =	vld [tilespmem:$0x1A0];
	vm14 =	veq.s32 v4, v5;
	v54 =	vsel vm5, $0x3D4CCCCD, v1;
	[tilespmem:$0x340] =	vst v52  }
0x63: {  	v2 =	vld [tilespmem:$0x2B0];
	vm6 =	veq.s32 v12, v13;
	v3 =	vsel vm14, $0x3D4CCCCD, v1;
	[tilespmem:$0x350] =	vst v54  }
0x64: {  	vm7 =	veq.s32 v14, v15;
	v56 =	vsel vm6, $0x3D4CCCCD, v1;
	[tilespmem:$0x320] =	vst v3;
	v3 =	vld [tilespmem:$0x1C0]  }
0x65: {  	v59 =	vld [tilespmem:$0x1E0];
	vm8 =	veq.s32 v16, v17;
	v58 =	vsel vm7, $0x3D4CCCCD, v1;
	[tilespmem:$0x360] =	vst v56  }
0x66: {  	v61 =	vld [tilespmem:$0x2F0];
	vm9 =	veq.s32 v18, v19;
	v60 =	vsel vm8, $0x3D4CCCCD, v1;
	[tilespmem:$0x370] =	vst v58  }
0x67: {  	v62 =	vsel vm9, $0x3D4CCCCD, v1;
	[tilespmem:$0x380] =	vst v60;
	vm10 =	veq.s32 v20, v0;
	v0 =	vld [tilespmem:$0x1F0]  }
0x68: {  	[tilespmem:$0x390] =	vst v62;
	vm11 =	veq.s32 v2, v50;
	v63 =	vsel vm10, $0x3D4CCCCD, v1  }
0x69: {  	v2 =	vsel vm11, $0x3D4CCCCD, v1;
	[tilespmem:$0x3A0] =	vst v63;
	vm12 =	veq.s32 v51, v3  }
0x6a: {  	vm13 =	veq.s32 v53, v55;
	[tilespmem:$0x3B0] =	vst v2;
	v2 =	vsel vm12, $0x3D4CCCCD, v1  }
0x6b: {  	vm14 =	veq.s32 v57, v59;
	[tilespmem:$0x3C0] =	vst v2;
	v2 =	vsel vm13, $0x3D4CCCCD, v1  }
0x6c: {  	vm15 =	veq.s32 v61, v0;
	[tilespmem:$0x3D0] =	vst v2;
	v2 =	vsel vm14, $0x3D4CCCCD, v1  }
0x6d: {  	v0 =	vsel vm15, $0x3D4CCCCD, v1;
	[tilespmem:$0x3E0] =	vst v2  }
0x6e: {  	s3 =	sadd.s32 $0x49DC00, s3;
	[tilespmem:$0x3F0] =	vst v0  }
.LBB2_1:
0x6f: {  	s31 =	sshll.u32 s2, $0xA  }
0x70: {  	s4 =	sshll.u32 s2, $0x4;
	v2 =	vld [tilespmem:s31+$0x400]  }
0x71: {  	s5 =	sand.u32 $0x3FFFFFF0, s4;
	v3 =	vld [tilespmem:s31+$0x8400]  }
0x72: {  	v0 =	vld [tilespmem:s5+$0x300];
	_ =	sdelay $0x2  }
0x73: {  	v4 =	vld [tilespmem:s31+$0x410]  }
0x74: {  	v5 =	vld [tilespmem:s31+$0x8410]  }
0x75: {  	v7 =	vld [tilespmem:s31+$0x4400];
	v3 =	vsub.f32 v3, v2;
	v6 =	vbroadcast v0, $0x0  }
0x76: {  	v8 =	vld [tilespmem:s31+$0x420]  }
0x77: {  	v9 =	vld [tilespmem:s31+$0x8420];
	v3 =	vmul.f32 v3, v6  }
0x78: {  	v10 =	vld [tilespmem:s31+$0x4410]  }
0x79: {  	v11 =	vld [tilespmem:s31+$0x430];
	v3 =	vadd.f32 v3, v2  }
0x7a: {  	v37 =	vld [tilespmem:s31+$0x8430];
	v5 =	vsub.f32 v5, v4  }
0x7b: {  	v2 =	vsub.f32 v2, v7;
	v3 =	vsub.f32 v3, v7  }
0x7c: {  	v12 =	vld [tilespmem:s31+$0x4420];
	v9 =	vsub.f32 v9, v8;
	v5 =	vmul.f32 v5, v6  }
0x7d: {  	v13 =	vld [tilespmem:s31+$0x440];
	v2 =	vand.u32 $0x7FFFFFFF, v2;
	v3 =	vand.u32 $0x7FFFFFFF, v3  }
0x7e: {  	v38 =	vld [tilespmem:s31+$0x8440];
	v5 =	vadd.f32 v5, v4;
	v2 =	vsub.f32 v3, v2;
	v3 =	vmul.f32 v9, v6  }
0x7f: {  	v39 =	vld [tilespmem:s31+$0x4430];
	v4 =	vsub.f32 v4, v10;
	v7 =	vsub.f32 v37, v11  }
0x80: {  	v40 =	vld [tilespmem:s31+$0x450];
	v5 =	vsub.f32 v5, v10;
	v3 =	vadd.f32 v3, v8  }
0x81: {  	v41 =	vld [tilespmem:s31+$0x8450];
	v4 =	vand.u32 $0x7FFFFFFF, v4;
	v6 =	vmul.f32 v7, v6;
	v1 =	vadd.f32 v2, v1  }
0x82: {  	v2 =	vand.u32 $0x7FFFFFFF, v5;
	v8 =	vsub.f32 v8, v12;
	v3 =	vsub.f32 v3, v12  }
0x83: {  	v43 =	vld [tilespmem:s31+$0x4440];
	v42 =	vbroadcast v0, $0x1;
	v9 =	vsub.f32 v38, v13;
	v2 =	vsub.f32 v2, v4  }
0x84: {  	v14 =	vld [tilespmem:s31+$0x460];
	v6 =	vadd.f32 v6, v11;
	v8 =	vand.u32 $0x7FFFFFFF, v8;
	v3 =	vand.u32 $0x7FFFFFFF, v3  }
0x85: {  	v44 =	vld [tilespmem:s31+$0x8460];
	v1 =	vadd.f32 v2, v1;
	v2 =	vsub.f32 v3, v8;
	v3 =	vmul.f32 v9, v42  }
0x86: {  	v46 =	vld [tilespmem:s31+$0x4450];
	v45 =	vsub.f32 v11, v39;
	v7 =	vsub.f32 v41, v40  }
0x87: {  	v48 =	vld [tilespmem:s31+$0x470];
	v6 =	vsub.f32 v6, v39;
	v3 =	vadd.f32 v3, v13  }
0x88: {  	v50 =	vld [tilespmem:s31+$0x8470];
	v49 =	vsub.f32 v13, v43;
	v47 =	vand.u32 $0x7FFFFFFF, v45;
	v7 =	vmul.f32 v7, v42  }
0x89: {  	v1 =	vadd.f32 v2, v1;
	v2 =	vand.u32 $0x7FFFFFFF, v6;
	v3 =	vsub.f32 v3, v43  }
0x8a: {  	v51 =	vld [tilespmem:s31+$0x4460];
	v8 =	vsub.f32 v44, v14;
	v2 =	vsub.f32 v2, v47  }
0x8b: {  	v52 =	vld [tilespmem:s31+$0x480];
	v11 =	vand.u32 $0x7FFFFFFF, v49;
	v7 =	vadd.f32 v7, v40;
	v3 =	vand.u32 $0x7FFFFFFF, v3  }
0x8c: {  	v53 =	vld [tilespmem:s31+$0x8480];
	v1 =	vadd.f32 v2, v1;
	v2 =	vsub.f32 v3, v11;
	v3 =	vmul.f32 v8, v42  }
0x8d: {  	v54 =	vld [tilespmem:s31+$0x4470];
	v55 =	vsub.f32 v50, v48;
	v5 =	vsub.f32 v40, v46  }
0x8e: {  	v56 =	vld [tilespmem:s31+$0x490];
	v7 =	vsub.f32 v7, v46;
	v3 =	vadd.f32 v3, v14  }
0x8f: {  	v57 =	vld [tilespmem:s31+$0x8490];
	v4 =	vmul.f32 v55, v42;
	v5 =	vand.u32 $0x7FFFFFFF, v5;
	v6 =	vsub.f32 v14, v51  }
0x90: {  	v1 =	vadd.f32 v2, v1;
	v2 =	vand.u32 $0x7FFFFFFF, v7;
	v3 =	vsub.f32 v3, v51  }
0x91: {  	v59 =	vld [tilespmem:s31+$0x4480];
	v58 =	vbroadcast v0, $0x2;
	v8 =	vsub.f32 v53, v52;
	v2 =	vsub.f32 v2, v5  }
0x92: {  	v60 =	vld [tilespmem:s31+$0x4A0];
	v4 =	vadd.f32 v4, v48;
	v6 =	vand.u32 $0x7FFFFFFF, v6;
	v3 =	vand.u32 $0x7FFFFFFF, v3  }
0x93: {  	v61 =	vld [tilespmem:s31+$0x84A0];
	v1 =	vadd.f32 v2, v1;
	v2 =	vsub.f32 v3, v6;
	v3 =	vmul.f32 v8, v58  }
0x94: {  	v63 =	vld [tilespmem:s31+$0x4490];
	v62 =	vsub.f32 v48, v54;
	v16 =	vsub.f32 v57, v56  }
0x95: {  	v18 =	vld [tilespmem:s31+$0x4B0];
	v4 =	vsub.f32 v4, v54;
	v3 =	vadd.f32 v3, v52  }
0x96: {  	v20 =	vld [tilespmem:s31+$0x84B0];
	v19 =	vsub.f32 v52, v59;
	v17 =	vand.u32 $0x7FFFFFFF, v62;
	v10 =	vmul.f32 v16, v58  }
0x97: {  	v1 =	vadd.f32 v2, v1;
	v2 =	vand.u32 $0x7FFFFFFF, v4;
	v3 =	vsub.f32 v3, v59  }
0x98: {  	v21 =	vld [tilespmem:s31+$0x44A0];
	v6 =	vsub.f32 v61, v60;
	v2 =	vsub.f32 v2, v17  }
0x99: {  	v22 =	vld [tilespmem:s31+$0x4C0];
	v10 =	vadd.f32 v10, v56;
	v11 =	vand.u32 $0x7FFFFFFF, v19;
	v3 =	vand.u32 $0x7FFFFFFF, v3  }
0x9a: {  	v23 =	vld [tilespmem:s31+$0x84C0];
	v1 =	vadd.f32 v2, v1;
	v2 =	vsub.f32 v3, v11;
	v3 =	vmul.f32 v6, v58  }
0x9b: {  	v24 =	vld [tilespmem:s31+$0x44B0];
	v25 =	vsub.f32 v20, v18;
	v7 =	vsub.f32 v56, v63  }
0x9c: {  	v26 =	vld [tilespmem:s31+$0x4D0];
	v10 =	vsub.f32 v10, v63;
	v3 =	vadd.f32 v3, v60  }
0x9d: {  	v27 =	vld [tilespmem:s31+$0x84D0];
	v5 =	vmul.f32 v25, v58;
	v7 =	vand.u32 $0x7FFFFFFF, v7;
	v4 =	vsub.f32 v60, v21  }
0x9e: {  	v1 =	vadd.f32 v2, v1;
	v2 =	vand.u32 $0x7FFFFFFF, v10;
	v3 =	vsub.f32 v3, v21  }
0x9f: {  	v29 =	vld [tilespmem:s31+$0x44C0];
	v28 =	vbroadcast v0, $0x3;
	v6 =	vsub.f32 v23, v22;
	v2 =	vsub.f32 v2, v7  }
0xa0: {  	v30 =	vld [tilespmem:s31+$0x4E0];
	v5 =	vadd.f32 v5, v18;
	v4 =	vand.u32 $0x7FFFFFFF, v4;
	v3 =	vand.u32 $0x7FFFFFFF, v3  }
0xa1: {  	v31 =	vld [tilespmem:s31+$0x84E0];
	v1 =	vadd.f32 v2, v1;
	v2 =	vsub.f32 v3, v4;
	v3 =	vmul.f32 v6, v28  }
0xa2: {  	v33 =	vld [tilespmem:s31+$0x44D0];
	v32 =	vsub.f32 v18, v24;
	v34 =	vsub.f32 v27, v26  }
0xa3: {  	v36 =	vld [tilespmem:s31+$0x4F0];
	v5 =	vsub.f32 v5, v24;
	v3 =	vadd.f32 v3, v22  }
0xa4: {  	v35 =	vand.u32 $0x7FFFFFFF, v32;
	v37 =	vsub.f32 v22, v29;
	v38 =	vld [tilespmem:s31+$0x84F0];
	v9 =	vmul.f32 v34, v28  }
0xa5: {  	v1 =	vadd.f32 v2, v1;
	v2 =	vand.u32 $0x7FFFFFFF, v5;
	v3 =	vsub.f32 v3, v29  }
0xa6: {  	v39 =	vld [tilespmem:s31+$0x44E0];
	v4 =	vsub.f32 v31, v30;
	v2 =	vsub.f32 v2, v35  }
0xa7: {  	v41 =	vld [tilespmem:s31+$0x8500];
	v9 =	vadd.f32 v9, v26;
	v11 =	vand.u32 $0x7FFFFFFF, v37;
	v3 =	vand.u32 $0x7FFFFFFF, v3  }
0xa8: {  	v40 =	vld [tilespmem:s31+$0x500];
	v1 =	vadd.f32 v2, v1;
	v2 =	vsub.f32 v3, v11;
	v3 =	vmul.f32 v4, v28  }
0xa9: {  	v45 =	vld [tilespmem:s31+$0x8510];
	v43 =	vsub.f32 v38, v36;
	v8 =	vsub.f32 v26, v33  }
0xaa: {  	v44 =	vld [tilespmem:s31+$0x510];
	v9 =	vsub.f32 v9, v33;
	v3 =	vadd.f32 v3, v30  }
0xab: {  	v42 =	vld [tilespmem:s31+$0x44F0];
	v8 =	vand.u32 $0x7FFFFFFF, v8;
	v7 =	vmul.f32 v43, v28;
	v5 =	vsub.f32 v30, v39  }
0xac: {  	v1 =	vadd.f32 v2, v1;
	v2 =	vand.u32 $0x7FFFFFFF, v9;
	v3 =	vsub.f32 v3, v39  }
0xad: {  	v46 =	vbroadcast v0, $0x4;
	v47 =	vld [tilespmem:s31+$0x4500];
	v4 =	vsub.f32 v41, v40;
	v2 =	vsub.f32 v2, v8  }
0xae: {  	v49 =	vld [tilespmem:s31+$0x8520];
	v7 =	vadd.f32 v7, v36;
	v5 =	vand.u32 $0x7FFFFFFF, v5;
	v3 =	vand.u32 $0x7FFFFFFF, v3  }
0xaf: {  	v48 =	vld [tilespmem:s31+$0x520];
	v1 =	vadd.f32 v2, v1;
	v2 =	vsub.f32 v3, v5;
	v3 =	vmul.f32 v4, v46  }
0xb0: {  	v54 =	vld [tilespmem:s31+$0x530];
	v52 =	vsub.f32 v45, v44;
	v6 =	vsub.f32 v36, v42  }
0xb1: {  	v56 =	vld [tilespmem:s31+$0x8530];
	v50 =	vsub.f32 v7, v42;
	v3 =	vadd.f32 v3, v40  }
0xb2: {  	v55 =	vsub.f32 v40, v47;
	v51 =	vld [tilespmem:s31+$0x4510];
	v10 =	vmul.f32 v52, v46;
	v53 =	vand.u32 $0x7FFFFFFF, v6  }
0xb3: {  	v1 =	vadd.f32 v2, v1;
	v2 =	vand.u32 $0x7FFFFFFF, v50;
	v3 =	vsub.f32 v3, v47  }
0xb4: {  	v57 =	vld [tilespmem:s31+$0x4520];
	v4 =	vsub.f32 v49, v48;
	v2 =	vsub.f32 v2, v53  }
0xb5: {  	v59 =	vld [tilespmem:s31+$0x8540];
	v10 =	vadd.f32 v10, v44;
	v11 =	vand.u32 $0x7FFFFFFF, v55;
	v3 =	vand.u32 $0x7FFFFFFF, v3  }
0xb6: {  	v58 =	vld [tilespmem:s31+$0x540];
	v1 =	vadd.f32 v2, v1;
	v2 =	vsub.f32 v3, v11;
	v3 =	vmul.f32 v4, v46  }
0xb7: {  	v62 =	vld [tilespmem:s31+$0x550];
	v61 =	vsub.f32 v56, v54;
	v7 =	vsub.f32 v44, v51  }
0xb8: {  	v63 =	vld [tilespmem:s31+$0x8550];
	v10 =	vsub.f32 v10, v51;
	v3 =	vadd.f32 v3, v48  }
0xb9: {  	v60 =	vld [tilespmem:s31+$0x4530];
	v7 =	vand.u32 $0x7FFFFFFF, v7;
	v8 =	vmul.f32 v61, v46;
	v5 =	vsub.f32 v48, v57  }
0xba: {  	v1 =	vadd.f32 v2, v1;
	v2 =	vand.u32 $0x7FFFFFFF, v10;
	v3 =	vsub.f32 v3, v57  }
0xbb: {  	v16 =	vbroadcast v0, $0x5;
	v17 =	vld [tilespmem:s31+$0x4540];
	v4 =	vsub.f32 v59, v58;
	v2 =	vsub.f32 v2, v7  }
0xbc: {  	v19 =	vld [tilespmem:s31+$0x8560];
	v8 =	vadd.f32 v8, v54;
	v5 =	vand.u32 $0x7FFFFFFF, v5;
	v3 =	vand.u32 $0x7FFFFFFF, v3  }
0xbd: {  	v18 =	vld [tilespmem:s31+$0x560];
	v1 =	vadd.f32 v2, v1;
	v2 =	vsub.f32 v3, v5;
	v3 =	vmul.f32 v4, v16  }
0xbe: {  	v24 =	vld [tilespmem:s31+$0x570];
	v6 =	vsub.f32 v54, v60;
	v22 =	vsub.f32 v63, v62  }
0xbf: {  	v26 =	vld [tilespmem:s31+$0x8570];
	v20 =	vsub.f32 v8, v60;
	v3 =	vadd.f32 v3, v58  }
0xc0: {  	v21 =	vld [tilespmem:s31+$0x4550];
	v25 =	vsub.f32 v58, v17;
	v23 =	vand.u32 $0x7FFFFFFF, v6;
	v9 =	vmul.f32 v22, v16  }
0xc1: {  	v1 =	vadd.f32 v2, v1;
	v2 =	vand.u32 $0x7FFFFFFF, v20;
	v3 =	vsub.f32 v3, v17  }
0xc2: {  	v27 =	vld [tilespmem:s31+$0x4560];
	v4 =	vsub.f32 v19, v18;
	v2 =	vsub.f32 v2, v23  }
0xc3: {  	v29 =	vld [tilespmem:s31+$0x8580];
	v9 =	vadd.f32 v9, v62;
	v11 =	vand.u32 $0x7FFFFFFF, v25;
	v3 =	vand.u32 $0x7FFFFFFF, v3  }
0xc4: {  	v28 =	vld [tilespmem:s31+$0x580];
	v1 =	vadd.f32 v2, v1;
	v2 =	vsub.f32 v3, v11;
	v3 =	vmul.f32 v4, v16  }
0xc5: {  	v32 =	vld [tilespmem:s31+$0x590];
	v31 =	vsub.f32 v26, v24;
	v8 =	vsub.f32 v62, v21  }
0xc6: {  	v33 =	vld [tilespmem:s31+$0x8590];
	v9 =	vsub.f32 v9, v21;
	v3 =	vadd.f32 v3, v18  }
0xc7: {  	v30 =	vld [tilespmem:s31+$0x4570];
	v8 =	vand.u32 $0x7FFFFFFF, v8;
	v7 =	vmul.f32 v31, v16;
	v5 =	vsub.f32 v18, v27  }
0xc8: {  	v1 =	vadd.f32 v2, v1;
	v2 =	vand.u32 $0x7FFFFFFF, v9;
	v3 =	vsub.f32 v3, v27  }
0xc9: {  	v34 =	vbroadcast v0, $0x6;
	v35 =	vld [tilespmem:s31+$0x4580];
	v4 =	vsub.f32 v29, v28;
	v2 =	vsub.f32 v2, v8  }
0xca: {  	v37 =	vld [tilespmem:s31+$0x85A0];
	v7 =	vadd.f32 v7, v24;
	v5 =	vand.u32 $0x7FFFFFFF, v5;
	v3 =	vand.u32 $0x7FFFFFFF, v3  }
0xcb: {  	v36 =	vld [tilespmem:s31+$0x5A0];
	v1 =	vadd.f32 v2, v1;
	v2 =	vsub.f32 v3, v5;
	v3 =	vmul.f32 v4, v34  }
0xcc: {  	v42 =	vld [tilespmem:s31+$0x5B0];
	v6 =	vsub.f32 v24, v30;
	v40 =	vsub.f32 v33, v32  }
0xcd: {  	v44 =	vld [tilespmem:s31+$0x85B0];
	v38 =	vsub.f32 v7, v30;
	v3 =	vadd.f32 v3, v28  }
0xce: {  	v39 =	vld [tilespmem:s31+$0x4590];
	v43 =	vsub.f32 v28, v35;
	v41 =	vand.u32 $0x7FFFFFFF, v6;
	v10 =	vmul.f32 v40, v34  }
0xcf: {  	v1 =	vadd.f32 v2, v1;
	v2 =	vand.u32 $0x7FFFFFFF, v38;
	v3 =	vsub.f32 v3, v35  }
0xd0: {  	v45 =	vld [tilespmem:s31+$0x45A0];
	v4 =	vsub.f32 v37, v36;
	v2 =	vsub.f32 v2, v41  }
0xd1: {  	v47 =	vld [tilespmem:s31+$0x85C0];
	v10 =	vadd.f32 v10, v32;
	v11 =	vand.u32 $0x7FFFFFFF, v43;
	v3 =	vand.u32 $0x7FFFFFFF, v3  }
0xd2: {  	v46 =	vld [tilespmem:s31+$0x5C0];
	v1 =	vadd.f32 v2, v1;
	v2 =	vsub.f32 v3, v11;
	v3 =	vmul.f32 v4, v34  }
0xd3: {  	v51 =	vld [tilespmem:s31+$0x85D0];
	v49 =	vsub.f32 v44, v42;
	v7 =	vsub.f32 v32, v39  }
0xd4: {  	v50 =	vld [tilespmem:s31+$0x5D0];
	v10 =	vsub.f32 v10, v39;
	v3 =	vadd.f32 v3, v36  }
0xd5: {  	v48 =	vld [tilespmem:s31+$0x45B0];
	v7 =	vand.u32 $0x7FFFFFFF, v7;
	v8 =	vmul.f32 v49, v34;
	v5 =	vsub.f32 v36, v45  }
0xd6: {  	v1 =	vadd.f32 v2, v1;
	v2 =	vand.u32 $0x7FFFFFFF, v10;
	v3 =	vsub.f32 v3, v45  }
0xd7: {  	v52 =	vbroadcast v0, $0x7;
	v53 =	vld [tilespmem:s31+$0x45C0];
	v4 =	vsub.f32 v47, v46;
	v2 =	vsub.f32 v2, v7  }
0xd8: {  	v55 =	vld [tilespmem:s31+$0x85E0];
	v8 =	vadd.f32 v8, v42;
	v5 =	vand.u32 $0x7FFFFFFF, v5;
	v3 =	vand.u32 $0x7FFFFFFF, v3  }
0xd9: {  	v54 =	vld [tilespmem:s31+$0x5E0];
	v1 =	vadd.f32 v2, v1;
	v2 =	vsub.f32 v3, v5;
	v3 =	vmul.f32 v4, v52  }
0xda: {  	v60 =	vld [tilespmem:s31+$0x5F0];
	v6 =	vsub.f32 v42, v48;
	v58 =	vsub.f32 v51, v50  }
0xdb: {  	v62 =	vld [tilespmem:s31+$0x85F0];
	v56 =	vsub.f32 v8, v48;
	v3 =	vadd.f32 v3, v46  }
0xdc: {  	v57 =	vld [tilespmem:s31+$0x45D0];
	v61 =	vsub.f32 v46, v53;
	v59 =	vand.u32 $0x7FFFFFFF, v6;
	v9 =	vmul.f32 v58, v52  }
0xdd: {  	v1 =	vadd.f32 v2, v1;
	v2 =	vand.u32 $0x7FFFFFFF, v56;
	v3 =	vsub.f32 v3, v53  }
0xde: {  	v63 =	vld [tilespmem:s31+$0x45E0];
	v4 =	vsub.f32 v55, v54;
	v2 =	vsub.f32 v2, v59  }
0xdf: {  	v17 =	vld [tilespmem:s31+$0x8600];
	v9 =	vadd.f32 v9, v50;
	v11 =	vand.u32 $0x7FFFFFFF, v61;
	v3 =	vand.u32 $0x7FFFFFFF, v3  }
0xe0: {  	v16 =	vld [tilespmem:s31+$0x600];
	v1 =	vadd.f32 v2, v1;
	v2 =	vsub.f32 v3, v11;
	v3 =	vmul.f32 v4, v52  }
0xe1: {  	v21 =	vld [tilespmem:s31+$0x8610];
	v19 =	vsub.f32 v62, v60;
	v8 =	vsub.f32 v50, v57  }
0xe2: {  	v20 =	vld [tilespmem:s31+$0x610];
	v9 =	vsub.f32 v9, v57;
	v3 =	vadd.f32 v3, v54  }
0xe3: {  	v18 =	vld [tilespmem:s31+$0x45F0];
	v8 =	vand.u32 $0x7FFFFFFF, v8;
	v7 =	vmul.f32 v19, v52;
	v5 =	vsub.f32 v54, v63  }
0xe4: {  	v1 =	vadd.f32 v2, v1;
	v2 =	vand.u32 $0x7FFFFFFF, v9;
	v3 =	vsub.f32 v3, v63  }
0xe5: {  	v22 =	vbroadcast v0, $0x8;
	v23 =	vld [tilespmem:s31+$0x4600];
	v4 =	vsub.f32 v17, v16;
	v2 =	vsub.f32 v2, v8  }
0xe6: {  	v25 =	vld [tilespmem:s31+$0x8620];
	v7 =	vadd.f32 v7, v60;
	v5 =	vand.u32 $0x7FFFFFFF, v5;
	v3 =	vand.u32 $0x7FFFFFFF, v3  }
0xe7: {  	v24 =	vld [tilespmem:s31+$0x620];
	v1 =	vadd.f32 v2, v1;
	v2 =	vsub.f32 v3, v5;
	v3 =	vmul.f32 v4, v22  }
0xe8: {  	v30 =	vld [tilespmem:s31+$0x630];
	v6 =	vsub.f32 v60, v18;
	v28 =	vsub.f32 v21, v20  }
0xe9: {  	v32 =	vld [tilespmem:s31+$0x8630];
	v26 =	vsub.f32 v7, v18;
	v3 =	vadd.f32 v3, v16  }
0xea: {  	v27 =	vld [tilespmem:s31+$0x4610];
	v31 =	vsub.f32 v16, v23;
	v29 =	vand.u32 $0x7FFFFFFF, v6;
	v10 =	vmul.f32 v28, v22  }
0xeb: {  	v1 =	vadd.f32 v2, v1;
	v2 =	vand.u32 $0x7FFFFFFF, v26;
	v3 =	vsub.f32 v3, v23  }
0xec: {  	v33 =	vld [tilespmem:s31+$0x4620];
	v4 =	vsub.f32 v25, v24;
	v2 =	vsub.f32 v2, v29  }
0xed: {  	v35 =	vld [tilespmem:s31+$0x8640];
	v10 =	vadd.f32 v10, v20;
	v11 =	vand.u32 $0x7FFFFFFF, v31;
	v3 =	vand.u32 $0x7FFFFFFF, v3  }
0xee: {  	v34 =	vld [tilespmem:s31+$0x640];
	v1 =	vadd.f32 v2, v1;
	v2 =	vsub.f32 v3, v11;
	v3 =	vmul.f32 v4, v22  }
0xef: {  	v39 =	vld [tilespmem:s31+$0x8650];
	v37 =	vsub.f32 v32, v30;
	v7 =	vsub.f32 v20, v27  }
0xf0: {  	v38 =	vld [tilespmem:s31+$0x650];
	v10 =	vsub.f32 v10, v27;
	v3 =	vadd.f32 v3, v24  }
0xf1: {  	v36 =	vld [tilespmem:s31+$0x4630];
	v7 =	vand.u32 $0x7FFFFFFF, v7;
	v8 =	vmul.f32 v37, v22;
	v5 =	vsub.f32 v24, v33  }
0xf2: {  	v1 =	vadd.f32 v2, v1;
	v2 =	vand.u32 $0x7FFFFFFF, v10;
	v3 =	vsub.f32 v3, v33  }
0xf3: {  	v40 =	vbroadcast v0, $0x9;
	v41 =	vld [tilespmem:s31+$0x4640];
	v4 =	vsub.f32 v35, v34;
	v2 =	vsub.f32 v2, v7  }
0xf4: {  	v43 =	vld [tilespmem:s31+$0x8660];
	v8 =	vadd.f32 v8, v30;
	v5 =	vand.u32 $0x7FFFFFFF, v5;
	v3 =	vand.u32 $0x7FFFFFFF, v3  }
0xf5: {  	v42 =	vld [tilespmem:s31+$0x660];
	v1 =	vadd.f32 v2, v1;
	v2 =	vsub.f32 v3, v5;
	v3 =	vmul.f32 v4, v40  }
0xf6: {  	v48 =	vld [tilespmem:s31+$0x670];
	v6 =	vsub.f32 v30, v36;
	v46 =	vsub.f32 v39, v38  }
0xf7: {  	v50 =	vld [tilespmem:s31+$0x8670];
	v44 =	vsub.f32 v8, v36;
	v3 =	vadd.f32 v3, v34  }
0xf8: {  	v45 =	vld [tilespmem:s31+$0x4650];
	v49 =	vsub.f32 v34, v41;
	v47 =	vand.u32 $0x7FFFFFFF, v6;
	v9 =	vmul.f32 v46, v40  }
0xf9: {  	v1 =	vadd.f32 v2, v1;
	v2 =	vand.u32 $0x7FFFFFFF, v44;
	v3 =	vsub.f32 v3, v41  }
0xfa: {  	v51 =	vld [tilespmem:s31+$0x4660];
	v4 =	vsub.f32 v43, v42;
	v2 =	vsub.f32 v2, v47  }
0xfb: {  	v53 =	vld [tilespmem:s31+$0x8680];
	v9 =	vadd.f32 v9, v38;
	v11 =	vand.u32 $0x7FFFFFFF, v49;
	v3 =	vand.u32 $0x7FFFFFFF, v3  }
0xfc: {  	v52 =	vld [tilespmem:s31+$0x680];
	v1 =	vadd.f32 v2, v1;
	v2 =	vsub.f32 v3, v11;
	v3 =	vmul.f32 v4, v40  }
0xfd: {  	v57 =	vld [tilespmem:s31+$0x8690];
	v55 =	vsub.f32 v50, v48;
	v8 =	vsub.f32 v38, v45  }
0xfe: {  	v56 =	vld [tilespmem:s31+$0x690];
	v9 =	vsub.f32 v9, v45;
	v3 =	vadd.f32 v3, v42  }
0xff: {  	v54 =	vld [tilespmem:s31+$0x4670];
	v8 =	vand.u32 $0x7FFFFFFF, v8;
	v7 =	vmul.f32 v55, v40;
	v5 =	vsub.f32 v42, v51  }
0x100: {  	v1 =	vadd.f32 v2, v1;
	v2 =	vand.u32 $0x7FFFFFFF, v9;
	v3 =	vsub.f32 v3, v51  }
0x101: {  	v58 =	vbroadcast v0, $0xA;
	v59 =	vld [tilespmem:s31+$0x4680];
	v4 =	vsub.f32 v53, v52;
	v2 =	vsub.f32 v2, v8  }
0x102: {  	v61 =	vld [tilespmem:s31+$0x86A0];
	v7 =	vadd.f32 v7, v48;
	v5 =	vand.u32 $0x7FFFFFFF, v5;
	v3 =	vand.u32 $0x7FFFFFFF, v3  }
0x103: {  	v60 =	vld [tilespmem:s31+$0x6A0];
	v1 =	vadd.f32 v2, v1;
	v2 =	vsub.f32 v3, v5;
	v3 =	vmul.f32 v4, v58  }
0x104: {  	v19 =	vld [tilespmem:s31+$0x86B0];
	v15 =	vsub.f32 v57, v56;
	v6 =	vsub.f32 v48, v54  }
0x105: {  	v17 =	vld [tilespmem:s31+$0x6B0];
	v62 =	vsub.f32 v7, v54;
	v3 =	vadd.f32 v3, v52  }
0x106: {  	v63 =	vld [tilespmem:s31+$0x4690];
	v18 =	vsub.f32 v52, v59;
	v16 =	vand.u32 $0x7FFFFFFF, v6;
	v10 =	vmul.f32 v15, v58  }
0x107: {  	v1 =	vadd.f32 v2, v1;
	v2 =	vand.u32 $0x7FFFFFFF, v62;
	v3 =	vsub.f32 v3, v59  }
0x108: {  	v20 =	vld [tilespmem:s31+$0x46A0];
	v4 =	vsub.f32 v61, v60;
	v2 =	vsub.f32 v2, v16  }
0x109: {  	v21 =	vld [tilespmem:s31+$0x6C0];
	v10 =	vadd.f32 v10, v56;
	v11 =	vand.u32 $0x7FFFFFFF, v18;
	v3 =	vand.u32 $0x7FFFFFFF, v3  }
0x10a: {  	v22 =	vld [tilespmem:s31+$0x86C0];
	v1 =	vadd.f32 v2, v1;
	v2 =	vsub.f32 v3, v11;
	v3 =	vmul.f32 v4, v58  }
0x10b: {  	v25 =	vld [tilespmem:s31+$0x6D0];
	v24 =	vsub.f32 v19, v17;
	v7 =	vsub.f32 v56, v63  }
0x10c: {  	v26 =	vld [tilespmem:s31+$0x86D0];
	v10 =	vsub.f32 v10, v63;
	v3 =	vadd.f32 v3, v60  }
0x10d: {  	v23 =	vld [tilespmem:s31+$0x46B0];
	v7 =	vand.u32 $0x7FFFFFFF, v7;
	v8 =	vmul.f32 v24, v58;
	v5 =	vsub.f32 v60, v20  }
0x10e: {  	v1 =	vadd.f32 v2, v1;
	v2 =	vand.u32 $0x7FFFFFFF, v10;
	v3 =	vsub.f32 v3, v20  }
0x10f: {  	v28 =	vld [tilespmem:s31+$0x46C0];
	v27 =	vbroadcast v0, $0xB;
	v4 =	vsub.f32 v22, v21;
	v2 =	vsub.f32 v2, v7  }
0x110: {  	v30 =	vld [tilespmem:s31+$0x86E0];
	v8 =	vadd.f32 v8, v17;
	v5 =	vand.u32 $0x7FFFFFFF, v5;
	v3 =	vand.u32 $0x7FFFFFFF, v3  }
0x111: {  	v29 =	vld [tilespmem:s31+$0x6E0];
	v1 =	vadd.f32 v2, v1;
	v2 =	vsub.f32 v3, v5;
	v3 =	vmul.f32 v4, v27  }
0x112: {  	v32 =	vld [tilespmem:s31+$0x46D0];
	v6 =	vsub.f32 v17, v23;
	v33 =	vsub.f32 v26, v25  }
0x113: {  	v37 =	vld [tilespmem:s31+$0x86F0];
	v31 =	vsub.f32 v8, v23;
	v3 =	vadd.f32 v3, v21  }
0x114: {  	v36 =	vsub.f32 v21, v28;
	v35 =	vld [tilespmem:s31+$0x6F0];
	v34 =	vand.u32 $0x7FFFFFFF, v6;
	v9 =	vmul.f32 v33, v27  }
0x115: {  	v1 =	vadd.f32 v2, v1;
	v2 =	vand.u32 $0x7FFFFFFF, v31;
	v3 =	vsub.f32 v3, v28  }
0x116: {  	v38 =	vld [tilespmem:s31+$0x46E0];
	v4 =	vsub.f32 v30, v29;
	v2 =	vsub.f32 v2, v34  }
0x117: {  	v39 =	vld [tilespmem:s31+$0x700];
	v9 =	vadd.f32 v9, v25;
	v11 =	vand.u32 $0x7FFFFFFF, v36;
	v3 =	vand.u32 $0x7FFFFFFF, v3  }
0x118: {  	v40 =	vld [tilespmem:s31+$0x8700];
	v1 =	vadd.f32 v2, v1;
	v2 =	vsub.f32 v3, v11;
	v3 =	vmul.f32 v4, v27  }
0x119: {  	v43 =	vld [tilespmem:s31+$0x710];
	v42 =	vsub.f32 v37, v35;
	v8 =	vsub.f32 v25, v32  }
0x11a: {  	v44 =	vld [tilespmem:s31+$0x8710];
	v9 =	vsub.f32 v9, v32;
	v3 =	vadd.f32 v3, v29  }
0x11b: {  	v41 =	vld [tilespmem:s31+$0x46F0];
	v8 =	vand.u32 $0x7FFFFFFF, v8;
	v7 =	vmul.f32 v42, v27;
	v5 =	vsub.f32 v29, v38  }
0x11c: {  	v1 =	vadd.f32 v2, v1;
	v2 =	vand.u32 $0x7FFFFFFF, v9;
	v3 =	vsub.f32 v3, v38  }
0x11d: {  	v46 =	vld [tilespmem:s31+$0x4700];
	v45 =	vbroadcast v0, $0xC;
	v4 =	vsub.f32 v40, v39;
	v2 =	vsub.f32 v2, v8  }
0x11e: {  	v48 =	vld [tilespmem:s31+$0x8720];
	v7 =	vadd.f32 v7, v35;
	v5 =	vand.u32 $0x7FFFFFFF, v5;
	v3 =	vand.u32 $0x7FFFFFFF, v3  }
0x11f: {  	v47 =	vld [tilespmem:s31+$0x720];
	v1 =	vadd.f32 v2, v1;
	v2 =	vsub.f32 v3, v5;
	v3 =	vmul.f32 v4, v45  }
0x120: {  	v50 =	vld [tilespmem:s31+$0x4710];
	v6 =	vsub.f32 v35, v41;
	v51 =	vsub.f32 v44, v43  }
0x121: {  	v55 =	vld [tilespmem:s31+$0x8730];
	v49 =	vsub.f32 v7, v41;
	v3 =	vadd.f32 v3, v39  }
0x122: {  	v54 =	vsub.f32 v39, v46;
	v53 =	vld [tilespmem:s31+$0x730];
	v52 =	vand.u32 $0x7FFFFFFF, v6;
	v10 =	vmul.f32 v51, v45  }
0x123: {  	v1 =	vadd.f32 v2, v1;
	v2 =	vand.u32 $0x7FFFFFFF, v49;
	v3 =	vsub.f32 v3, v46  }
0x124: {  	v56 =	vld [tilespmem:s31+$0x4720];
	v4 =	vsub.f32 v48, v47;
	v2 =	vsub.f32 v2, v52  }
0x125: {  	v57 =	vld [tilespmem:s31+$0x740];
	v10 =	vadd.f32 v10, v43;
	v11 =	vand.u32 $0x7FFFFFFF, v54;
	v3 =	vand.u32 $0x7FFFFFFF, v3  }
0x126: {  	v58 =	vld [tilespmem:s31+$0x8740];
	v1 =	vadd.f32 v2, v1;
	v2 =	vsub.f32 v3, v11;
	v3 =	vmul.f32 v4, v45  }
0x127: {  	v61 =	vld [tilespmem:s31+$0x750];
	v60 =	vsub.f32 v55, v53;
	v7 =	vsub.f32 v43, v50  }
0x128: {  	v62 =	vld [tilespmem:s31+$0x8750];
	v10 =	vsub.f32 v10, v50;
	v3 =	vadd.f32 v3, v47  }
0x129: {  	v59 =	vld [tilespmem:s31+$0x4730];
	v7 =	vand.u32 $0x7FFFFFFF, v7;
	v8 =	vmul.f32 v60, v45;
	v5 =	vsub.f32 v47, v56  }
0x12a: {  	v1 =	vadd.f32 v2, v1;
	v2 =	vand.u32 $0x7FFFFFFF, v10;
	v3 =	vsub.f32 v3, v56  }
0x12b: {  	v63 =	vbroadcast v0, $0xD;
	v16 =	vld [tilespmem:s31+$0x4740];
	v4 =	vsub.f32 v58, v57;
	v2 =	vsub.f32 v2, v7  }
0x12c: {  	v18 =	vld [tilespmem:s31+$0x8760];
	v8 =	vadd.f32 v8, v53;
	v5 =	vand.u32 $0x7FFFFFFF, v5;
	v3 =	vand.u32 $0x7FFFFFFF, v3  }
0x12d: {  	v17 =	vld [tilespmem:s31+$0x760];
	v1 =	vadd.f32 v2, v1;
	v2 =	vsub.f32 v3, v5;
	v3 =	vmul.f32 v4, v63  }
0x12e: {  	v23 =	vld [tilespmem:s31+$0x770];
	v6 =	vsub.f32 v53, v59;
	v21 =	vsub.f32 v62, v61  }
0x12f: {  	v25 =	vld [tilespmem:s31+$0x8770];
	v19 =	vsub.f32 v8, v59;
	v3 =	vadd.f32 v3, v57  }
0x130: {  	v24 =	vsub.f32 v57, v16;
	v20 =	vld [tilespmem:s31+$0x4750];
	v22 =	vand.u32 $0x7FFFFFFF, v6;
	v9 =	vmul.f32 v21, v63  }
0x131: {  	v1 =	vadd.f32 v2, v1;
	v2 =	vand.u32 $0x7FFFFFFF, v19;
	v3 =	vsub.f32 v3, v16  }
0x132: {  	v26 =	vld [tilespmem:s31+$0x4760];
	v4 =	vsub.f32 v18, v17;
	v2 =	vsub.f32 v2, v22  }
0x133: {  	v28 =	vld [tilespmem:s31+$0x8780];
	v9 =	vadd.f32 v9, v61;
	v11 =	vand.u32 $0x7FFFFFFF, v24;
	v3 =	vand.u32 $0x7FFFFFFF, v3  }
0x134: {  	v27 =	vld [tilespmem:s31+$0x780];
	v1 =	vadd.f32 v2, v1;
	v2 =	vsub.f32 v3, v11;
	v3 =	vmul.f32 v4, v63  }
0x135: {  	v32 =	vld [tilespmem:s31+$0x8790];
	v30 =	vsub.f32 v25, v23;
	v8 =	vsub.f32 v61, v20  }
0x136: {  	v31 =	vld [tilespmem:s31+$0x790];
	v9 =	vsub.f32 v9, v20;
	v3 =	vadd.f32 v3, v17  }
0x137: {  	v29 =	vld [tilespmem:s31+$0x4770];
	v8 =	vand.u32 $0x7FFFFFFF, v8;
	v7 =	vmul.f32 v30, v63;
	v5 =	vsub.f32 v17, v26  }
0x138: {  	v1 =	vadd.f32 v2, v1;
	v2 =	vand.u32 $0x7FFFFFFF, v9;
	v3 =	vsub.f32 v3, v26  }
0x139: {  	v33 =	vbroadcast v0, $0xE;
	v34 =	vld [tilespmem:s31+$0x4780];
	v4 =	vsub.f32 v28, v27;
	v2 =	vsub.f32 v2, v8  }
0x13a: {  	v36 =	vld [tilespmem:s31+$0x87A0];
	v7 =	vadd.f32 v7, v23;
	v5 =	vand.u32 $0x7FFFFFFF, v5;
	v3 =	vand.u32 $0x7FFFFFFF, v3  }
0x13b: {  	v35 =	vld [tilespmem:s31+$0x7A0];
	v1 =	vadd.f32 v2, v1;
	v2 =	vsub.f32 v3, v5;
	v3 =	vmul.f32 v4, v33  }
0x13c: {  	v41 =	vld [tilespmem:s31+$0x7B0];
	v6 =	vsub.f32 v23, v29;
	v39 =	vsub.f32 v32, v31  }
0x13d: {  	v43 =	vld [tilespmem:s31+$0x87B0];
	v37 =	vsub.f32 v7, v29;
	v3 =	vadd.f32 v3, v27  }
0x13e: {  	v38 =	vld [tilespmem:s31+$0x4790];
	v42 =	vsub.f32 v27, v34;
	v40 =	vand.u32 $0x7FFFFFFF, v6;
	v10 =	vmul.f32 v39, v33  }
0x13f: {  	v44 =	vld [tilespmem:s31+$0x47A0];
	v1 =	vadd.f32 v2, v1;
	v2 =	vand.u32 $0x7FFFFFFF, v37;
	v3 =	vsub.f32 v3, v34  }
0x140: {  	v51 =	vbroadcast v0, $0xF;
	v0 =	vld [tilespmem:s31+$0x47C0];
	v4 =	vsub.f32 v36, v35;
	v2 =	vsub.f32 v2, v40  }
0x141: {  	v46 =	vld [tilespmem:s31+$0x87C0];
	v10 =	vadd.f32 v10, v31;
	v11 =	vand.u32 $0x7FFFFFFF, v42;
	v3 =	vand.u32 $0x7FFFFFFF, v3  }
0x142: {  	v45 =	vld [tilespmem:s31+$0x7C0];
	v1 =	vadd.f32 v2, v1;
	v2 =	vsub.f32 v3, v11;
	v3 =	vmul.f32 v4, v33  }
0x143: {  	v50 =	vld [tilespmem:s31+$0x87D0];
	v48 =	vsub.f32 v43, v41;
	v7 =	vsub.f32 v31, v38  }
0x144: {  	v49 =	vld [tilespmem:s31+$0x7D0];
	v10 =	vsub.f32 v10, v38;
	v3 =	vadd.f32 v3, v35  }
0x145: {  	v47 =	vld [tilespmem:s31+$0x47B0];
	v7 =	vand.u32 $0x7FFFFFFF, v7;
	v8 =	vmul.f32 v48, v33;
	v5 =	vsub.f32 v35, v44  }
0x146: {  	v55 =	vld [tilespmem:s31+$0x47D0];
	v1 =	vadd.f32 v2, v1;
	v2 =	vand.u32 $0x7FFFFFFF, v10;
	v3 =	vsub.f32 v3, v44  }
0x147: {  	v60 =	vld [tilespmem:s31+$0x87F0];
	v4 =	vsub.f32 v46, v45;
	v2 =	vsub.f32 v2, v7  }
0x148: {  	v53 =	vld [tilespmem:s31+$0x87E0];
	v8 =	vadd.f32 v8, v41;
	v5 =	vand.u32 $0x7FFFFFFF, v5;
	v3 =	vand.u32 $0x7FFFFFFF, v3  }
0x149: {  	v52 =	vld [tilespmem:s31+$0x7E0];
	v1 =	vadd.f32 v2, v1;
	v2 =	vsub.f32 v3, v5;
	v3 =	vmul.f32 v4, v51  }
0x14a: {  	v59 =	vld [tilespmem:s31+$0x7F0];
	v56 =	vsub.f32 v50, v49;
	v6 =	vsub.f32 v41, v47  }
0x14b: {  	v62 =	vld [tilespmem:s31+$0x2400];
	v54 =	vsub.f32 v8, v47;
	v3 =	vadd.f32 v3, v45  }
0x14c: {  	v13 =	vsub.f32 v45, v0;
	v23 =	vld [tilespmem:s31+$0x6400];
	v58 =	vand.u32 $0x7FFFFFFF, v6;
	v9 =	vmul.f32 v56, v51  }
0x14d: {  	v1 =	vadd.f32 v2, v1;
	v2 =	vand.u32 $0x7FFFFFFF, v54;
	v3 =	vsub.f32 v3, v0  }
0x14e: {  	v61 =	vand.u32 $0x7FFFFFFF, v13;
	v57 =	vld [tilespmem:s31+$0x47E0];
	v4 =	vsub.f32 v53, v52;
	v2 =	vsub.f32 v2, v58  }
0x14f: {  	v18 =	vsub.f32 v60, v59;
	v63 =	vld [tilespmem:s31+$0xA400];
	v9 =	vadd.f32 v9, v49;
	v3 =	vand.u32 $0x7FFFFFFF, v3  }
0x150: {  	v0 =	vld [tilespmem:s5+$0x380];
	v1 =	vadd.f32 v2, v1;
	v2 =	vsub.f32 v3, v61;
	v3 =	vmul.f32 v4, v51  }
0x151: {  	v21 =	vld [tilespmem:s31+$0xA410];
	v28 =	vsub.f32 v62, v23;
	v8 =	vsub.f32 v49, v55  }
0x152: {  	v20 =	vld [tilespmem:s31+$0x2410];
	v16 =	vsub.f32 v9, v55;
	v3 =	vadd.f32 v3, v52  }
0x153: {  	v17 =	vld [tilespmem:s31+$0x47F0];
	v19 =	vand.u32 $0x7FFFFFFF, v8;
	v11 =	vsub.f32 v52, v57;
	v7 =	vmul.f32 v18, v51  }
0x154: {  	v1 =	vadd.f32 v2, v1;
	v2 =	vand.u32 $0x7FFFFFFF, v16;
	v3 =	vsub.f32 v3, v57  }
0x155: {  	v26 =	vld [tilespmem:s31+$0x6410];
	v4 =	vsub.f32 v63, v62;
	v22 =	vbroadcast v0, $0x0;
	v2 =	vsub.f32 v2, v19  }
0x156: {  	v25 =	vld [tilespmem:s31+$0xA420];
	v11 =	vand.u32 $0x7FFFFFFF, v11;
	v7 =	vadd.f32 v7, v59;
	v3 =	vand.u32 $0x7FFFFFFF, v3  }
0x157: {  	v24 =	vld [tilespmem:s31+$0x2420];
	v1 =	vadd.f32 v2, v1;
	v2 =	vsub.f32 v3, v11;
	v3 =	vmul.f32 v4, v22  }
0x158: {  	v30 =	vld [tilespmem:s31+$0x6420];
	v6 =	vsub.f32 v59, v17;
	v10 =	vsub.f32 v21, v20  }
0x159: {  	v29 =	vld [tilespmem:s31+$0xA430];
	v7 =	vsub.f32 v7, v17;
	v3 =	vadd.f32 v3, v62  }
0x15a: {  	v6 =	vand.u32 $0x7FFFFFFF, v6;
	v27 =	vld [tilespmem:s31+$0x2430];
	v8 =	vsub.f32 v20, v26;
	v10 =	vmul.f32 v10, v22  }
0x15b: {  	v31 =	vld [tilespmem:s31+$0x2440];
	v1 =	vadd.f32 v2, v1;
	v2 =	vand.u32 $0x7FFFFFFF, v7;
	v3 =	vsub.f32 v3, v23  }
0x15c: {  	v38 =	vld [tilespmem:s31+$0x6440];
	v4 =	vsub.f32 v25, v24;
	v2 =	vsub.f32 v2, v6  }
0x15d: {  	v10 =	vadd.f32 v10, v20;
	v11 =	vand.u32 $0x7FFFFFFF, v28;
	v3 =	vand.u32 $0x7FFFFFFF, v3  }
0x15e: {  	v32 =	vld [tilespmem:s31+$0xA440];
	v1 =	vadd.f32 v2, v1;
	v2 =	vsub.f32 v3, v11;
	v3 =	vmul.f32 v4, v22  }
0x15f: {  	v36 =	vld [tilespmem:s31+$0xA450];
	v34 =	vsub.f32 v29, v27  }
0x160: {  	v8 =	vand.u32 $0x7FFFFFFF, v8;
	v33 =	vld [tilespmem:s31+$0x6430];
	v10 =	vsub.f32 v10, v26;
	v3 =	vadd.f32 v3, v24  }
0x161: {  	v46 =	vsub.f32 v31, v38;
	v35 =	vld [tilespmem:s31+$0x2450];
	v5 =	vmul.f32 v34, v22;
	v6 =	vsub.f32 v24, v30  }
0x162: {  	v53 =	vld [tilespmem:s31+$0x2490];
	v1 =	vadd.f32 v2, v1;
	v2 =	vand.u32 $0x7FFFFFFF, v10;
	v3 =	vsub.f32 v3, v30  }
0x163: {  	v54 =	vld [tilespmem:s31+$0xA490];
	v37 =	vbroadcast v0, $0x1;
	v4 =	vsub.f32 v32, v31;
	v2 =	vsub.f32 v2, v8  }
0x164: {  	v39 =	vld [tilespmem:s31+$0x2460];
	v5 =	vadd.f32 v5, v27;
	v6 =	vand.u32 $0x7FFFFFFF, v6;
	v3 =	vand.u32 $0x7FFFFFFF, v3  }
0x165: {  	v40 =	vld [tilespmem:s31+$0xA460];
	v1 =	vadd.f32 v2, v1;
	v2 =	vsub.f32 v3, v6;
	v3 =	vmul.f32 v4, v37  }
0x166: {  	v42 =	vld [tilespmem:s31+$0x6450];
	v41 =	vsub.f32 v27, v33;
	v43 =	vsub.f32 v36, v35  }
0x167: {  	v47 =	vld [tilespmem:s31+$0xA470];
	v5 =	vsub.f32 v5, v33;
	v3 =	vadd.f32 v3, v31  }
0x168: {  	v44 =	vand.u32 $0x7FFFFFFF, v41;
	v45 =	vld [tilespmem:s31+$0x2470];
	v61 =	vsub.f32 v54, v53;
	v9 =	vmul.f32 v43, v37  }
0x169: {  	v1 =	vadd.f32 v2, v1;
	v2 =	vand.u32 $0x7FFFFFFF, v5;
	v3 =	vsub.f32 v3, v38  }
0x16a: {  	v48 =	vld [tilespmem:s31+$0x6460];
	v4 =	vsub.f32 v40, v39;
	v2 =	vsub.f32 v2, v44  }
0x16b: {  	v50 =	vld [tilespmem:s31+$0xA480];
	v9 =	vadd.f32 v9, v35;
	v11 =	vand.u32 $0x7FFFFFFF, v46;
	v3 =	vand.u32 $0x7FFFFFFF, v3  }
0x16c: {  	v49 =	vld [tilespmem:s31+$0x2480];
	v1 =	vadd.f32 v2, v1;
	v2 =	vsub.f32 v3, v11;
	v3 =	vmul.f32 v4, v37  }
0x16d: {  	v52 =	vsub.f32 v47, v45;
	v7 =	vsub.f32 v35, v42  }
0x16e: {  	v56 =	vld [tilespmem:s31+$0x6480];
	v9 =	vsub.f32 v9, v42;
	v3 =	vadd.f32 v3, v39  }
0x16f: {  	v51 =	vld [tilespmem:s31+$0x6470];
	v7 =	vand.u32 $0x7FFFFFFF, v7;
	v8 =	vmul.f32 v52, v37;
	v5 =	vsub.f32 v39, v48  }
0x170: {  	v19 =	vld [tilespmem:s31+$0x24C0];
	v1 =	vadd.f32 v2, v1;
	v2 =	vand.u32 $0x7FFFFFFF, v9;
	v3 =	vsub.f32 v3, v48  }
0x171: {  	v55 =	vbroadcast v0, $0x2;
	v26 =	vld [tilespmem:s31+$0x64C0];
	v4 =	vsub.f32 v50, v49;
	v2 =	vsub.f32 v2, v7  }
0x172: {  	v58 =	vld [tilespmem:s31+$0xA4A0];
	v8 =	vadd.f32 v8, v45;
	v5 =	vand.u32 $0x7FFFFFFF, v5;
	v3 =	vand.u32 $0x7FFFFFFF, v3  }
0x173: {  	v57 =	vld [tilespmem:s31+$0x24A0];
	v1 =	vadd.f32 v2, v1;
	v2 =	vsub.f32 v3, v5;
	v3 =	vmul.f32 v4, v55  }
0x174: {  	v60 =	vld [tilespmem:s31+$0x6490];
	v16 =	vsub.f32 v49, v56;
	v6 =	vsub.f32 v45, v51  }
0x175: {  	v17 =	vld [tilespmem:s31+$0xA4B0];
	v59 =	vsub.f32 v8, v51;
	v3 =	vadd.f32 v3, v49  }
0x176: {  	v63 =	vld [tilespmem:s31+$0x24B0];
	v34 =	vsub.f32 v19, v26;
	v10 =	vmul.f32 v61, v55;
	v62 =	vand.u32 $0x7FFFFFFF, v6  }
0x177: {  	v1 =	vadd.f32 v2, v1;
	v2 =	vand.u32 $0x7FFFFFFF, v59;
	v3 =	vsub.f32 v3, v56  }
0x178: {  	v18 =	vld [tilespmem:s31+$0x64A0];
	v4 =	vsub.f32 v58, v57;
	v2 =	vsub.f32 v2, v62  }
0x179: {  	v10 =	vadd.f32 v10, v53;
	v11 =	vand.u32 $0x7FFFFFFF, v16;
	v3 =	vand.u32 $0x7FFFFFFF, v3  }
0x17a: {  	v20 =	vld [tilespmem:s31+$0xA4C0];
	v1 =	vadd.f32 v2, v1;
	v2 =	vsub.f32 v3, v11;
	v3 =	vmul.f32 v4, v55  }
0x17b: {  	v21 =	vld [tilespmem:s31+$0x64B0];
	v22 =	vsub.f32 v17, v63;
	v8 =	vsub.f32 v53, v60  }
0x17c: {  	v23 =	vld [tilespmem:s31+$0x24D0];
	v10 =	vsub.f32 v10, v60;
	v3 =	vadd.f32 v3, v57  }
0x17d: {  	v24 =	vld [tilespmem:s31+$0xA4D0];
	v8 =	vand.u32 $0x7FFFFFFF, v8;
	v7 =	vmul.f32 v22, v55;
	v5 =	vsub.f32 v57, v18  }
0x17e: {  	v33 =	vld [tilespmem:s31+$0x24F0];
	v1 =	vadd.f32 v2, v1;
	v2 =	vand.u32 $0x7FFFFFFF, v10;
	v3 =	vsub.f32 v3, v18  }
0x17f: {  	v25 =	vbroadcast v0, $0x3;
	v35 =	vld [tilespmem:s31+$0xA4F0];
	v4 =	vsub.f32 v20, v19;
	v2 =	vsub.f32 v2, v8  }
0x180: {  	v27 =	vld [tilespmem:s31+$0x24E0];
	v7 =	vadd.f32 v7, v63;
	v5 =	vand.u32 $0x7FFFFFFF, v5;
	v3 =	vand.u32 $0x7FFFFFFF, v3  }
0x181: {  	v28 =	vld [tilespmem:s31+$0xA4E0];
	v1 =	vadd.f32 v2, v1;
	v2 =	vsub.f32 v3, v5;
	v3 =	vmul.f32 v4, v25  }
0x182: {  	v30 =	vld [tilespmem:s31+$0x64D0];
	v6 =	vsub.f32 v63, v21;
	v31 =	vsub.f32 v24, v23  }
0x183: {  	v44 =	vld [tilespmem:s31+$0x6500];
	v29 =	vsub.f32 v7, v21;
	v3 =	vadd.f32 v3, v19  }
0x184: {  	v40 =	vsub.f32 v35, v33;
	v32 =	vand.u32 $0x7FFFFFFF, v6;
	v37 =	vld [tilespmem:s31+$0x2500];
	v9 =	vmul.f32 v31, v25  }
0x185: {  	v1 =	vadd.f32 v2, v1;
	v2 =	vand.u32 $0x7FFFFFFF, v29;
	v3 =	vsub.f32 v3, v26  }
0x186: {  	v36 =	vld [tilespmem:s31+$0x64E0];
	v4 =	vsub.f32 v28, v27;
	v2 =	vsub.f32 v2, v32  }
0x187: {  	v9 =	vadd.f32 v9, v23;
	v11 =	vand.u32 $0x7FFFFFFF, v34;
	v3 =	vand.u32 $0x7FFFFFFF, v3  }
0x188: {  	v38 =	vld [tilespmem:s31+$0xA500];
	v1 =	vadd.f32 v2, v1;
	v2 =	vsub.f32 v3, v11;
	v3 =	vmul.f32 v4, v25  }
0x189: {  	v41 =	vld [tilespmem:s31+$0x2510];
	v52 =	vsub.f32 v37, v44;
	v7 =	vsub.f32 v23, v30  }
0x18a: {  	v42 =	vld [tilespmem:s31+$0xA510];
	v9 =	vsub.f32 v9, v30;
	v3 =	vadd.f32 v3, v27  }
0x18b: {  	v39 =	vld [tilespmem:s31+$0x64F0];
	v7 =	vand.u32 $0x7FFFFFFF, v7;
	v8 =	vmul.f32 v40, v25;
	v5 =	vsub.f32 v27, v36  }
0x18c: {  	v51 =	vld [tilespmem:s31+$0x2530];
	v1 =	vadd.f32 v2, v1;
	v2 =	vand.u32 $0x7FFFFFFF, v9;
	v3 =	vsub.f32 v3, v36  }
0x18d: {  	v43 =	vbroadcast v0, $0x4;
	v53 =	vld [tilespmem:s31+$0xA530];
	v4 =	vsub.f32 v38, v37;
	v2 =	vsub.f32 v2, v7  }
0x18e: {  	v46 =	vld [tilespmem:s31+$0xA520];
	v8 =	vadd.f32 v8, v33;
	v5 =	vand.u32 $0x7FFFFFFF, v5;
	v3 =	vand.u32 $0x7FFFFFFF, v3  }
0x18f: {  	v45 =	vld [tilespmem:s31+$0x2520];
	v1 =	vadd.f32 v2, v1;
	v2 =	vsub.f32 v3, v5;
	v3 =	vmul.f32 v4, v43  }
0x190: {  	v48 =	vld [tilespmem:s31+$0x6510];
	v6 =	vsub.f32 v33, v39;
	v49 =	vsub.f32 v42, v41  }
0x191: {  	v62 =	vld [tilespmem:s31+$0x6540];
	v47 =	vsub.f32 v8, v39;
	v3 =	vadd.f32 v3, v37  }
0x192: {  	v58 =	vsub.f32 v53, v51;
	v50 =	vand.u32 $0x7FFFFFFF, v6;
	v55 =	vld [tilespmem:s31+$0x2540];
	v10 =	vmul.f32 v49, v43  }
0x193: {  	v1 =	vadd.f32 v2, v1;
	v2 =	vand.u32 $0x7FFFFFFF, v47;
	v3 =	vsub.f32 v3, v44  }
0x194: {  	v54 =	vld [tilespmem:s31+$0x6520];
	v4 =	vsub.f32 v46, v45;
	v2 =	vsub.f32 v2, v50  }
0x195: {  	v10 =	vadd.f32 v10, v41;
	v11 =	vand.u32 $0x7FFFFFFF, v52;
	v3 =	vand.u32 $0x7FFFFFFF, v3  }
0x196: {  	v56 =	vld [tilespmem:s31+$0xA540];
	v1 =	vadd.f32 v2, v1;
	v2 =	vsub.f32 v3, v11;
	v3 =	vmul.f32 v4, v43  }
0x197: {  	v60 =	vld [tilespmem:s31+$0xA550];
	v22 =	vsub.f32 v55, v62;
	v8 =	vsub.f32 v41, v48  }
0x198: {  	v59 =	vld [tilespmem:s31+$0x2550];
	v10 =	vsub.f32 v10, v48;
	v3 =	vadd.f32 v3, v45  }
0x199: {  	v57 =	vld [tilespmem:s31+$0x6530];
	v8 =	vand.u32 $0x7FFFFFFF, v8;
	v7 =	vmul.f32 v58, v43;
	v5 =	vsub.f32 v45, v54  }
0x19a: {  	v21 =	vld [tilespmem:s31+$0x2570];
	v1 =	vadd.f32 v2, v1;
	v2 =	vand.u32 $0x7FFFFFFF, v10;
	v3 =	vsub.f32 v3, v54  }
0x19b: {  	v61 =	vbroadcast v0, $0x5;
	v23 =	vld [tilespmem:s31+$0xA570];
	v4 =	vsub.f32 v56, v55;
	v2 =	vsub.f32 v2, v8  }
0x19c: {  	v16 =	vld [tilespmem:s31+$0xA560];
	v7 =	vadd.f32 v7, v51;
	v5 =	vand.u32 $0x7FFFFFFF, v5;
	v3 =	vand.u32 $0x7FFFFFFF, v3  }
0x19d: {  	v63 =	vld [tilespmem:s31+$0x2560];
	v1 =	vadd.f32 v2, v1;
	v2 =	vsub.f32 v3, v5;
	v3 =	vmul.f32 v4, v61  }
0x19e: {  	v18 =	vld [tilespmem:s31+$0x6550];
	v6 =	vsub.f32 v51, v57;
	v19 =	vsub.f32 v60, v59  }
0x19f: {  	v32 =	vld [tilespmem:s31+$0x6580];
	v17 =	vsub.f32 v7, v57;
	v3 =	vadd.f32 v3, v55  }
0x1a0: {  	v28 =	vsub.f32 v23, v21;
	v20 =	vand.u32 $0x7FFFFFFF, v6;
	v25 =	vld [tilespmem:s31+$0x2580];
	v9 =	vmul.f32 v19, v61  }
0x1a1: {  	v1 =	vadd.f32 v2, v1;
	v2 =	vand.u32 $0x7FFFFFFF, v17;
	v3 =	vsub.f32 v3, v62  }
0x1a2: {  	v24 =	vld [tilespmem:s31+$0x6560];
	v4 =	vsub.f32 v16, v63;
	v2 =	vsub.f32 v2, v20  }
0x1a3: {  	v9 =	vadd.f32 v9, v59;
	v11 =	vand.u32 $0x7FFFFFFF, v22;
	v3 =	vand.u32 $0x7FFFFFFF, v3  }
0x1a4: {  	v26 =	vld [tilespmem:s31+$0xA580];
	v1 =	vadd.f32 v2, v1;
	v2 =	vsub.f32 v3, v11;
	v3 =	vmul.f32 v4, v61  }
0x1a5: {  	v30 =	vld [tilespmem:s31+$0xA590];
	v40 =	vsub.f32 v25, v32;
	v7 =	vsub.f32 v59, v18  }
0x1a6: {  	v29 =	vld [tilespmem:s31+$0x2590];
	v9 =	vsub.f32 v9, v18;
	v3 =	vadd.f32 v3, v63  }
0x1a7: {  	v27 =	vld [tilespmem:s31+$0x6570];
	v7 =	vand.u32 $0x7FFFFFFF, v7;
	v8 =	vmul.f32 v28, v61;
	v5 =	vsub.f32 v63, v24  }
0x1a8: {  	v39 =	vld [tilespmem:s31+$0x25B0];
	v1 =	vadd.f32 v2, v1;
	v2 =	vand.u32 $0x7FFFFFFF, v9;
	v3 =	vsub.f32 v3, v24  }
0x1a9: {  	v31 =	vbroadcast v0, $0x6;
	v41 =	vld [tilespmem:s31+$0xA5B0];
	v4 =	vsub.f32 v26, v25;
	v2 =	vsub.f32 v2, v7  }
0x1aa: {  	v34 =	vld [tilespmem:s31+$0xA5A0];
	v8 =	vadd.f32 v8, v21;
	v5 =	vand.u32 $0x7FFFFFFF, v5;
	v3 =	vand.u32 $0x7FFFFFFF, v3  }
0x1ab: {  	v33 =	vld [tilespmem:s31+$0x25A0];
	v1 =	vadd.f32 v2, v1;
	v2 =	vsub.f32 v3, v5;
	v3 =	vmul.f32 v4, v31  }
0x1ac: {  	v36 =	vld [tilespmem:s31+$0x6590];
	v6 =	vsub.f32 v21, v27;
	v37 =	vsub.f32 v30, v29  }
0x1ad: {  	v50 =	vld [tilespmem:s31+$0x65C0];
	v35 =	vsub.f32 v8, v27;
	v3 =	vadd.f32 v3, v25  }
0x1ae: {  	v46 =	vsub.f32 v41, v39;
	v38 =	vand.u32 $0x7FFFFFFF, v6;
	v43 =	vld [tilespmem:s31+$0x25C0];
	v10 =	vmul.f32 v37, v31  }
0x1af: {  	v1 =	vadd.f32 v2, v1;
	v2 =	vand.u32 $0x7FFFFFFF, v35;
	v3 =	vsub.f32 v3, v32  }
0x1b0: {  	v42 =	vld [tilespmem:s31+$0x65A0];
	v4 =	vsub.f32 v34, v33;
	v2 =	vsub.f32 v2, v38  }
0x1b1: {  	v10 =	vadd.f32 v10, v29;
	v11 =	vand.u32 $0x7FFFFFFF, v40;
	v3 =	vand.u32 $0x7FFFFFFF, v3  }
0x1b2: {  	v44 =	vld [tilespmem:s31+$0xA5C0];
	v1 =	vadd.f32 v2, v1;
	v2 =	vsub.f32 v3, v11;
	v3 =	vmul.f32 v4, v31  }
0x1b3: {  	v48 =	vld [tilespmem:s31+$0xA5D0];
	v58 =	vsub.f32 v43, v50;
	v8 =	vsub.f32 v29, v36  }
0x1b4: {  	v47 =	vld [tilespmem:s31+$0x25D0];
	v10 =	vsub.f32 v10, v36;
	v3 =	vadd.f32 v3, v33  }
0x1b5: {  	v45 =	vld [tilespmem:s31+$0x65B0];
	v8 =	vand.u32 $0x7FFFFFFF, v8;
	v7 =	vmul.f32 v46, v31;
	v5 =	vsub.f32 v33, v42  }
0x1b6: {  	v57 =	vld [tilespmem:s31+$0x25F0];
	v1 =	vadd.f32 v2, v1;
	v2 =	vand.u32 $0x7FFFFFFF, v10;
	v3 =	vsub.f32 v3, v42  }
0x1b7: {  	v49 =	vbroadcast v0, $0x7;
	v59 =	vld [tilespmem:s31+$0xA5F0];
	v4 =	vsub.f32 v44, v43;
	v2 =	vsub.f32 v2, v8  }
0x1b8: {  	v52 =	vld [tilespmem:s31+$0xA5E0];
	v7 =	vadd.f32 v7, v39;
	v5 =	vand.u32 $0x7FFFFFFF, v5;
	v3 =	vand.u32 $0x7FFFFFFF, v3  }
0x1b9: {  	v51 =	vld [tilespmem:s31+$0x25E0];
	v1 =	vadd.f32 v2, v1;
	v2 =	vsub.f32 v3, v5;
	v3 =	vmul.f32 v4, v49  }
0x1ba: {  	v54 =	vld [tilespmem:s31+$0x65D0];
	v6 =	vsub.f32 v39, v45;
	v55 =	vsub.f32 v48, v47  }
0x1bb: {  	v20 =	vld [tilespmem:s31+$0x6600];
	v53 =	vsub.f32 v7, v45;
	v3 =	vadd.f32 v3, v43  }
0x1bc: {  	v16 =	vsub.f32 v59, v57;
	v56 =	vand.u32 $0x7FFFFFFF, v6;
	v61 =	vld [tilespmem:s31+$0x2600];
	v9 =	vmul.f32 v55, v49  }
0x1bd: {  	v1 =	vadd.f32 v2, v1;
	v2 =	vand.u32 $0x7FFFFFFF, v53;
	v3 =	vsub.f32 v3, v50  }
0x1be: {  	v60 =	vld [tilespmem:s31+$0x65E0];
	v4 =	vsub.f32 v52, v51;
	v2 =	vsub.f32 v2, v56  }
0x1bf: {  	v9 =	vadd.f32 v9, v47;
	v11 =	vand.u32 $0x7FFFFFFF, v58;
	v3 =	vand.u32 $0x7FFFFFFF, v3  }
0x1c0: {  	v62 =	vld [tilespmem:s31+$0xA600];
	v1 =	vadd.f32 v2, v1;
	v2 =	vsub.f32 v3, v11;
	v3 =	vmul.f32 v4, v49  }
0x1c1: {  	v18 =	vld [tilespmem:s31+$0xA610];
	v28 =	vsub.f32 v61, v20;
	v7 =	vsub.f32 v47, v54  }
0x1c2: {  	v17 =	vld [tilespmem:s31+$0x2610];
	v9 =	vsub.f32 v9, v54;
	v3 =	vadd.f32 v3, v51  }
0x1c3: {  	v63 =	vld [tilespmem:s31+$0x65F0];
	v7 =	vand.u32 $0x7FFFFFFF, v7;
	v8 =	vmul.f32 v16, v49;
	v5 =	vsub.f32 v51, v60  }
0x1c4: {  	v27 =	vld [tilespmem:s31+$0x2630];
	v1 =	vadd.f32 v2, v1;
	v2 =	vand.u32 $0x7FFFFFFF, v9;
	v3 =	vsub.f32 v3, v60  }
0x1c5: {  	v19 =	vbroadcast v0, $0x8;
	v29 =	vld [tilespmem:s31+$0xA630];
	v4 =	vsub.f32 v62, v61;
	v2 =	vsub.f32 v2, v7  }
0x1c6: {  	v22 =	vld [tilespmem:s31+$0xA620];
	v8 =	vadd.f32 v8, v57;
	v5 =	vand.u32 $0x7FFFFFFF, v5;
	v3 =	vand.u32 $0x7FFFFFFF, v3  }
0x1c7: {  	v21 =	vld [tilespmem:s31+$0x2620];
	v1 =	vadd.f32 v2, v1;
	v2 =	vsub.f32 v3, v5;
	v3 =	vmul.f32 v4, v19  }
0x1c8: {  	v24 =	vld [tilespmem:s31+$0x6610];
	v6 =	vsub.f32 v57, v63;
	v25 =	vsub.f32 v18, v17  }
0x1c9: {  	v38 =	vld [tilespmem:s31+$0x6640];
	v23 =	vsub.f32 v8, v63;
	v3 =	vadd.f32 v3, v61  }
0x1ca: {  	v34 =	vsub.f32 v29, v27;
	v26 =	vand.u32 $0x7FFFFFFF, v6;
	v31 =	vld [tilespmem:s31+$0x2640];
	v10 =	vmul.f32 v25, v19  }
0x1cb: {  	v1 =	vadd.f32 v2, v1;
	v2 =	vand.u32 $0x7FFFFFFF, v23;
	v3 =	vsub.f32 v3, v20  }
0x1cc: {  	v30 =	vld [tilespmem:s31+$0x6620];
	v4 =	vsub.f32 v22, v21;
	v2 =	vsub.f32 v2, v26  }
0x1cd: {  	v10 =	vadd.f32 v10, v17;
	v11 =	vand.u32 $0x7FFFFFFF, v28;
	v3 =	vand.u32 $0x7FFFFFFF, v3  }
0x1ce: {  	v32 =	vld [tilespmem:s31+$0xA640];
	v1 =	vadd.f32 v2, v1;
	v2 =	vsub.f32 v3, v11;
	v3 =	vmul.f32 v4, v19  }
0x1cf: {  	v36 =	vld [tilespmem:s31+$0xA650];
	v46 =	vsub.f32 v31, v38;
	v8 =	vsub.f32 v17, v24  }
0x1d0: {  	v35 =	vld [tilespmem:s31+$0x2650];
	v10 =	vsub.f32 v10, v24;
	v3 =	vadd.f32 v3, v21  }
0x1d1: {  	v33 =	vld [tilespmem:s31+$0x6630];
	v8 =	vand.u32 $0x7FFFFFFF, v8;
	v7 =	vmul.f32 v34, v19;
	v5 =	vsub.f32 v21, v30  }
0x1d2: {  	v45 =	vld [tilespmem:s31+$0x2670];
	v1 =	vadd.f32 v2, v1;
	v2 =	vand.u32 $0x7FFFFFFF, v10;
	v3 =	vsub.f32 v3, v30  }
0x1d3: {  	v37 =	vbroadcast v0, $0x9;
	v47 =	vld [tilespmem:s31+$0xA670];
	v4 =	vsub.f32 v32, v31;
	v2 =	vsub.f32 v2, v8  }
0x1d4: {  	v40 =	vld [tilespmem:s31+$0xA660];
	v7 =	vadd.f32 v7, v27;
	v5 =	vand.u32 $0x7FFFFFFF, v5;
	v3 =	vand.u32 $0x7FFFFFFF, v3  }
0x1d5: {  	v39 =	vld [tilespmem:s31+$0x2660];
	v1 =	vadd.f32 v2, v1;
	v2 =	vsub.f32 v3, v5;
	v3 =	vmul.f32 v4, v37  }
0x1d6: {  	v42 =	vld [tilespmem:s31+$0x6650];
	v6 =	vsub.f32 v27, v33;
	v43 =	vsub.f32 v36, v35  }
0x1d7: {  	v56 =	vld [tilespmem:s31+$0x6680];
	v41 =	vsub.f32 v7, v33;
	v3 =	vadd.f32 v3, v31  }
0x1d8: {  	v52 =	vsub.f32 v47, v45;
	v44 =	vand.u32 $0x7FFFFFFF, v6;
	v49 =	vld [tilespmem:s31+$0x2680];
	v9 =	vmul.f32 v43, v37  }
0x1d9: {  	v1 =	vadd.f32 v2, v1;
	v2 =	vand.u32 $0x7FFFFFFF, v41;
	v3 =	vsub.f32 v3, v38  }
0x1da: {  	v48 =	vld [tilespmem:s31+$0x6660];
	v4 =	vsub.f32 v40, v39;
	v2 =	vsub.f32 v2, v44  }
0x1db: {  	v9 =	vadd.f32 v9, v35;
	v11 =	vand.u32 $0x7FFFFFFF, v46;
	v3 =	vand.u32 $0x7FFFFFFF, v3  }
0x1dc: {  	v50 =	vld [tilespmem:s31+$0xA680];
	v1 =	vadd.f32 v2, v1;
	v2 =	vsub.f32 v3, v11;
	v3 =	vmul.f32 v4, v37  }
0x1dd: {  	v54 =	vld [tilespmem:s31+$0xA690];
	v16 =	vsub.f32 v49, v56;
	v7 =	vsub.f32 v35, v42  }
0x1de: {  	v53 =	vld [tilespmem:s31+$0x2690];
	v9 =	vsub.f32 v9, v42;
	v3 =	vadd.f32 v3, v39  }
0x1df: {  	v51 =	vld [tilespmem:s31+$0x6670];
	v7 =	vand.u32 $0x7FFFFFFF, v7;
	v8 =	vmul.f32 v52, v37;
	v5 =	vsub.f32 v39, v48  }
0x1e0: {  	v63 =	vld [tilespmem:s31+$0x26B0];
	v1 =	vadd.f32 v2, v1;
	v2 =	vand.u32 $0x7FFFFFFF, v9;
	v3 =	vsub.f32 v3, v48  }
0x1e1: {  	v55 =	vbroadcast v0, $0xA;
	v17 =	vld [tilespmem:s31+$0xA6B0];
	v4 =	vsub.f32 v50, v49;
	v2 =	vsub.f32 v2, v7  }
0x1e2: {  	v58 =	vld [tilespmem:s31+$0xA6A0];
	v8 =	vadd.f32 v8, v45;
	v5 =	vand.u32 $0x7FFFFFFF, v5;
	v3 =	vand.u32 $0x7FFFFFFF, v3  }
0x1e3: {  	v57 =	vld [tilespmem:s31+$0x26A0];
	v1 =	vadd.f32 v2, v1;
	v2 =	vsub.f32 v3, v5;
	v3 =	vmul.f32 v4, v55  }
0x1e4: {  	v60 =	vld [tilespmem:s31+$0x6690];
	v6 =	vsub.f32 v45, v51;
	v61 =	vsub.f32 v54, v53  }
0x1e5: {  	v26 =	vld [tilespmem:s31+$0x66C0];
	v59 =	vsub.f32 v8, v51;
	v3 =	vadd.f32 v3, v49  }
0x1e6: {  	v22 =	vsub.f32 v17, v63;
	v62 =	vand.u32 $0x7FFFFFFF, v6;
	v19 =	vld [tilespmem:s31+$0x26C0];
	v10 =	vmul.f32 v61, v55  }
0x1e7: {  	v1 =	vadd.f32 v2, v1;
	v2 =	vand.u32 $0x7FFFFFFF, v59;
	v3 =	vsub.f32 v3, v56  }
0x1e8: {  	v18 =	vld [tilespmem:s31+$0x66A0];
	v4 =	vsub.f32 v58, v57;
	v2 =	vsub.f32 v2, v62  }
0x1e9: {  	v10 =	vadd.f32 v10, v53;
	v11 =	vand.u32 $0x7FFFFFFF, v16;
	v3 =	vand.u32 $0x7FFFFFFF, v3  }
0x1ea: {  	v20 =	vld [tilespmem:s31+$0xA6C0];
	v1 =	vadd.f32 v2, v1;
	v2 =	vsub.f32 v3, v11;
	v3 =	vmul.f32 v4, v55  }
0x1eb: {  	v24 =	vld [tilespmem:s31+$0xA6D0];
	v34 =	vsub.f32 v19, v26;
	v8 =	vsub.f32 v53, v60  }
0x1ec: {  	v23 =	vld [tilespmem:s31+$0x26D0];
	v10 =	vsub.f32 v10, v60;
	v3 =	vadd.f32 v3, v57  }
0x1ed: {  	v21 =	vld [tilespmem:s31+$0x66B0];
	v8 =	vand.u32 $0x7FFFFFFF, v8;
	v7 =	vmul.f32 v22, v55;
	v5 =	vsub.f32 v57, v18  }
0x1ee: {  	v33 =	vld [tilespmem:s31+$0x26F0];
	v1 =	vadd.f32 v2, v1;
	v2 =	vand.u32 $0x7FFFFFFF, v10;
	v3 =	vsub.f32 v3, v18  }
0x1ef: {  	v25 =	vbroadcast v0, $0xB;
	v35 =	vld [tilespmem:s31+$0xA6F0];
	v4 =	vsub.f32 v20, v19;
	v2 =	vsub.f32 v2, v8  }
0x1f0: {  	v28 =	vld [tilespmem:s31+$0xA6E0];
	v7 =	vadd.f32 v7, v63;
	v5 =	vand.u32 $0x7FFFFFFF, v5;
	v3 =	vand.u32 $0x7FFFFFFF, v3  }
0x1f1: {  	v27 =	vld [tilespmem:s31+$0x26E0];
	v1 =	vadd.f32 v2, v1;
	v2 =	vsub.f32 v3, v5;
	v3 =	vmul.f32 v4, v25  }
0x1f2: {  	v30 =	vld [tilespmem:s31+$0x66D0];
	v6 =	vsub.f32 v63, v21;
	v31 =	vsub.f32 v24, v23  }
0x1f3: {  	v44 =	vld [tilespmem:s31+$0x6700];
	v29 =	vsub.f32 v7, v21;
	v3 =	vadd.f32 v3, v19  }
0x1f4: {  	v40 =	vsub.f32 v35, v33;
	v32 =	vand.u32 $0x7FFFFFFF, v6;
	v37 =	vld [tilespmem:s31+$0x2700];
	v9 =	vmul.f32 v31, v25  }
0x1f5: {  	v1 =	vadd.f32 v2, v1;
	v2 =	vand.u32 $0x7FFFFFFF, v29;
	v3 =	vsub.f32 v3, v26  }
0x1f6: {  	v36 =	vld [tilespmem:s31+$0x66E0];
	v4 =	vsub.f32 v28, v27;
	v2 =	vsub.f32 v2, v32  }
0x1f7: {  	v9 =	vadd.f32 v9, v23;
	v11 =	vand.u32 $0x7FFFFFFF, v34;
	v3 =	vand.u32 $0x7FFFFFFF, v3  }
0x1f8: {  	v38 =	vld [tilespmem:s31+$0xA700];
	v1 =	vadd.f32 v2, v1;
	v2 =	vsub.f32 v3, v11;
	v3 =	vmul.f32 v4, v25  }
0x1f9: {  	v42 =	vld [tilespmem:s31+$0xA710];
	v52 =	vsub.f32 v37, v44;
	v7 =	vsub.f32 v23, v30  }
0x1fa: {  	v41 =	vld [tilespmem:s31+$0x2710];
	v9 =	vsub.f32 v9, v30;
	v3 =	vadd.f32 v3, v27  }
0x1fb: {  	v39 =	vld [tilespmem:s31+$0x66F0];
	v7 =	vand.u32 $0x7FFFFFFF, v7;
	v8 =	vmul.f32 v40, v25;
	v5 =	vsub.f32 v27, v36  }
0x1fc: {  	v51 =	vld [tilespmem:s31+$0x2730];
	v1 =	vadd.f32 v2, v1;
	v2 =	vand.u32 $0x7FFFFFFF, v9;
	v3 =	vsub.f32 v3, v36  }
0x1fd: {  	v43 =	vbroadcast v0, $0xC;
	v53 =	vld [tilespmem:s31+$0xA730];
	v4 =	vsub.f32 v38, v37;
	v2 =	vsub.f32 v2, v7  }
0x1fe: {  	v46 =	vld [tilespmem:s31+$0xA720];
	v8 =	vadd.f32 v8, v33;
	v5 =	vand.u32 $0x7FFFFFFF, v5;
	v3 =	vand.u32 $0x7FFFFFFF, v3  }
0x1ff: {  	v45 =	vld [tilespmem:s31+$0x2720];
	v1 =	vadd.f32 v2, v1;
	v2 =	vsub.f32 v3, v5;
	v3 =	vmul.f32 v4, v43  }
0x200: {  	v48 =	vld [tilespmem:s31+$0x6710];
	v6 =	vsub.f32 v33, v39;
	v49 =	vsub.f32 v42, v41  }
0x201: {  	v62 =	vld [tilespmem:s31+$0x6740];
	v47 =	vsub.f32 v8, v39;
	v3 =	vadd.f32 v3, v37  }
0x202: {  	v58 =	vsub.f32 v53, v51;
	v50 =	vand.u32 $0x7FFFFFFF, v6;
	v55 =	vld [tilespmem:s31+$0x2740];
	v10 =	vmul.f32 v49, v43  }
0x203: {  	v1 =	vadd.f32 v2, v1;
	v2 =	vand.u32 $0x7FFFFFFF, v47;
	v3 =	vsub.f32 v3, v44  }
0x204: {  	v54 =	vld [tilespmem:s31+$0x6720];
	v4 =	vsub.f32 v46, v45;
	v2 =	vsub.f32 v2, v50  }
0x205: {  	v10 =	vadd.f32 v10, v41;
	v11 =	vand.u32 $0x7FFFFFFF, v52;
	v3 =	vand.u32 $0x7FFFFFFF, v3  }
0x206: {  	v56 =	vld [tilespmem:s31+$0xA740];
	v1 =	vadd.f32 v2, v1;
	v2 =	vsub.f32 v3, v11;
	v3 =	vmul.f32 v4, v43  }
0x207: {  	v60 =	vld [tilespmem:s31+$0xA750];
	v22 =	vsub.f32 v55, v62;
	v8 =	vsub.f32 v41, v48  }
0x208: {  	v59 =	vld [tilespmem:s31+$0x2750];
	v10 =	vsub.f32 v10, v48;
	v3 =	vadd.f32 v3, v45  }
0x209: {  	v57 =	vld [tilespmem:s31+$0x6730];
	v8 =	vand.u32 $0x7FFFFFFF, v8;
	v7 =	vmul.f32 v58, v43;
	v5 =	vsub.f32 v45, v54  }
0x20a: {  	v21 =	vld [tilespmem:s31+$0x2770];
	v1 =	vadd.f32 v2, v1;
	v2 =	vand.u32 $0x7FFFFFFF, v10;
	v3 =	vsub.f32 v3, v54  }
0x20b: {  	v61 =	vbroadcast v0, $0xD;
	v23 =	vld [tilespmem:s31+$0xA770];
	v4 =	vsub.f32 v56, v55;
	v2 =	vsub.f32 v2, v8  }
0x20c: {  	v16 =	vld [tilespmem:s31+$0xA760];
	v7 =	vadd.f32 v7, v51;
	v5 =	vand.u32 $0x7FFFFFFF, v5;
	v3 =	vand.u32 $0x7FFFFFFF, v3  }
0x20d: {  	v63 =	vld [tilespmem:s31+$0x2760];
	v1 =	vadd.f32 v2, v1;
	v2 =	vsub.f32 v3, v5;
	v3 =	vmul.f32 v4, v61  }
0x20e: {  	v18 =	vld [tilespmem:s31+$0x6750];
	v6 =	vsub.f32 v51, v57;
	v19 =	vsub.f32 v60, v59  }
0x20f: {  	v32 =	vld [tilespmem:s31+$0x6780];
	v17 =	vsub.f32 v7, v57;
	v3 =	vadd.f32 v3, v55  }
0x210: {  	v28 =	vsub.f32 v23, v21;
	v20 =	vand.u32 $0x7FFFFFFF, v6;
	v25 =	vld [tilespmem:s31+$0x2780];
	v9 =	vmul.f32 v19, v61  }
0x211: {  	v1 =	vadd.f32 v2, v1;
	v2 =	vand.u32 $0x7FFFFFFF, v17;
	v3 =	vsub.f32 v3, v62  }
0x212: {  	v24 =	vld [tilespmem:s31+$0x6760];
	v4 =	vsub.f32 v16, v63;
	v2 =	vsub.f32 v2, v20  }
0x213: {  	v9 =	vadd.f32 v9, v59;
	v11 =	vand.u32 $0x7FFFFFFF, v22;
	v3 =	vand.u32 $0x7FFFFFFF, v3  }
0x214: {  	v26 =	vld [tilespmem:s31+$0xA780];
	v1 =	vadd.f32 v2, v1;
	v2 =	vsub.f32 v3, v11;
	v3 =	vmul.f32 v4, v61  }
0x215: {  	v30 =	vld [tilespmem:s31+$0xA790];
	v40 =	vsub.f32 v25, v32;
	v7 =	vsub.f32 v59, v18  }
0x216: {  	v29 =	vld [tilespmem:s31+$0x2790];
	v9 =	vsub.f32 v9, v18;
	v3 =	vadd.f32 v3, v63  }
0x217: {  	v27 =	vld [tilespmem:s31+$0x6770];
	v7 =	vand.u32 $0x7FFFFFFF, v7;
	v8 =	vmul.f32 v28, v61;
	v5 =	vsub.f32 v63, v24  }
0x218: {  	v39 =	vld [tilespmem:s31+$0x27B0];
	v1 =	vadd.f32 v2, v1;
	v2 =	vand.u32 $0x7FFFFFFF, v9;
	v3 =	vsub.f32 v3, v24  }
0x219: {  	v31 =	vbroadcast v0, $0xE;
	v41 =	vld [tilespmem:s31+$0xA7B0];
	v4 =	vsub.f32 v26, v25;
	v2 =	vsub.f32 v2, v7  }
0x21a: {  	v34 =	vld [tilespmem:s31+$0xA7A0];
	v8 =	vadd.f32 v8, v21;
	v5 =	vand.u32 $0x7FFFFFFF, v5;
	v3 =	vand.u32 $0x7FFFFFFF, v3  }
0x21b: {  	v33 =	vld [tilespmem:s31+$0x27A0];
	v1 =	vadd.f32 v2, v1;
	v2 =	vsub.f32 v3, v5;
	v3 =	vmul.f32 v4, v31  }
0x21c: {  	v6 =	vsub.f32 v21, v27;
	v37 =	vsub.f32 v30, v29  }
0x21d: {  	v36 =	vld [tilespmem:s31+$0x6790];
	v35 =	vsub.f32 v8, v27;
	v3 =	vadd.f32 v3, v25  }
0x21e: {  	v46 =	vld [tilespmem:s31+$0x67B0];
	v38 =	vand.u32 $0x7FFFFFFF, v6;
	v10 =	vmul.f32 v37, v31;
	v45 =	vsub.f32 v41, v39  }
0x21f: {  	v1 =	vadd.f32 v2, v1;
	v2 =	vand.u32 $0x7FFFFFFF, v35;
	v3 =	vsub.f32 v3, v32  }
0x220: {  	v42 =	vld [tilespmem:s31+$0x67A0];
	v4 =	vsub.f32 v34, v33;
	v2 =	vsub.f32 v2, v38  }
0x221: {  	v44 =	vld [tilespmem:s31+$0xA7C0];
	v10 =	vadd.f32 v10, v29;
	v11 =	vand.u32 $0x7FFFFFFF, v40;
	v3 =	vand.u32 $0x7FFFFFFF, v3  }
0x222: {  	v43 =	vld [tilespmem:s31+$0x27C0];
	v1 =	vadd.f32 v2, v1;
	v2 =	vsub.f32 v3, v11;
	v3 =	vmul.f32 v4, v31  }
0x223: {  	v6 =	vsub.f32 v39, v46;
	v8 =	vsub.f32 v29, v36;
	v7 =	vmul.f32 v45, v31  }
0x224: {  	v10 =	vsub.f32 v10, v36;
	v3 =	vadd.f32 v3, v33  }
0x225: {  	v49 =	vld [tilespmem:s31+$0xA7D0];
	v8 =	vand.u32 $0x7FFFFFFF, v8;
	v7 =	vadd.f32 v7, v39;
	v5 =	vsub.f32 v33, v42  }
0x226: {  	v48 =	vld [tilespmem:s31+$0x27D0];
	v1 =	vadd.f32 v2, v1;
	v2 =	vand.u32 $0x7FFFFFFF, v10;
	v3 =	vsub.f32 v3, v42  }
0x227: {  	v0 =	vbroadcast v0, $0xF;
	v52 =	vld [tilespmem:s31+$0xA7E0];
	v4 =	vsub.f32 v44, v43;
	v2 =	vsub.f32 v2, v8  }
0x228: {  	v47 =	vld [tilespmem:s31+$0x67C0];
	v51 =	vsub.f32 v7, v46;
	v5 =	vand.u32 $0x7FFFFFFF, v5;
	v3 =	vand.u32 $0x7FFFFFFF, v3  }
0x229: {  	v50 =	vld [tilespmem:s31+$0x27E0];
	v1 =	vadd.f32 v2, v1;
	v2 =	vsub.f32 v3, v5;
	v3 =	vmul.f32 v4, v0  }
0x22a: {  	v53 =	vld [tilespmem:s31+$0x27F0];
	v54 =	vand.u32 $0x7FFFFFFF, v6  }
0x22b: {  	v55 =	vld [tilespmem:s31+$0xA7F0];
	v3 =	vadd.f32 v3, v43;
	v1 =	vadd.f32 v2, v1;
	v2 =	vand.u32 $0x7FFFFFFF, v51  }
0x22c: {  	v57 =	vsub.f32 v49, v48;
	v2 =	vsub.f32 v2, v54  }
0x22d: {  	v56 =	vsub.f32 v43, v47;
	v3 =	vsub.f32 v3, v47  }
0x22e: {  	v7 =	vsub.f32 v52, v50;
	v1 =	vadd.f32 v2, v1;
	v2 =	vld [tilespmem:s31+$0x67D0]  }
0x22f: {  	v58 =	vld [tilespmem:s31+$0x67E0];
	v9 =	vmul.f32 v57, v0;
	v5 =	vand.u32 $0x7FFFFFFF, v56;
	v3 =	vand.u32 $0x7FFFFFFF, v3  }
0x230: {  	v6 =	vsub.f32 v55, v53;
	v59 =	vmul.f32 v7, v0;
	v3 =	vsub.f32 v3, v5  }
0x231: {  	v61 =	vld [tilespmem:s31+$0x67F0];
	v60 =	vadd.f32 v9, v48  }
0x232: {  	v0 =	vmul.f32 v6, v0;
	v1 =	vadd.f32 v3, v1;
	v3 =	vadd.f32 v59, v50  }
0x233: {  	v62 =	vsub.f32 v60, v2;
	v2 =	vsub.f32 v48, v2  }
0x234: {  	v4 =	vsub.f32 v50, v58;
	v0 =	vadd.f32 v0, v53  }
0x235: {  	v3 =	vsub.f32 v3, v58;
	v5 =	vand.u32 $0x7FFFFFFF, v62;
	v2 =	vand.u32 $0x7FFFFFFF, v2  }
0x236: {  	v63 =	vsub.f32 v53, v61;
	v2 =	vsub.f32 v5, v2  }
0x237: {  	p0 =	sne.s32 s2, $0x7;
	v4 =	vand.u32 $0x7FFFFFFF, v4;
	v0 =	vsub.f32 v0, v61;
	v3 =	vand.u32 $0x7FFFFFFF, v3  }
.Ltmp0:
0x238: {  	v1 =	vadd.f32 v2, v1;
	v2 =	vsub.f32 v3, v4;
	(pc) =	sbr.rel @p0 .LBB2_1-.Ltmp0, $3  }
0x239: {  	v0 =	vand.u32 $0x7FFFFFFF, v0;
	v3 =	vand.u32 $0x7FFFFFFF, v63  }
0x23a: {  	v0 =	vsub.f32 v0, v3;
	v1 =	vadd.f32 v2, v1;
	_ =	sdelay $0x1  }
0x23b: {  	s2 =	sadd.s32 $0x1, s2;
	v1 =	vadd.f32 v0, v1  }
0x23c: {  	s2 =	sshll.u32 s1, $0x1;
	s30 =	simm.s32 $0x0  }
0x23d: {  	s4 =	simm.s32 $0xC400;
	s31 =	simm.s32 $0x2;
	s2 =	sadd.s32 s3, s2;
	[tilespmem:$0xC400] =	vst v1  }
0x23e: {  	[hbm4b:s2+s30] =	stream.linear.scatter [tilespmem:s4], [sflag:$0x2], $0x10, $0x38;
	[tilespmem:$0xDC80] =	vst v63  }
0x23f: {  	_ =	swait.ge [sflag:s31], $0x10  }
0x240: {  	[sflag:s31] =	ssyncset.done $0x0  }
0x241: {  	[sflag:s31] =	ssyncadd.s32 $0xFFFFFFF0  }
0x242: {  	_ =	sfence.sel $0x180000  }
0x243: {  	[bflag:$0x0] =	sbarrier.arrive $0xFFFF  }
0x244: {  	p0 =	sne.s32 s1, $0x0;
	_ =	strace $0x90000047  }
0x245: {  	s0 =	sadd.s32 @!p0 $0x100000, s0;
	[bflag:$0x2] =	sbarrier.arrive $0xFFFF  }
0x246: {  	[sflag:s0] =	ssyncadd.tile.s32 @!p0 $0x1;
	_ =	shalt  }
.Lfunc_end2:
_tile_overlayer_lowered:
.L_overlay_start_2:
0x247: {  	(tag) =	ssettag $0x2  }
0x248: {  	s0 =	rddreg [dreg:$0x0];
	s2 =	stileid.u32  }
0x249: {  	s1 =	rddreg [dreg:$0x1];
	p0 =	sne.s32 s2, $0x0  }
0x24a: {  	s3 =	rddreg [dreg:$0x2];
	[bflag:$0x3] =	sbarrier.arrive $0xFFFF;
	s2 =	simm.s32 @!p0 $0x1C02  }
0x24b: {  	[timem:s3], [sflag:s2] =	dma.local @!p0 [hbm:s0], s1  }
0x24c: {  	s0 =	simm.s32 @!p0 $0x2  }
0x24d: {  	_ =	swait.ge @!p0 [sflag:s0], s1  }
0x24e: {  	s1 =	ssub.s32 @!p0 $0x0, s1;
	[sflag:s0] =	ssyncset.done @!p0 $0x0  }
0x24f: {  	[sflag:s0] =	ssyncadd.s32 @!p0 s1  }
0x250: {  	[bflag:$0x3] =	sbarrier.arrive $0xFFFF  }
0x251: {  	_ =	shalt  }

</sc_bundles>
